<compile_context>
chip_gen: v7x
topology: tpu7x:2x2x1
jax: 0.10.2.dev20260603
libtpu: 0.0.44.dev20260713+nightly
codegen_flags: <defaults>
</compile_context>

<pallas_src>
import functools

import jax
import jax.numpy as jnp
from jax import lax
from jax.experimental import pallas as pl
from jax.experimental.pallas import tpu as pltpu
from jax.experimental.pallas import tpu_sc as plsc


def _make_pool(B, L, E, NC, NS, LANES):
    NW = NC * NS
    assert B % NW == 0 and E % LANES == 0
    b_per_w = B // NW
    NBUF = 4
    assert b_per_w % NBUF == 0
    n_quads = b_per_w // NBUF
    n_acc = E // LANES
    chunks = []
    off = 0
    while off < L:
        n = min(128, L - off)
        chunks.append((off, n))
        off += n

    mesh = plsc.VectorSubcoreMesh(core_axis_name="c", subcore_axis_name="s")

    @functools.partial(
        pl.kernel,
        out_type=jax.ShapeDtypeStruct((B, E), jnp.float32),
        mesh=mesh,
        compiler_params=pltpu.CompilerParams(use_tc_tiling_on_sc=False),
        scratch_types=[
            pltpu.VMEM((b_per_w, L), jnp.int32),
            pltpu.VMEM((L, E), jnp.float32),
            pltpu.VMEM((L, E), jnp.float32),
            pltpu.VMEM((L, E), jnp.float32),
            pltpu.VMEM((L, E), jnp.float32),
            pltpu.VMEM((b_per_w, E), jnp.float32),
            pltpu.SemaphoreType.DMA,
            pltpu.SemaphoreType.DMA,
            pltpu.SemaphoreType.DMA,
            pltpu.SemaphoreType.DMA,
        ],
    )
    def pool(ids_hbm, emb_hbm, out_hbm, idx_v,
             buf0, buf1, buf2, buf3, out_v, s0, s1, s2, s3):
        wid = lax.axis_index("s") * NC + lax.axis_index("c")
        base = wid * b_per_w
        bufs = (buf0, buf1, buf2, buf3)
        sems = (s0, s1, s2, s3)

        pltpu.sync_copy(ids_hbm.at[pl.ds(base, b_per_w)], idx_v)

        def descs(b, k):
            return [
                pltpu.make_async_copy(
                    emb_hbm.at[idx_v.at[b, pl.ds(off, n)]],
                    bufs[k].at[pl.ds(off, n)],
                    sems[k],
                )
                for off, n in chunks
            ]

        def issue(b, k):
            for cp in descs(b, k):
                cp.start()

        def drain(b, k):
            for cp in descs(b, k):
                cp.wait()

        def accumulate(b, k):
            buf = bufs[k]

            def acc_body(j, accs):
                return tuple(
                    accs[c] + buf[j, pl.ds(c * LANES, LANES)]
                    for c in range(n_acc)
                )

            accs = tuple(
                jnp.zeros((LANES,), jnp.float32) for _ in range(n_acc)
            )
            accs = lax.fori_loop(0, L, acc_body, accs, unroll=25)
            scale = jnp.float32(1.0 / L)
            for c in range(n_acc):
                out_v[b, pl.ds(c * LANES, LANES)] = accs[c] * scale

        for k in range(NBUF - 1):
            issue(k, k)

        def body(g, carry):
            b0 = NBUF * g
            for k in range(NBUF):
                b = b0 + k
                drain(b, k)

                @pl.when(b + NBUF - 1 < b_per_w)
                def _():
                    issue(b + NBUF - 1, (k + NBUF - 1) % NBUF)

                accumulate(b, k)
            return carry

        lax.fori_loop(0, n_quads, body, 0)
        pltpu.sync_copy(out_v, out_hbm.at[pl.ds(base, b_per_w)])

    return pool


def _mlp(pooled, W1, b1, W2, b2):
    B, E = pooled.shape
    H = W1.shape[0]
    O = W2.shape[0]
    OP = 128
    W2p = jnp.zeros((OP, H), W2.dtype).at[:O].set(W2)
    b2p = jnp.zeros((1, OP), b2.dtype).at[0, :O].set(b2)
    b1r = b1.reshape(1, H)
    BLK = 1024

    def body(x_ref, w1_ref, b1_ref, w2_ref, b2_ref, o_ref):
        x = x_ref[...]
        h = lax.dot_general(
            x, w1_ref[...], (((1,), (1,)), ((), ())),
            preferred_element_type=jnp.float32,
        ) + b1_ref[...]
        h = jnp.maximum(h, 0.0)
        o_ref[...] = lax.dot_general(
            h, w2_ref[...], (((1,), (1,)), ((), ())),
            preferred_element_type=jnp.float32,
        ) + b2_ref[...]

    out = pl.pallas_call(
        body,
        out_shape=jax.ShapeDtypeStruct((B, OP), jnp.float32),
        grid=(B // BLK,),
        in_specs=[
            pl.BlockSpec((BLK, E), lambda i: (i, 0)),
            pl.BlockSpec((H, E), lambda i: (0, 0)),
            pl.BlockSpec((1, H), lambda i: (0, 0)),
            pl.BlockSpec((OP, H), lambda i: (0, 0)),
            pl.BlockSpec((1, OP), lambda i: (0, 0)),
        ],
        out_specs=pl.BlockSpec((BLK, OP), lambda i: (i, 0)),
    )(pooled, W1, b1r, W2p, b2p)
    return out[:, :O]


def kernel(input_ids, emb, W1, b1, W2, b2):
    B, L = input_ids.shape
    V, E = emb.shape
    info = plsc.get_sparse_core_info()
    NC, NS, LANES = info.num_cores, info.num_subcores, info.num_lanes
    embp = jnp.pad(emb, ((0, 0), (0, 128 - E)))
    emb2 = embp.reshape(2 * V, E)
    pool = _make_pool(B, L, E, NC, NS, LANES)
    pooled = pool(input_ids.astype(jnp.int32) * 2, emb2)
    return _mlp(pooled, W1, b1, W2, b2)

# --- scband reference (transcript-rebuilt; emitter-appended) ---
"""Pipeline reference for scband-router-mlp-43757126812252 (READ-ONLY COPY).

The authoritative reference and input builder live on the scoring server;
editing this copy changes nothing except your own understanding.
"""

import jax, jax.numpy as jnp
import numpy as np

VOCAB = 1000000
EMBED = 64
HIDDEN = 64
OUT = 3
B = 4096
L = 200

def setup_inputs(seed: int = 0) -> dict:
    key = jax.random.key(seed)
    k_ids, k_emb, k_w1, k_b1, k_w2, k_b2 = jax.random.split(key, 6)
    input_ids = jax.random.randint(k_ids, (B, L), 0, VOCAB, dtype=jnp.int64) if jax.config.jax_enable_x64 else jax.random.randint(k_ids, (B, L), 0, VOCAB, dtype=jnp.int32)
    emb = jax.random.normal(k_emb, (VOCAB, EMBED), dtype=jnp.float32)
    emb = emb.at[0].set(0.0)  # padding_idx=0
    W1 = jax.random.normal(k_w1, (HIDDEN, EMBED), dtype=jnp.float32) * (1.0 / np.sqrt(EMBED))
    b1 = jax.random.normal(k_b1, (HIDDEN,), dtype=jnp.float32) * 0.01
    W2 = jax.random.normal(k_w2, (OUT, HIDDEN), dtype=jnp.float32) * (1.0 / np.sqrt(HIDDEN))
    b2 = jax.random.normal(k_b2, (OUT,), dtype=jnp.float32) * 0.01
    return {"input_ids": input_ids, "emb": emb, "W1": W1, "b1": b1, "W2": W2, "b2": b2}

def reference(input_ids, emb, W1, b1, W2, b2):
    # embedding lookup (gather) with padding_idx=0 (row 0 is zeros)
    embedded = jnp.take(emb, input_ids, axis=0)           # [B, L, EMBED]
    sentence_rep = jnp.mean(embedded, axis=1)             # [B, EMBED]
    x = sentence_rep @ W1.T + b1                          # [B, HIDDEN]
    x = jax.nn.relu(x)
    logits = x @ W2.T + b2                                # [B, 3]
    return logits

if __name__ == "__main__":
    import jax
    _d = setup_inputs()
    print(jax.jit(kernel)(*tuple(_d.values())))

</pallas_src>

<mosaic_0001>
#map = affine_map<(d0, d1) -> (0, 0)>
module attributes {stable_mosaic.version = 14 : i64} {
  func.func @pool(%arg0: i32, %arg1: i32, %arg2: memref<4096x200xi32, #tpu.memory_space<hbm>>, %arg3: memref<2000000x64xf32, #tpu.memory_space<hbm>>, %arg4: memref<4096x64xf32, #tpu.memory_space<hbm>>, %arg5: memref<128x200xi32, #tpu.memory_space<vmem>>, %arg6: memref<200x64xf32, #tpu.memory_space<vmem>>, %arg7: memref<200x64xf32, #tpu.memory_space<vmem>>, %arg8: memref<200x64xf32, #tpu.memory_space<vmem>>, %arg9: memref<200x64xf32, #tpu.memory_space<vmem>>, %arg10: memref<128x64xf32, #tpu.memory_space<vmem>>, %arg11: memref<!tpu.dma_semaphore, #tpu.memory_space<semaphore_mem>>, %arg12: memref<!tpu.dma_semaphore, #tpu.memory_space<semaphore_mem>>, %arg13: memref<!tpu.dma_semaphore, #tpu.memory_space<semaphore_mem>>, %arg14: memref<!tpu.dma_semaphore, #tpu.memory_space<semaphore_mem>>) attributes {dimension_semantics = [#tpu.dimension_semantics<core_parallel>, #tpu.dimension_semantics<subcore_parallel>], iteration_bounds = array<i64: 2, 16>, scalar_prefetch = 0 : i64, scratch_operands = 10 : i64, tpu.core_type = #tpu.core_type<sc_vector_subcore>, window_params = [{transform_indices = #map}, {transform_indices = #map}, {transform_indices = #map}]} {
    %mul3A = arith.constant 2 : i32
    %mul3A_0 = arith.muli %arg1, %mul3A : i32
    %add3A = arith.addi %mul3A_0, %arg0 : i32
    %mul3A_1 = arith.constant 128 : i32
    %mul3A_2 = arith.muli %add3A, %mul3A_1 : i32
    "tpu.region"() ({
      %run_scoped3A = tpu.sem_alloc : memref<!tpu.dma_semaphore, #tpu.memory_space<semaphore_mem>>
      %dma_start3A_67 = arith.constant 0 : i32
      %dma_start3A_68 = tpu.memref_slice %arg2[%mul3A_2, %dma_start3A_67] : memref<4096x200xi32, #tpu.memory_space<hbm>> -> memref<128x200xi32, #tpu.memory_space<hbm>>
      %dma_start3A_69 = arith.constant 0 : i32
      %dma_start3A_70 = tpu.memref_slice %arg2[%mul3A_2, %dma_start3A_69] : memref<4096x200xi32, #tpu.memory_space<hbm>> -> memref<128x200xi32, #tpu.memory_space<hbm>>
      tpu.enqueue_dma source(%dma_start3A_70 : memref<128x200xi32, #tpu.memory_space<hbm>>) target(%arg5 : memref<128x200xi32, #tpu.memory_space<vmem>>) target_semaphore(%run_scoped3A : memref<!tpu.dma_semaphore, #tpu.memory_space<semaphore_mem>>)
      %dma_wait3A = arith.constant 0 : i32
      %dma_wait3A_71 = tpu.memref_slice %arg2[%mul3A_2, %dma_wait3A] : memref<4096x200xi32, #tpu.memory_space<hbm>> -> memref<128x200xi32, #tpu.memory_space<hbm>>
      %dma_wait3A_72 = arith.constant 0 : i32
      %dma_wait3A_73 = tpu.memref_slice %arg2[%mul3A_2, %dma_wait3A_72] : memref<4096x200xi32, #tpu.memory_space<hbm>> -> memref<128x200xi32, #tpu.memory_space<hbm>>
      tpu.wait_dma2 semaphore(%run_scoped3A : memref<!tpu.dma_semaphore, #tpu.memory_space<semaphore_mem>>) src(%dma_wait3A_73 : memref<128x200xi32, #tpu.memory_space<hbm>>) dst(%arg5 : memref<128x200xi32, #tpu.memory_space<vmem>>)
      tpu.yield
    }) : () -> ()
    %dma_start3A = arith.constant 0 : i32
    %dma_start3A_3 = arith.constant 0 : i32
    %dma_start3A_4 = arith.constant 0 : i32
    %dma_start3A_5 = tpu.memref_slice %arg6[%dma_start3A_3, %dma_start3A_4] : memref<200x64xf32, #tpu.memory_space<vmem>> -> memref<128x64xf32, #tpu.memory_space<vmem>>
    %dma_start3A_6 = arith.constant 0 : i32
    %dma_start3A_7 = tpu.memref_slice %arg5[%dma_start3A, %dma_start3A_6] : memref<128x200xi32, #tpu.memory_space<vmem>> -> memref<1x128xi32, #tpu.memory_space<vmem>>
    %dma_start3A_8 = tpu.memref_squeeze %dma_start3A_7 : memref<1x128xi32, #tpu.memory_space<vmem>> -> memref<128xi32, #tpu.memory_space<vmem>>
    %dma_start3A_9 = arith.constant 0 : i32
    %dma_start3A_10 = arith.constant 0 : i32
    %dma_start3A_11 = tpu.memref_slice %arg3[%dma_start3A_9, %dma_start3A_10] : memref<2000000x64xf32, #tpu.memory_space<hbm>> -> memref<2000000x64xf32, #tpu.memory_space<hbm>>
    tpu.enqueue_indirect_dma source(%dma_start3A_11 : memref<2000000x64xf32, #tpu.memory_space<hbm>>) target(%dma_start3A_5 : memref<128x64xf32, #tpu.memory_space<vmem>>) offsets(%dma_start3A_8 : memref<128xi32, #tpu.memory_space<vmem>>) semaphore(%arg11 : memref<!tpu.dma_semaphore, #tpu.memory_space<semaphore_mem>>)
    %dma_start3A_12 = arith.constant 0 : i32
    %dma_start3A_13 = arith.constant 128 : i32
    %dma_start3A_14 = arith.constant 0 : i32
    %dma_start3A_15 = tpu.memref_slice %arg6[%dma_start3A_13, %dma_start3A_14] : memref<200x64xf32, #tpu.memory_space<vmem>> -> memref<72x64xf32, #tpu.memory_space<vmem>>
    %dma_start3A_16 = arith.constant 128 : i32
    %dma_start3A_17 = tpu.memref_slice %arg5[%dma_start3A_12, %dma_start3A_16] : memref<128x200xi32, #tpu.memory_space<vmem>> -> memref<1x72xi32, #tpu.memory_space<vmem>>
    %dma_start3A_18 = tpu.memref_squeeze %dma_start3A_17 : memref<1x72xi32, #tpu.memory_space<vmem>> -> memref<72xi32, #tpu.memory_space<vmem>>
    %dma_start3A_19 = arith.constant 0 : i32
    %dma_start3A_20 = arith.constant 0 : i32
    %dma_start3A_21 = tpu.memref_slice %arg3[%dma_start3A_19, %dma_start3A_20] : memref<2000000x64xf32, #tpu.memory_space<hbm>> -> memref<2000000x64xf32, #tpu.memory_space<hbm>>
    tpu.enqueue_indirect_dma source(%dma_start3A_21 : memref<2000000x64xf32, #tpu.memory_space<hbm>>) target(%dma_start3A_15 : memref<72x64xf32, #tpu.memory_space<vmem>>) offsets(%dma_start3A_18 : memref<72xi32, #tpu.memory_space<vmem>>) semaphore(%arg11 : memref<!tpu.dma_semaphore, #tpu.memory_space<semaphore_mem>>)
    %dma_start3A_22 = arith.constant 1 : i32
    %dma_start3A_23 = arith.constant 0 : i32
    %dma_start3A_24 = arith.constant 0 : i32
    %dma_start3A_25 = tpu.memref_slice %arg7[%dma_start3A_23, %dma_start3A_24] : memref<200x64xf32, #tpu.memory_space<vmem>> -> memref<128x64xf32, #tpu.memory_space<vmem>>
    %dma_start3A_26 = arith.constant 0 : i32
    %dma_start3A_27 = tpu.memref_slice %arg5[%dma_start3A_22, %dma_start3A_26] : memref<128x200xi32, #tpu.memory_space<vmem>> -> memref<1x128xi32, #tpu.memory_space<vmem>>
    %dma_start3A_28 = tpu.memref_squeeze %dma_start3A_27 : memref<1x128xi32, #tpu.memory_space<vmem>> -> memref<128xi32, #tpu.memory_space<vmem>>
    %dma_start3A_29 = arith.constant 0 : i32
    %dma_start3A_30 = arith.constant 0 : i32
    %dma_start3A_31 = tpu.memref_slice %arg3[%dma_start3A_29, %dma_start3A_30] : memref<2000000x64xf32, #tpu.memory_space<hbm>> -> memref<2000000x64xf32, #tpu.memory_space<hbm>>
    tpu.enqueue_indirect_dma source(%dma_start3A_31 : memref<2000000x64xf32, #tpu.memory_space<hbm>>) target(%dma_start3A_25 : memref<128x64xf32, #tpu.memory_space<vmem>>) offsets(%dma_start3A_28 : memref<128xi32, #tpu.memory_space<vmem>>) semaphore(%arg12 : memref<!tpu.dma_semaphore, #tpu.memory_space<semaphore_mem>>)
    %dma_start3A_32 = arith.constant 1 : i32
    %dma_start3A_33 = arith.constant 128 : i32
    %dma_start3A_34 = arith.constant 0 : i32
    %dma_start3A_35 = tpu.memref_slice %arg7[%dma_start3A_33, %dma_start3A_34] : memref<200x64xf32, #tpu.memory_space<vmem>> -> memref<72x64xf32, #tpu.memory_space<vmem>>
    %dma_start3A_36 = arith.constant 128 : i32
    %dma_start3A_37 = tpu.memref_slice %arg5[%dma_start3A_32, %dma_start3A_36] : memref<128x200xi32, #tpu.memory_space<vmem>> -> memref<1x72xi32, #tpu.memory_space<vmem>>
    %dma_start3A_38 = tpu.memref_squeeze %dma_start3A_37 : memref<1x72xi32, #tpu.memory_space<vmem>> -> memref<72xi32, #tpu.memory_space<vmem>>
    %dma_start3A_39 = arith.constant 0 : i32
    %dma_start3A_40 = arith.constant 0 : i32
    %dma_start3A_41 = tpu.memref_slice %arg3[%dma_start3A_39, %dma_start3A_40] : memref<2000000x64xf32, #tpu.memory_space<hbm>> -> memref<2000000x64xf32, #tpu.memory_space<hbm>>
    tpu.enqueue_indirect_dma source(%dma_start3A_41 : memref<2000000x64xf32, #tpu.memory_space<hbm>>) target(%dma_start3A_35 : memref<72x64xf32, #tpu.memory_space<vmem>>) offsets(%dma_start3A_38 : memref<72xi32, #tpu.memory_space<vmem>>) semaphore(%arg12 : memref<!tpu.dma_semaphore, #tpu.memory_space<semaphore_mem>>)
    %dma_start3A_42 = arith.constant 2 : i32
    %dma_start3A_43 = arith.constant 0 : i32
    %dma_start3A_44 = arith.constant 0 : i32
    %dma_start3A_45 = tpu.memref_slice %arg8[%dma_start3A_43, %dma_start3A_44] : memref<200x64xf32, #tpu.memory_space<vmem>> -> memref<128x64xf32, #tpu.memory_space<vmem>>
    %dma_start3A_46 = arith.constant 0 : i32
    %dma_start3A_47 = tpu.memref_slice %arg5[%dma_start3A_42, %dma_start3A_46] : memref<128x200xi32, #tpu.memory_space<vmem>> -> memref<1x128xi32, #tpu.memory_space<vmem>>
    %dma_start3A_48 = tpu.memref_squeeze %dma_start3A_47 : memref<1x128xi32, #tpu.memory_space<vmem>> -> memref<128xi32, #tpu.memory_space<vmem>>
    %dma_start3A_49 = arith.constant 0 : i32
    %dma_start3A_50 = arith.constant 0 : i32
    %dma_start3A_51 = tpu.memref_slice %arg3[%dma_start3A_49, %dma_start3A_50] : memref<2000000x64xf32, #tpu.memory_space<hbm>> -> memref<2000000x64xf32, #tpu.memory_space<hbm>>
    tpu.enqueue_indirect_dma source(%dma_start3A_51 : memref<2000000x64xf32, #tpu.memory_space<hbm>>) target(%dma_start3A_45 : memref<128x64xf32, #tpu.memory_space<vmem>>) offsets(%dma_start3A_48 : memref<128xi32, #tpu.memory_space<vmem>>) semaphore(%arg13 : memref<!tpu.dma_semaphore, #tpu.memory_space<semaphore_mem>>)
    %dma_start3A_52 = arith.constant 2 : i32
    %dma_start3A_53 = arith.constant 128 : i32
    %dma_start3A_54 = arith.constant 0 : i32
    %dma_start3A_55 = tpu.memref_slice %arg8[%dma_start3A_53, %dma_start3A_54] : memref<200x64xf32, #tpu.memory_space<vmem>> -> memref<72x64xf32, #tpu.memory_space<vmem>>
    %dma_start3A_56 = arith.constant 128 : i32
    %dma_start3A_57 = tpu.memref_slice %arg5[%dma_start3A_52, %dma_start3A_56] : memref<128x200xi32, #tpu.memory_space<vmem>> -> memref<1x72xi32, #tpu.memory_space<vmem>>
    %dma_start3A_58 = tpu.memref_squeeze %dma_start3A_57 : memref<1x72xi32, #tpu.memory_space<vmem>> -> memref<72xi32, #tpu.memory_space<vmem>>
    %dma_start3A_59 = arith.constant 0 : i32
    %dma_start3A_60 = arith.constant 0 : i32
    %dma_start3A_61 = tpu.memref_slice %arg3[%dma_start3A_59, %dma_start3A_60] : memref<2000000x64xf32, #tpu.memory_space<hbm>> -> memref<2000000x64xf32, #tpu.memory_space<hbm>>
    tpu.enqueue_indirect_dma source(%dma_start3A_61 : memref<2000000x64xf32, #tpu.memory_space<hbm>>) target(%dma_start3A_55 : memref<72x64xf32, #tpu.memory_space<vmem>>) offsets(%dma_start3A_58 : memref<72xi32, #tpu.memory_space<vmem>>) semaphore(%arg13 : memref<!tpu.dma_semaphore, #tpu.memory_space<semaphore_mem>>)
    %scan3A = arith.constant 0 : i32
    %scan3A_62 = arith.constant 0 : i32
    %scan3A_63 = arith.constant 32 : i32
    %scan3A_64 = arith.addi %scan3A_62, %scan3A_63 : i32
    %scan3A_65 = arith.constant 1 : i32
    scf.for %scan3A_67 = %scan3A_62 to %scan3A_64 step %scan3A_65  : i32 {
      %mul3A_68 = arith.constant 4 : i32
      %mul3A_69 = arith.muli %mul3A_68, %scan3A_67 : i32
      %add3A_70 = arith.constant 0 : i32
      %add3A_71 = arith.addi %mul3A_69, %add3A_70 : i32
      %dma_wait3A = arith.constant 0 : i32
      %dma_wait3A_72 = arith.constant 0 : i32
      %dma_wait3A_73 = tpu.memref_slice %arg6[%dma_wait3A, %dma_wait3A_72] : memref<200x64xf32, #tpu.memory_space<vmem>> -> memref<128x64xf32, #tpu.memory_space<vmem>>
      %dma_wait3A_74 = arith.constant 0 : i32
      %dma_wait3A_75 = tpu.memref_slice %arg5[%add3A_71, %dma_wait3A_74] : memref<128x200xi32, #tpu.memory_space<vmem>> -> memref<1x128xi32, #tpu.memory_space<vmem>>
      %dma_wait3A_76 = tpu.memref_squeeze %dma_wait3A_75 : memref<1x128xi32, #tpu.memory_space<vmem>> -> memref<128xi32, #tpu.memory_space<vmem>>
      %dma_wait3A_77 = arith.constant 0 : i32
      %dma_wait3A_78 = arith.constant 0 : i32
      %dma_wait3A_79 = tpu.memref_slice %arg3[%dma_wait3A_77, %dma_wait3A_78] : memref<2000000x64xf32, #tpu.memory_space<hbm>> -> memref<2000000x64xf32, #tpu.memory_space<hbm>>
      tpu.wait_indirect_dma semaphore(%arg11 : memref<!tpu.dma_semaphore, #tpu.memory_space<semaphore_mem>>) src(%dma_wait3A_79 : memref<2000000x64xf32, #tpu.memory_space<hbm>>) dst(%dma_wait3A_73 : memref<128x64xf32, #tpu.memory_space<vmem>>)
      %dma_wait3A_80 = arith.constant 128 : i32
      %dma_wait3A_81 = arith.constant 0 : i32
      %dma_wait3A_82 = tpu.memref_slice %arg6[%dma_wait3A_80, %dma_wait3A_81] : memref<200x64xf32, #tpu.memory_space<vmem>> -> memref<72x64xf32, #tpu.memory_space<vmem>>
      %dma_wait3A_83 = arith.constant 128 : i32
      %dma_wait3A_84 = tpu.memref_slice %arg5[%add3A_71, %dma_wait3A_83] : memref<128x200xi32, #tpu.memory_space<vmem>> -> memref<1x72xi32, #tpu.memory_space<vmem>>
      %dma_wait3A_85 = tpu.memref_squeeze %dma_wait3A_84 : memref<1x72xi32, #tpu.memory_space<vmem>> -> memref<72xi32, #tpu.memory_space<vmem>>
      %dma_wait3A_86 = arith.constant 0 : i32
      %dma_wait3A_87 = arith.constant 0 : i32
      %dma_wait3A_88 = tpu.memref_slice %arg3[%dma_wait3A_86, %dma_wait3A_87] : memref<2000000x64xf32, #tpu.memory_space<hbm>> -> memref<2000000x64xf32, #tpu.memory_space<hbm>>
      tpu.wait_indirect_dma semaphore(%arg11 : memref<!tpu.dma_semaphore, #tpu.memory_space<semaphore_mem>>) src(%dma_wait3A_88 : memref<2000000x64xf32, #tpu.memory_space<hbm>>) dst(%dma_wait3A_82 : memref<72x64xf32, #tpu.memory_space<vmem>>)
      %add3A_89 = arith.constant 4 : i32
      %add3A_90 = arith.addi %add3A_71, %add3A_89 : i32
      %sub3A = arith.constant 1 : i32
      %sub3A_91 = arith.subi %add3A_90, %sub3A : i32
      %lt3A = arith.constant 128 : i32
      %lt3A_92 = arith.cmpi slt, %sub3A_91, %lt3A : i32
      %convert_element_type3A = arith.extui %lt3A_92 : i1 to i32
      %cond3A = arith.constant 0 : i32
      %cond3A_93 = arith.cmpi ne, %convert_element_type3A, %cond3A : i32
      scf.if %cond3A_93 {
        %add3A_363 = arith.constant 4 : i32
        %add3A_364 = arith.addi %add3A_71, %add3A_363 : i32
        %sub3A_365 = arith.constant 1 : i32
        %sub3A_366 = arith.subi %add3A_364, %sub3A_365 : i32
        %dma_start3A_367 = arith.constant 0 : i32
        %dma_start3A_368 = arith.constant 0 : i32
        %dma_start3A_369 = tpu.memref_slice %arg9[%dma_start3A_367, %dma_start3A_368] : memref<200x64xf32, #tpu.memory_space<vmem>> -> memref<128x64xf32, #tpu.memory_space<vmem>>
        %dma_start3A_370 = arith.constant 0 : i32
        %dma_start3A_371 = tpu.memref_slice %arg5[%sub3A_366, %dma_start3A_370] : memref<128x200xi32, #tpu.memory_space<vmem>> -> memref<1x128xi32, #tpu.memory_space<vmem>>
        %dma_start3A_372 = tpu.memref_squeeze %dma_start3A_371 : memref<1x128xi32, #tpu.memory_space<vmem>> -> memref<128xi32, #tpu.memory_space<vmem>>
        %dma_start3A_373 = arith.constant 0 : i32
        %dma_start3A_374 = arith.constant 0 : i32
        %dma_start3A_375 = tpu.memref_slice %arg3[%dma_start3A_373, %dma_start3A_374] : memref<2000000x64xf32, #tpu.memory_space<hbm>> -> memref<2000000x64xf32, #tpu.memory_space<hbm>>
        tpu.enqueue_indirect_dma source(%dma_start3A_375 : memref<2000000x64xf32, #tpu.memory_space<hbm>>) target(%dma_start3A_369 : memref<128x64xf32, #tpu.memory_space<vmem>>) offsets(%dma_start3A_372 : memref<128xi32, #tpu.memory_space<vmem>>) semaphore(%arg14 : memref<!tpu.dma_semaphore, #tpu.memory_space<semaphore_mem>>)
        %dma_start3A_376 = arith.constant 128 : i32
        %dma_start3A_377 = arith.constant 0 : i32
        %dma_start3A_378 = tpu.memref_slice %arg9[%dma_start3A_376, %dma_start3A_377] : memref<200x64xf32, #tpu.memory_space<vmem>> -> memref<72x64xf32, #tpu.memory_space<vmem>>
        %dma_start3A_379 = arith.constant 128 : i32
        %dma_start3A_380 = tpu.memref_slice %arg5[%sub3A_366, %dma_start3A_379] : memref<128x200xi32, #tpu.memory_space<vmem>> -> memref<1x72xi32, #tpu.memory_space<vmem>>
        %dma_start3A_381 = tpu.memref_squeeze %dma_start3A_380 : memref<1x72xi32, #tpu.memory_space<vmem>> -> memref<72xi32, #tpu.memory_space<vmem>>
        %dma_start3A_382 = arith.constant 0 : i32
        %dma_start3A_383 = arith.constant 0 : i32
        %dma_start3A_384 = tpu.memref_slice %arg3[%dma_start3A_382, %dma_start3A_383] : memref<2000000x64xf32, #tpu.memory_space<hbm>> -> memref<2000000x64xf32, #tpu.memory_space<hbm>>
        tpu.enqueue_indirect_dma source(%dma_start3A_384 : memref<2000000x64xf32, #tpu.memory_space<hbm>>) target(%dma_start3A_378 : memref<72x64xf32, #tpu.memory_space<vmem>>) offsets(%dma_start3A_381 : memref<72xi32, #tpu.memory_space<vmem>>) semaphore(%arg14 : memref<!tpu.dma_semaphore, #tpu.memory_space<semaphore_mem>>)
      } else {
      }
      %broadcast_in_dim3A = arith.constant 0.000000e+00 : f32
      %broadcast_in_dim3A_94 = vector.broadcast %broadcast_in_dim3A : f32 to vector<16xf32>
      %broadcast_in_dim3A_95 = arith.constant 0.000000e+00 : f32
      %broadcast_in_dim3A_96 = vector.broadcast %broadcast_in_dim3A_95 : f32 to vector<16xf32>
      %broadcast_in_dim3A_97 = arith.constant 0.000000e+00 : f32
      %broadcast_in_dim3A_98 = vector.broadcast %broadcast_in_dim3A_97 : f32 to vector<16xf32>
      %broadcast_in_dim3A_99 = arith.constant 0.000000e+00 : f32
      %broadcast_in_dim3A_100 = vector.broadcast %broadcast_in_dim3A_99 : f32 to vector<16xf32>
      %scan3A_101 = arith.constant 0 : i32
      %scan3A_102 = arith.constant 200 : i32
      %scan3A_103 = arith.addi %scan3A_101, %scan3A_102 : i32
      %scan3A_104 = arith.constant 25 : i32
      %scan3A_105:4 = scf.for %scan3A_363 = %scan3A_101 to %scan3A_103 step %scan3A_104 iter_args(%scan3A_364 = %broadcast_in_dim3A_94, %scan3A_365 = %broadcast_in_dim3A_96, %scan3A_366 = %broadcast_in_dim3A_98, %scan3A_367 = %broadcast_in_dim3A_100) -> (vector<16xf32>, vector<16xf32>, vector<16xf32>, vector<16xf32>)  : i32 {
        %get3A = arith.index_cast %scan3A_363 : i32 to index
        %get3A_368 = arith.constant 0 : index
        %get3A_369 = tpu.vector_load %arg6[%get3A, %get3A_368] {strides = array<i32>} : memref<200x64xf32, #tpu.memory_space<vmem>>, vector<1x16xf32>,
        %get3A_370 = vector.shape_cast %get3A_369 : vector<1x16xf32> to vector<16xf32>
        %add3A_371 = arith.addf %scan3A_364, %get3A_370 : vector<16xf32>
        %get3A_372 = arith.index_cast %scan3A_363 : i32 to index
        %get3A_373 = arith.constant 16 : index
        %get3A_374 = tpu.vector_load %arg6[%get3A_372, %get3A_373] {strides = array<i32>} : memref<200x64xf32, #tpu.memory_space<vmem>>, vector<1x16xf32>,
        %get3A_375 = vector.shape_cast %get3A_374 : vector<1x16xf32> to vector<16xf32>
        %add3A_376 = arith.addf %scan3A_365, %get3A_375 : vector<16xf32>
        %get3A_377 = arith.index_cast %scan3A_363 : i32 to index
        %get3A_378 = arith.constant 32 : index
        %get3A_379 = tpu.vector_load %arg6[%get3A_377, %get3A_378] {strides = array<i32>} : memref<200x64xf32, #tpu.memory_space<vmem>>, vector<1x16xf32>,
        %get3A_380 = vector.shape_cast %get3A_379 : vector<1x16xf32> to vector<16xf32>
        %add3A_381 = arith.addf %scan3A_366, %get3A_380 : vector<16xf32>
        %get3A_382 = arith.index_cast %scan3A_363 : i32 to index
        %get3A_383 = arith.constant 48 : index
        %get3A_384 = tpu.vector_load %arg6[%get3A_382, %get3A_383] {strides = array<i32>} : memref<200x64xf32, #tpu.memory_space<vmem>>, vector<1x16xf32>,
        %get3A_385 = vector.shape_cast %get3A_384 : vector<1x16xf32> to vector<16xf32>
        %add3A_386 = arith.addf %scan3A_367, %get3A_385 : vector<16xf32>
        %scan3A_387 = arith.constant 1 : i32
        %scan3A_388 = arith.addi %scan3A_363, %scan3A_387 : i32
        %get3A_389 = arith.index_cast %scan3A_388 : i32 to index
        %get3A_390 = arith.constant 0 : index
        %get3A_391 = tpu.vector_load %arg6[%get3A_389, %get3A_390] {strides = array<i32>} : memref<200x64xf32, #tpu.memory_space<vmem>>, vector<1x16xf32>,
        %get3A_392 = vector.shape_cast %get3A_391 : vector<1x16xf32> to vector<16xf32>
        %add3A_393 = arith.addf %add3A_371, %get3A_392 : vector<16xf32>
        %get3A_394 = arith.index_cast %scan3A_388 : i32 to index
        %get3A_395 = arith.constant 16 : index
        %get3A_396 = tpu.vector_load %arg6[%get3A_394, %get3A_395] {strides = array<i32>} : memref<200x64xf32, #tpu.memory_space<vmem>>, vector<1x16xf32>,
        %get3A_397 = vector.shape_cast %get3A_396 : vector<1x16xf32> to vector<16xf32>
        %add3A_398 = arith.addf %add3A_376, %get3A_397 : vector<16xf32>
        %get3A_399 = arith.index_cast %scan3A_388 : i32 to index
        %get3A_400 = arith.constant 32 : index
        %get3A_401 = tpu.vector_load %arg6[%get3A_399, %get3A_400] {strides = array<i32>} : memref<200x64xf32, #tpu.memory_space<vmem>>, vector<1x16xf32>,
        %get3A_402 = vector.shape_cast %get3A_401 : vector<1x16xf32> to vector<16xf32>
        %add3A_403 = arith.addf %add3A_381, %get3A_402 : vector<16xf32>
        %get3A_404 = arith.index_cast %scan3A_388 : i32 to index
        %get3A_405 = arith.constant 48 : index
        %get3A_406 = tpu.vector_load %arg6[%get3A_404, %get3A_405] {strides = array<i32>} : memref<200x64xf32, #tpu.memory_space<vmem>>, vector<1x16xf32>,
        %get3A_407 = vector.shape_cast %get3A_406 : vector<1x16xf32> to vector<16xf32>
        %add3A_408 = arith.addf %add3A_386, %get3A_407 : vector<16xf32>
        %scan3A_409 = arith.constant 2 : i32
        %scan3A_410 = arith.addi %scan3A_363, %scan3A_409 : i32
        %get3A_411 = arith.index_cast %scan3A_410 : i32 to index
        %get3A_412 = arith.constant 0 : index
        %get3A_413 = tpu.vector_load %arg6[%get3A_411, %get3A_412] {strides = array<i32>} : memref<200x64xf32, #tpu.memory_space<vmem>>, vector<1x16xf32>,
        %get3A_414 = vector.shape_cast %get3A_413 : vector<1x16xf32> to vector<16xf32>
        %add3A_415 = arith.addf %add3A_393, %get3A_414 : vector<16xf32>
        %get3A_416 = arith.index_cast %scan3A_410 : i32 to index
        %get3A_417 = arith.constant 16 : index
        %get3A_418 = tpu.vector_load %arg6[%get3A_416, %get3A_417] {strides = array<i32>} : memref<200x64xf32, #tpu.memory_space<vmem>>, vector<1x16xf32>,
        %get3A_419 = vector.shape_cast %get3A_418 : vector<1x16xf32> to vector<16xf32>
        %add3A_420 = arith.addf %add3A_398, %get3A_419 : vector<16xf32>
        %get3A_421 = arith.index_cast %scan3A_410 : i32 to index
        %get3A_422 = arith.constant 32 : index
        %get3A_423 = tpu.vector_load %arg6[%get3A_421, %get3A_422] {strides = array<i32>} : memref<200x64xf32, #tpu.memory_space<vmem>>, vector<1x16xf32>,
        %get3A_424 = vector.shape_cast %get3A_423 : vector<1x16xf32> to vector<16xf32>
        %add3A_425 = arith.addf %add3A_403, %get3A_424 : vector<16xf32>
        %get3A_426 = arith.index_cast %scan3A_410 : i32 to index
        %get3A_427 = arith.constant 48 : index
        %get3A_428 = tpu.vector_load %arg6[%get3A_426, %get3A_427] {strides = array<i32>} : memref<200x64xf32, #tpu.memory_space<vmem>>, vector<1x16xf32>,
        %get3A_429 = vector.shape_cast %get3A_428 : vector<1x16xf32> to vector<16xf32>
        %add3A_430 = arith.addf %add3A_408, %get3A_429 : vector<16xf32>
        %scan3A_431 = arith.constant 3 : i32
        %scan3A_432 = arith.addi %scan3A_363, %scan3A_431 : i32
        %get3A_433 = arith.index_cast %scan3A_432 : i32 to index
        %get3A_434 = arith.constant 0 : index
        %get3A_435 = tpu.vector_load %arg6[%get3A_433, %get3A_434] {strides = array<i32>} : memref<200x64xf32, #tpu.memory_space<vmem>>, vector<1x16xf32>,
        %get3A_436 = vector.shape_cast %get3A_435 : vector<1x16xf32> to vector<16xf32>
        %add3A_437 = arith.addf %add3A_415, %get3A_436 : vector<16xf32>
        %get3A_438 = arith.index_cast %scan3A_432 : i32 to index
        %get3A_439 = arith.constant 16 : index
        %get3A_440 = tpu.vector_load %arg6[%get3A_438, %get3A_439] {strides = array<i32>} : memref<200x64xf32, #tpu.memory_space<vmem>>, vector<1x16xf32>,
        %get3A_441 = vector.shape_cast %get3A_440 : vector<1x16xf32> to vector<16xf32>
        %add3A_442 = arith.addf %add3A_420, %get3A_441 : vector<16xf32>
        %get3A_443 = arith.index_cast %scan3A_432 : i32 to index
        %get3A_444 = arith.constant 32 : index
        %get3A_445 = tpu.vector_load %arg6[%get3A_443, %get3A_444] {strides = array<i32>} : memref<200x64xf32, #tpu.memory_space<vmem>>, vector<1x16xf32>,
        %get3A_446 = vector.shape_cast %get3A_445 : vector<1x16xf32> to vector<16xf32>
        %add3A_447 = arith.addf %add3A_425, %get3A_446 : vector<16xf32>
        %get3A_448 = arith.index_cast %scan3A_432 : i32 to index
        %get3A_449 = arith.constant 48 : index
        %get3A_450 = tpu.vector_load %arg6[%get3A_448, %get3A_449] {strides = array<i32>} : memref<200x64xf32, #tpu.memory_space<vmem>>, vector<1x16xf32>,
        %get3A_451 = vector.shape_cast %get3A_450 : vector<1x16xf32> to vector<16xf32>
        %add3A_452 = arith.addf %add3A_430, %get3A_451 : vector<16xf32>
        %scan3A_453 = arith.constant 4 : i32
        %scan3A_454 = arith.addi %scan3A_363, %scan3A_453 : i32
        %get3A_455 = arith.index_cast %scan3A_454 : i32 to index
        %get3A_456 = arith.constant 0 : index
        %get3A_457 = tpu.vector_load %arg6[%get3A_455, %get3A_456] {strides = array<i32>} : memref<200x64xf32, #tpu.memory_space<vmem>>, vector<1x16xf32>,
        %get3A_458 = vector.shape_cast %get3A_457 : vector<1x16xf32> to vector<16xf32>
        %add3A_459 = arith.addf %add3A_437, %get3A_458 : vector<16xf32>
        %get3A_460 = arith.index_cast %scan3A_454 : i32 to index
        %get3A_461 = arith.constant 16 : index
        %get3A_462 = tpu.vector_load %arg6[%get3A_460, %get3A_461] {strides = array<i32>} : memref<200x64xf32, #tpu.memory_space<vmem>>, vector<1x16xf32>,
        %get3A_463 = vector.shape_cast %get3A_462 : vector<1x16xf32> to vector<16xf32>
        %add3A_464 = arith.addf %add3A_442, %get3A_463 : vector<16xf32>
        %get3A_465 = arith.index_cast %scan3A_454 : i32 to index
        %get3A_466 = arith.constant 32 : index
        %get3A_467 = tpu.vector_load %arg6[%get3A_465, %get3A_466] {strides = array<i32>} : memref<200x64xf32, #tpu.memory_space<vmem>>, vector<1x16xf32>,
        %get3A_468 = vector.shape_cast %get3A_467 : vector<1x16xf32> to vector<16xf32>
        %add3A_469 = arith.addf %add3A_447, %get3A_468 : vector<16xf32>
        %get3A_470 = arith.index_cast %scan3A_454 : i32 to index
        %get3A_471 = arith.constant 48 : index
        %get3A_472 = tpu.vector_load %arg6[%get3A_470, %get3A_471] {strides = array<i32>} : memref<200x64xf32, #tpu.memory_space<vmem>>, vector<1x16xf32>,
        %get3A_473 = vector.shape_cast %get3A_472 : vector<1x16xf32> to vector<16xf32>
        %add3A_474 = arith.addf %add3A_452, %get3A_473 : vector<16xf32>
        %scan3A_475 = arith.constant 5 : i32
        %scan3A_476 = arith.addi %scan3A_363, %scan3A_475 : i32
        %get3A_477 = arith.index_cast %scan3A_476 : i32 to index
        %get3A_478 = arith.constant 0 : index
        %get3A_479 = tpu.vector_load %arg6[%get3A_477, %get3A_478] {strides = array<i32>} : memref<200x64xf32, #tpu.memory_space<vmem>>, vector<1x16xf32>,
        %get3A_480 = vector.shape_cast %get3A_479 : vector<1x16xf32> to vector<16xf32>
        %add3A_481 = arith.addf %add3A_459, %get3A_480 : vector<16xf32>
        %get3A_482 = arith.index_cast %scan3A_476 : i32 to index
        %get3A_483 = arith.constant 16 : index
        %get3A_484 = tpu.vector_load %arg6[%get3A_482, %get3A_483] {strides = array<i32>} : memref<200x64xf32, #tpu.memory_space<vmem>>, vector<1x16xf32>,
        %get3A_485 = vector.shape_cast %get3A_484 : vector<1x16xf32> to vector<16xf32>
        %add3A_486 = arith.addf %add3A_464, %get3A_485 : vector<16xf32>
        %get3A_487 = arith.index_cast %scan3A_476 : i32 to index
        %get3A_488 = arith.constant 32 : index
        %get3A_489 = tpu.vector_load %arg6[%get3A_487, %get3A_488] {strides = array<i32>} : memref<200x64xf32, #tpu.memory_space<vmem>>, vector<1x16xf32>,
        %get3A_490 = vector.shape_cast %get3A_489 : vector<1x16xf32> to vector<16xf32>
        %add3A_491 = arith.addf %add3A_469, %get3A_490 : vector<16xf32>
        %get3A_492 = arith.index_cast %scan3A_476 : i32 to index
        %get3A_493 = arith.constant 48 : index
        %get3A_494 = tpu.vector_load %arg6[%get3A_492, %get3A_493] {strides = array<i32>} : memref<200x64xf32, #tpu.memory_space<vmem>>, vector<1x16xf32>,
        %get3A_495 = vector.shape_cast %get3A_494 : vector<1x16xf32> to vector<16xf32>
        %add3A_496 = arith.addf %add3A_474, %get3A_495 : vector<16xf32>
        %scan3A_497 = arith.constant 6 : i32
        %scan3A_498 = arith.addi %scan3A_363, %scan3A_497 : i32
        %get3A_499 = arith.index_cast %scan3A_498 : i32 to index
        %get3A_500 = arith.constant 0 : index
        %get3A_501 = tpu.vector_load %arg6[%get3A_499, %get3A_500] {strides = array<i32>} : memref<200x64xf32, #tpu.memory_space<vmem>>, vector<1x16xf32>,
        %get3A_502 = vector.shape_cast %get3A_501 : vector<1x16xf32> to vector<16xf32>
        %add3A_503 = arith.addf %add3A_481, %get3A_502 : vector<16xf32>
        %get3A_504 = arith.index_cast %scan3A_498 : i32 to index
        %get3A_505 = arith.constant 16 : index
        %get3A_506 = tpu.vector_load %arg6[%get3A_504, %get3A_505] {strides = array<i32>} : memref<200x64xf32, #tpu.memory_space<vmem>>, vector<1x16xf32>,
        %get3A_507 = vector.shape_cast %get3A_506 : vector<1x16xf32> to vector<16xf32>
        %add3A_508 = arith.addf %add3A_486, %get3A_507 : vector<16xf32>
        %get3A_509 = arith.index_cast %scan3A_498 : i32 to index
        %get3A_510 = arith.constant 32 : index
        %get3A_511 = tpu.vector_load %arg6[%get3A_509, %get3A_510] {strides = array<i32>} : memref<200x64xf32, #tpu.memory_space<vmem>>, vector<1x16xf32>,
        %get3A_512 = vector.shape_cast %get3A_511 : vector<1x16xf32> to vector<16xf32>
        %add3A_513 = arith.addf %add3A_491, %get3A_512 : vector<16xf32>
        %get3A_514 = arith.index_cast %scan3A_498 : i32 to index
        %get3A_515 = arith.constant 48 : index
        %get3A_516 = tpu.vector_load %arg6[%get3A_514, %get3A_515] {strides = array<i32>} : memref<200x64xf32, #tpu.memory_space<vmem>>, vector<1x16xf32>,
        %get3A_517 = vector.shape_cast %get3A_516 : vector<1x16xf32> to vector<16xf32>
        %add3A_518 = arith.addf %add3A_496, %get3A_517 : vector<16xf32>
        %scan3A_519 = arith.constant 7 : i32
        %scan3A_520 = arith.addi %scan3A_363, %scan3A_519 : i32
        %get3A_521 = arith.index_cast %scan3A_520 : i32 to index
        %get3A_522 = arith.constant 0 : index
        %get3A_523 = tpu.vector_load %arg6[%get3A_521, %get3A_522] {strides = array<i32>} : memref<200x64xf32, #tpu.memory_space<vmem>>, vector<1x16xf32>,
        %get3A_524 = vector.shape_cast %get3A_523 : vector<1x16xf32> to vector<16xf32>
        %add3A_525 = arith.addf %add3A_503, %get3A_524 : vector<16xf32>
        %get3A_526 = arith.index_cast %scan3A_520 : i32 to index
        %get3A_527 = arith.constant 16 : index
        %get3A_528 = tpu.vector_load %arg6[%get3A_526, %get3A_527] {strides = array<i32>} : memref<200x64xf32, #tpu.memory_space<vmem>>, vector<1x16xf32>,
        %get3A_529 = vector.shape_cast %get3A_528 : vector<1x16xf32> to vector<16xf32>
        %add3A_530 = arith.addf %add3A_508, %get3A_529 : vector<16xf32>
        %get3A_531 = arith.index_cast %scan3A_520 : i32 to index
        %get3A_532 = arith.constant 32 : index
        %get3A_533 = tpu.vector_load %arg6[%get3A_531, %get3A_532] {strides = array<i32>} : memref<200x64xf32, #tpu.memory_space<vmem>>, vector<1x16xf32>,
        %get3A_534 = vector.shape_cast %get3A_533 : vector<1x16xf32> to vector<16xf32>
        %add3A_535 = arith.addf %add3A_513, %get3A_534 : vector<16xf32>
        %get3A_536 = arith.index_cast %scan3A_520 : i32 to index
        %get3A_537 = arith.constant 48 : index
        %get3A_538 = tpu.vector_load %arg6[%get3A_536, %get3A_537] {strides = array<i32>} : memref<200x64xf32, #tpu.memory_space<vmem>>, vector<1x16xf32>,
        %get3A_539 = vector.shape_cast %get3A_538 : vector<1x16xf32> to vector<16xf32>
        %add3A_540 = arith.addf %add3A_518, %get3A_539 : vector<16xf32>
        %scan3A_541 = arith.constant 8 : i32
        %scan3A_542 = arith.addi %scan3A_363, %scan3A_541 : i32
        %get3A_543 = arith.index_cast %scan3A_542 : i32 to index
        %get3A_544 = arith.constant 0 : index
        %get3A_545 = tpu.vector_load %arg6[%get3A_543, %get3A_544] {strides = array<i32>} : memref<200x64xf32, #tpu.memory_space<vmem>>, vector<1x16xf32>,
        %get3A_546 = vector.shape_cast %get3A_545 : vector<1x16xf32> to vector<16xf32>
        %add3A_547 = arith.addf %add3A_525, %get3A_546 : vector<16xf32>
        %get3A_548 = arith.index_cast %scan3A_542 : i32 to index
        %get3A_549 = arith.constant 16 : index
        %get3A_550 = tpu.vector_load %arg6[%get3A_548, %get3A_549] {strides = array<i32>} : memref<200x64xf32, #tpu.memory_space<vmem>>, vector<1x16xf32>,
        %get3A_551 = vector.shape_cast %get3A_550 : vector<1x16xf32> to vector<16xf32>
        %add3A_552 = arith.addf %add3A_530, %get3A_551 : vector<16xf32>
        %get3A_553 = arith.index_cast %scan3A_542 : i32 to index
        %get3A_554 = arith.constant 32 : index
        %get3A_555 = tpu.vector_load %arg6[%get3A_553, %get3A_554] {strides = array<i32>} : memref<200x64xf32, #tpu.memory_space<vmem>>, vector<1x16xf32>,
        %get3A_556 = vector.shape_cast %get3A_555 : vector<1x16xf32> to vector<16xf32>
        %add3A_557 = arith.addf %add3A_535, %get3A_556 : vector<16xf32>
        %get3A_558 = arith.index_cast %scan3A_542 : i32 to index
        %get3A_559 = arith.constant 48 : index
        %get3A_560 = tpu.vector_load %arg6[%get3A_558, %get3A_559] {strides = array<i32>} : memref<200x64xf32, #tpu.memory_space<vmem>>, vector<1x16xf32>,
        %get3A_561 = vector.shape_cast %get3A_560 : vector<1x16xf32> to vector<16xf32>
        %add3A_562 = arith.addf %add3A_540, %get3A_561 : vector<16xf32>
        %scan3A_563 = arith.constant 9 : i32
        %scan3A_564 = arith.addi %scan3A_363, %scan3A_563 : i32
        %get3A_565 = arith.index_cast %scan3A_564 : i32 to index
        %get3A_566 = arith.constant 0 : index
        %get3A_567 = tpu.vector_load %arg6[%get3A_565, %get3A_566] {strides = array<i32>} : memref<200x64xf32, #tpu.memory_space<vmem>>, vector<1x16xf32>,
        %get3A_568 = vector.shape_cast %get3A_567 : vector<1x16xf32> to vector<16xf32>
        %add3A_569 = arith.addf %add3A_547, %get3A_568 : vector<16xf32>
        %get3A_570 = arith.index_cast %scan3A_564 : i32 to index
        %get3A_571 = arith.constant 16 : index
        %get3A_572 = tpu.vector_load %arg6[%get3A_570, %get3A_571] {strides = array<i32>} : memref<200x64xf32, #tpu.memory_space<vmem>>, vector<1x16xf32>,
        %get3A_573 = vector.shape_cast %get3A_572 : vector<1x16xf32> to vector<16xf32>
        %add3A_574 = arith.addf %add3A_552, %get3A_573 : vector<16xf32>
        %get3A_575 = arith.index_cast %scan3A_564 : i32 to index
        %get3A_576 = arith.constant 32 : index
        %get3A_577 = tpu.vector_load %arg6[%get3A_575, %get3A_576] {strides = array<i32>} : memref<200x64xf32, #tpu.memory_space<vmem>>, vector<1x16xf32>,
        %get3A_578 = vector.shape_cast %get3A_577 : vector<1x16xf32> to vector<16xf32>
        %add3A_579 = arith.addf %add3A_557, %get3A_578 : vector<16xf32>
        %get3A_580 = arith.index_cast %scan3A_564 : i32 to index
        %get3A_581 = arith.constant 48 : index
        %get3A_582 = tpu.vector_load %arg6[%get3A_580, %get3A_581] {strides = array<i32>} : memref<200x64xf32, #tpu.memory_space<vmem>>, vector<1x16xf32>,
        %get3A_583 = vector.shape_cast %get3A_582 : vector<1x16xf32> to vector<16xf32>
        %add3A_584 = arith.addf %add3A_562, %get3A_583 : vector<16xf32>
        %scan3A_585 = arith.constant 10 : i32
        %scan3A_586 = arith.addi %scan3A_363, %scan3A_585 : i32
        %get3A_587 = arith.index_cast %scan3A_586 : i32 to index
        %get3A_588 = arith.constant 0 : index
        %get3A_589 = tpu.vector_load %arg6[%get3A_587, %get3A_588] {strides = array<i32>} : memref<200x64xf32, #tpu.memory_space<vmem>>, vector<1x16xf32>,
        %get3A_590 = vector.shape_cast %get3A_589 : vector<1x16xf32> to vector<16xf32>
        %add3A_591 = arith.addf %add3A_569, %get3A_590 : vector<16xf32>
        %get3A_592 = arith.index_cast %scan3A_586 : i32 to index
        %get3A_593 = arith.constant 16 : index
        %get3A_594 = tpu.vector_load %arg6[%get3A_592, %get3A_593] {strides = array<i32>} : memref<200x64xf32, #tpu.memory_space<vmem>>, vector<1x16xf32>,
        %get3A_595 = vector.shape_cast %get3A_594 : vector<1x16xf32> to vector<16xf32>
        %add3A_596 = arith.addf %add3A_574, %get3A_595 : vector<16xf32>
        %get3A_597 = arith.index_cast %scan3A_586 : i32 to index
        %get3A_598 = arith.constant 32 : index
        %get3A_599 = tpu.vector_load %arg6[%get3A_597, %get3A_598] {strides = array<i32>} : memref<200x64xf32, #tpu.memory_space<vmem>>, vector<1x16xf32>,
        %get3A_600 = vector.shape_cast %get3A_599 : vector<1x16xf32> to vector<16xf32>
        %add3A_601 = arith.addf %add3A_579, %get3A_600 : vector<16xf32>
        %get3A_602 = arith.index_cast %scan3A_586 : i32 to index
        %get3A_603 = arith.constant 48 : index
        %get3A_604 = tpu.vector_load %arg6[%get3A_602, %get3A_603] {strides = array<i32>} : memref<200x64xf32, #tpu.memory_space<vmem>>, vector<1x16xf32>,
        %get3A_605 = vector.shape_cast %get3A_604 : vector<1x16xf32> to vector<16xf32>
        %add3A_606 = arith.addf %add3A_584, %get3A_605 : vector<16xf32>
        %scan3A_607 = arith.constant 11 : i32
        %scan3A_608 = arith.addi %scan3A_363, %scan3A_607 : i32
        %get3A_609 = arith.index_cast %scan3A_608 : i32 to index
        %get3A_610 = arith.constant 0 : index
        %get3A_611 = tpu.vector_load %arg6[%get3A_609, %get3A_610] {strides = array<i32>} : memref<200x64xf32, #tpu.memory_space<vmem>>, vector<1x16xf32>,
        %get3A_612 = vector.shape_cast %get3A_611 : vector<1x16xf32> to vector<16xf32>
        %add3A_613 = arith.addf %add3A_591, %get3A_612 : vector<16xf32>
        %get3A_614 = arith.index_cast %scan3A_608 : i32 to index
        %get3A_615 = arith.constant 16 : index
        %get3A_616 = tpu.vector_load %arg6[%get3A_614, %get3A_615] {strides = array<i32>} : memref<200x64xf32, #tpu.memory_space<vmem>>, vector<1x16xf32>,
        %get3A_617 = vector.shape_cast %get3A_616 : vector<1x16xf32> to vector<16xf32>
        %add3A_618 = arith.addf %add3A_596, %get3A_617 : vector<16xf32>
        %get3A_619 = arith.index_cast %scan3A_608 : i32 to index
        %get3A_620 = arith.constant 32 : index
        %get3A_621 = tpu.vector_load %arg6[%get3A_619, %get3A_620] {strides = array<i32>} : memref<200x64xf32, #tpu.memory_space<vmem>>, vector<1x16xf32>,
        %get3A_622 = vector.shape_cast %get3A_621 : vector<1x16xf32> to vector<16xf32>
        %add3A_623 = arith.addf %add3A_601, %get3A_622 : vector<16xf32>
        %get3A_624 = arith.index_cast %scan3A_608 : i32 to index
        %get3A_625 = arith.constant 48 : index
        %get3A_626 = tpu.vector_load %arg6[%get3A_624, %get3A_625] {strides = array<i32>} : memref<200x64xf32, #tpu.memory_space<vmem>>, vector<1x16xf32>,
        %get3A_627 = vector.shape_cast %get3A_626 : vector<1x16xf32> to vector<16xf32>
        %add3A_628 = arith.addf %add3A_606, %get3A_627 : vector<16xf32>
        %scan3A_629 = arith.constant 12 : i32
        %scan3A_630 = arith.addi %scan3A_363, %scan3A_629 : i32
        %get3A_631 = arith.index_cast %scan3A_630 : i32 to index
        %get3A_632 = arith.constant 0 : index
        %get3A_633 = tpu.vector_load %arg6[%get3A_631, %get3A_632] {strides = array<i32>} : memref<200x64xf32, #tpu.memory_space<vmem>>, vector<1x16xf32>,
        %get3A_634 = vector.shape_cast %get3A_633 : vector<1x16xf32> to vector<16xf32>
        %add3A_635 = arith.addf %add3A_613, %get3A_634 : vector<16xf32>
        %get3A_636 = arith.index_cast %scan3A_630 : i32 to index
        %get3A_637 = arith.constant 16 : index
        %get3A_638 = tpu.vector_load %arg6[%get3A_636, %get3A_637] {strides = array<i32>} : memref<200x64xf32, #tpu.memory_space<vmem>>, vector<1x16xf32>,
        %get3A_639 = vector.shape_cast %get3A_638 : vector<1x16xf32> to vector<16xf32>
        %add3A_640 = arith.addf %add3A_618, %get3A_639 : vector<16xf32>
        %get3A_641 = arith.index_cast %scan3A_630 : i32 to index
        %get3A_642 = arith.constant 32 : index
        %get3A_643 = tpu.vector_load %arg6[%get3A_641, %get3A_642] {strides = array<i32>} : memref<200x64xf32, #tpu.memory_space<vmem>>, vector<1x16xf32>,
        %get3A_644 = vector.shape_cast %get3A_643 : vector<1x16xf32> to vector<16xf32>
        %add3A_645 = arith.addf %add3A_623, %get3A_644 : vector<16xf32>
        %get3A_646 = arith.index_cast %scan3A_630 : i32 to index
        %get3A_647 = arith.constant 48 : index
        %get3A_648 = tpu.vector_load %arg6[%get3A_646, %get3A_647] {strides = array<i32>} : memref<200x64xf32, #tpu.memory_space<vmem>>, vector<1x16xf32>,
        %get3A_649 = vector.shape_cast %get3A_648 : vector<1x16xf32> to vector<16xf32>
        %add3A_650 = arith.addf %add3A_628, %get3A_649 : vector<16xf32>
        %scan3A_651 = arith.constant 13 : i32
        %scan3A_652 = arith.addi %scan3A_363, %scan3A_651 : i32
        %get3A_653 = arith.index_cast %scan3A_652 : i32 to index
        %get3A_654 = arith.constant 0 : index
        %get3A_655 = tpu.vector_load %arg6[%get3A_653, %get3A_654] {strides = array<i32>} : memref<200x64xf32, #tpu.memory_space<vmem>>, vector<1x16xf32>,
        %get3A_656 = vector.shape_cast %get3A_655 : vector<1x16xf32> to vector<16xf32>
        %add3A_657 = arith.addf %add3A_635, %get3A_656 : vector<16xf32>
        %get3A_658 = arith.index_cast %scan3A_652 : i32 to index
        %get3A_659 = arith.constant 16 : index
        %get3A_660 = tpu.vector_load %arg6[%get3A_658, %get3A_659] {strides = array<i32>} : memref<200x64xf32, #tpu.memory_space<vmem>>, vector<1x16xf32>,
        %get3A_661 = vector.shape_cast %get3A_660 : vector<1x16xf32> to vector<16xf32>
        %add3A_662 = arith.addf %add3A_640, %get3A_661 : vector<16xf32>
        %get3A_663 = arith.index_cast %scan3A_652 : i32 to index
        %get3A_664 = arith.constant 32 : index
        %get3A_665 = tpu.vector_load %arg6[%get3A_663, %get3A_664] {strides = array<i32>} : memref<200x64xf32, #tpu.memory_space<vmem>>, vector<1x16xf32>,
        %get3A_666 = vector.shape_cast %get3A_665 : vector<1x16xf32> to vector<16xf32>
        %add3A_667 = arith.addf %add3A_645, %get3A_666 : vector<16xf32>
        %get3A_668 = arith.index_cast %scan3A_652 : i32 to index
        %get3A_669 = arith.constant 48 : index
        %get3A_670 = tpu.vector_load %arg6[%get3A_668, %get3A_669] {strides = array<i32>} : memref<200x64xf32, #tpu.memory_space<vmem>>, vector<1x16xf32>,
        %get3A_671 = vector.shape_cast %get3A_670 : vector<1x16xf32> to vector<16xf32>
        %add3A_672 = arith.addf %add3A_650, %get3A_671 : vector<16xf32>
        %scan3A_673 = arith.constant 14 : i32
        %scan3A_674 = arith.addi %scan3A_363, %scan3A_673 : i32
        %get3A_675 = arith.index_cast %scan3A_674 : i32 to index
        %get3A_676 = arith.constant 0 : index
        %get3A_677 = tpu.vector_load %arg6[%get3A_675, %get3A_676] {strides = array<i32>} : memref<200x64xf32, #tpu.memory_space<vmem>>, vector<1x16xf32>,
        %get3A_678 = vector.shape_cast %get3A_677 : vector<1x16xf32> to vector<16xf32>
        %add3A_679 = arith.addf %add3A_657, %get3A_678 : vector<16xf32>
        %get3A_680 = arith.index_cast %scan3A_674 : i32 to index
        %get3A_681 = arith.constant 16 : index
        %get3A_682 = tpu.vector_load %arg6[%get3A_680, %get3A_681] {strides = array<i32>} : memref<200x64xf32, #tpu.memory_space<vmem>>, vector<1x16xf32>,
        %get3A_683 = vector.shape_cast %get3A_682 : vector<1x16xf32> to vector<16xf32>
        %add3A_684 = arith.addf %add3A_662, %get3A_683 : vector<16xf32>
        %get3A_685 = arith.index_cast %scan3A_674 : i32 to index
        %get3A_686 = arith.constant 32 : index
        %get3A_687 = tpu.vector_load %arg6[%get3A_685, %get3A_686] {strides = array<i32>} : memref<200x64xf32, #tpu.memory_space<vmem>>, vector<1x16xf32>,
        %get3A_688 = vector.shape_cast %get3A_687 : vector<1x16xf32> to vector<16xf32>
        %add3A_689 = arith.addf %add3A_667, %get3A_688 : vector<16xf32>
        %get3A_690 = arith.index_cast %scan3A_674 : i32 to index
        %get3A_691 = arith.constant 48 : index
        %get3A_692 = tpu.vector_load %arg6[%get3A_690, %get3A_691] {strides = array<i32>} : memref<200x64xf32, #tpu.memory_space<vmem>>, vector<1x16xf32>,
        %get3A_693 = vector.shape_cast %get3A_692 : vector<1x16xf32> to vector<16xf32>
        %add3A_694 = arith.addf %add3A_672, %get3A_693 : vector<16xf32>
        %scan3A_695 = arith.constant 15 : i32
        %scan3A_696 = arith.addi %scan3A_363, %scan3A_695 : i32
        %get3A_697 = arith.index_cast %scan3A_696 : i32 to index
        %get3A_698 = arith.constant 0 : index
        %get3A_699 = tpu.vector_load %arg6[%get3A_697, %get3A_698] {strides = array<i32>} : memref<200x64xf32, #tpu.memory_space<vmem>>, vector<1x16xf32>,
        %get3A_700 = vector.shape_cast %get3A_699 : vector<1x16xf32> to vector<16xf32>
        %add3A_701 = arith.addf %add3A_679, %get3A_700 : vector<16xf32>
        %get3A_702 = arith.index_cast %scan3A_696 : i32 to index
        %get3A_703 = arith.constant 16 : index
        %get3A_704 = tpu.vector_load %arg6[%get3A_702, %get3A_703] {strides = array<i32>} : memref<200x64xf32, #tpu.memory_space<vmem>>, vector<1x16xf32>,
        %get3A_705 = vector.shape_cast %get3A_704 : vector<1x16xf32> to vector<16xf32>
        %add3A_706 = arith.addf %add3A_684, %get3A_705 : vector<16xf32>
        %get3A_707 = arith.index_cast %scan3A_696 : i32 to index
        %get3A_708 = arith.constant 32 : index
        %get3A_709 = tpu.vector_load %arg6[%get3A_707, %get3A_708] {strides = array<i32>} : memref<200x64xf32, #tpu.memory_space<vmem>>, vector<1x16xf32>,
        %get3A_710 = vector.shape_cast %get3A_709 : vector<1x16xf32> to vector<16xf32>
        %add3A_711 = arith.addf %add3A_689, %get3A_710 : vector<16xf32>
        %get3A_712 = arith.index_cast %scan3A_696 : i32 to index
        %get3A_713 = arith.constant 48 : index
        %get3A_714 = tpu.vector_load %arg6[%get3A_712, %get3A_713] {strides = array<i32>} : memref<200x64xf32, #tpu.memory_space<vmem>>, vector<1x16xf32>,
        %get3A_715 = vector.shape_cast %get3A_714 : vector<1x16xf32> to vector<16xf32>
        %add3A_716 = arith.addf %add3A_694, %get3A_715 : vector<16xf32>
        %scan3A_717 = arith.constant 16 : i32
        %scan3A_718 = arith.addi %scan3A_363, %scan3A_717 : i32
        %get3A_719 = arith.index_cast %scan3A_718 : i32 to index
        %get3A_720 = arith.constant 0 : index
        %get3A_721 = tpu.vector_load %arg6[%get3A_719, %get3A_720] {strides = array<i32>} : memref<200x64xf32, #tpu.memory_space<vmem>>, vector<1x16xf32>,
        %get3A_722 = vector.shape_cast %get3A_721 : vector<1x16xf32> to vector<16xf32>
        %add3A_723 = arith.addf %add3A_701, %get3A_722 : vector<16xf32>
        %get3A_724 = arith.index_cast %scan3A_718 : i32 to index
        %get3A_725 = arith.constant 16 : index
        %get3A_726 = tpu.vector_load %arg6[%get3A_724, %get3A_725] {strides = array<i32>} : memref<200x64xf32, #tpu.memory_space<vmem>>, vector<1x16xf32>,
        %get3A_727 = vector.shape_cast %get3A_726 : vector<1x16xf32> to vector<16xf32>
        %add3A_728 = arith.addf %add3A_706, %get3A_727 : vector<16xf32>
        %get3A_729 = arith.index_cast %scan3A_718 : i32 to index
        %get3A_730 = arith.constant 32 : index
        %get3A_731 = tpu.vector_load %arg6[%get3A_729, %get3A_730] {strides = array<i32>} : memref<200x64xf32, #tpu.memory_space<vmem>>, vector<1x16xf32>,
        %get3A_732 = vector.shape_cast %get3A_731 : vector<1x16xf32> to vector<16xf32>
        %add3A_733 = arith.addf %add3A_711, %get3A_732 : vector<16xf32>
        %get3A_734 = arith.index_cast %scan3A_718 : i32 to index
        %get3A_735 = arith.constant 48 : index
        %get3A_736 = tpu.vector_load %arg6[%get3A_734, %get3A_735] {strides = array<i32>} : memref<200x64xf32, #tpu.memory_space<vmem>>, vector<1x16xf32>,
        %get3A_737 = vector.shape_cast %get3A_736 : vector<1x16xf32> to vector<16xf32>
        %add3A_738 = arith.addf %add3A_716, %get3A_737 : vector<16xf32>
        %scan3A_739 = arith.constant 17 : i32
        %scan3A_740 = arith.addi %scan3A_363, %scan3A_739 : i32
        %get3A_741 = arith.index_cast %scan3A_740 : i32 to index
        %get3A_742 = arith.constant 0 : index
        %get3A_743 = tpu.vector_load %arg6[%get3A_741, %get3A_742] {strides = array<i32>} : memref<200x64xf32, #tpu.memory_space<vmem>>, vector<1x16xf32>,
        %get3A_744 = vector.shape_cast %get3A_743 : vector<1x16xf32> to vector<16xf32>
        %add3A_745 = arith.addf %add3A_723, %get3A_744 : vector<16xf32>
        %get3A_746 = arith.index_cast %scan3A_740 : i32 to index
        %get3A_747 = arith.constant 16 : index
        %get3A_748 = tpu.vector_load %arg6[%get3A_746, %get3A_747] {strides = array<i32>} : memref<200x64xf32, #tpu.memory_space<vmem>>, vector<1x16xf32>,
        %get3A_749 = vector.shape_cast %get3A_748 : vector<1x16xf32> to vector<16xf32>
        %add3A_750 = arith.addf %add3A_728, %get3A_749 : vector<16xf32>
        %get3A_751 = arith.index_cast %scan3A_740 : i32 to index
        %get3A_752 = arith.constant 32 : index
        %get3A_753 = tpu.vector_load %arg6[%get3A_751, %get3A_752] {strides = array<i32>} : memref<200x64xf32, #tpu.memory_space<vmem>>, vector<1x16xf32>,
        %get3A_754 = vector.shape_cast %get3A_753 : vector<1x16xf32> to vector<16xf32>
        %add3A_755 = arith.addf %add3A_733, %get3A_754 : vector<16xf32>
        %get3A_756 = arith.index_cast %scan3A_740 : i32 to index
        %get3A_757 = arith.constant 48 : index
        %get3A_758 = tpu.vector_load %arg6[%get3A_756, %get3A_757] {strides = array<i32>} : memref<200x64xf32, #tpu.memory_space<vmem>>, vector<1x16xf32>,
        %get3A_759 = vector.shape_cast %get3A_758 : vector<1x16xf32> to vector<16xf32>
        %add3A_760 = arith.addf %add3A_738, %get3A_759 : vector<16xf32>
        %scan3A_761 = arith.constant 18 : i32
        %scan3A_762 = arith.addi %scan3A_363, %scan3A_761 : i32
        %get3A_763 = arith.index_cast %scan3A_762 : i32 to index
        %get3A_764 = arith.constant 0 : index
        %get3A_765 = tpu.vector_load %arg6[%get3A_763, %get3A_764] {strides = array<i32>} : memref<200x64xf32, #tpu.memory_space<vmem>>, vector<1x16xf32>,
        %get3A_766 = vector.shape_cast %get3A_765 : vector<1x16xf32> to vector<16xf32>
        %add3A_767 = arith.addf %add3A_745, %get3A_766 : vector<16xf32>
        %get3A_768 = arith.index_cast %scan3A_762 : i32 to index
        %get3A_769 = arith.constant 16 : index
        %get3A_770 = tpu.vector_load %arg6[%get3A_768, %get3A_769] {strides = array<i32>} : memref<200x64xf32, #tpu.memory_space<vmem>>, vector<1x16xf32>,
        %get3A_771 = vector.shape_cast %get3A_770 : vector<1x16xf32> to vector<16xf32>
        %add3A_772 = arith.addf %add3A_750, %get3A_771 : vector<16xf32>
        %get3A_773 = arith.index_cast %scan3A_762 : i32 to index
        %get3A_774 = arith.constant 32 : index
        %get3A_775 = tpu.vector_load %arg6[%get3A_773, %get3A_774] {strides = array<i32>} : memref<200x64xf32, #tpu.memory_space<vmem>>, vector<1x16xf32>,
        %get3A_776 = vector.shape_cast %get3A_775 : vector<1x16xf32> to vector<16xf32>
        %add3A_777 = arith.addf %add3A_755, %get3A_776 : vector<16xf32>
        %get3A_778 = arith.index_cast %scan3A_762 : i32 to index
        %get3A_779 = arith.constant 48 : index
        %get3A_780 = tpu.vector_load %arg6[%get3A_778, %get3A_779] {strides = array<i32>} : memref<200x64xf32, #tpu.memory_space<vmem>>, vector<1x16xf32>,
        %get3A_781 = vector.shape_cast %get3A_780 : vector<1x16xf32> to vector<16xf32>
        %add3A_782 = arith.addf %add3A_760, %get3A_781 : vector<16xf32>
        %scan3A_783 = arith.constant 19 : i32
        %scan3A_784 = arith.addi %scan3A_363, %scan3A_783 : i32
        %get3A_785 = arith.index_cast %scan3A_784 : i32 to index
        %get3A_786 = arith.constant 0 : index
        %get3A_787 = tpu.vector_load %arg6[%get3A_785, %get3A_786] {strides = array<i32>} : memref<200x64xf32, #tpu.memory_space<vmem>>, vector<1x16xf32>,
        %get3A_788 = vector.shape_cast %get3A_787 : vector<1x16xf32> to vector<16xf32>
        %add3A_789 = arith.addf %add3A_767, %get3A_788 : vector<16xf32>
        %get3A_790 = arith.index_cast %scan3A_784 : i32 to index
        %get3A_791 = arith.constant 16 : index
        %get3A_792 = tpu.vector_load %arg6[%get3A_790, %get3A_791] {strides = array<i32>} : memref<200x64xf32, #tpu.memory_space<vmem>>, vector<1x16xf32>,
        %get3A_793 = vector.shape_cast %get3A_792 : vector<1x16xf32> to vector<16xf32>
        %add3A_794 = arith.addf %add3A_772, %get3A_793 : vector<16xf32>
        %get3A_795 = arith.index_cast %scan3A_784 : i32 to index
        %get3A_796 = arith.constant 32 : index
        %get3A_797 = tpu.vector_load %arg6[%get3A_795, %get3A_796] {strides = array<i32>} : memref<200x64xf32, #tpu.memory_space<vmem>>, vector<1x16xf32>,
        %get3A_798 = vector.shape_cast %get3A_797 : vector<1x16xf32> to vector<16xf32>
        %add3A_799 = arith.addf %add3A_777, %get3A_798 : vector<16xf32>
        %get3A_800 = arith.index_cast %scan3A_784 : i32 to index
        %get3A_801 = arith.constant 48 : index
        %get3A_802 = tpu.vector_load %arg6[%get3A_800, %get3A_801] {strides = array<i32>} : memref<200x64xf32, #tpu.memory_space<vmem>>, vector<1x16xf32>,
        %get3A_803 = vector.shape_cast %get3A_802 : vector<1x16xf32> to vector<16xf32>
        %add3A_804 = arith.addf %add3A_782, %get3A_803 : vector<16xf32>
        %scan3A_805 = arith.constant 20 : i32
        %scan3A_806 = arith.addi %scan3A_363, %scan3A_805 : i32
        %get3A_807 = arith.index_cast %scan3A_806 : i32 to index
        %get3A_808 = arith.constant 0 : index
        %get3A_809 = tpu.vector_load %arg6[%get3A_807, %get3A_808] {strides = array<i32>} : memref<200x64xf32, #tpu.memory_space<vmem>>, vector<1x16xf32>,
        %get3A_810 = vector.shape_cast %get3A_809 : vector<1x16xf32> to vector<16xf32>
        %add3A_811 = arith.addf %add3A_789, %get3A_810 : vector<16xf32>
        %get3A_812 = arith.index_cast %scan3A_806 : i32 to index
        %get3A_813 = arith.constant 16 : index
        %get3A_814 = tpu.vector_load %arg6[%get3A_812, %get3A_813] {strides = array<i32>} : memref<200x64xf32, #tpu.memory_space<vmem>>, vector<1x16xf32>,
        %get3A_815 = vector.shape_cast %get3A_814 : vector<1x16xf32> to vector<16xf32>
        %add3A_816 = arith.addf %add3A_794, %get3A_815 : vector<16xf32>
        %get3A_817 = arith.index_cast %scan3A_806 : i32 to index
        %get3A_818 = arith.constant 32 : index
        %get3A_819 = tpu.vector_load %arg6[%get3A_817, %get3A_818] {strides = array<i32>} : memref<200x64xf32, #tpu.memory_space<vmem>>, vector<1x16xf32>,
        %get3A_820 = vector.shape_cast %get3A_819 : vector<1x16xf32> to vector<16xf32>
        %add3A_821 = arith.addf %add3A_799, %get3A_820 : vector<16xf32>
        %get3A_822 = arith.index_cast %scan3A_806 : i32 to index
        %get3A_823 = arith.constant 48 : index
        %get3A_824 = tpu.vector_load %arg6[%get3A_822, %get3A_823] {strides = array<i32>} : memref<200x64xf32, #tpu.memory_space<vmem>>, vector<1x16xf32>,
        %get3A_825 = vector.shape_cast %get3A_824 : vector<1x16xf32> to vector<16xf32>
        %add3A_826 = arith.addf %add3A_804, %get3A_825 : vector<16xf32>
        %scan3A_827 = arith.constant 21 : i32
        %scan3A_828 = arith.addi %scan3A_363, %scan3A_827 : i32
        %get3A_829 = arith.index_cast %scan3A_828 : i32 to index
        %get3A_830 = arith.constant 0 : index
        %get3A_831 = tpu.vector_load %arg6[%get3A_829, %get3A_830] {strides = array<i32>} : memref<200x64xf32, #tpu.memory_space<vmem>>, vector<1x16xf32>,
        %get3A_832 = vector.shape_cast %get3A_831 : vector<1x16xf32> to vector<16xf32>
        %add3A_833 = arith.addf %add3A_811, %get3A_832 : vector<16xf32>
        %get3A_834 = arith.index_cast %scan3A_828 : i32 to index
        %get3A_835 = arith.constant 16 : index
        %get3A_836 = tpu.vector_load %arg6[%get3A_834, %get3A_835] {strides = array<i32>} : memref<200x64xf32, #tpu.memory_space<vmem>>, vector<1x16xf32>,
        %get3A_837 = vector.shape_cast %get3A_836 : vector<1x16xf32> to vector<16xf32>
        %add3A_838 = arith.addf %add3A_816, %get3A_837 : vector<16xf32>
        %get3A_839 = arith.index_cast %scan3A_828 : i32 to index
        %get3A_840 = arith.constant 32 : index
        %get3A_841 = tpu.vector_load %arg6[%get3A_839, %get3A_840] {strides = array<i32>} : memref<200x64xf32, #tpu.memory_space<vmem>>, vector<1x16xf32>,
        %get3A_842 = vector.shape_cast %get3A_841 : vector<1x16xf32> to vector<16xf32>
        %add3A_843 = arith.addf %add3A_821, %get3A_842 : vector<16xf32>
        %get3A_844 = arith.index_cast %scan3A_828 : i32 to index
        %get3A_845 = arith.constant 48 : index
        %get3A_846 = tpu.vector_load %arg6[%get3A_844, %get3A_845] {strides = array<i32>} : memref<200x64xf32, #tpu.memory_space<vmem>>, vector<1x16xf32>,
        %get3A_847 = vector.shape_cast %get3A_846 : vector<1x16xf32> to vector<16xf32>
        %add3A_848 = arith.addf %add3A_826, %get3A_847 : vector<16xf32>
        %scan3A_849 = arith.constant 22 : i32
        %scan3A_850 = arith.addi %scan3A_363, %scan3A_849 : i32
        %get3A_851 = arith.index_cast %scan3A_850 : i32 to index
        %get3A_852 = arith.constant 0 : index
        %get3A_853 = tpu.vector_load %arg6[%get3A_851, %get3A_852] {strides = array<i32>} : memref<200x64xf32, #tpu.memory_space<vmem>>, vector<1x16xf32>,
        %get3A_854 = vector.shape_cast %get3A_853 : vector<1x16xf32> to vector<16xf32>
        %add3A_855 = arith.addf %add3A_833, %get3A_854 : vector<16xf32>
        %get3A_856 = arith.index_cast %scan3A_850 : i32 to index
        %get3A_857 = arith.constant 16 : index
        %get3A_858 = tpu.vector_load %arg6[%get3A_856, %get3A_857] {strides = array<i32>} : memref<200x64xf32, #tpu.memory_space<vmem>>, vector<1x16xf32>,
        %get3A_859 = vector.shape_cast %get3A_858 : vector<1x16xf32> to vector<16xf32>
        %add3A_860 = arith.addf %add3A_838, %get3A_859 : vector<16xf32>
        %get3A_861 = arith.index_cast %scan3A_850 : i32 to index
        %get3A_862 = arith.constant 32 : index
        %get3A_863 = tpu.vector_load %arg6[%get3A_861, %get3A_862] {strides = array<i32>} : memref<200x64xf32, #tpu.memory_space<vmem>>, vector<1x16xf32>,
        %get3A_864 = vector.shape_cast %get3A_863 : vector<1x16xf32> to vector<16xf32>
        %add3A_865 = arith.addf %add3A_843, %get3A_864 : vector<16xf32>
        %get3A_866 = arith.index_cast %scan3A_850 : i32 to index
        %get3A_867 = arith.constant 48 : index
        %get3A_868 = tpu.vector_load %arg6[%get3A_866, %get3A_867] {strides = array<i32>} : memref<200x64xf32, #tpu.memory_space<vmem>>, vector<1x16xf32>,
        %get3A_869 = vector.shape_cast %get3A_868 : vector<1x16xf32> to vector<16xf32>
        %add3A_870 = arith.addf %add3A_848, %get3A_869 : vector<16xf32>
        %scan3A_871 = arith.constant 23 : i32
        %scan3A_872 = arith.addi %scan3A_363, %scan3A_871 : i32
        %get3A_873 = arith.index_cast %scan3A_872 : i32 to index
        %get3A_874 = arith.constant 0 : index
        %get3A_875 = tpu.vector_load %arg6[%get3A_873, %get3A_874] {strides = array<i32>} : memref<200x64xf32, #tpu.memory_space<vmem>>, vector<1x16xf32>,
        %get3A_876 = vector.shape_cast %get3A_875 : vector<1x16xf32> to vector<16xf32>
        %add3A_877 = arith.addf %add3A_855, %get3A_876 : vector<16xf32>
        %get3A_878 = arith.index_cast %scan3A_872 : i32 to index
        %get3A_879 = arith.constant 16 : index
        %get3A_880 = tpu.vector_load %arg6[%get3A_878, %get3A_879] {strides = array<i32>} : memref<200x64xf32, #tpu.memory_space<vmem>>, vector<1x16xf32>,
        %get3A_881 = vector.shape_cast %get3A_880 : vector<1x16xf32> to vector<16xf32>
        %add3A_882 = arith.addf %add3A_860, %get3A_881 : vector<16xf32>
        %get3A_883 = arith.index_cast %scan3A_872 : i32 to index
        %get3A_884 = arith.constant 32 : index
        %get3A_885 = tpu.vector_load %arg6[%get3A_883, %get3A_884] {strides = array<i32>} : memref<200x64xf32, #tpu.memory_space<vmem>>, vector<1x16xf32>,
        %get3A_886 = vector.shape_cast %get3A_885 : vector<1x16xf32> to vector<16xf32>
        %add3A_887 = arith.addf %add3A_865, %get3A_886 : vector<16xf32>
        %get3A_888 = arith.index_cast %scan3A_872 : i32 to index
        %get3A_889 = arith.constant 48 : index
        %get3A_890 = tpu.vector_load %arg6[%get3A_888, %get3A_889] {strides = array<i32>} : memref<200x64xf32, #tpu.memory_space<vmem>>, vector<1x16xf32>,
        %get3A_891 = vector.shape_cast %get3A_890 : vector<1x16xf32> to vector<16xf32>
        %add3A_892 = arith.addf %add3A_870, %get3A_891 : vector<16xf32>
        %scan3A_893 = arith.constant 24 : i32
        %scan3A_894 = arith.addi %scan3A_363, %scan3A_893 : i32
        %get3A_895 = arith.index_cast %scan3A_894 : i32 to index
        %get3A_896 = arith.constant 0 : index
        %get3A_897 = tpu.vector_load %arg6[%get3A_895, %get3A_896] {strides = array<i32>} : memref<200x64xf32, #tpu.memory_space<vmem>>, vector<1x16xf32>,
        %get3A_898 = vector.shape_cast %get3A_897 : vector<1x16xf32> to vector<16xf32>
        %add3A_899 = arith.addf %add3A_877, %get3A_898 : vector<16xf32>
        %get3A_900 = arith.index_cast %scan3A_894 : i32 to index
        %get3A_901 = arith.constant 16 : index
        %get3A_902 = tpu.vector_load %arg6[%get3A_900, %get3A_901] {strides = array<i32>} : memref<200x64xf32, #tpu.memory_space<vmem>>, vector<1x16xf32>,
        %get3A_903 = vector.shape_cast %get3A_902 : vector<1x16xf32> to vector<16xf32>
        %add3A_904 = arith.addf %add3A_882, %get3A_903 : vector<16xf32>
        %get3A_905 = arith.index_cast %scan3A_894 : i32 to index
        %get3A_906 = arith.constant 32 : index
        %get3A_907 = tpu.vector_load %arg6[%get3A_905, %get3A_906] {strides = array<i32>} : memref<200x64xf32, #tpu.memory_space<vmem>>, vector<1x16xf32>,
        %get3A_908 = vector.shape_cast %get3A_907 : vector<1x16xf32> to vector<16xf32>
        %add3A_909 = arith.addf %add3A_887, %get3A_908 : vector<16xf32>
        %get3A_910 = arith.index_cast %scan3A_894 : i32 to index
        %get3A_911 = arith.constant 48 : index
        %get3A_912 = tpu.vector_load %arg6[%get3A_910, %get3A_911] {strides = array<i32>} : memref<200x64xf32, #tpu.memory_space<vmem>>, vector<1x16xf32>,
        %get3A_913 = vector.shape_cast %get3A_912 : vector<1x16xf32> to vector<16xf32>
        %add3A_914 = arith.addf %add3A_892, %get3A_913 : vector<16xf32>
        scf.yield %add3A_899, %add3A_904, %add3A_909, %add3A_914 : vector<16xf32>, vector<16xf32>, vector<16xf32>, vector<16xf32>
      }
      %scan3A_106 = arith.constant 200 : i32
      %mul3A_107 = arith.constant 5.000000e-03 : f32
      %mul3A_108 = vector.broadcast %mul3A_107 : f32 to vector<16xf32>
      %mul3A_109 = arith.mulf %scan3A_105#0, %mul3A_108 : vector<16xf32>
      %swap3A = arith.index_cast %add3A_71 : i32 to index
      %swap3A_110 = arith.constant 0 : index
      %swap3A_111 = tpu.vector_load %arg10[%swap3A, %swap3A_110] {strides = array<i32>} : memref<128x64xf32, #tpu.memory_space<vmem>>, vector<1x16xf32>,
      %swap3A_112 = vector.shape_cast %swap3A_111 : vector<1x16xf32> to vector<16xf32>
      %swap3A_113 = vector.shape_cast %mul3A_109 : vector<16xf32> to vector<1x16xf32>
      tpu.vector_store %arg10[%swap3A, %swap3A_110], %swap3A_113 {strides = array<i32>} : memref<128x64xf32, #tpu.memory_space<vmem>>, vector<1x16xf32>,
      %mul3A_114 = arith.constant 5.000000e-03 : f32
      %mul3A_115 = vector.broadcast %mul3A_114 : f32 to vector<16xf32>
      %mul3A_116 = arith.mulf %scan3A_105#1, %mul3A_115 : vector<16xf32>
      %swap3A_117 = arith.index_cast %add3A_71 : i32 to index
      %swap3A_118 = arith.constant 16 : index
      %swap3A_119 = tpu.vector_load %arg10[%swap3A_117, %swap3A_118] {strides = array<i32>} : memref<128x64xf32, #tpu.memory_space<vmem>>, vector<1x16xf32>,
      %swap3A_120 = vector.shape_cast %swap3A_119 : vector<1x16xf32> to vector<16xf32>
      %swap3A_121 = vector.shape_cast %mul3A_116 : vector<16xf32> to vector<1x16xf32>
      tpu.vector_store %arg10[%swap3A_117, %swap3A_118], %swap3A_121 {strides = array<i32>} : memref<128x64xf32, #tpu.memory_space<vmem>>, vector<1x16xf32>,
      %mul3A_122 = arith.constant 5.000000e-03 : f32
      %mul3A_123 = vector.broadcast %mul3A_122 : f32 to vector<16xf32>
      %mul3A_124 = arith.mulf %scan3A_105#2, %mul3A_123 : vector<16xf32>
      %swap3A_125 = arith.index_cast %add3A_71 : i32 to index
      %swap3A_126 = arith.constant 32 : index
      %swap3A_127 = tpu.vector_load %arg10[%swap3A_125, %swap3A_126] {strides = array<i32>} : memref<128x64xf32, #tpu.memory_space<vmem>>, vector<1x16xf32>,
      %swap3A_128 = vector.shape_cast %swap3A_127 : vector<1x16xf32> to vector<16xf32>
      %swap3A_129 = vector.shape_cast %mul3A_124 : vector<16xf32> to vector<1x16xf32>
      tpu.vector_store %arg10[%swap3A_125, %swap3A_126], %swap3A_129 {strides = array<i32>} : memref<128x64xf32, #tpu.memory_space<vmem>>, vector<1x16xf32>,
      %mul3A_130 = arith.constant 5.000000e-03 : f32
      %mul3A_131 = vector.broadcast %mul3A_130 : f32 to vector<16xf32>
      %mul3A_132 = arith.mulf %scan3A_105#3, %mul3A_131 : vector<16xf32>
      %swap3A_133 = arith.index_cast %add3A_71 : i32 to index
      %swap3A_134 = arith.constant 48 : index
      %swap3A_135 = tpu.vector_load %arg10[%swap3A_133, %swap3A_134] {strides = array<i32>} : memref<128x64xf32, #tpu.memory_space<vmem>>, vector<1x16xf32>,
      %swap3A_136 = vector.shape_cast %swap3A_135 : vector<1x16xf32> to vector<16xf32>
      %swap3A_137 = vector.shape_cast %mul3A_132 : vector<16xf32> to vector<1x16xf32>
      tpu.vector_store %arg10[%swap3A_133, %swap3A_134], %swap3A_137 {strides = array<i32>} : memref<128x64xf32, #tpu.memory_space<vmem>>, vector<1x16xf32>,
      %add3A_138 = arith.constant 1 : i32
      %add3A_139 = arith.addi %mul3A_69, %add3A_138 : i32
      %dma_wait3A_140 = arith.constant 0 : i32
      %dma_wait3A_141 = arith.constant 0 : i32
      %dma_wait3A_142 = tpu.memref_slice %arg7[%dma_wait3A_140, %dma_wait3A_141] : memref<200x64xf32, #tpu.memory_space<vmem>> -> memref<128x64xf32, #tpu.memory_space<vmem>>
      %dma_wait3A_143 = arith.constant 0 : i32
      %dma_wait3A_144 = tpu.memref_slice %arg5[%add3A_139, %dma_wait3A_143] : memref<128x200xi32, #tpu.memory_space<vmem>> -> memref<1x128xi32, #tpu.memory_space<vmem>>
      %dma_wait3A_145 = tpu.memref_squeeze %dma_wait3A_144 : memref<1x128xi32, #tpu.memory_space<vmem>> -> memref<128xi32, #tpu.memory_space<vmem>>
      %dma_wait3A_146 = arith.constant 0 : i32
      %dma_wait3A_147 = arith.constant 0 : i32
      %dma_wait3A_148 = tpu.memref_slice %arg3[%dma_wait3A_146, %dma_wait3A_147] : memref<2000000x64xf32, #tpu.memory_space<hbm>> -> memref<2000000x64xf32, #tpu.memory_space<hbm>>
      tpu.wait_indirect_dma semaphore(%arg12 : memref<!tpu.dma_semaphore, #tpu.memory_space<semaphore_mem>>) src(%dma_wait3A_148 : memref<2000000x64xf32, #tpu.memory_space<hbm>>) dst(%dma_wait3A_142 : memref<128x64xf32, #tpu.memory_space<vmem>>)
      %dma_wait3A_149 = arith.constant 128 : i32
      %dma_wait3A_150 = arith.constant 0 : i32
      %dma_wait3A_151 = tpu.memref_slice %arg7[%dma_wait3A_149, %dma_wait3A_150] : memref<200x64xf32, #tpu.memory_space<vmem>> -> memref<72x64xf32, #tpu.memory_space<vmem>>
      %dma_wait3A_152 = arith.constant 128 : i32
      %dma_wait3A_153 = tpu.memref_slice %arg5[%add3A_139, %dma_wait3A_152] : memref<128x200xi32, #tpu.memory_space<vmem>> -> memref<1x72xi32, #tpu.memory_space<vmem>>
      %dma_wait3A_154 = tpu.memref_squeeze %dma_wait3A_153 : memref<1x72xi32, #tpu.memory_space<vmem>> -> memref<72xi32, #tpu.memory_space<vmem>>
      %dma_wait3A_155 = arith.constant 0 : i32
      %dma_wait3A_156 = arith.constant 0 : i32
      %dma_wait3A_157 = tpu.memref_slice %arg3[%dma_wait3A_155, %dma_wait3A_156] : memref<2000000x64xf32, #tpu.memory_space<hbm>> -> memref<2000000x64xf32, #tpu.memory_space<hbm>>
      tpu.wait_indirect_dma semaphore(%arg12 : memref<!tpu.dma_semaphore, #tpu.memory_space<semaphore_mem>>) src(%dma_wait3A_157 : memref<2000000x64xf32, #tpu.memory_space<hbm>>) dst(%dma_wait3A_151 : memref<72x64xf32, #tpu.memory_space<vmem>>)
      %add3A_158 = arith.constant 4 : i32
      %add3A_159 = arith.addi %add3A_139, %add3A_158 : i32
      %sub3A_160 = arith.constant 1 : i32
      %sub3A_161 = arith.subi %add3A_159, %sub3A_160 : i32
      %lt3A_162 = arith.constant 128 : i32
      %lt3A_163 = arith.cmpi slt, %sub3A_161, %lt3A_162 : i32
      %convert_element_type3A_164 = arith.extui %lt3A_163 : i1 to i32
      %cond3A_165 = arith.constant 0 : i32
      %cond3A_166 = arith.cmpi ne, %convert_element_type3A_164, %cond3A_165 : i32
      scf.if %cond3A_166 {
        %add3A_363 = arith.constant 4 : i32
        %add3A_364 = arith.addi %add3A_139, %add3A_363 : i32
        %sub3A_365 = arith.constant 1 : i32
        %sub3A_366 = arith.subi %add3A_364, %sub3A_365 : i32
        %dma_start3A_367 = arith.constant 0 : i32
        %dma_start3A_368 = arith.constant 0 : i32
        %dma_start3A_369 = tpu.memref_slice %arg6[%dma_start3A_367, %dma_start3A_368] : memref<200x64xf32, #tpu.memory_space<vmem>> -> memref<128x64xf32, #tpu.memory_space<vmem>>
        %dma_start3A_370 = arith.constant 0 : i32
        %dma_start3A_371 = tpu.memref_slice %arg5[%sub3A_366, %dma_start3A_370] : memref<128x200xi32, #tpu.memory_space<vmem>> -> memref<1x128xi32, #tpu.memory_space<vmem>>
        %dma_start3A_372 = tpu.memref_squeeze %dma_start3A_371 : memref<1x128xi32, #tpu.memory_space<vmem>> -> memref<128xi32, #tpu.memory_space<vmem>>
        %dma_start3A_373 = arith.constant 0 : i32
        %dma_start3A_374 = arith.constant 0 : i32
        %dma_start3A_375 = tpu.memref_slice %arg3[%dma_start3A_373, %dma_start3A_374] : memref<2000000x64xf32, #tpu.memory_space<hbm>> -> memref<2000000x64xf32, #tpu.memory_space<hbm>>
        tpu.enqueue_indirect_dma source(%dma_start3A_375 : memref<2000000x64xf32, #tpu.memory_space<hbm>>) target(%dma_start3A_369 : memref<128x64xf32, #tpu.memory_space<vmem>>) offsets(%dma_start3A_372 : memref<128xi32, #tpu.memory_space<vmem>>) semaphore(%arg11 : memref<!tpu.dma_semaphore, #tpu.memory_space<semaphore_mem>>)
        %dma_start3A_376 = arith.constant 128 : i32
        %dma_start3A_377 = arith.constant 0 : i32
        %dma_start3A_378 = tpu.memref_slice %arg6[%dma_start3A_376, %dma_start3A_377] : memref<200x64xf32, #tpu.memory_space<vmem>> -> memref<72x64xf32, #tpu.memory_space<vmem>>
        %dma_start3A_379 = arith.constant 128 : i32
        %dma_start3A_380 = tpu.memref_slice %arg5[%sub3A_366, %dma_start3A_379] : memref<128x200xi32, #tpu.memory_space<vmem>> -> memref<1x72xi32, #tpu.memory_space<vmem>>
        %dma_start3A_381 = tpu.memref_squeeze %dma_start3A_380 : memref<1x72xi32, #tpu.memory_space<vmem>> -> memref<72xi32, #tpu.memory_space<vmem>>
        %dma_start3A_382 = arith.constant 0 : i32
        %dma_start3A_383 = arith.constant 0 : i32
        %dma_start3A_384 = tpu.memref_slice %arg3[%dma_start3A_382, %dma_start3A_383] : memref<2000000x64xf32, #tpu.memory_space<hbm>> -> memref<2000000x64xf32, #tpu.memory_space<hbm>>
        tpu.enqueue_indirect_dma source(%dma_start3A_384 : memref<2000000x64xf32, #tpu.memory_space<hbm>>) target(%dma_start3A_378 : memref<72x64xf32, #tpu.memory_space<vmem>>) offsets(%dma_start3A_381 : memref<72xi32, #tpu.memory_space<vmem>>) semaphore(%arg11 : memref<!tpu.dma_semaphore, #tpu.memory_space<semaphore_mem>>)
      } else {
      }
      %broadcast_in_dim3A_167 = arith.constant 0.000000e+00 : f32
      %broadcast_in_dim3A_168 = vector.broadcast %broadcast_in_dim3A_167 : f32 to vector<16xf32>
      %broadcast_in_dim3A_169 = arith.constant 0.000000e+00 : f32
      %broadcast_in_dim3A_170 = vector.broadcast %broadcast_in_dim3A_169 : f32 to vector<16xf32>
      %broadcast_in_dim3A_171 = arith.constant 0.000000e+00 : f32
      %broadcast_in_dim3A_172 = vector.broadcast %broadcast_in_dim3A_171 : f32 to vector<16xf32>
      %broadcast_in_dim3A_173 = arith.constant 0.000000e+00 : f32
      %broadcast_in_dim3A_174 = vector.broadcast %broadcast_in_dim3A_173 : f32 to vector<16xf32>
      %scan3A_175 = arith.constant 0 : i32
      %scan3A_176 = arith.constant 200 : i32
      %scan3A_177 = arith.addi %scan3A_175, %scan3A_176 : i32
      %scan3A_178 = arith.constant 25 : i32
      %scan3A_179:4 = scf.for %scan3A_363 = %scan3A_175 to %scan3A_177 step %scan3A_178 iter_args(%scan3A_364 = %broadcast_in_dim3A_168, %scan3A_365 = %broadcast_in_dim3A_170, %scan3A_366 = %broadcast_in_dim3A_172, %scan3A_367 = %broadcast_in_dim3A_174) -> (vector<16xf32>, vector<16xf32>, vector<16xf32>, vector<16xf32>)  : i32 {
        %get3A = arith.index_cast %scan3A_363 : i32 to index
        %get3A_368 = arith.constant 0 : index
        %get3A_369 = tpu.vector_load %arg7[%get3A, %get3A_368] {strides = array<i32>} : memref<200x64xf32, #tpu.memory_space<vmem>>, vector<1x16xf32>,
        %get3A_370 = vector.shape_cast %get3A_369 : vector<1x16xf32> to vector<16xf32>
        %add3A_371 = arith.addf %scan3A_364, %get3A_370 : vector<16xf32>
        %get3A_372 = arith.index_cast %scan3A_363 : i32 to index
        %get3A_373 = arith.constant 16 : index
        %get3A_374 = tpu.vector_load %arg7[%get3A_372, %get3A_373] {strides = array<i32>} : memref<200x64xf32, #tpu.memory_space<vmem>>, vector<1x16xf32>,
        %get3A_375 = vector.shape_cast %get3A_374 : vector<1x16xf32> to vector<16xf32>
        %add3A_376 = arith.addf %scan3A_365, %get3A_375 : vector<16xf32>
        %get3A_377 = arith.index_cast %scan3A_363 : i32 to index
        %get3A_378 = arith.constant 32 : index
        %get3A_379 = tpu.vector_load %arg7[%get3A_377, %get3A_378] {strides = array<i32>} : memref<200x64xf32, #tpu.memory_space<vmem>>, vector<1x16xf32>,
        %get3A_380 = vector.shape_cast %get3A_379 : vector<1x16xf32> to vector<16xf32>
        %add3A_381 = arith.addf %scan3A_366, %get3A_380 : vector<16xf32>
        %get3A_382 = arith.index_cast %scan3A_363 : i32 to index
        %get3A_383 = arith.constant 48 : index
        %get3A_384 = tpu.vector_load %arg7[%get3A_382, %get3A_383] {strides = array<i32>} : memref<200x64xf32, #tpu.memory_space<vmem>>, vector<1x16xf32>,
        %get3A_385 = vector.shape_cast %get3A_384 : vector<1x16xf32> to vector<16xf32>
        %add3A_386 = arith.addf %scan3A_367, %get3A_385 : vector<16xf32>
        %scan3A_387 = arith.constant 1 : i32
        %scan3A_388 = arith.addi %scan3A_363, %scan3A_387 : i32
        %get3A_389 = arith.index_cast %scan3A_388 : i32 to index
        %get3A_390 = arith.constant 0 : index
        %get3A_391 = tpu.vector_load %arg7[%get3A_389, %get3A_390] {strides = array<i32>} : memref<200x64xf32, #tpu.memory_space<vmem>>, vector<1x16xf32>,
        %get3A_392 = vector.shape_cast %get3A_391 : vector<1x16xf32> to vector<16xf32>
        %add3A_393 = arith.addf %add3A_371, %get3A_392 : vector<16xf32>
        %get3A_394 = arith.index_cast %scan3A_388 : i32 to index
        %get3A_395 = arith.constant 16 : index
        %get3A_396 = tpu.vector_load %arg7[%get3A_394, %get3A_395] {strides = array<i32>} : memref<200x64xf32, #tpu.memory_space<vmem>>, vector<1x16xf32>,
        %get3A_397 = vector.shape_cast %get3A_396 : vector<1x16xf32> to vector<16xf32>
        %add3A_398 = arith.addf %add3A_376, %get3A_397 : vector<16xf32>
        %get3A_399 = arith.index_cast %scan3A_388 : i32 to index
        %get3A_400 = arith.constant 32 : index
        %get3A_401 = tpu.vector_load %arg7[%get3A_399, %get3A_400] {strides = array<i32>} : memref<200x64xf32, #tpu.memory_space<vmem>>, vector<1x16xf32>,
        %get3A_402 = vector.shape_cast %get3A_401 : vector<1x16xf32> to vector<16xf32>
        %add3A_403 = arith.addf %add3A_381, %get3A_402 : vector<16xf32>
        %get3A_404 = arith.index_cast %scan3A_388 : i32 to index
        %get3A_405 = arith.constant 48 : index
        %get3A_406 = tpu.vector_load %arg7[%get3A_404, %get3A_405] {strides = array<i32>} : memref<200x64xf32, #tpu.memory_space<vmem>>, vector<1x16xf32>,
        %get3A_407 = vector.shape_cast %get3A_406 : vector<1x16xf32> to vector<16xf32>
        %add3A_408 = arith.addf %add3A_386, %get3A_407 : vector<16xf32>
        %scan3A_409 = arith.constant 2 : i32
        %scan3A_410 = arith.addi %scan3A_363, %scan3A_409 : i32
        %get3A_411 = arith.index_cast %scan3A_410 : i32 to index
        %get3A_412 = arith.constant 0 : index
        %get3A_413 = tpu.vector_load %arg7[%get3A_411, %get3A_412] {strides = array<i32>} : memref<200x64xf32, #tpu.memory_space<vmem>>, vector<1x16xf32>,
        %get3A_414 = vector.shape_cast %get3A_413 : vector<1x16xf32> to vector<16xf32>
        %add3A_415 = arith.addf %add3A_393, %get3A_414 : vector<16xf32>
        %get3A_416 = arith.index_cast %scan3A_410 : i32 to index
        %get3A_417 = arith.constant 16 : index
        %get3A_418 = tpu.vector_load %arg7[%get3A_416, %get3A_417] {strides = array<i32>} : memref<200x64xf32, #tpu.memory_space<vmem>>, vector<1x16xf32>,
        %get3A_419 = vector.shape_cast %get3A_418 : vector<1x16xf32> to vector<16xf32>
        %add3A_420 = arith.addf %add3A_398, %get3A_419 : vector<16xf32>
        %get3A_421 = arith.index_cast %scan3A_410 : i32 to index
        %get3A_422 = arith.constant 32 : index
        %get3A_423 = tpu.vector_load %arg7[%get3A_421, %get3A_422] {strides = array<i32>} : memref<200x64xf32, #tpu.memory_space<vmem>>, vector<1x16xf32>,
        %get3A_424 = vector.shape_cast %get3A_423 : vector<1x16xf32> to vector<16xf32>
        %add3A_425 = arith.addf %add3A_403, %get3A_424 : vector<16xf32>
        %get3A_426 = arith.index_cast %scan3A_410 : i32 to index
        %get3A_427 = arith.constant 48 : index
        %get3A_428 = tpu.vector_load %arg7[%get3A_426, %get3A_427] {strides = array<i32>} : memref<200x64xf32, #tpu.memory_space<vmem>>, vector<1x16xf32>,
        %get3A_429 = vector.shape_cast %get3A_428 : vector<1x16xf32> to vector<16xf32>
        %add3A_430 = arith.addf %add3A_408, %get3A_429 : vector<16xf32>
        %scan3A_431 = arith.constant 3 : i32
        %scan3A_432 = arith.addi %scan3A_363, %scan3A_431 : i32
        %get3A_433 = arith.index_cast %scan3A_432 : i32 to index
        %get3A_434 = arith.constant 0 : index
        %get3A_435 = tpu.vector_load %arg7[%get3A_433, %get3A_434] {strides = array<i32>} : memref<200x64xf32, #tpu.memory_space<vmem>>, vector<1x16xf32>,
        %get3A_436 = vector.shape_cast %get3A_435 : vector<1x16xf32> to vector<16xf32>
        %add3A_437 = arith.addf %add3A_415, %get3A_436 : vector<16xf32>
        %get3A_438 = arith.index_cast %scan3A_432 : i32 to index
        %get3A_439 = arith.constant 16 : index
        %get3A_440 = tpu.vector_load %arg7[%get3A_438, %get3A_439] {strides = array<i32>} : memref<200x64xf32, #tpu.memory_space<vmem>>, vector<1x16xf32>,
        %get3A_441 = vector.shape_cast %get3A_440 : vector<1x16xf32> to vector<16xf32>
        %add3A_442 = arith.addf %add3A_420, %get3A_441 : vector<16xf32>
        %get3A_443 = arith.index_cast %scan3A_432 : i32 to index
        %get3A_444 = arith.constant 32 : index
        %get3A_445 = tpu.vector_load %arg7[%get3A_443, %get3A_444] {strides = array<i32>} : memref<200x64xf32, #tpu.memory_space<vmem>>, vector<1x16xf32>,
        %get3A_446 = vector.shape_cast %get3A_445 : vector<1x16xf32> to vector<16xf32>
        %add3A_447 = arith.addf %add3A_425, %get3A_446 : vector<16xf32>
        %get3A_448 = arith.index_cast %scan3A_432 : i32 to index
        %get3A_449 = arith.constant 48 : index
        %get3A_450 = tpu.vector_load %arg7[%get3A_448, %get3A_449] {strides = array<i32>} : memref<200x64xf32, #tpu.memory_space<vmem>>, vector<1x16xf32>,
        %get3A_451 = vector.shape_cast %get3A_450 : vector<1x16xf32> to vector<16xf32>
        %add3A_452 = arith.addf %add3A_430, %get3A_451 : vector<16xf32>
        %scan3A_453 = arith.constant 4 : i32
        %scan3A_454 = arith.addi %scan3A_363, %scan3A_453 : i32
        %get3A_455 = arith.index_cast %scan3A_454 : i32 to index
        %get3A_456 = arith.constant 0 : index
        %get3A_457 = tpu.vector_load %arg7[%get3A_455, %get3A_456] {strides = array<i32>} : memref<200x64xf32, #tpu.memory_space<vmem>>, vector<1x16xf32>,
        %get3A_458 = vector.shape_cast %get3A_457 : vector<1x16xf32> to vector<16xf32>
        %add3A_459 = arith.addf %add3A_437, %get3A_458 : vector<16xf32>
        %get3A_460 = arith.index_cast %scan3A_454 : i32 to index
        %get3A_461 = arith.constant 16 : index
        %get3A_462 = tpu.vector_load %arg7[%get3A_460, %get3A_461] {strides = array<i32>} : memref<200x64xf32, #tpu.memory_space<vmem>>, vector<1x16xf32>,
        %get3A_463 = vector.shape_cast %get3A_462 : vector<1x16xf32> to vector<16xf32>
        %add3A_464 = arith.addf %add3A_442, %get3A_463 : vector<16xf32>
        %get3A_465 = arith.index_cast %scan3A_454 : i32 to index
        %get3A_466 = arith.constant 32 : index
        %get3A_467 = tpu.vector_load %arg7[%get3A_465, %get3A_466] {strides = array<i32>} : memref<200x64xf32, #tpu.memory_space<vmem>>, vector<1x16xf32>,
        %get3A_468 = vector.shape_cast %get3A_467 : vector<1x16xf32> to vector<16xf32>
        %add3A_469 = arith.addf %add3A_447, %get3A_468 : vector<16xf32>
        %get3A_470 = arith.index_cast %scan3A_454 : i32 to index
        %get3A_471 = arith.constant 48 : index
        %get3A_472 = tpu.vector_load %arg7[%get3A_470, %get3A_471] {strides = array<i32>} : memref<200x64xf32, #tpu.memory_space<vmem>>, vector<1x16xf32>,
        %get3A_473 = vector.shape_cast %get3A_472 : vector<1x16xf32> to vector<16xf32>
        %add3A_474 = arith.addf %add3A_452, %get3A_473 : vector<16xf32>
        %scan3A_475 = arith.constant 5 : i32
        %scan3A_476 = arith.addi %scan3A_363, %scan3A_475 : i32
        %get3A_477 = arith.index_cast %scan3A_476 : i32 to index
        %get3A_478 = arith.constant 0 : index
        %get3A_479 = tpu.vector_load %arg7[%get3A_477, %get3A_478] {strides = array<i32>} : memref<200x64xf32, #tpu.memory_space<vmem>>, vector<1x16xf32>,
        %get3A_480 = vector.shape_cast %get3A_479 : vector<1x16xf32> to vector<16xf32>
        %add3A_481 = arith.addf %add3A_459, %get3A_480 : vector<16xf32>
        %get3A_482 = arith.index_cast %scan3A_476 : i32 to index
        %get3A_483 = arith.constant 16 : index
        %get3A_484 = tpu.vector_load %arg7[%get3A_482, %get3A_483] {strides = array<i32>} : memref<200x64xf32, #tpu.memory_space<vmem>>, vector<1x16xf32>,
        %get3A_485 = vector.shape_cast %get3A_484 : vector<1x16xf32> to vector<16xf32>
        %add3A_486 = arith.addf %add3A_464, %get3A_485 : vector<16xf32>
        %get3A_487 = arith.index_cast %scan3A_476 : i32 to index
        %get3A_488 = arith.constant 32 : index
        %get3A_489 = tpu.vector_load %arg7[%get3A_487, %get3A_488] {strides = array<i32>} : memref<200x64xf32, #tpu.memory_space<vmem>>, vector<1x16xf32>,
        %get3A_490 = vector.shape_cast %get3A_489 : vector<1x16xf32> to vector<16xf32>
        %add3A_491 = arith.addf %add3A_469, %get3A_490 : vector<16xf32>
        %get3A_492 = arith.index_cast %scan3A_476 : i32 to index
        %get3A_493 = arith.constant 48 : index
        %get3A_494 = tpu.vector_load %arg7[%get3A_492, %get3A_493] {strides = array<i32>} : memref<200x64xf32, #tpu.memory_space<vmem>>, vector<1x16xf32>,
        %get3A_495 = vector.shape_cast %get3A_494 : vector<1x16xf32> to vector<16xf32>
        %add3A_496 = arith.addf %add3A_474, %get3A_495 : vector<16xf32>
        %scan3A_497 = arith.constant 6 : i32
        %scan3A_498 = arith.addi %scan3A_363, %scan3A_497 : i32
        %get3A_499 = arith.index_cast %scan3A_498 : i32 to index
        %get3A_500 = arith.constant 0 : index
        %get3A_501 = tpu.vector_load %arg7[%get3A_499, %get3A_500] {strides = array<i32>} : memref<200x64xf32, #tpu.memory_space<vmem>>, vector<1x16xf32>,
        %get3A_502 = vector.shape_cast %get3A_501 : vector<1x16xf32> to vector<16xf32>
        %add3A_503 = arith.addf %add3A_481, %get3A_502 : vector<16xf32>
        %get3A_504 = arith.index_cast %scan3A_498 : i32 to index
        %get3A_505 = arith.constant 16 : index
        %get3A_506 = tpu.vector_load %arg7[%get3A_504, %get3A_505] {strides = array<i32>} : memref<200x64xf32, #tpu.memory_space<vmem>>, vector<1x16xf32>,
        %get3A_507 = vector.shape_cast %get3A_506 : vector<1x16xf32> to vector<16xf32>
        %add3A_508 = arith.addf %add3A_486, %get3A_507 : vector<16xf32>
        %get3A_509 = arith.index_cast %scan3A_498 : i32 to index
        %get3A_510 = arith.constant 32 : index
        %get3A_511 = tpu.vector_load %arg7[%get3A_509, %get3A_510] {strides = array<i32>} : memref<200x64xf32, #tpu.memory_space<vmem>>, vector<1x16xf32>,
        %get3A_512 = vector.shape_cast %get3A_511 : vector<1x16xf32> to vector<16xf32>
        %add3A_513 = arith.addf %add3A_491, %get3A_512 : vector<16xf32>
        %get3A_514 = arith.index_cast %scan3A_498 : i32 to index
        %get3A_515 = arith.constant 48 : index
        %get3A_516 = tpu.vector_load %arg7[%get3A_514, %get3A_515] {strides = array<i32>} : memref<200x64xf32, #tpu.memory_space<vmem>>, vector<1x16xf32>,
        %get3A_517 = vector.shape_cast %get3A_516 : vector<1x16xf32> to vector<16xf32>
        %add3A_518 = arith.addf %add3A_496, %get3A_517 : vector<16xf32>
        %scan3A_519 = arith.constant 7 : i32
        %scan3A_520 = arith.addi %scan3A_363, %scan3A_519 : i32
        %get3A_521 = arith.index_cast %scan3A_520 : i32 to index
        %get3A_522 = arith.constant 0 : index
        %get3A_523 = tpu.vector_load %arg7[%get3A_521, %get3A_522] {strides = array<i32>} : memref<200x64xf32, #tpu.memory_space<vmem>>, vector<1x16xf32>,
        %get3A_524 = vector.shape_cast %get3A_523 : vector<1x16xf32> to vector<16xf32>
        %add3A_525 = arith.addf %add3A_503, %get3A_524 : vector<16xf32>
        %get3A_526 = arith.index_cast %scan3A_520 : i32 to index
        %get3A_527 = arith.constant 16 : index
        %get3A_528 = tpu.vector_load %arg7[%get3A_526, %get3A_527] {strides = array<i32>} : memref<200x64xf32, #tpu.memory_space<vmem>>, vector<1x16xf32>,
        %get3A_529 = vector.shape_cast %get3A_528 : vector<1x16xf32> to vector<16xf32>
        %add3A_530 = arith.addf %add3A_508, %get3A_529 : vector<16xf32>
        %get3A_531 = arith.index_cast %scan3A_520 : i32 to index
        %get3A_532 = arith.constant 32 : index
        %get3A_533 = tpu.vector_load %arg7[%get3A_531, %get3A_532] {strides = array<i32>} : memref<200x64xf32, #tpu.memory_space<vmem>>, vector<1x16xf32>,
        %get3A_534 = vector.shape_cast %get3A_533 : vector<1x16xf32> to vector<16xf32>
        %add3A_535 = arith.addf %add3A_513, %get3A_534 : vector<16xf32>
        %get3A_536 = arith.index_cast %scan3A_520 : i32 to index
        %get3A_537 = arith.constant 48 : index
        %get3A_538 = tpu.vector_load %arg7[%get3A_536, %get3A_537] {strides = array<i32>} : memref<200x64xf32, #tpu.memory_space<vmem>>, vector<1x16xf32>,
        %get3A_539 = vector.shape_cast %get3A_538 : vector<1x16xf32> to vector<16xf32>
        %add3A_540 = arith.addf %add3A_518, %get3A_539 : vector<16xf32>
        %scan3A_541 = arith.constant 8 : i32
        %scan3A_542 = arith.addi %scan3A_363, %scan3A_541 : i32
        %get3A_543 = arith.index_cast %scan3A_542 : i32 to index
        %get3A_544 = arith.constant 0 : index
        %get3A_545 = tpu.vector_load %arg7[%get3A_543, %get3A_544] {strides = array<i32>} : memref<200x64xf32, #tpu.memory_space<vmem>>, vector<1x16xf32>,
        %get3A_546 = vector.shape_cast %get3A_545 : vector<1x16xf32> to vector<16xf32>
        %add3A_547 = arith.addf %add3A_525, %get3A_546 : vector<16xf32>
        %get3A_548 = arith.index_cast %scan3A_542 : i32 to index
        %get3A_549 = arith.constant 16 : index
        %get3A_550 = tpu.vector_load %arg7[%get3A_548, %get3A_549] {strides = array<i32>} : memref<200x64xf32, #tpu.memory_space<vmem>>, vector<1x16xf32>,
        %get3A_551 = vector.shape_cast %get3A_550 : vector<1x16xf32> to vector<16xf32>
        %add3A_552 = arith.addf %add3A_530, %get3A_551 : vector<16xf32>
        %get3A_553 = arith.index_cast %scan3A_542 : i32 to index
        %get3A_554 = arith.constant 32 : index
        %get3A_555 = tpu.vector_load %arg7[%get3A_553, %get3A_554] {strides = array<i32>} : memref<200x64xf32, #tpu.memory_space<vmem>>, vector<1x16xf32>,
        %get3A_556 = vector.shape_cast %get3A_555 : vector<1x16xf32> to vector<16xf32>
        %add3A_557 = arith.addf %add3A_535, %get3A_556 : vector<16xf32>
        %get3A_558 = arith.index_cast %scan3A_542 : i32 to index
        %get3A_559 = arith.constant 48 : index
        %get3A_560 = tpu.vector_load %arg7[%get3A_558, %get3A_559] {strides = array<i32>} : memref<200x64xf32, #tpu.memory_space<vmem>>, vector<1x16xf32>,
        %get3A_561 = vector.shape_cast %get3A_560 : vector<1x16xf32> to vector<16xf32>
        %add3A_562 = arith.addf %add3A_540, %get3A_561 : vector<16xf32>
        %scan3A_563 = arith.constant 9 : i32
        %scan3A_564 = arith.addi %scan3A_363, %scan3A_563 : i32
        %get3A_565 = arith.index_cast %scan3A_564 : i32 to index
        %get3A_566 = arith.constant 0 : index
        %get3A_567 = tpu.vector_load %arg7[%get3A_565, %get3A_566] {strides = array<i32>} : memref<200x64xf32, #tpu.memory_space<vmem>>, vector<1x16xf32>,
        %get3A_568 = vector.shape_cast %get3A_567 : vector<1x16xf32> to vector<16xf32>
        %add3A_569 = arith.addf %add3A_547, %get3A_568 : vector<16xf32>
        %get3A_570 = arith.index_cast %scan3A_564 : i32 to index
        %get3A_571 = arith.constant 16 : index
        %get3A_572 = tpu.vector_load %arg7[%get3A_570, %get3A_571] {strides = array<i32>} : memref<200x64xf32, #tpu.memory_space<vmem>>, vector<1x16xf32>,
        %get3A_573 = vector.shape_cast %get3A_572 : vector<1x16xf32> to vector<16xf32>
        %add3A_574 = arith.addf %add3A_552, %get3A_573 : vector<16xf32>
        %get3A_575 = arith.index_cast %scan3A_564 : i32 to index
        %get3A_576 = arith.constant 32 : index
        %get3A_577 = tpu.vector_load %arg7[%get3A_575, %get3A_576] {strides = array<i32>} : memref<200x64xf32, #tpu.memory_space<vmem>>, vector<1x16xf32>,
        %get3A_578 = vector.shape_cast %get3A_577 : vector<1x16xf32> to vector<16xf32>
        %add3A_579 = arith.addf %add3A_557, %get3A_578 : vector<16xf32>
        %get3A_580 = arith.index_cast %scan3A_564 : i32 to index
        %get3A_581 = arith.constant 48 : index
        %get3A_582 = tpu.vector_load %arg7[%get3A_580, %get3A_581] {strides = array<i32>} : memref<200x64xf32, #tpu.memory_space<vmem>>, vector<1x16xf32>,
        %get3A_583 = vector.shape_cast %get3A_582 : vector<1x16xf32> to vector<16xf32>
        %add3A_584 = arith.addf %add3A_562, %get3A_583 : vector<16xf32>
        %scan3A_585 = arith.constant 10 : i32
        %scan3A_586 = arith.addi %scan3A_363, %scan3A_585 : i32
        %get3A_587 = arith.index_cast %scan3A_586 : i32 to index
        %get3A_588 = arith.constant 0 : index
        %get3A_589 = tpu.vector_load %arg7[%get3A_587, %get3A_588] {strides = array<i32>} : memref<200x64xf32, #tpu.memory_space<vmem>>, vector<1x16xf32>,
        %get3A_590 = vector.shape_cast %get3A_589 : vector<1x16xf32> to vector<16xf32>
        %add3A_591 = arith.addf %add3A_569, %get3A_590 : vector<16xf32>
        %get3A_592 = arith.index_cast %scan3A_586 : i32 to index
        %get3A_593 = arith.constant 16 : index
        %get3A_594 = tpu.vector_load %arg7[%get3A_592, %get3A_593] {strides = array<i32>} : memref<200x64xf32, #tpu.memory_space<vmem>>, vector<1x16xf32>,
        %get3A_595 = vector.shape_cast %get3A_594 : vector<1x16xf32> to vector<16xf32>
        %add3A_596 = arith.addf %add3A_574, %get3A_595 : vector<16xf32>
        %get3A_597 = arith.index_cast %scan3A_586 : i32 to index
        %get3A_598 = arith.constant 32 : index
        %get3A_599 = tpu.vector_load %arg7[%get3A_597, %get3A_598] {strides = array<i32>} : memref<200x64xf32, #tpu.memory_space<vmem>>, vector<1x16xf32>,
        %get3A_600 = vector.shape_cast %get3A_599 : vector<1x16xf32> to vector<16xf32>
        %add3A_601 = arith.addf %add3A_579, %get3A_600 : vector<16xf32>
        %get3A_602 = arith.index_cast %scan3A_586 : i32 to index
        %get3A_603 = arith.constant 48 : index
        %get3A_604 = tpu.vector_load %arg7[%get3A_602, %get3A_603] {strides = array<i32>} : memref<200x64xf32, #tpu.memory_space<vmem>>, vector<1x16xf32>,
        %get3A_605 = vector.shape_cast %get3A_604 : vector<1x16xf32> to vector<16xf32>
        %add3A_606 = arith.addf %add3A_584, %get3A_605 : vector<16xf32>
        %scan3A_607 = arith.constant 11 : i32
        %scan3A_608 = arith.addi %scan3A_363, %scan3A_607 : i32
        %get3A_609 = arith.index_cast %scan3A_608 : i32 to index
        %get3A_610 = arith.constant 0 : index
        %get3A_611 = tpu.vector_load %arg7[%get3A_609, %get3A_610] {strides = array<i32>} : memref<200x64xf32, #tpu.memory_space<vmem>>, vector<1x16xf32>,
        %get3A_612 = vector.shape_cast %get3A_611 : vector<1x16xf32> to vector<16xf32>
        %add3A_613 = arith.addf %add3A_591, %get3A_612 : vector<16xf32>
        %get3A_614 = arith.index_cast %scan3A_608 : i32 to index
        %get3A_615 = arith.constant 16 : index
        %get3A_616 = tpu.vector_load %arg7[%get3A_614, %get3A_615] {strides = array<i32>} : memref<200x64xf32, #tpu.memory_space<vmem>>, vector<1x16xf32>,
        %get3A_617 = vector.shape_cast %get3A_616 : vector<1x16xf32> to vector<16xf32>
        %add3A_618 = arith.addf %add3A_596, %get3A_617 : vector<16xf32>
        %get3A_619 = arith.index_cast %scan3A_608 : i32 to index
        %get3A_620 = arith.constant 32 : index
        %get3A_621 = tpu.vector_load %arg7[%get3A_619, %get3A_620] {strides = array<i32>} : memref<200x64xf32, #tpu.memory_space<vmem>>, vector<1x16xf32>,
        %get3A_622 = vector.shape_cast %get3A_621 : vector<1x16xf32> to vector<16xf32>
        %add3A_623 = arith.addf %add3A_601, %get3A_622 : vector<16xf32>
        %get3A_624 = arith.index_cast %scan3A_608 : i32 to index
        %get3A_625 = arith.constant 48 : index
        %get3A_626 = tpu.vector_load %arg7[%get3A_624, %get3A_625] {strides = array<i32>} : memref<200x64xf32, #tpu.memory_space<vmem>>, vector<1x16xf32>,
        %get3A_627 = vector.shape_cast %get3A_626 : vector<1x16xf32> to vector<16xf32>
        %add3A_628 = arith.addf %add3A_606, %get3A_627 : vector<16xf32>
        %scan3A_629 = arith.constant 12 : i32
        %scan3A_630 = arith.addi %scan3A_363, %scan3A_629 : i32
        %get3A_631 = arith.index_cast %scan3A_630 : i32 to index
        %get3A_632 = arith.constant 0 : index
        %get3A_633 = tpu.vector_load %arg7[%get3A_631, %get3A_632] {strides = array<i32>} : memref<200x64xf32, #tpu.memory_space<vmem>>, vector<1x16xf32>,
        %get3A_634 = vector.shape_cast %get3A_633 : vector<1x16xf32> to vector<16xf32>
        %add3A_635 = arith.addf %add3A_613, %get3A_634 : vector<16xf32>
        %get3A_636 = arith.index_cast %scan3A_630 : i32 to index
        %get3A_637 = arith.constant 16 : index
        %get3A_638 = tpu.vector_load %arg7[%get3A_636, %get3A_637] {strides = array<i32>} : memref<200x64xf32, #tpu.memory_space<vmem>>, vector<1x16xf32>,
        %get3A_639 = vector.shape_cast %get3A_638 : vector<1x16xf32> to vector<16xf32>
        %add3A_640 = arith.addf %add3A_618, %get3A_639 : vector<16xf32>
        %get3A_641 = arith.index_cast %scan3A_630 : i32 to index
        %get3A_642 = arith.constant 32 : index
        %get3A_643 = tpu.vector_load %arg7[%get3A_641, %get3A_642] {strides = array<i32>} : memref<200x64xf32, #tpu.memory_space<vmem>>, vector<1x16xf32>,
        %get3A_644 = vector.shape_cast %get3A_643 : vector<1x16xf32> to vector<16xf32>
        %add3A_645 = arith.addf %add3A_623, %get3A_644 : vector<16xf32>
        %get3A_646 = arith.index_cast %scan3A_630 : i32 to index
        %get3A_647 = arith.constant 48 : index
        %get3A_648 = tpu.vector_load %arg7[%get3A_646, %get3A_647] {strides = array<i32>} : memref<200x64xf32, #tpu.memory_space<vmem>>, vector<1x16xf32>,
        %get3A_649 = vector.shape_cast %get3A_648 : vector<1x16xf32> to vector<16xf32>
        %add3A_650 = arith.addf %add3A_628, %get3A_649 : vector<16xf32>
        %scan3A_651 = arith.constant 13 : i32
        %scan3A_652 = arith.addi %scan3A_363, %scan3A_651 : i32
        %get3A_653 = arith.index_cast %scan3A_652 : i32 to index
        %get3A_654 = arith.constant 0 : index
        %get3A_655 = tpu.vector_load %arg7[%get3A_653, %get3A_654] {strides = array<i32>} : memref<200x64xf32, #tpu.memory_space<vmem>>, vector<1x16xf32>,
        %get3A_656 = vector.shape_cast %get3A_655 : vector<1x16xf32> to vector<16xf32>
        %add3A_657 = arith.addf %add3A_635, %get3A_656 : vector<16xf32>
        %get3A_658 = arith.index_cast %scan3A_652 : i32 to index
        %get3A_659 = arith.constant 16 : index
        %get3A_660 = tpu.vector_load %arg7[%get3A_658, %get3A_659] {strides = array<i32>} : memref<200x64xf32, #tpu.memory_space<vmem>>, vector<1x16xf32>,
        %get3A_661 = vector.shape_cast %get3A_660 : vector<1x16xf32> to vector<16xf32>
        %add3A_662 = arith.addf %add3A_640, %get3A_661 : vector<16xf32>
        %get3A_663 = arith.index_cast %scan3A_652 : i32 to index
        %get3A_664 = arith.constant 32 : index
        %get3A_665 = tpu.vector_load %arg7[%get3A_663, %get3A_664] {strides = array<i32>} : memref<200x64xf32, #tpu.memory_space<vmem>>, vector<1x16xf32>,
        %get3A_666 = vector.shape_cast %get3A_665 : vector<1x16xf32> to vector<16xf32>
        %add3A_667 = arith.addf %add3A_645, %get3A_666 : vector<16xf32>
        %get3A_668 = arith.index_cast %scan3A_652 : i32 to index
        %get3A_669 = arith.constant 48 : index
        %get3A_670 = tpu.vector_load %arg7[%get3A_668, %get3A_669] {strides = array<i32>} : memref<200x64xf32, #tpu.memory_space<vmem>>, vector<1x16xf32>,
        %get3A_671 = vector.shape_cast %get3A_670 : vector<1x16xf32> to vector<16xf32>
        %add3A_672 = arith.addf %add3A_650, %get3A_671 : vector<16xf32>
        %scan3A_673 = arith.constant 14 : i32
        %scan3A_674 = arith.addi %scan3A_363, %scan3A_673 : i32
        %get3A_675 = arith.index_cast %scan3A_674 : i32 to index
        %get3A_676 = arith.constant 0 : index
        %get3A_677 = tpu.vector_load %arg7[%get3A_675, %get3A_676] {strides = array<i32>} : memref<200x64xf32, #tpu.memory_space<vmem>>, vector<1x16xf32>,
        %get3A_678 = vector.shape_cast %get3A_677 : vector<1x16xf32> to vector<16xf32>
        %add3A_679 = arith.addf %add3A_657, %get3A_678 : vector<16xf32>
        %get3A_680 = arith.index_cast %scan3A_674 : i32 to index
        %get3A_681 = arith.constant 16 : index
        %get3A_682 = tpu.vector_load %arg7[%get3A_680, %get3A_681] {strides = array<i32>} : memref<200x64xf32, #tpu.memory_space<vmem>>, vector<1x16xf32>,
        %get3A_683 = vector.shape_cast %get3A_682 : vector<1x16xf32> to vector<16xf32>
        %add3A_684 = arith.addf %add3A_662, %get3A_683 : vector<16xf32>
        %get3A_685 = arith.index_cast %scan3A_674 : i32 to index
        %get3A_686 = arith.constant 32 : index
        %get3A_687 = tpu.vector_load %arg7[%get3A_685, %get3A_686] {strides = array<i32>} : memref<200x64xf32, #tpu.memory_space<vmem>>, vector<1x16xf32>,
        %get3A_688 = vector.shape_cast %get3A_687 : vector<1x16xf32> to vector<16xf32>
        %add3A_689 = arith.addf %add3A_667, %get3A_688 : vector<16xf32>
        %get3A_690 = arith.index_cast %scan3A_674 : i32 to index
        %get3A_691 = arith.constant 48 : index
        %get3A_692 = tpu.vector_load %arg7[%get3A_690, %get3A_691] {strides = array<i32>} : memref<200x64xf32, #tpu.memory_space<vmem>>, vector<1x16xf32>,
        %get3A_693 = vector.shape_cast %get3A_692 : vector<1x16xf32> to vector<16xf32>
        %add3A_694 = arith.addf %add3A_672, %get3A_693 : vector<16xf32>
        %scan3A_695 = arith.constant 15 : i32
        %scan3A_696 = arith.addi %scan3A_363, %scan3A_695 : i32
        %get3A_697 = arith.index_cast %scan3A_696 : i32 to index
        %get3A_698 = arith.constant 0 : index
        %get3A_699 = tpu.vector_load %arg7[%get3A_697, %get3A_698] {strides = array<i32>} : memref<200x64xf32, #tpu.memory_space<vmem>>, vector<1x16xf32>,
        %get3A_700 = vector.shape_cast %get3A_699 : vector<1x16xf32> to vector<16xf32>
        %add3A_701 = arith.addf %add3A_679, %get3A_700 : vector<16xf32>
        %get3A_702 = arith.index_cast %scan3A_696 : i32 to index
        %get3A_703 = arith.constant 16 : index
        %get3A_704 = tpu.vector_load %arg7[%get3A_702, %get3A_703] {strides = array<i32>} : memref<200x64xf32, #tpu.memory_space<vmem>>, vector<1x16xf32>,
        %get3A_705 = vector.shape_cast %get3A_704 : vector<1x16xf32> to vector<16xf32>
        %add3A_706 = arith.addf %add3A_684, %get3A_705 : vector<16xf32>
        %get3A_707 = arith.index_cast %scan3A_696 : i32 to index
        %get3A_708 = arith.constant 32 : index
        %get3A_709 = tpu.vector_load %arg7[%get3A_707, %get3A_708] {strides = array<i32>} : memref<200x64xf32, #tpu.memory_space<vmem>>, vector<1x16xf32>,
        %get3A_710 = vector.shape_cast %get3A_709 : vector<1x16xf32> to vector<16xf32>
        %add3A_711 = arith.addf %add3A_689, %get3A_710 : vector<16xf32>
        %get3A_712 = arith.index_cast %scan3A_696 : i32 to index
        %get3A_713 = arith.constant 48 : index
        %get3A_714 = tpu.vector_load %arg7[%get3A_712, %get3A_713] {strides = array<i32>} : memref<200x64xf32, #tpu.memory_space<vmem>>, vector<1x16xf32>,
        %get3A_715 = vector.shape_cast %get3A_714 : vector<1x16xf32> to vector<16xf32>
        %add3A_716 = arith.addf %add3A_694, %get3A_715 : vector<16xf32>
        %scan3A_717 = arith.constant 16 : i32
        %scan3A_718 = arith.addi %scan3A_363, %scan3A_717 : i32
        %get3A_719 = arith.index_cast %scan3A_718 : i32 to index
        %get3A_720 = arith.constant 0 : index
        %get3A_721 = tpu.vector_load %arg7[%get3A_719, %get3A_720] {strides = array<i32>} : memref<200x64xf32, #tpu.memory_space<vmem>>, vector<1x16xf32>,
        %get3A_722 = vector.shape_cast %get3A_721 : vector<1x16xf32> to vector<16xf32>
        %add3A_723 = arith.addf %add3A_701, %get3A_722 : vector<16xf32>
        %get3A_724 = arith.index_cast %scan3A_718 : i32 to index
        %get3A_725 = arith.constant 16 : index
        %get3A_726 = tpu.vector_load %arg7[%get3A_724, %get3A_725] {strides = array<i32>} : memref<200x64xf32, #tpu.memory_space<vmem>>, vector<1x16xf32>,
        %get3A_727 = vector.shape_cast %get3A_726 : vector<1x16xf32> to vector<16xf32>
        %add3A_728 = arith.addf %add3A_706, %get3A_727 : vector<16xf32>
        %get3A_729 = arith.index_cast %scan3A_718 : i32 to index
        %get3A_730 = arith.constant 32 : index
        %get3A_731 = tpu.vector_load %arg7[%get3A_729, %get3A_730] {strides = array<i32>} : memref<200x64xf32, #tpu.memory_space<vmem>>, vector<1x16xf32>,
        %get3A_732 = vector.shape_cast %get3A_731 : vector<1x16xf32> to vector<16xf32>
        %add3A_733 = arith.addf %add3A_711, %get3A_732 : vector<16xf32>
        %get3A_734 = arith.index_cast %scan3A_718 : i32 to index
        %get3A_735 = arith.constant 48 : index
        %get3A_736 = tpu.vector_load %arg7[%get3A_734, %get3A_735] {strides = array<i32>} : memref<200x64xf32, #tpu.memory_space<vmem>>, vector<1x16xf32>,
        %get3A_737 = vector.shape_cast %get3A_736 : vector<1x16xf32> to vector<16xf32>
        %add3A_738 = arith.addf %add3A_716, %get3A_737 : vector<16xf32>
        %scan3A_739 = arith.constant 17 : i32
        %scan3A_740 = arith.addi %scan3A_363, %scan3A_739 : i32
        %get3A_741 = arith.index_cast %scan3A_740 : i32 to index
        %get3A_742 = arith.constant 0 : index
        %get3A_743 = tpu.vector_load %arg7[%get3A_741, %get3A_742] {strides = array<i32>} : memref<200x64xf32, #tpu.memory_space<vmem>>, vector<1x16xf32>,
        %get3A_744 = vector.shape_cast %get3A_743 : vector<1x16xf32> to vector<16xf32>
        %add3A_745 = arith.addf %add3A_723, %get3A_744 : vector<16xf32>
        %get3A_746 = arith.index_cast %scan3A_740 : i32 to index
        %get3A_747 = arith.constant 16 : index
        %get3A_748 = tpu.vector_load %arg7[%get3A_746, %get3A_747] {strides = array<i32>} : memref<200x64xf32, #tpu.memory_space<vmem>>, vector<1x16xf32>,
        %get3A_749 = vector.shape_cast %get3A_748 : vector<1x16xf32> to vector<16xf32>
        %add3A_750 = arith.addf %add3A_728, %get3A_749 : vector<16xf32>
        %get3A_751 = arith.index_cast %scan3A_740 : i32 to index
        %get3A_752 = arith.constant 32 : index
        %get3A_753 = tpu.vector_load %arg7[%get3A_751, %get3A_752] {strides = array<i32>} : memref<200x64xf32, #tpu.memory_space<vmem>>, vector<1x16xf32>,
        %get3A_754 = vector.shape_cast %get3A_753 : vector<1x16xf32> to vector<16xf32>
        %add3A_755 = arith.addf %add3A_733, %get3A_754 : vector<16xf32>
        %get3A_756 = arith.index_cast %scan3A_740 : i32 to index
        %get3A_757 = arith.constant 48 : index
        %get3A_758 = tpu.vector_load %arg7[%get3A_756, %get3A_757] {strides = array<i32>} : memref<200x64xf32, #tpu.memory_space<vmem>>, vector<1x16xf32>,
        %get3A_759 = vector.shape_cast %get3A_758 : vector<1x16xf32> to vector<16xf32>
        %add3A_760 = arith.addf %add3A_738, %get3A_759 : vector<16xf32>
        %scan3A_761 = arith.constant 18 : i32
        %scan3A_762 = arith.addi %scan3A_363, %scan3A_761 : i32
        %get3A_763 = arith.index_cast %scan3A_762 : i32 to index
        %get3A_764 = arith.constant 0 : index
        %get3A_765 = tpu.vector_load %arg7[%get3A_763, %get3A_764] {strides = array<i32>} : memref<200x64xf32, #tpu.memory_space<vmem>>, vector<1x16xf32>,
        %get3A_766 = vector.shape_cast %get3A_765 : vector<1x16xf32> to vector<16xf32>
        %add3A_767 = arith.addf %add3A_745, %get3A_766 : vector<16xf32>
        %get3A_768 = arith.index_cast %scan3A_762 : i32 to index
        %get3A_769 = arith.constant 16 : index
        %get3A_770 = tpu.vector_load %arg7[%get3A_768, %get3A_769] {strides = array<i32>} : memref<200x64xf32, #tpu.memory_space<vmem>>, vector<1x16xf32>,
        %get3A_771 = vector.shape_cast %get3A_770 : vector<1x16xf32> to vector<16xf32>
        %add3A_772 = arith.addf %add3A_750, %get3A_771 : vector<16xf32>
        %get3A_773 = arith.index_cast %scan3A_762 : i32 to index
        %get3A_774 = arith.constant 32 : index
        %get3A_775 = tpu.vector_load %arg7[%get3A_773, %get3A_774] {strides = array<i32>} : memref<200x64xf32, #tpu.memory_space<vmem>>, vector<1x16xf32>,
        %get3A_776 = vector.shape_cast %get3A_775 : vector<1x16xf32> to vector<16xf32>
        %add3A_777 = arith.addf %add3A_755, %get3A_776 : vector<16xf32>
        %get3A_778 = arith.index_cast %scan3A_762 : i32 to index
        %get3A_779 = arith.constant 48 : index
        %get3A_780 = tpu.vector_load %arg7[%get3A_778, %get3A_779] {strides = array<i32>} : memref<200x64xf32, #tpu.memory_space<vmem>>, vector<1x16xf32>,
        %get3A_781 = vector.shape_cast %get3A_780 : vector<1x16xf32> to vector<16xf32>
        %add3A_782 = arith.addf %add3A_760, %get3A_781 : vector<16xf32>
        %scan3A_783 = arith.constant 19 : i32
        %scan3A_784 = arith.addi %scan3A_363, %scan3A_783 : i32
        %get3A_785 = arith.index_cast %scan3A_784 : i32 to index
        %get3A_786 = arith.constant 0 : index
        %get3A_787 = tpu.vector_load %arg7[%get3A_785, %get3A_786] {strides = array<i32>} : memref<200x64xf32, #tpu.memory_space<vmem>>, vector<1x16xf32>,
        %get3A_788 = vector.shape_cast %get3A_787 : vector<1x16xf32> to vector<16xf32>
        %add3A_789 = arith.addf %add3A_767, %get3A_788 : vector<16xf32>
        %get3A_790 = arith.index_cast %scan3A_784 : i32 to index
        %get3A_791 = arith.constant 16 : index
        %get3A_792 = tpu.vector_load %arg7[%get3A_790, %get3A_791] {strides = array<i32>} : memref<200x64xf32, #tpu.memory_space<vmem>>, vector<1x16xf32>,
        %get3A_793 = vector.shape_cast %get3A_792 : vector<1x16xf32> to vector<16xf32>
        %add3A_794 = arith.addf %add3A_772, %get3A_793 : vector<16xf32>
        %get3A_795 = arith.index_cast %scan3A_784 : i32 to index
        %get3A_796 = arith.constant 32 : index
        %get3A_797 = tpu.vector_load %arg7[%get3A_795, %get3A_796] {strides = array<i32>} : memref<200x64xf32, #tpu.memory_space<vmem>>, vector<1x16xf32>,
        %get3A_798 = vector.shape_cast %get3A_797 : vector<1x16xf32> to vector<16xf32>
        %add3A_799 = arith.addf %add3A_777, %get3A_798 : vector<16xf32>
        %get3A_800 = arith.index_cast %scan3A_784 : i32 to index
        %get3A_801 = arith.constant 48 : index
        %get3A_802 = tpu.vector_load %arg7[%get3A_800, %get3A_801] {strides = array<i32>} : memref<200x64xf32, #tpu.memory_space<vmem>>, vector<1x16xf32>,
        %get3A_803 = vector.shape_cast %get3A_802 : vector<1x16xf32> to vector<16xf32>
        %add3A_804 = arith.addf %add3A_782, %get3A_803 : vector<16xf32>
        %scan3A_805 = arith.constant 20 : i32
        %scan3A_806 = arith.addi %scan3A_363, %scan3A_805 : i32
        %get3A_807 = arith.index_cast %scan3A_806 : i32 to index
        %get3A_808 = arith.constant 0 : index
        %get3A_809 = tpu.vector_load %arg7[%get3A_807, %get3A_808] {strides = array<i32>} : memref<200x64xf32, #tpu.memory_space<vmem>>, vector<1x16xf32>,
        %get3A_810 = vector.shape_cast %get3A_809 : vector<1x16xf32> to vector<16xf32>
        %add3A_811 = arith.addf %add3A_789, %get3A_810 : vector<16xf32>
        %get3A_812 = arith.index_cast %scan3A_806 : i32 to index
        %get3A_813 = arith.constant 16 : index
        %get3A_814 = tpu.vector_load %arg7[%get3A_812, %get3A_813] {strides = array<i32>} : memref<200x64xf32, #tpu.memory_space<vmem>>, vector<1x16xf32>,
        %get3A_815 = vector.shape_cast %get3A_814 : vector<1x16xf32> to vector<16xf32>
        %add3A_816 = arith.addf %add3A_794, %get3A_815 : vector<16xf32>
        %get3A_817 = arith.index_cast %scan3A_806 : i32 to index
        %get3A_818 = arith.constant 32 : index
        %get3A_819 = tpu.vector_load %arg7[%get3A_817, %get3A_818] {strides = array<i32>} : memref<200x64xf32, #tpu.memory_space<vmem>>, vector<1x16xf32>,
        %get3A_820 = vector.shape_cast %get3A_819 : vector<1x16xf32> to vector<16xf32>
        %add3A_821 = arith.addf %add3A_799, %get3A_820 : vector<16xf32>
        %get3A_822 = arith.index_cast %scan3A_806 : i32 to index
        %get3A_823 = arith.constant 48 : index
        %get3A_824 = tpu.vector_load %arg7[%get3A_822, %get3A_823] {strides = array<i32>} : memref<200x64xf32, #tpu.memory_space<vmem>>, vector<1x16xf32>,
        %get3A_825 = vector.shape_cast %get3A_824 : vector<1x16xf32> to vector<16xf32>
        %add3A_826 = arith.addf %add3A_804, %get3A_825 : vector<16xf32>
        %scan3A_827 = arith.constant 21 : i32
        %scan3A_828 = arith.addi %scan3A_363, %scan3A_827 : i32
        %get3A_829 = arith.index_cast %scan3A_828 : i32 to index
        %get3A_830 = arith.constant 0 : index
        %get3A_831 = tpu.vector_load %arg7[%get3A_829, %get3A_830] {strides = array<i32>} : memref<200x64xf32, #tpu.memory_space<vmem>>, vector<1x16xf32>,
        %get3A_832 = vector.shape_cast %get3A_831 : vector<1x16xf32> to vector<16xf32>
        %add3A_833 = arith.addf %add3A_811, %get3A_832 : vector<16xf32>
        %get3A_834 = arith.index_cast %scan3A_828 : i32 to index
        %get3A_835 = arith.constant 16 : index
        %get3A_836 = tpu.vector_load %arg7[%get3A_834, %get3A_835] {strides = array<i32>} : memref<200x64xf32, #tpu.memory_space<vmem>>, vector<1x16xf32>,
        %get3A_837 = vector.shape_cast %get3A_836 : vector<1x16xf32> to vector<16xf32>
        %add3A_838 = arith.addf %add3A_816, %get3A_837 : vector<16xf32>
        %get3A_839 = arith.index_cast %scan3A_828 : i32 to index
        %get3A_840 = arith.constant 32 : index
        %get3A_841 = tpu.vector_load %arg7[%get3A_839, %get3A_840] {strides = array<i32>} : memref<200x64xf32, #tpu.memory_space<vmem>>, vector<1x16xf32>,
        %get3A_842 = vector.shape_cast %get3A_841 : vector<1x16xf32> to vector<16xf32>
        %add3A_843 = arith.addf %add3A_821, %get3A_842 : vector<16xf32>
        %get3A_844 = arith.index_cast %scan3A_828 : i32 to index
        %get3A_845 = arith.constant 48 : index
        %get3A_846 = tpu.vector_load %arg7[%get3A_844, %get3A_845] {strides = array<i32>} : memref<200x64xf32, #tpu.memory_space<vmem>>, vector<1x16xf32>,
        %get3A_847 = vector.shape_cast %get3A_846 : vector<1x16xf32> to vector<16xf32>
        %add3A_848 = arith.addf %add3A_826, %get3A_847 : vector<16xf32>
        %scan3A_849 = arith.constant 22 : i32
        %scan3A_850 = arith.addi %scan3A_363, %scan3A_849 : i32
        %get3A_851 = arith.index_cast %scan3A_850 : i32 to index
        %get3A_852 = arith.constant 0 : index
        %get3A_853 = tpu.vector_load %arg7[%get3A_851, %get3A_852] {strides = array<i32>} : memref<200x64xf32, #tpu.memory_space<vmem>>, vector<1x16xf32>,
        %get3A_854 = vector.shape_cast %get3A_853 : vector<1x16xf32> to vector<16xf32>
        %add3A_855 = arith.addf %add3A_833, %get3A_854 : vector<16xf32>
        %get3A_856 = arith.index_cast %scan3A_850 : i32 to index
        %get3A_857 = arith.constant 16 : index
        %get3A_858 = tpu.vector_load %arg7[%get3A_856, %get3A_857] {strides = array<i32>} : memref<200x64xf32, #tpu.memory_space<vmem>>, vector<1x16xf32>,
        %get3A_859 = vector.shape_cast %get3A_858 : vector<1x16xf32> to vector<16xf32>
        %add3A_860 = arith.addf %add3A_838, %get3A_859 : vector<16xf32>
        %get3A_861 = arith.index_cast %scan3A_850 : i32 to index
        %get3A_862 = arith.constant 32 : index
        %get3A_863 = tpu.vector_load %arg7[%get3A_861, %get3A_862] {strides = array<i32>} : memref<200x64xf32, #tpu.memory_space<vmem>>, vector<1x16xf32>,
        %get3A_864 = vector.shape_cast %get3A_863 : vector<1x16xf32> to vector<16xf32>
        %add3A_865 = arith.addf %add3A_843, %get3A_864 : vector<16xf32>
        %get3A_866 = arith.index_cast %scan3A_850 : i32 to index
        %get3A_867 = arith.constant 48 : index
        %get3A_868 = tpu.vector_load %arg7[%get3A_866, %get3A_867] {strides = array<i32>} : memref<200x64xf32, #tpu.memory_space<vmem>>, vector<1x16xf32>,
        %get3A_869 = vector.shape_cast %get3A_868 : vector<1x16xf32> to vector<16xf32>
        %add3A_870 = arith.addf %add3A_848, %get3A_869 : vector<16xf32>
        %scan3A_871 = arith.constant 23 : i32
        %scan3A_872 = arith.addi %scan3A_363, %scan3A_871 : i32
        %get3A_873 = arith.index_cast %scan3A_872 : i32 to index
        %get3A_874 = arith.constant 0 : index
        %get3A_875 = tpu.vector_load %arg7[%get3A_873, %get3A_874] {strides = array<i32>} : memref<200x64xf32, #tpu.memory_space<vmem>>, vector<1x16xf32>,
        %get3A_876 = vector.shape_cast %get3A_875 : vector<1x16xf32> to vector<16xf32>
        %add3A_877 = arith.addf %add3A_855, %get3A_876 : vector<16xf32>
        %get3A_878 = arith.index_cast %scan3A_872 : i32 to index
        %get3A_879 = arith.constant 16 : index
        %get3A_880 = tpu.vector_load %arg7[%get3A_878, %get3A_879] {strides = array<i32>} : memref<200x64xf32, #tpu.memory_space<vmem>>, vector<1x16xf32>,
        %get3A_881 = vector.shape_cast %get3A_880 : vector<1x16xf32> to vector<16xf32>
        %add3A_882 = arith.addf %add3A_860, %get3A_881 : vector<16xf32>
        %get3A_883 = arith.index_cast %scan3A_872 : i32 to index
        %get3A_884 = arith.constant 32 : index
        %get3A_885 = tpu.vector_load %arg7[%get3A_883, %get3A_884] {strides = array<i32>} : memref<200x64xf32, #tpu.memory_space<vmem>>, vector<1x16xf32>,
        %get3A_886 = vector.shape_cast %get3A_885 : vector<1x16xf32> to vector<16xf32>
        %add3A_887 = arith.addf %add3A_865, %get3A_886 : vector<16xf32>
        %get3A_888 = arith.index_cast %scan3A_872 : i32 to index
        %get3A_889 = arith.constant 48 : index
        %get3A_890 = tpu.vector_load %arg7[%get3A_888, %get3A_889] {strides = array<i32>} : memref<200x64xf32, #tpu.memory_space<vmem>>, vector<1x16xf32>,
        %get3A_891 = vector.shape_cast %get3A_890 : vector<1x16xf32> to vector<16xf32>
        %add3A_892 = arith.addf %add3A_870, %get3A_891 : vector<16xf32>
        %scan3A_893 = arith.constant 24 : i32
        %scan3A_894 = arith.addi %scan3A_363, %scan3A_893 : i32
        %get3A_895 = arith.index_cast %scan3A_894 : i32 to index
        %get3A_896 = arith.constant 0 : index
        %get3A_897 = tpu.vector_load %arg7[%get3A_895, %get3A_896] {strides = array<i32>} : memref<200x64xf32, #tpu.memory_space<vmem>>, vector<1x16xf32>,
        %get3A_898 = vector.shape_cast %get3A_897 : vector<1x16xf32> to vector<16xf32>
        %add3A_899 = arith.addf %add3A_877, %get3A_898 : vector<16xf32>
        %get3A_900 = arith.index_cast %scan3A_894 : i32 to index
        %get3A_901 = arith.constant 16 : index
        %get3A_902 = tpu.vector_load %arg7[%get3A_900, %get3A_901] {strides = array<i32>} : memref<200x64xf32, #tpu.memory_space<vmem>>, vector<1x16xf32>,
        %get3A_903 = vector.shape_cast %get3A_902 : vector<1x16xf32> to vector<16xf32>
        %add3A_904 = arith.addf %add3A_882, %get3A_903 : vector<16xf32>
        %get3A_905 = arith.index_cast %scan3A_894 : i32 to index
        %get3A_906 = arith.constant 32 : index
        %get3A_907 = tpu.vector_load %arg7[%get3A_905, %get3A_906] {strides = array<i32>} : memref<200x64xf32, #tpu.memory_space<vmem>>, vector<1x16xf32>,
        %get3A_908 = vector.shape_cast %get3A_907 : vector<1x16xf32> to vector<16xf32>
        %add3A_909 = arith.addf %add3A_887, %get3A_908 : vector<16xf32>
        %get3A_910 = arith.index_cast %scan3A_894 : i32 to index
        %get3A_911 = arith.constant 48 : index
        %get3A_912 = tpu.vector_load %arg7[%get3A_910, %get3A_911] {strides = array<i32>} : memref<200x64xf32, #tpu.memory_space<vmem>>, vector<1x16xf32>,
        %get3A_913 = vector.shape_cast %get3A_912 : vector<1x16xf32> to vector<16xf32>
        %add3A_914 = arith.addf %add3A_892, %get3A_913 : vector<16xf32>
        scf.yield %add3A_899, %add3A_904, %add3A_909, %add3A_914 : vector<16xf32>, vector<16xf32>, vector<16xf32>, vector<16xf32>
      }
      %scan3A_180 = arith.constant 200 : i32
      %mul3A_181 = arith.constant 5.000000e-03 : f32
      %mul3A_182 = vector.broadcast %mul3A_181 : f32 to vector<16xf32>
      %mul3A_183 = arith.mulf %scan3A_179#0, %mul3A_182 : vector<16xf32>
      %swap3A_184 = arith.index_cast %add3A_139 : i32 to index
      %swap3A_185 = arith.constant 0 : index
      %swap3A_186 = tpu.vector_load %arg10[%swap3A_184, %swap3A_185] {strides = array<i32>} : memref<128x64xf32, #tpu.memory_space<vmem>>, vector<1x16xf32>,
      %swap3A_187 = vector.shape_cast %swap3A_186 : vector<1x16xf32> to vector<16xf32>
      %swap3A_188 = vector.shape_cast %mul3A_183 : vector<16xf32> to vector<1x16xf32>
      tpu.vector_store %arg10[%swap3A_184, %swap3A_185], %swap3A_188 {strides = array<i32>} : memref<128x64xf32, #tpu.memory_space<vmem>>, vector<1x16xf32>,
      %mul3A_189 = arith.constant 5.000000e-03 : f32
      %mul3A_190 = vector.broadcast %mul3A_189 : f32 to vector<16xf32>
      %mul3A_191 = arith.mulf %scan3A_179#1, %mul3A_190 : vector<16xf32>
      %swap3A_192 = arith.index_cast %add3A_139 : i32 to index
      %swap3A_193 = arith.constant 16 : index
      %swap3A_194 = tpu.vector_load %arg10[%swap3A_192, %swap3A_193] {strides = array<i32>} : memref<128x64xf32, #tpu.memory_space<vmem>>, vector<1x16xf32>,
      %swap3A_195 = vector.shape_cast %swap3A_194 : vector<1x16xf32> to vector<16xf32>
      %swap3A_196 = vector.shape_cast %mul3A_191 : vector<16xf32> to vector<1x16xf32>
      tpu.vector_store %arg10[%swap3A_192, %swap3A_193], %swap3A_196 {strides = array<i32>} : memref<128x64xf32, #tpu.memory_space<vmem>>, vector<1x16xf32>,
      %mul3A_197 = arith.constant 5.000000e-03 : f32
      %mul3A_198 = vector.broadcast %mul3A_197 : f32 to vector<16xf32>
      %mul3A_199 = arith.mulf %scan3A_179#2, %mul3A_198 : vector<16xf32>
      %swap3A_200 = arith.index_cast %add3A_139 : i32 to index
      %swap3A_201 = arith.constant 32 : index
      %swap3A_202 = tpu.vector_load %arg10[%swap3A_200, %swap3A_201] {strides = array<i32>} : memref<128x64xf32, #tpu.memory_space<vmem>>, vector<1x16xf32>,
      %swap3A_203 = vector.shape_cast %swap3A_202 : vector<1x16xf32> to vector<16xf32>
      %swap3A_204 = vector.shape_cast %mul3A_199 : vector<16xf32> to vector<1x16xf32>
      tpu.vector_store %arg10[%swap3A_200, %swap3A_201], %swap3A_204 {strides = array<i32>} : memref<128x64xf32, #tpu.memory_space<vmem>>, vector<1x16xf32>,
      %mul3A_205 = arith.constant 5.000000e-03 : f32
      %mul3A_206 = vector.broadcast %mul3A_205 : f32 to vector<16xf32>
      %mul3A_207 = arith.mulf %scan3A_179#3, %mul3A_206 : vector<16xf32>
      %swap3A_208 = arith.index_cast %add3A_139 : i32 to index
      %swap3A_209 = arith.constant 48 : index
      %swap3A_210 = tpu.vector_load %arg10[%swap3A_208, %swap3A_209] {strides = array<i32>} : memref<128x64xf32, #tpu.memory_space<vmem>>, vector<1x16xf32>,
      %swap3A_211 = vector.shape_cast %swap3A_210 : vector<1x16xf32> to vector<16xf32>
      %swap3A_212 = vector.shape_cast %mul3A_207 : vector<16xf32> to vector<1x16xf32>
      tpu.vector_store %arg10[%swap3A_208, %swap3A_209], %swap3A_212 {strides = array<i32>} : memref<128x64xf32, #tpu.memory_space<vmem>>, vector<1x16xf32>,
      %add3A_213 = arith.constant 2 : i32
      %add3A_214 = arith.addi %mul3A_69, %add3A_213 : i32
      %dma_wait3A_215 = arith.constant 0 : i32
      %dma_wait3A_216 = arith.constant 0 : i32
      %dma_wait3A_217 = tpu.memref_slice %arg8[%dma_wait3A_215, %dma_wait3A_216] : memref<200x64xf32, #tpu.memory_space<vmem>> -> memref<128x64xf32, #tpu.memory_space<vmem>>
      %dma_wait3A_218 = arith.constant 0 : i32
      %dma_wait3A_219 = tpu.memref_slice %arg5[%add3A_214, %dma_wait3A_218] : memref<128x200xi32, #tpu.memory_space<vmem>> -> memref<1x128xi32, #tpu.memory_space<vmem>>
      %dma_wait3A_220 = tpu.memref_squeeze %dma_wait3A_219 : memref<1x128xi32, #tpu.memory_space<vmem>> -> memref<128xi32, #tpu.memory_space<vmem>>
      %dma_wait3A_221 = arith.constant 0 : i32
      %dma_wait3A_222 = arith.constant 0 : i32
      %dma_wait3A_223 = tpu.memref_slice %arg3[%dma_wait3A_221, %dma_wait3A_222] : memref<2000000x64xf32, #tpu.memory_space<hbm>> -> memref<2000000x64xf32, #tpu.memory_space<hbm>>
      tpu.wait_indirect_dma semaphore(%arg13 : memref<!tpu.dma_semaphore, #tpu.memory_space<semaphore_mem>>) src(%dma_wait3A_223 : memref<2000000x64xf32, #tpu.memory_space<hbm>>) dst(%dma_wait3A_217 : memref<128x64xf32, #tpu.memory_space<vmem>>)
      %dma_wait3A_224 = arith.constant 128 : i32
      %dma_wait3A_225 = arith.constant 0 : i32
      %dma_wait3A_226 = tpu.memref_slice %arg8[%dma_wait3A_224, %dma_wait3A_225] : memref<200x64xf32, #tpu.memory_space<vmem>> -> memref<72x64xf32, #tpu.memory_space<vmem>>
      %dma_wait3A_227 = arith.constant 128 : i32
      %dma_wait3A_228 = tpu.memref_slice %arg5[%add3A_214, %dma_wait3A_227] : memref<128x200xi32, #tpu.memory_space<vmem>> -> memref<1x72xi32, #tpu.memory_space<vmem>>
      %dma_wait3A_229 = tpu.memref_squeeze %dma_wait3A_228 : memref<1x72xi32, #tpu.memory_space<vmem>> -> memref<72xi32, #tpu.memory_space<vmem>>
      %dma_wait3A_230 = arith.constant 0 : i32
      %dma_wait3A_231 = arith.constant 0 : i32
      %dma_wait3A_232 = tpu.memref_slice %arg3[%dma_wait3A_230, %dma_wait3A_231] : memref<2000000x64xf32, #tpu.memory_space<hbm>> -> memref<2000000x64xf32, #tpu.memory_space<hbm>>
      tpu.wait_indirect_dma semaphore(%arg13 : memref<!tpu.dma_semaphore, #tpu.memory_space<semaphore_mem>>) src(%dma_wait3A_232 : memref<2000000x64xf32, #tpu.memory_space<hbm>>) dst(%dma_wait3A_226 : memref<72x64xf32, #tpu.memory_space<vmem>>)
      %add3A_233 = arith.constant 4 : i32
      %add3A_234 = arith.addi %add3A_214, %add3A_233 : i32
      %sub3A_235 = arith.constant 1 : i32
      %sub3A_236 = arith.subi %add3A_234, %sub3A_235 : i32
      %lt3A_237 = arith.constant 128 : i32
      %lt3A_238 = arith.cmpi slt, %sub3A_236, %lt3A_237 : i32
      %convert_element_type3A_239 = arith.extui %lt3A_238 : i1 to i32
      %cond3A_240 = arith.constant 0 : i32
      %cond3A_241 = arith.cmpi ne, %convert_element_type3A_239, %cond3A_240 : i32
      scf.if %cond3A_241 {
        %add3A_363 = arith.constant 4 : i32
        %add3A_364 = arith.addi %add3A_214, %add3A_363 : i32
        %sub3A_365 = arith.constant 1 : i32
        %sub3A_366 = arith.subi %add3A_364, %sub3A_365 : i32
        %dma_start3A_367 = arith.constant 0 : i32
        %dma_start3A_368 = arith.constant 0 : i32
        %dma_start3A_369 = tpu.memref_slice %arg7[%dma_start3A_367, %dma_start3A_368] : memref<200x64xf32, #tpu.memory_space<vmem>> -> memref<128x64xf32, #tpu.memory_space<vmem>>
        %dma_start3A_370 = arith.constant 0 : i32
        %dma_start3A_371 = tpu.memref_slice %arg5[%sub3A_366, %dma_start3A_370] : memref<128x200xi32, #tpu.memory_space<vmem>> -> memref<1x128xi32, #tpu.memory_space<vmem>>
        %dma_start3A_372 = tpu.memref_squeeze %dma_start3A_371 : memref<1x128xi32, #tpu.memory_space<vmem>> -> memref<128xi32, #tpu.memory_space<vmem>>
        %dma_start3A_373 = arith.constant 0 : i32
        %dma_start3A_374 = arith.constant 0 : i32
        %dma_start3A_375 = tpu.memref_slice %arg3[%dma_start3A_373, %dma_start3A_374] : memref<2000000x64xf32, #tpu.memory_space<hbm>> -> memref<2000000x64xf32, #tpu.memory_space<hbm>>
        tpu.enqueue_indirect_dma source(%dma_start3A_375 : memref<2000000x64xf32, #tpu.memory_space<hbm>>) target(%dma_start3A_369 : memref<128x64xf32, #tpu.memory_space<vmem>>) offsets(%dma_start3A_372 : memref<128xi32, #tpu.memory_space<vmem>>) semaphore(%arg12 : memref<!tpu.dma_semaphore, #tpu.memory_space<semaphore_mem>>)
        %dma_start3A_376 = arith.constant 128 : i32
        %dma_start3A_377 = arith.constant 0 : i32
        %dma_start3A_378 = tpu.memref_slice %arg7[%dma_start3A_376, %dma_start3A_377] : memref<200x64xf32, #tpu.memory_space<vmem>> -> memref<72x64xf32, #tpu.memory_space<vmem>>
        %dma_start3A_379 = arith.constant 128 : i32
        %dma_start3A_380 = tpu.memref_slice %arg5[%sub3A_366, %dma_start3A_379] : memref<128x200xi32, #tpu.memory_space<vmem>> -> memref<1x72xi32, #tpu.memory_space<vmem>>
        %dma_start3A_381 = tpu.memref_squeeze %dma_start3A_380 : memref<1x72xi32, #tpu.memory_space<vmem>> -> memref<72xi32, #tpu.memory_space<vmem>>
        %dma_start3A_382 = arith.constant 0 : i32
        %dma_start3A_383 = arith.constant 0 : i32
        %dma_start3A_384 = tpu.memref_slice %arg3[%dma_start3A_382, %dma_start3A_383] : memref<2000000x64xf32, #tpu.memory_space<hbm>> -> memref<2000000x64xf32, #tpu.memory_space<hbm>>
        tpu.enqueue_indirect_dma source(%dma_start3A_384 : memref<2000000x64xf32, #tpu.memory_space<hbm>>) target(%dma_start3A_378 : memref<72x64xf32, #tpu.memory_space<vmem>>) offsets(%dma_start3A_381 : memref<72xi32, #tpu.memory_space<vmem>>) semaphore(%arg12 : memref<!tpu.dma_semaphore, #tpu.memory_space<semaphore_mem>>)
      } else {
      }
      %broadcast_in_dim3A_242 = arith.constant 0.000000e+00 : f32
      %broadcast_in_dim3A_243 = vector.broadcast %broadcast_in_dim3A_242 : f32 to vector<16xf32>
      %broadcast_in_dim3A_244 = arith.constant 0.000000e+00 : f32
      %broadcast_in_dim3A_245 = vector.broadcast %broadcast_in_dim3A_244 : f32 to vector<16xf32>
      %broadcast_in_dim3A_246 = arith.constant 0.000000e+00 : f32
      %broadcast_in_dim3A_247 = vector.broadcast %broadcast_in_dim3A_246 : f32 to vector<16xf32>
      %broadcast_in_dim3A_248 = arith.constant 0.000000e+00 : f32
      %broadcast_in_dim3A_249 = vector.broadcast %broadcast_in_dim3A_248 : f32 to vector<16xf32>
      %scan3A_250 = arith.constant 0 : i32
      %scan3A_251 = arith.constant 200 : i32
      %scan3A_252 = arith.addi %scan3A_250, %scan3A_251 : i32
      %scan3A_253 = arith.constant 25 : i32
      %scan3A_254:4 = scf.for %scan3A_363 = %scan3A_250 to %scan3A_252 step %scan3A_253 iter_args(%scan3A_364 = %broadcast_in_dim3A_243, %scan3A_365 = %broadcast_in_dim3A_245, %scan3A_366 = %broadcast_in_dim3A_247, %scan3A_367 = %broadcast_in_dim3A_249) -> (vector<16xf32>, vector<16xf32>, vector<16xf32>, vector<16xf32>)  : i32 {
        %get3A = arith.index_cast %scan3A_363 : i32 to index
        %get3A_368 = arith.constant 0 : index
        %get3A_369 = tpu.vector_load %arg8[%get3A, %get3A_368] {strides = array<i32>} : memref<200x64xf32, #tpu.memory_space<vmem>>, vector<1x16xf32>,
        %get3A_370 = vector.shape_cast %get3A_369 : vector<1x16xf32> to vector<16xf32>
        %add3A_371 = arith.addf %scan3A_364, %get3A_370 : vector<16xf32>
        %get3A_372 = arith.index_cast %scan3A_363 : i32 to index
        %get3A_373 = arith.constant 16 : index
        %get3A_374 = tpu.vector_load %arg8[%get3A_372, %get3A_373] {strides = array<i32>} : memref<200x64xf32, #tpu.memory_space<vmem>>, vector<1x16xf32>,
        %get3A_375 = vector.shape_cast %get3A_374 : vector<1x16xf32> to vector<16xf32>
        %add3A_376 = arith.addf %scan3A_365, %get3A_375 : vector<16xf32>
        %get3A_377 = arith.index_cast %scan3A_363 : i32 to index
        %get3A_378 = arith.constant 32 : index
        %get3A_379 = tpu.vector_load %arg8[%get3A_377, %get3A_378] {strides = array<i32>} : memref<200x64xf32, #tpu.memory_space<vmem>>, vector<1x16xf32>,
        %get3A_380 = vector.shape_cast %get3A_379 : vector<1x16xf32> to vector<16xf32>
        %add3A_381 = arith.addf %scan3A_366, %get3A_380 : vector<16xf32>
        %get3A_382 = arith.index_cast %scan3A_363 : i32 to index
        %get3A_383 = arith.constant 48 : index
        %get3A_384 = tpu.vector_load %arg8[%get3A_382, %get3A_383] {strides = array<i32>} : memref<200x64xf32, #tpu.memory_space<vmem>>, vector<1x16xf32>,
        %get3A_385 = vector.shape_cast %get3A_384 : vector<1x16xf32> to vector<16xf32>
        %add3A_386 = arith.addf %scan3A_367, %get3A_385 : vector<16xf32>
        %scan3A_387 = arith.constant 1 : i32
        %scan3A_388 = arith.addi %scan3A_363, %scan3A_387 : i32
        %get3A_389 = arith.index_cast %scan3A_388 : i32 to index
        %get3A_390 = arith.constant 0 : index
        %get3A_391 = tpu.vector_load %arg8[%get3A_389, %get3A_390] {strides = array<i32>} : memref<200x64xf32, #tpu.memory_space<vmem>>, vector<1x16xf32>,
        %get3A_392 = vector.shape_cast %get3A_391 : vector<1x16xf32> to vector<16xf32>
        %add3A_393 = arith.addf %add3A_371, %get3A_392 : vector<16xf32>
        %get3A_394 = arith.index_cast %scan3A_388 : i32 to index
        %get3A_395 = arith.constant 16 : index
        %get3A_396 = tpu.vector_load %arg8[%get3A_394, %get3A_395] {strides = array<i32>} : memref<200x64xf32, #tpu.memory_space<vmem>>, vector<1x16xf32>,
        %get3A_397 = vector.shape_cast %get3A_396 : vector<1x16xf32> to vector<16xf32>
        %add3A_398 = arith.addf %add3A_376, %get3A_397 : vector<16xf32>
        %get3A_399 = arith.index_cast %scan3A_388 : i32 to index
        %get3A_400 = arith.constant 32 : index
        %get3A_401 = tpu.vector_load %arg8[%get3A_399, %get3A_400] {strides = array<i32>} : memref<200x64xf32, #tpu.memory_space<vmem>>, vector<1x16xf32>,
        %get3A_402 = vector.shape_cast %get3A_401 : vector<1x16xf32> to vector<16xf32>
        %add3A_403 = arith.addf %add3A_381, %get3A_402 : vector<16xf32>
        %get3A_404 = arith.index_cast %scan3A_388 : i32 to index
        %get3A_405 = arith.constant 48 : index
        %get3A_406 = tpu.vector_load %arg8[%get3A_404, %get3A_405] {strides = array<i32>} : memref<200x64xf32, #tpu.memory_space<vmem>>, vector<1x16xf32>,
        %get3A_407 = vector.shape_cast %get3A_406 : vector<1x16xf32> to vector<16xf32>
        %add3A_408 = arith.addf %add3A_386, %get3A_407 : vector<16xf32>
        %scan3A_409 = arith.constant 2 : i32
        %scan3A_410 = arith.addi %scan3A_363, %scan3A_409 : i32
        %get3A_411 = arith.index_cast %scan3A_410 : i32 to index
        %get3A_412 = arith.constant 0 : index
        %get3A_413 = tpu.vector_load %arg8[%get3A_411, %get3A_412] {strides = array<i32>} : memref<200x64xf32, #tpu.memory_space<vmem>>, vector<1x16xf32>,
        %get3A_414 = vector.shape_cast %get3A_413 : vector<1x16xf32> to vector<16xf32>
        %add3A_415 = arith.addf %add3A_393, %get3A_414 : vector<16xf32>
        %get3A_416 = arith.index_cast %scan3A_410 : i32 to index
        %get3A_417 = arith.constant 16 : index
        %get3A_418 = tpu.vector_load %arg8[%get3A_416, %get3A_417] {strides = array<i32>} : memref<200x64xf32, #tpu.memory_space<vmem>>, vector<1x16xf32>,
        %get3A_419 = vector.shape_cast %get3A_418 : vector<1x16xf32> to vector<16xf32>
        %add3A_420 = arith.addf %add3A_398, %get3A_419 : vector<16xf32>
        %get3A_421 = arith.index_cast %scan3A_410 : i32 to index
        %get3A_422 = arith.constant 32 : index
        %get3A_423 = tpu.vector_load %arg8[%get3A_421, %get3A_422] {strides = array<i32>} : memref<200x64xf32, #tpu.memory_space<vmem>>, vector<1x16xf32>,
        %get3A_424 = vector.shape_cast %get3A_423 : vector<1x16xf32> to vector<16xf32>
        %add3A_425 = arith.addf %add3A_403, %get3A_424 : vector<16xf32>
        %get3A_426 = arith.index_cast %scan3A_410 : i32 to index
        %get3A_427 = arith.constant 48 : index
        %get3A_428 = tpu.vector_load %arg8[%get3A_426, %get3A_427] {strides = array<i32>} : memref<200x64xf32, #tpu.memory_space<vmem>>, vector<1x16xf32>,
        %get3A_429 = vector.shape_cast %get3A_428 : vector<1x16xf32> to vector<16xf32>
        %add3A_430 = arith.addf %add3A_408, %get3A_429 : vector<16xf32>
        %scan3A_431 = arith.constant 3 : i32
        %scan3A_432 = arith.addi %scan3A_363, %scan3A_431 : i32
        %get3A_433 = arith.index_cast %scan3A_432 : i32 to index
        %get3A_434 = arith.constant 0 : index
        %get3A_435 = tpu.vector_load %arg8[%get3A_433, %get3A_434] {strides = array<i32>} : memref<200x64xf32, #tpu.memory_space<vmem>>, vector<1x16xf32>,
        %get3A_436 = vector.shape_cast %get3A_435 : vector<1x16xf32> to vector<16xf32>
        %add3A_437 = arith.addf %add3A_415, %get3A_436 : vector<16xf32>
        %get3A_438 = arith.index_cast %scan3A_432 : i32 to index
        %get3A_439 = arith.constant 16 : index
        %get3A_440 = tpu.vector_load %arg8[%get3A_438, %get3A_439] {strides = array<i32>} : memref<200x64xf32, #tpu.memory_space<vmem>>, vector<1x16xf32>,
        %get3A_441 = vector.shape_cast %get3A_440 : vector<1x16xf32> to vector<16xf32>
        %add3A_442 = arith.addf %add3A_420, %get3A_441 : vector<16xf32>
        %get3A_443 = arith.index_cast %scan3A_432 : i32 to index
        %get3A_444 = arith.constant 32 : index
        %get3A_445 = tpu.vector_load %arg8[%get3A_443, %get3A_444] {strides = array<i32>} : memref<200x64xf32, #tpu.memory_space<vmem>>, vector<1x16xf32>,
        %get3A_446 = vector.shape_cast %get3A_445 : vector<1x16xf32> to vector<16xf32>
        %add3A_447 = arith.addf %add3A_425, %get3A_446 : vector<16xf32>
        %get3A_448 = arith.index_cast %scan3A_432 : i32 to index
        %get3A_449 = arith.constant 48 : index
        %get3A_450 = tpu.vector_load %arg8[%get3A_448, %get3A_449] {strides = array<i32>} : memref<200x64xf32, #tpu.memory_space<vmem>>, vector<1x16xf32>,
        %get3A_451 = vector.shape_cast %get3A_450 : vector<1x16xf32> to vector<16xf32>
        %add3A_452 = arith.addf %add3A_430, %get3A_451 : vector<16xf32>
        %scan3A_453 = arith.constant 4 : i32
        %scan3A_454 = arith.addi %scan3A_363, %scan3A_453 : i32
        %get3A_455 = arith.index_cast %scan3A_454 : i32 to index
        %get3A_456 = arith.constant 0 : index
        %get3A_457 = tpu.vector_load %arg8[%get3A_455, %get3A_456] {strides = array<i32>} : memref<200x64xf32, #tpu.memory_space<vmem>>, vector<1x16xf32>,
        %get3A_458 = vector.shape_cast %get3A_457 : vector<1x16xf32> to vector<16xf32>
        %add3A_459 = arith.addf %add3A_437, %get3A_458 : vector<16xf32>
        %get3A_460 = arith.index_cast %scan3A_454 : i32 to index
        %get3A_461 = arith.constant 16 : index
        %get3A_462 = tpu.vector_load %arg8[%get3A_460, %get3A_461] {strides = array<i32>} : memref<200x64xf32, #tpu.memory_space<vmem>>, vector<1x16xf32>,
        %get3A_463 = vector.shape_cast %get3A_462 : vector<1x16xf32> to vector<16xf32>
        %add3A_464 = arith.addf %add3A_442, %get3A_463 : vector<16xf32>
        %get3A_465 = arith.index_cast %scan3A_454 : i32 to index
        %get3A_466 = arith.constant 32 : index
        %get3A_467 = tpu.vector_load %arg8[%get3A_465, %get3A_466] {strides = array<i32>} : memref<200x64xf32, #tpu.memory_space<vmem>>, vector<1x16xf32>,
        %get3A_468 = vector.shape_cast %get3A_467 : vector<1x16xf32> to vector<16xf32>
        %add3A_469 = arith.addf %add3A_447, %get3A_468 : vector<16xf32>
        %get3A_470 = arith.index_cast %scan3A_454 : i32 to index
        %get3A_471 = arith.constant 48 : index
        %get3A_472 = tpu.vector_load %arg8[%get3A_470, %get3A_471] {strides = array<i32>} : memref<200x64xf32, #tpu.memory_space<vmem>>, vector<1x16xf32>,
        %get3A_473 = vector.shape_cast %get3A_472 : vector<1x16xf32> to vector<16xf32>
        %add3A_474 = arith.addf %add3A_452, %get3A_473 : vector<16xf32>
        %scan3A_475 = arith.constant 5 : i32
        %scan3A_476 = arith.addi %scan3A_363, %scan3A_475 : i32
        %get3A_477 = arith.index_cast %scan3A_476 : i32 to index
        %get3A_478 = arith.constant 0 : index
        %get3A_479 = tpu.vector_load %arg8[%get3A_477, %get3A_478] {strides = array<i32>} : memref<200x64xf32, #tpu.memory_space<vmem>>, vector<1x16xf32>,
        %get3A_480 = vector.shape_cast %get3A_479 : vector<1x16xf32> to vector<16xf32>
        %add3A_481 = arith.addf %add3A_459, %get3A_480 : vector<16xf32>
        %get3A_482 = arith.index_cast %scan3A_476 : i32 to index
        %get3A_483 = arith.constant 16 : index
        %get3A_484 = tpu.vector_load %arg8[%get3A_482, %get3A_483] {strides = array<i32>} : memref<200x64xf32, #tpu.memory_space<vmem>>, vector<1x16xf32>,
        %get3A_485 = vector.shape_cast %get3A_484 : vector<1x16xf32> to vector<16xf32>
        %add3A_486 = arith.addf %add3A_464, %get3A_485 : vector<16xf32>
        %get3A_487 = arith.index_cast %scan3A_476 : i32 to index
        %get3A_488 = arith.constant 32 : index
        %get3A_489 = tpu.vector_load %arg8[%get3A_487, %get3A_488] {strides = array<i32>} : memref<200x64xf32, #tpu.memory_space<vmem>>, vector<1x16xf32>,
        %get3A_490 = vector.shape_cast %get3A_489 : vector<1x16xf32> to vector<16xf32>
        %add3A_491 = arith.addf %add3A_469, %get3A_490 : vector<16xf32>
        %get3A_492 = arith.index_cast %scan3A_476 : i32 to index
        %get3A_493 = arith.constant 48 : index
        %get3A_494 = tpu.vector_load %arg8[%get3A_492, %get3A_493] {strides = array<i32>} : memref<200x64xf32, #tpu.memory_space<vmem>>, vector<1x16xf32>,
        %get3A_495 = vector.shape_cast %get3A_494 : vector<1x16xf32> to vector<16xf32>
        %add3A_496 = arith.addf %add3A_474, %get3A_495 : vector<16xf32>
        %scan3A_497 = arith.constant 6 : i32
        %scan3A_498 = arith.addi %scan3A_363, %scan3A_497 : i32
        %get3A_499 = arith.index_cast %scan3A_498 : i32 to index
        %get3A_500 = arith.constant 0 : index
        %get3A_501 = tpu.vector_load %arg8[%get3A_499, %get3A_500] {strides = array<i32>} : memref<200x64xf32, #tpu.memory_space<vmem>>, vector<1x16xf32>,
        %get3A_502 = vector.shape_cast %get3A_501 : vector<1x16xf32> to vector<16xf32>
        %add3A_503 = arith.addf %add3A_481, %get3A_502 : vector<16xf32>
        %get3A_504 = arith.index_cast %scan3A_498 : i32 to index
        %get3A_505 = arith.constant 16 : index
        %get3A_506 = tpu.vector_load %arg8[%get3A_504, %get3A_505] {strides = array<i32>} : memref<200x64xf32, #tpu.memory_space<vmem>>, vector<1x16xf32>,
        %get3A_507 = vector.shape_cast %get3A_506 : vector<1x16xf32> to vector<16xf32>
        %add3A_508 = arith.addf %add3A_486, %get3A_507 : vector<16xf32>
        %get3A_509 = arith.index_cast %scan3A_498 : i32 to index
        %get3A_510 = arith.constant 32 : index
        %get3A_511 = tpu.vector_load %arg8[%get3A_509, %get3A_510] {strides = array<i32>} : memref<200x64xf32, #tpu.memory_space<vmem>>, vector<1x16xf32>,
        %get3A_512 = vector.shape_cast %get3A_511 : vector<1x16xf32> to vector<16xf32>
        %add3A_513 = arith.addf %add3A_491, %get3A_512 : vector<16xf32>
        %get3A_514 = arith.index_cast %scan3A_498 : i32 to index
        %get3A_515 = arith.constant 48 : index
        %get3A_516 = tpu.vector_load %arg8[%get3A_514, %get3A_515] {strides = array<i32>} : memref<200x64xf32, #tpu.memory_space<vmem>>, vector<1x16xf32>,
        %get3A_517 = vector.shape_cast %get3A_516 : vector<1x16xf32> to vector<16xf32>
        %add3A_518 = arith.addf %add3A_496, %get3A_517 : vector<16xf32>
        %scan3A_519 = arith.constant 7 : i32
        %scan3A_520 = arith.addi %scan3A_363, %scan3A_519 : i32
        %get3A_521 = arith.index_cast %scan3A_520 : i32 to index
        %get3A_522 = arith.constant 0 : index
        %get3A_523 = tpu.vector_load %arg8[%get3A_521, %get3A_522] {strides = array<i32>} : memref<200x64xf32, #tpu.memory_space<vmem>>, vector<1x16xf32>,
        %get3A_524 = vector.shape_cast %get3A_523 : vector<1x16xf32> to vector<16xf32>
        %add3A_525 = arith.addf %add3A_503, %get3A_524 : vector<16xf32>
        %get3A_526 = arith.index_cast %scan3A_520 : i32 to index
        %get3A_527 = arith.constant 16 : index
        %get3A_528 = tpu.vector_load %arg8[%get3A_526, %get3A_527] {strides = array<i32>} : memref<200x64xf32, #tpu.memory_space<vmem>>, vector<1x16xf32>,
        %get3A_529 = vector.shape_cast %get3A_528 : vector<1x16xf32> to vector<16xf32>
        %add3A_530 = arith.addf %add3A_508, %get3A_529 : vector<16xf32>
        %get3A_531 = arith.index_cast %scan3A_520 : i32 to index
        %get3A_532 = arith.constant 32 : index
        %get3A_533 = tpu.vector_load %arg8[%get3A_531, %get3A_532] {strides = array<i32>} : memref<200x64xf32, #tpu.memory_space<vmem>>, vector<1x16xf32>,
        %get3A_534 = vector.shape_cast %get3A_533 : vector<1x16xf32> to vector<16xf32>
        %add3A_535 = arith.addf %add3A_513, %get3A_534 : vector<16xf32>
        %get3A_536 = arith.index_cast %scan3A_520 : i32 to index
        %get3A_537 = arith.constant 48 : index
        %get3A_538 = tpu.vector_load %arg8[%get3A_536, %get3A_537] {strides = array<i32>} : memref<200x64xf32, #tpu.memory_space<vmem>>, vector<1x16xf32>,
        %get3A_539 = vector.shape_cast %get3A_538 : vector<1x16xf32> to vector<16xf32>
        %add3A_540 = arith.addf %add3A_518, %get3A_539 : vector<16xf32>
        %scan3A_541 = arith.constant 8 : i32
        %scan3A_542 = arith.addi %scan3A_363, %scan3A_541 : i32
        %get3A_543 = arith.index_cast %scan3A_542 : i32 to index
        %get3A_544 = arith.constant 0 : index
        %get3A_545 = tpu.vector_load %arg8[%get3A_543, %get3A_544] {strides = array<i32>} : memref<200x64xf32, #tpu.memory_space<vmem>>, vector<1x16xf32>,
        %get3A_546 = vector.shape_cast %get3A_545 : vector<1x16xf32> to vector<16xf32>
        %add3A_547 = arith.addf %add3A_525, %get3A_546 : vector<16xf32>
        %get3A_548 = arith.index_cast %scan3A_542 : i32 to index
        %get3A_549 = arith.constant 16 : index
        %get3A_550 = tpu.vector_load %arg8[%get3A_548, %get3A_549] {strides = array<i32>} : memref<200x64xf32, #tpu.memory_space<vmem>>, vector<1x16xf32>,
        %get3A_551 = vector.shape_cast %get3A_550 : vector<1x16xf32> to vector<16xf32>
        %add3A_552 = arith.addf %add3A_530, %get3A_551 : vector<16xf32>
        %get3A_553 = arith.index_cast %scan3A_542 : i32 to index
        %get3A_554 = arith.constant 32 : index
        %get3A_555 = tpu.vector_load %arg8[%get3A_553, %get3A_554] {strides = array<i32>} : memref<200x64xf32, #tpu.memory_space<vmem>>, vector<1x16xf32>,
        %get3A_556 = vector.shape_cast %get3A_555 : vector<1x16xf32> to vector<16xf32>
        %add3A_557 = arith.addf %add3A_535, %get3A_556 : vector<16xf32>
        %get3A_558 = arith.index_cast %scan3A_542 : i32 to index
        %get3A_559 = arith.constant 48 : index
        %get3A_560 = tpu.vector_load %arg8[%get3A_558, %get3A_559] {strides = array<i32>} : memref<200x64xf32, #tpu.memory_space<vmem>>, vector<1x16xf32>,
        %get3A_561 = vector.shape_cast %get3A_560 : vector<1x16xf32> to vector<16xf32>
        %add3A_562 = arith.addf %add3A_540, %get3A_561 : vector<16xf32>
        %scan3A_563 = arith.constant 9 : i32
        %scan3A_564 = arith.addi %scan3A_363, %scan3A_563 : i32
        %get3A_565 = arith.index_cast %scan3A_564 : i32 to index
        %get3A_566 = arith.constant 0 : index
        %get3A_567 = tpu.vector_load %arg8[%get3A_565, %get3A_566] {strides = array<i32>} : memref<200x64xf32, #tpu.memory_space<vmem>>, vector<1x16xf32>,
        %get3A_568 = vector.shape_cast %get3A_567 : vector<1x16xf32> to vector<16xf32>
        %add3A_569 = arith.addf %add3A_547, %get3A_568 : vector<16xf32>
        %get3A_570 = arith.index_cast %scan3A_564 : i32 to index
        %get3A_571 = arith.constant 16 : index
        %get3A_572 = tpu.vector_load %arg8[%get3A_570, %get3A_571] {strides = array<i32>} : memref<200x64xf32, #tpu.memory_space<vmem>>, vector<1x16xf32>,
        %get3A_573 = vector.shape_cast %get3A_572 : vector<1x16xf32> to vector<16xf32>
        %add3A_574 = arith.addf %add3A_552, %get3A_573 : vector<16xf32>
        %get3A_575 = arith.index_cast %scan3A_564 : i32 to index
        %get3A_576 = arith.constant 32 : index
        %get3A_577 = tpu.vector_load %arg8[%get3A_575, %get3A_576] {strides = array<i32>} : memref<200x64xf32, #tpu.memory_space<vmem>>, vector<1x16xf32>,
        %get3A_578 = vector.shape_cast %get3A_577 : vector<1x16xf32> to vector<16xf32>
        %add3A_579 = arith.addf %add3A_557, %get3A_578 : vector<16xf32>
        %get3A_580 = arith.index_cast %scan3A_564 : i32 to index
        %get3A_581 = arith.constant 48 : index
        %get3A_582 = tpu.vector_load %arg8[%get3A_580, %get3A_581] {strides = array<i32>} : memref<200x64xf32, #tpu.memory_space<vmem>>, vector<1x16xf32>,
        %get3A_583 = vector.shape_cast %get3A_582 : vector<1x16xf32> to vector<16xf32>
        %add3A_584 = arith.addf %add3A_562, %get3A_583 : vector<16xf32>
        %scan3A_585 = arith.constant 10 : i32
        %scan3A_586 = arith.addi %scan3A_363, %scan3A_585 : i32
        %get3A_587 = arith.index_cast %scan3A_586 : i32 to index
        %get3A_588 = arith.constant 0 : index
        %get3A_589 = tpu.vector_load %arg8[%get3A_587, %get3A_588] {strides = array<i32>} : memref<200x64xf32, #tpu.memory_space<vmem>>, vector<1x16xf32>,
        %get3A_590 = vector.shape_cast %get3A_589 : vector<1x16xf32> to vector<16xf32>
        %add3A_591 = arith.addf %add3A_569, %get3A_590 : vector<16xf32>
        %get3A_592 = arith.index_cast %scan3A_586 : i32 to index
        %get3A_593 = arith.constant 16 : index
        %get3A_594 = tpu.vector_load %arg8[%get3A_592, %get3A_593] {strides = array<i32>} : memref<200x64xf32, #tpu.memory_space<vmem>>, vector<1x16xf32>,
        %get3A_595 = vector.shape_cast %get3A_594 : vector<1x16xf32> to vector<16xf32>
        %add3A_596 = arith.addf %add3A_574, %get3A_595 : vector<16xf32>
        %get3A_597 = arith.index_cast %scan3A_586 : i32 to index
        %get3A_598 = arith.constant 32 : index
        %get3A_599 = tpu.vector_load %arg8[%get3A_597, %get3A_598] {strides = array<i32>} : memref<200x64xf32, #tpu.memory_space<vmem>>, vector<1x16xf32>,
        %get3A_600 = vector.shape_cast %get3A_599 : vector<1x16xf32> to vector<16xf32>
        %add3A_601 = arith.addf %add3A_579, %get3A_600 : vector<16xf32>
        %get3A_602 = arith.index_cast %scan3A_586 : i32 to index
        %get3A_603 = arith.constant 48 : index
        %get3A_604 = tpu.vector_load %arg8[%get3A_602, %get3A_603] {strides = array<i32>} : memref<200x64xf32, #tpu.memory_space<vmem>>, vector<1x16xf32>,
        %get3A_605 = vector.shape_cast %get3A_604 : vector<1x16xf32> to vector<16xf32>
        %add3A_606 = arith.addf %add3A_584, %get3A_605 : vector<16xf32>
        %scan3A_607 = arith.constant 11 : i32
        %scan3A_608 = arith.addi %scan3A_363, %scan3A_607 : i32
        %get3A_609 = arith.index_cast %scan3A_608 : i32 to index
        %get3A_610 = arith.constant 0 : index
        %get3A_611 = tpu.vector_load %arg8[%get3A_609, %get3A_610] {strides = array<i32>} : memref<200x64xf32, #tpu.memory_space<vmem>>, vector<1x16xf32>,
        %get3A_612 = vector.shape_cast %get3A_611 : vector<1x16xf32> to vector<16xf32>
        %add3A_613 = arith.addf %add3A_591, %get3A_612 : vector<16xf32>
        %get3A_614 = arith.index_cast %scan3A_608 : i32 to index
        %get3A_615 = arith.constant 16 : index
        %get3A_616 = tpu.vector_load %arg8[%get3A_614, %get3A_615] {strides = array<i32>} : memref<200x64xf32, #tpu.memory_space<vmem>>, vector<1x16xf32>,
        %get3A_617 = vector.shape_cast %get3A_616 : vector<1x16xf32> to vector<16xf32>
        %add3A_618 = arith.addf %add3A_596, %get3A_617 : vector<16xf32>
        %get3A_619 = arith.index_cast %scan3A_608 : i32 to index
        %get3A_620 = arith.constant 32 : index
        %get3A_621 = tpu.vector_load %arg8[%get3A_619, %get3A_620] {strides = array<i32>} : memref<200x64xf32, #tpu.memory_space<vmem>>, vector<1x16xf32>,
        %get3A_622 = vector.shape_cast %get3A_621 : vector<1x16xf32> to vector<16xf32>
        %add3A_623 = arith.addf %add3A_601, %get3A_622 : vector<16xf32>
        %get3A_624 = arith.index_cast %scan3A_608 : i32 to index
        %get3A_625 = arith.constant 48 : index
        %get3A_626 = tpu.vector_load %arg8[%get3A_624, %get3A_625] {strides = array<i32>} : memref<200x64xf32, #tpu.memory_space<vmem>>, vector<1x16xf32>,
        %get3A_627 = vector.shape_cast %get3A_626 : vector<1x16xf32> to vector<16xf32>
        %add3A_628 = arith.addf %add3A_606, %get3A_627 : vector<16xf32>
        %scan3A_629 = arith.constant 12 : i32
        %scan3A_630 = arith.addi %scan3A_363, %scan3A_629 : i32
        %get3A_631 = arith.index_cast %scan3A_630 : i32 to index
        %get3A_632 = arith.constant 0 : index
        %get3A_633 = tpu.vector_load %arg8[%get3A_631, %get3A_632] {strides = array<i32>} : memref<200x64xf32, #tpu.memory_space<vmem>>, vector<1x16xf32>,
        %get3A_634 = vector.shape_cast %get3A_633 : vector<1x16xf32> to vector<16xf32>
        %add3A_635 = arith.addf %add3A_613, %get3A_634 : vector<16xf32>
        %get3A_636 = arith.index_cast %scan3A_630 : i32 to index
        %get3A_637 = arith.constant 16 : index
        %get3A_638 = tpu.vector_load %arg8[%get3A_636, %get3A_637] {strides = array<i32>} : memref<200x64xf32, #tpu.memory_space<vmem>>, vector<1x16xf32>,
        %get3A_639 = vector.shape_cast %get3A_638 : vector<1x16xf32> to vector<16xf32>
        %add3A_640 = arith.addf %add3A_618, %get3A_639 : vector<16xf32>
        %get3A_641 = arith.index_cast %scan3A_630 : i32 to index
        %get3A_642 = arith.constant 32 : index
        %get3A_643 = tpu.vector_load %arg8[%get3A_641, %get3A_642] {strides = array<i32>} : memref<200x64xf32, #tpu.memory_space<vmem>>, vector<1x16xf32>,
        %get3A_644 = vector.shape_cast %get3A_643 : vector<1x16xf32> to vector<16xf32>
        %add3A_645 = arith.addf %add3A_623, %get3A_644 : vector<16xf32>
        %get3A_646 = arith.index_cast %scan3A_630 : i32 to index
        %get3A_647 = arith.constant 48 : index
        %get3A_648 = tpu.vector_load %arg8[%get3A_646, %get3A_647] {strides = array<i32>} : memref<200x64xf32, #tpu.memory_space<vmem>>, vector<1x16xf32>,
        %get3A_649 = vector.shape_cast %get3A_648 : vector<1x16xf32> to vector<16xf32>
        %add3A_650 = arith.addf %add3A_628, %get3A_649 : vector<16xf32>
        %scan3A_651 = arith.constant 13 : i32
        %scan3A_652 = arith.addi %scan3A_363, %scan3A_651 : i32
        %get3A_653 = arith.index_cast %scan3A_652 : i32 to index
        %get3A_654 = arith.constant 0 : index
        %get3A_655 = tpu.vector_load %arg8[%get3A_653, %get3A_654] {strides = array<i32>} : memref<200x64xf32, #tpu.memory_space<vmem>>, vector<1x16xf32>,
        %get3A_656 = vector.shape_cast %get3A_655 : vector<1x16xf32> to vector<16xf32>
        %add3A_657 = arith.addf %add3A_635, %get3A_656 : vector<16xf32>
        %get3A_658 = arith.index_cast %scan3A_652 : i32 to index
        %get3A_659 = arith.constant 16 : index
        %get3A_660 = tpu.vector_load %arg8[%get3A_658, %get3A_659] {strides = array<i32>} : memref<200x64xf32, #tpu.memory_space<vmem>>, vector<1x16xf32>,
        %get3A_661 = vector.shape_cast %get3A_660 : vector<1x16xf32> to vector<16xf32>
        %add3A_662 = arith.addf %add3A_640, %get3A_661 : vector<16xf32>
        %get3A_663 = arith.index_cast %scan3A_652 : i32 to index
        %get3A_664 = arith.constant 32 : index
        %get3A_665 = tpu.vector_load %arg8[%get3A_663, %get3A_664] {strides = array<i32>} : memref<200x64xf32, #tpu.memory_space<vmem>>, vector<1x16xf32>,
        %get3A_666 = vector.shape_cast %get3A_665 : vector<1x16xf32> to vector<16xf32>
        %add3A_667 = arith.addf %add3A_645, %get3A_666 : vector<16xf32>
        %get3A_668 = arith.index_cast %scan3A_652 : i32 to index
        %get3A_669 = arith.constant 48 : index
        %get3A_670 = tpu.vector_load %arg8[%get3A_668, %get3A_669] {strides = array<i32>} : memref<200x64xf32, #tpu.memory_space<vmem>>, vector<1x16xf32>,
        %get3A_671 = vector.shape_cast %get3A_670 : vector<1x16xf32> to vector<16xf32>
        %add3A_672 = arith.addf %add3A_650, %get3A_671 : vector<16xf32>
        %scan3A_673 = arith.constant 14 : i32
        %scan3A_674 = arith.addi %scan3A_363, %scan3A_673 : i32
        %get3A_675 = arith.index_cast %scan3A_674 : i32 to index
        %get3A_676 = arith.constant 0 : index
        %get3A_677 = tpu.vector_load %arg8[%get3A_675, %get3A_676] {strides = array<i32>} : memref<200x64xf32, #tpu.memory_space<vmem>>, vector<1x16xf32>,
        %get3A_678 = vector.shape_cast %get3A_677 : vector<1x16xf32> to vector<16xf32>
        %add3A_679 = arith.addf %add3A_657, %get3A_678 : vector<16xf32>
        %get3A_680 = arith.index_cast %scan3A_674 : i32 to index
        %get3A_681 = arith.constant 16 : index
        %get3A_682 = tpu.vector_load %arg8[%get3A_680, %get3A_681] {strides = array<i32>} : memref<200x64xf32, #tpu.memory_space<vmem>>, vector<1x16xf32>,
        %get3A_683 = vector.shape_cast %get3A_682 : vector<1x16xf32> to vector<16xf32>
        %add3A_684 = arith.addf %add3A_662, %get3A_683 : vector<16xf32>
        %get3A_685 = arith.index_cast %scan3A_674 : i32 to index
        %get3A_686 = arith.constant 32 : index
        %get3A_687 = tpu.vector_load %arg8[%get3A_685, %get3A_686] {strides = array<i32>} : memref<200x64xf32, #tpu.memory_space<vmem>>, vector<1x16xf32>,
        %get3A_688 = vector.shape_cast %get3A_687 : vector<1x16xf32> to vector<16xf32>
        %add3A_689 = arith.addf %add3A_667, %get3A_688 : vector<16xf32>
        %get3A_690 = arith.index_cast %scan3A_674 : i32 to index
        %get3A_691 = arith.constant 48 : index
        %get3A_692 = tpu.vector_load %arg8[%get3A_690, %get3A_691] {strides = array<i32>} : memref<200x64xf32, #tpu.memory_space<vmem>>, vector<1x16xf32>,
        %get3A_693 = vector.shape_cast %get3A_692 : vector<1x16xf32> to vector<16xf32>
        %add3A_694 = arith.addf %add3A_672, %get3A_693 : vector<16xf32>
        %scan3A_695 = arith.constant 15 : i32
        %scan3A_696 = arith.addi %scan3A_363, %scan3A_695 : i32
        %get3A_697 = arith.index_cast %scan3A_696 : i32 to index
        %get3A_698 = arith.constant 0 : index
        %get3A_699 = tpu.vector_load %arg8[%get3A_697, %get3A_698] {strides = array<i32>} : memref<200x64xf32, #tpu.memory_space<vmem>>, vector<1x16xf32>,
        %get3A_700 = vector.shape_cast %get3A_699 : vector<1x16xf32> to vector<16xf32>
        %add3A_701 = arith.addf %add3A_679, %get3A_700 : vector<16xf32>
        %get3A_702 = arith.index_cast %scan3A_696 : i32 to index
        %get3A_703 = arith.constant 16 : index
        %get3A_704 = tpu.vector_load %arg8[%get3A_702, %get3A_703] {strides = array<i32>} : memref<200x64xf32, #tpu.memory_space<vmem>>, vector<1x16xf32>,
        %get3A_705 = vector.shape_cast %get3A_704 : vector<1x16xf32> to vector<16xf32>
        %add3A_706 = arith.addf %add3A_684, %get3A_705 : vector<16xf32>
        %get3A_707 = arith.index_cast %scan3A_696 : i32 to index
        %get3A_708 = arith.constant 32 : index
        %get3A_709 = tpu.vector_load %arg8[%get3A_707, %get3A_708] {strides = array<i32>} : memref<200x64xf32, #tpu.memory_space<vmem>>, vector<1x16xf32>,
        %get3A_710 = vector.shape_cast %get3A_709 : vector<1x16xf32> to vector<16xf32>
        %add3A_711 = arith.addf %add3A_689, %get3A_710 : vector<16xf32>
        %get3A_712 = arith.index_cast %scan3A_696 : i32 to index
        %get3A_713 = arith.constant 48 : index
        %get3A_714 = tpu.vector_load %arg8[%get3A_712, %get3A_713] {strides = array<i32>} : memref<200x64xf32, #tpu.memory_space<vmem>>, vector<1x16xf32>,
        %get3A_715 = vector.shape_cast %get3A_714 : vector<1x16xf32> to vector<16xf32>
        %add3A_716 = arith.addf %add3A_694, %get3A_715 : vector<16xf32>
        %scan3A_717 = arith.constant 16 : i32
        %scan3A_718 = arith.addi %scan3A_363, %scan3A_717 : i32
        %get3A_719 = arith.index_cast %scan3A_718 : i32 to index
        %get3A_720 = arith.constant 0 : index
        %get3A_721 = tpu.vector_load %arg8[%get3A_719, %get3A_720] {strides = array<i32>} : memref<200x64xf32, #tpu.memory_space<vmem>>, vector<1x16xf32>,
        %get3A_722 = vector.shape_cast %get3A_721 : vector<1x16xf32> to vector<16xf32>
        %add3A_723 = arith.addf %add3A_701, %get3A_722 : vector<16xf32>
        %get3A_724 = arith.index_cast %scan3A_718 : i32 to index
        %get3A_725 = arith.constant 16 : index
        %get3A_726 = tpu.vector_load %arg8[%get3A_724, %get3A_725] {strides = array<i32>} : memref<200x64xf32, #tpu.memory_space<vmem>>, vector<1x16xf32>,
        %get3A_727 = vector.shape_cast %get3A_726 : vector<1x16xf32> to vector<16xf32>
        %add3A_728 = arith.addf %add3A_706, %get3A_727 : vector<16xf32>
        %get3A_729 = arith.index_cast %scan3A_718 : i32 to index
        %get3A_730 = arith.constant 32 : index
        %get3A_731 = tpu.vector_load %arg8[%get3A_729, %get3A_730] {strides = array<i32>} : memref<200x64xf32, #tpu.memory_space<vmem>>, vector<1x16xf32>,
        %get3A_732 = vector.shape_cast %get3A_731 : vector<1x16xf32> to vector<16xf32>
        %add3A_733 = arith.addf %add3A_711, %get3A_732 : vector<16xf32>
        %get3A_734 = arith.index_cast %scan3A_718 : i32 to index
        %get3A_735 = arith.constant 48 : index
        %get3A_736 = tpu.vector_load %arg8[%get3A_734, %get3A_735] {strides = array<i32>} : memref<200x64xf32, #tpu.memory_space<vmem>>, vector<1x16xf32>,
        %get3A_737 = vector.shape_cast %get3A_736 : vector<1x16xf32> to vector<16xf32>
        %add3A_738 = arith.addf %add3A_716, %get3A_737 : vector<16xf32>
        %scan3A_739 = arith.constant 17 : i32
        %scan3A_740 = arith.addi %scan3A_363, %scan3A_739 : i32
        %get3A_741 = arith.index_cast %scan3A_740 : i32 to index
        %get3A_742 = arith.constant 0 : index
        %get3A_743 = tpu.vector_load %arg8[%get3A_741, %get3A_742] {strides = array<i32>} : memref<200x64xf32, #tpu.memory_space<vmem>>, vector<1x16xf32>,
        %get3A_744 = vector.shape_cast %get3A_743 : vector<1x16xf32> to vector<16xf32>
        %add3A_745 = arith.addf %add3A_723, %get3A_744 : vector<16xf32>
        %get3A_746 = arith.index_cast %scan3A_740 : i32 to index
        %get3A_747 = arith.constant 16 : index
        %get3A_748 = tpu.vector_load %arg8[%get3A_746, %get3A_747] {strides = array<i32>} : memref<200x64xf32, #tpu.memory_space<vmem>>, vector<1x16xf32>,
        %get3A_749 = vector.shape_cast %get3A_748 : vector<1x16xf32> to vector<16xf32>
        %add3A_750 = arith.addf %add3A_728, %get3A_749 : vector<16xf32>
        %get3A_751 = arith.index_cast %scan3A_740 : i32 to index
        %get3A_752 = arith.constant 32 : index
        %get3A_753 = tpu.vector_load %arg8[%get3A_751, %get3A_752] {strides = array<i32>} : memref<200x64xf32, #tpu.memory_space<vmem>>, vector<1x16xf32>,
        %get3A_754 = vector.shape_cast %get3A_753 : vector<1x16xf32> to vector<16xf32>
        %add3A_755 = arith.addf %add3A_733, %get3A_754 : vector<16xf32>
        %get3A_756 = arith.index_cast %scan3A_740 : i32 to index
        %get3A_757 = arith.constant 48 : index
        %get3A_758 = tpu.vector_load %arg8[%get3A_756, %get3A_757] {strides = array<i32>} : memref<200x64xf32, #tpu.memory_space<vmem>>, vector<1x16xf32>,
        %get3A_759 = vector.shape_cast %get3A_758 : vector<1x16xf32> to vector<16xf32>
        %add3A_760 = arith.addf %add3A_738, %get3A_759 : vector<16xf32>
        %scan3A_761 = arith.constant 18 : i32
        %scan3A_762 = arith.addi %scan3A_363, %scan3A_761 : i32
        %get3A_763 = arith.index_cast %scan3A_762 : i32 to index
        %get3A_764 = arith.constant 0 : index
        %get3A_765 = tpu.vector_load %arg8[%get3A_763, %get3A_764] {strides = array<i32>} : memref<200x64xf32, #tpu.memory_space<vmem>>, vector<1x16xf32>,
        %get3A_766 = vector.shape_cast %get3A_765 : vector<1x16xf32> to vector<16xf32>
        %add3A_767 = arith.addf %add3A_745, %get3A_766 : vector<16xf32>
        %get3A_768 = arith.index_cast %scan3A_762 : i32 to index
        %get3A_769 = arith.constant 16 : index
        %get3A_770 = tpu.vector_load %arg8[%get3A_768, %get3A_769] {strides = array<i32>} : memref<200x64xf32, #tpu.memory_space<vmem>>, vector<1x16xf32>,
        %get3A_771 = vector.shape_cast %get3A_770 : vector<1x16xf32> to vector<16xf32>
        %add3A_772 = arith.addf %add3A_750, %get3A_771 : vector<16xf32>
        %get3A_773 = arith.index_cast %scan3A_762 : i32 to index
        %get3A_774 = arith.constant 32 : index
        %get3A_775 = tpu.vector_load %arg8[%get3A_773, %get3A_774] {strides = array<i32>} : memref<200x64xf32, #tpu.memory_space<vmem>>, vector<1x16xf32>,
        %get3A_776 = vector.shape_cast %get3A_775 : vector<1x16xf32> to vector<16xf32>
        %add3A_777 = arith.addf %add3A_755, %get3A_776 : vector<16xf32>
        %get3A_778 = arith.index_cast %scan3A_762 : i32 to index
        %get3A_779 = arith.constant 48 : index
        %get3A_780 = tpu.vector_load %arg8[%get3A_778, %get3A_779] {strides = array<i32>} : memref<200x64xf32, #tpu.memory_space<vmem>>, vector<1x16xf32>,
        %get3A_781 = vector.shape_cast %get3A_780 : vector<1x16xf32> to vector<16xf32>
        %add3A_782 = arith.addf %add3A_760, %get3A_781 : vector<16xf32>
        %scan3A_783 = arith.constant 19 : i32
        %scan3A_784 = arith.addi %scan3A_363, %scan3A_783 : i32
        %get3A_785 = arith.index_cast %scan3A_784 : i32 to index
        %get3A_786 = arith.constant 0 : index
        %get3A_787 = tpu.vector_load %arg8[%get3A_785, %get3A_786] {strides = array<i32>} : memref<200x64xf32, #tpu.memory_space<vmem>>, vector<1x16xf32>,
        %get3A_788 = vector.shape_cast %get3A_787 : vector<1x16xf32> to vector<16xf32>
        %add3A_789 = arith.addf %add3A_767, %get3A_788 : vector<16xf32>
        %get3A_790 = arith.index_cast %scan3A_784 : i32 to index
        %get3A_791 = arith.constant 16 : index
        %get3A_792 = tpu.vector_load %arg8[%get3A_790, %get3A_791] {strides = array<i32>} : memref<200x64xf32, #tpu.memory_space<vmem>>, vector<1x16xf32>,
        %get3A_793 = vector.shape_cast %get3A_792 : vector<1x16xf32> to vector<16xf32>
        %add3A_794 = arith.addf %add3A_772, %get3A_793 : vector<16xf32>
        %get3A_795 = arith.index_cast %scan3A_784 : i32 to index
        %get3A_796 = arith.constant 32 : index
        %get3A_797 = tpu.vector_load %arg8[%get3A_795, %get3A_796] {strides = array<i32>} : memref<200x64xf32, #tpu.memory_space<vmem>>, vector<1x16xf32>,
        %get3A_798 = vector.shape_cast %get3A_797 : vector<1x16xf32> to vector<16xf32>
        %add3A_799 = arith.addf %add3A_777, %get3A_798 : vector<16xf32>
        %get3A_800 = arith.index_cast %scan3A_784 : i32 to index
        %get3A_801 = arith.constant 48 : index
        %get3A_802 = tpu.vector_load %arg8[%get3A_800, %get3A_801] {strides = array<i32>} : memref<200x64xf32, #tpu.memory_space<vmem>>, vector<1x16xf32>,
        %get3A_803 = vector.shape_cast %get3A_802 : vector<1x16xf32> to vector<16xf32>
        %add3A_804 = arith.addf %add3A_782, %get3A_803 : vector<16xf32>
        %scan3A_805 = arith.constant 20 : i32
        %scan3A_806 = arith.addi %scan3A_363, %scan3A_805 : i32
        %get3A_807 = arith.index_cast %scan3A_806 : i32 to index
        %get3A_808 = arith.constant 0 : index
        %get3A_809 = tpu.vector_load %arg8[%get3A_807, %get3A_808] {strides = array<i32>} : memref<200x64xf32, #tpu.memory_space<vmem>>, vector<1x16xf32>,
        %get3A_810 = vector.shape_cast %get3A_809 : vector<1x16xf32> to vector<16xf32>
        %add3A_811 = arith.addf %add3A_789, %get3A_810 : vector<16xf32>
        %get3A_812 = arith.index_cast %scan3A_806 : i32 to index
        %get3A_813 = arith.constant 16 : index
        %get3A_814 = tpu.vector_load %arg8[%get3A_812, %get3A_813] {strides = array<i32>} : memref<200x64xf32, #tpu.memory_space<vmem>>, vector<1x16xf32>,
        %get3A_815 = vector.shape_cast %get3A_814 : vector<1x16xf32> to vector<16xf32>
        %add3A_816 = arith.addf %add3A_794, %get3A_815 : vector<16xf32>
        %get3A_817 = arith.index_cast %scan3A_806 : i32 to index
        %get3A_818 = arith.constant 32 : index
        %get3A_819 = tpu.vector_load %arg8[%get3A_817, %get3A_818] {strides = array<i32>} : memref<200x64xf32, #tpu.memory_space<vmem>>, vector<1x16xf32>,
        %get3A_820 = vector.shape_cast %get3A_819 : vector<1x16xf32> to vector<16xf32>
        %add3A_821 = arith.addf %add3A_799, %get3A_820 : vector<16xf32>
        %get3A_822 = arith.index_cast %scan3A_806 : i32 to index
        %get3A_823 = arith.constant 48 : index
        %get3A_824 = tpu.vector_load %arg8[%get3A_822, %get3A_823] {strides = array<i32>} : memref<200x64xf32, #tpu.memory_space<vmem>>, vector<1x16xf32>,
        %get3A_825 = vector.shape_cast %get3A_824 : vector<1x16xf32> to vector<16xf32>
        %add3A_826 = arith.addf %add3A_804, %get3A_825 : vector<16xf32>
        %scan3A_827 = arith.constant 21 : i32
        %scan3A_828 = arith.addi %scan3A_363, %scan3A_827 : i32
        %get3A_829 = arith.index_cast %scan3A_828 : i32 to index
        %get3A_830 = arith.constant 0 : index
        %get3A_831 = tpu.vector_load %arg8[%get3A_829, %get3A_830] {strides = array<i32>} : memref<200x64xf32, #tpu.memory_space<vmem>>, vector<1x16xf32>,
        %get3A_832 = vector.shape_cast %get3A_831 : vector<1x16xf32> to vector<16xf32>
        %add3A_833 = arith.addf %add3A_811, %get3A_832 : vector<16xf32>
        %get3A_834 = arith.index_cast %scan3A_828 : i32 to index
        %get3A_835 = arith.constant 16 : index
        %get3A_836 = tpu.vector_load %arg8[%get3A_834, %get3A_835] {strides = array<i32>} : memref<200x64xf32, #tpu.memory_space<vmem>>, vector<1x16xf32>,
        %get3A_837 = vector.shape_cast %get3A_836 : vector<1x16xf32> to vector<16xf32>
        %add3A_838 = arith.addf %add3A_816, %get3A_837 : vector<16xf32>
        %get3A_839 = arith.index_cast %scan3A_828 : i32 to index
        %get3A_840 = arith.constant 32 : index
        %get3A_841 = tpu.vector_load %arg8[%get3A_839, %get3A_840] {strides = array<i32>} : memref<200x64xf32, #tpu.memory_space<vmem>>, vector<1x16xf32>,
        %get3A_842 = vector.shape_cast %get3A_841 : vector<1x16xf32> to vector<16xf32>
        %add3A_843 = arith.addf %add3A_821, %get3A_842 : vector<16xf32>
        %get3A_844 = arith.index_cast %scan3A_828 : i32 to index
        %get3A_845 = arith.constant 48 : index
        %get3A_846 = tpu.vector_load %arg8[%get3A_844, %get3A_845] {strides = array<i32>} : memref<200x64xf32, #tpu.memory_space<vmem>>, vector<1x16xf32>,
        %get3A_847 = vector.shape_cast %get3A_846 : vector<1x16xf32> to vector<16xf32>
        %add3A_848 = arith.addf %add3A_826, %get3A_847 : vector<16xf32>
        %scan3A_849 = arith.constant 22 : i32
        %scan3A_850 = arith.addi %scan3A_363, %scan3A_849 : i32
        %get3A_851 = arith.index_cast %scan3A_850 : i32 to index
        %get3A_852 = arith.constant 0 : index
        %get3A_853 = tpu.vector_load %arg8[%get3A_851, %get3A_852] {strides = array<i32>} : memref<200x64xf32, #tpu.memory_space<vmem>>, vector<1x16xf32>,
        %get3A_854 = vector.shape_cast %get3A_853 : vector<1x16xf32> to vector<16xf32>
        %add3A_855 = arith.addf %add3A_833, %get3A_854 : vector<16xf32>
        %get3A_856 = arith.index_cast %scan3A_850 : i32 to index
        %get3A_857 = arith.constant 16 : index
        %get3A_858 = tpu.vector_load %arg8[%get3A_856, %get3A_857] {strides = array<i32>} : memref<200x64xf32, #tpu.memory_space<vmem>>, vector<1x16xf32>,
        %get3A_859 = vector.shape_cast %get3A_858 : vector<1x16xf32> to vector<16xf32>
        %add3A_860 = arith.addf %add3A_838, %get3A_859 : vector<16xf32>
        %get3A_861 = arith.index_cast %scan3A_850 : i32 to index
        %get3A_862 = arith.constant 32 : index
        %get3A_863 = tpu.vector_load %arg8[%get3A_861, %get3A_862] {strides = array<i32>} : memref<200x64xf32, #tpu.memory_space<vmem>>, vector<1x16xf32>,
        %get3A_864 = vector.shape_cast %get3A_863 : vector<1x16xf32> to vector<16xf32>
        %add3A_865 = arith.addf %add3A_843, %get3A_864 : vector<16xf32>
        %get3A_866 = arith.index_cast %scan3A_850 : i32 to index
        %get3A_867 = arith.constant 48 : index
        %get3A_868 = tpu.vector_load %arg8[%get3A_866, %get3A_867] {strides = array<i32>} : memref<200x64xf32, #tpu.memory_space<vmem>>, vector<1x16xf32>,
        %get3A_869 = vector.shape_cast %get3A_868 : vector<1x16xf32> to vector<16xf32>
        %add3A_870 = arith.addf %add3A_848, %get3A_869 : vector<16xf32>
        %scan3A_871 = arith.constant 23 : i32
        %scan3A_872 = arith.addi %scan3A_363, %scan3A_871 : i32
        %get3A_873 = arith.index_cast %scan3A_872 : i32 to index
        %get3A_874 = arith.constant 0 : index
        %get3A_875 = tpu.vector_load %arg8[%get3A_873, %get3A_874] {strides = array<i32>} : memref<200x64xf32, #tpu.memory_space<vmem>>, vector<1x16xf32>,
        %get3A_876 = vector.shape_cast %get3A_875 : vector<1x16xf32> to vector<16xf32>
        %add3A_877 = arith.addf %add3A_855, %get3A_876 : vector<16xf32>
        %get3A_878 = arith.index_cast %scan3A_872 : i32 to index
        %get3A_879 = arith.constant 16 : index
        %get3A_880 = tpu.vector_load %arg8[%get3A_878, %get3A_879] {strides = array<i32>} : memref<200x64xf32, #tpu.memory_space<vmem>>, vector<1x16xf32>,
        %get3A_881 = vector.shape_cast %get3A_880 : vector<1x16xf32> to vector<16xf32>
        %add3A_882 = arith.addf %add3A_860, %get3A_881 : vector<16xf32>
        %get3A_883 = arith.index_cast %scan3A_872 : i32 to index
        %get3A_884 = arith.constant 32 : index
        %get3A_885 = tpu.vector_load %arg8[%get3A_883, %get3A_884] {strides = array<i32>} : memref<200x64xf32, #tpu.memory_space<vmem>>, vector<1x16xf32>,
        %get3A_886 = vector.shape_cast %get3A_885 : vector<1x16xf32> to vector<16xf32>
        %add3A_887 = arith.addf %add3A_865, %get3A_886 : vector<16xf32>
        %get3A_888 = arith.index_cast %scan3A_872 : i32 to index
        %get3A_889 = arith.constant 48 : index
        %get3A_890 = tpu.vector_load %arg8[%get3A_888, %get3A_889] {strides = array<i32>} : memref<200x64xf32, #tpu.memory_space<vmem>>, vector<1x16xf32>,
        %get3A_891 = vector.shape_cast %get3A_890 : vector<1x16xf32> to vector<16xf32>
        %add3A_892 = arith.addf %add3A_870, %get3A_891 : vector<16xf32>
        %scan3A_893 = arith.constant 24 : i32
        %scan3A_894 = arith.addi %scan3A_363, %scan3A_893 : i32
        %get3A_895 = arith.index_cast %scan3A_894 : i32 to index
        %get3A_896 = arith.constant 0 : index
        %get3A_897 = tpu.vector_load %arg8[%get3A_895, %get3A_896] {strides = array<i32>} : memref<200x64xf32, #tpu.memory_space<vmem>>, vector<1x16xf32>,
        %get3A_898 = vector.shape_cast %get3A_897 : vector<1x16xf32> to vector<16xf32>
        %add3A_899 = arith.addf %add3A_877, %get3A_898 : vector<16xf32>
        %get3A_900 = arith.index_cast %scan3A_894 : i32 to index
        %get3A_901 = arith.constant 16 : index
        %get3A_902 = tpu.vector_load %arg8[%get3A_900, %get3A_901] {strides = array<i32>} : memref<200x64xf32, #tpu.memory_space<vmem>>, vector<1x16xf32>,
        %get3A_903 = vector.shape_cast %get3A_902 : vector<1x16xf32> to vector<16xf32>
        %add3A_904 = arith.addf %add3A_882, %get3A_903 : vector<16xf32>
        %get3A_905 = arith.index_cast %scan3A_894 : i32 to index
        %get3A_906 = arith.constant 32 : index
        %get3A_907 = tpu.vector_load %arg8[%get3A_905, %get3A_906] {strides = array<i32>} : memref<200x64xf32, #tpu.memory_space<vmem>>, vector<1x16xf32>,
        %get3A_908 = vector.shape_cast %get3A_907 : vector<1x16xf32> to vector<16xf32>
        %add3A_909 = arith.addf %add3A_887, %get3A_908 : vector<16xf32>
        %get3A_910 = arith.index_cast %scan3A_894 : i32 to index
        %get3A_911 = arith.constant 48 : index
        %get3A_912 = tpu.vector_load %arg8[%get3A_910, %get3A_911] {strides = array<i32>} : memref<200x64xf32, #tpu.memory_space<vmem>>, vector<1x16xf32>,
        %get3A_913 = vector.shape_cast %get3A_912 : vector<1x16xf32> to vector<16xf32>
        %add3A_914 = arith.addf %add3A_892, %get3A_913 : vector<16xf32>
        scf.yield %add3A_899, %add3A_904, %add3A_909, %add3A_914 : vector<16xf32>, vector<16xf32>, vector<16xf32>, vector<16xf32>
      }
      %scan3A_255 = arith.constant 200 : i32
      %mul3A_256 = arith.constant 5.000000e-03 : f32
      %mul3A_257 = vector.broadcast %mul3A_256 : f32 to vector<16xf32>
      %mul3A_258 = arith.mulf %scan3A_254#0, %mul3A_257 : vector<16xf32>
      %swap3A_259 = arith.index_cast %add3A_214 : i32 to index
      %swap3A_260 = arith.constant 0 : index
      %swap3A_261 = tpu.vector_load %arg10[%swap3A_259, %swap3A_260] {strides = array<i32>} : memref<128x64xf32, #tpu.memory_space<vmem>>, vector<1x16xf32>,
      %swap3A_262 = vector.shape_cast %swap3A_261 : vector<1x16xf32> to vector<16xf32>
      %swap3A_263 = vector.shape_cast %mul3A_258 : vector<16xf32> to vector<1x16xf32>
      tpu.vector_store %arg10[%swap3A_259, %swap3A_260], %swap3A_263 {strides = array<i32>} : memref<128x64xf32, #tpu.memory_space<vmem>>, vector<1x16xf32>,
      %mul3A_264 = arith.constant 5.000000e-03 : f32
      %mul3A_265 = vector.broadcast %mul3A_264 : f32 to vector<16xf32>
      %mul3A_266 = arith.mulf %scan3A_254#1, %mul3A_265 : vector<16xf32>
      %swap3A_267 = arith.index_cast %add3A_214 : i32 to index
      %swap3A_268 = arith.constant 16 : index
      %swap3A_269 = tpu.vector_load %arg10[%swap3A_267, %swap3A_268] {strides = array<i32>} : memref<128x64xf32, #tpu.memory_space<vmem>>, vector<1x16xf32>,
      %swap3A_270 = vector.shape_cast %swap3A_269 : vector<1x16xf32> to vector<16xf32>
      %swap3A_271 = vector.shape_cast %mul3A_266 : vector<16xf32> to vector<1x16xf32>
      tpu.vector_store %arg10[%swap3A_267, %swap3A_268], %swap3A_271 {strides = array<i32>} : memref<128x64xf32, #tpu.memory_space<vmem>>, vector<1x16xf32>,
      %mul3A_272 = arith.constant 5.000000e-03 : f32
      %mul3A_273 = vector.broadcast %mul3A_272 : f32 to vector<16xf32>
      %mul3A_274 = arith.mulf %scan3A_254#2, %mul3A_273 : vector<16xf32>
      %swap3A_275 = arith.index_cast %add3A_214 : i32 to index
      %swap3A_276 = arith.constant 32 : index
      %swap3A_277 = tpu.vector_load %arg10[%swap3A_275, %swap3A_276] {strides = array<i32>} : memref<128x64xf32, #tpu.memory_space<vmem>>, vector<1x16xf32>,
      %swap3A_278 = vector.shape_cast %swap3A_277 : vector<1x16xf32> to vector<16xf32>
      %swap3A_279 = vector.shape_cast %mul3A_274 : vector<16xf32> to vector<1x16xf32>
      tpu.vector_store %arg10[%swap3A_275, %swap3A_276], %swap3A_279 {strides = array<i32>} : memref<128x64xf32, #tpu.memory_space<vmem>>, vector<1x16xf32>,
      %mul3A_280 = arith.constant 5.000000e-03 : f32
      %mul3A_281 = vector.broadcast %mul3A_280 : f32 to vector<16xf32>
      %mul3A_282 = arith.mulf %scan3A_254#3, %mul3A_281 : vector<16xf32>
      %swap3A_283 = arith.index_cast %add3A_214 : i32 to index
      %swap3A_284 = arith.constant 48 : index
      %swap3A_285 = tpu.vector_load %arg10[%swap3A_283, %swap3A_284] {strides = array<i32>} : memref<128x64xf32, #tpu.memory_space<vmem>>, vector<1x16xf32>,
      %swap3A_286 = vector.shape_cast %swap3A_285 : vector<1x16xf32> to vector<16xf32>
      %swap3A_287 = vector.shape_cast %mul3A_282 : vector<16xf32> to vector<1x16xf32>
      tpu.vector_store %arg10[%swap3A_283, %swap3A_284], %swap3A_287 {strides = array<i32>} : memref<128x64xf32, #tpu.memory_space<vmem>>, vector<1x16xf32>,
      %add3A_288 = arith.constant 3 : i32
      %add3A_289 = arith.addi %mul3A_69, %add3A_288 : i32
      %dma_wait3A_290 = arith.constant 0 : i32
      %dma_wait3A_291 = arith.constant 0 : i32
      %dma_wait3A_292 = tpu.memref_slice %arg9[%dma_wait3A_290, %dma_wait3A_291] : memref<200x64xf32, #tpu.memory_space<vmem>> -> memref<128x64xf32, #tpu.memory_space<vmem>>
      %dma_wait3A_293 = arith.constant 0 : i32
      %dma_wait3A_294 = tpu.memref_slice %arg5[%add3A_289, %dma_wait3A_293] : memref<128x200xi32, #tpu.memory_space<vmem>> -> memref<1x128xi32, #tpu.memory_space<vmem>>
      %dma_wait3A_295 = tpu.memref_squeeze %dma_wait3A_294 : memref<1x128xi32, #tpu.memory_space<vmem>> -> memref<128xi32, #tpu.memory_space<vmem>>
      %dma_wait3A_296 = arith.constant 0 : i32
      %dma_wait3A_297 = arith.constant 0 : i32
      %dma_wait3A_298 = tpu.memref_slice %arg3[%dma_wait3A_296, %dma_wait3A_297] : memref<2000000x64xf32, #tpu.memory_space<hbm>> -> memref<2000000x64xf32, #tpu.memory_space<hbm>>
      tpu.wait_indirect_dma semaphore(%arg14 : memref<!tpu.dma_semaphore, #tpu.memory_space<semaphore_mem>>) src(%dma_wait3A_298 : memref<2000000x64xf32, #tpu.memory_space<hbm>>) dst(%dma_wait3A_292 : memref<128x64xf32, #tpu.memory_space<vmem>>)
      %dma_wait3A_299 = arith.constant 128 : i32
      %dma_wait3A_300 = arith.constant 0 : i32
      %dma_wait3A_301 = tpu.memref_slice %arg9[%dma_wait3A_299, %dma_wait3A_300] : memref<200x64xf32, #tpu.memory_space<vmem>> -> memref<72x64xf32, #tpu.memory_space<vmem>>
      %dma_wait3A_302 = arith.constant 128 : i32
      %dma_wait3A_303 = tpu.memref_slice %arg5[%add3A_289, %dma_wait3A_302] : memref<128x200xi32, #tpu.memory_space<vmem>> -> memref<1x72xi32, #tpu.memory_space<vmem>>
      %dma_wait3A_304 = tpu.memref_squeeze %dma_wait3A_303 : memref<1x72xi32, #tpu.memory_space<vmem>> -> memref<72xi32, #tpu.memory_space<vmem>>
      %dma_wait3A_305 = arith.constant 0 : i32
      %dma_wait3A_306 = arith.constant 0 : i32
      %dma_wait3A_307 = tpu.memref_slice %arg3[%dma_wait3A_305, %dma_wait3A_306] : memref<2000000x64xf32, #tpu.memory_space<hbm>> -> memref<2000000x64xf32, #tpu.memory_space<hbm>>
      tpu.wait_indirect_dma semaphore(%arg14 : memref<!tpu.dma_semaphore, #tpu.memory_space<semaphore_mem>>) src(%dma_wait3A_307 : memref<2000000x64xf32, #tpu.memory_space<hbm>>) dst(%dma_wait3A_301 : memref<72x64xf32, #tpu.memory_space<vmem>>)
      %add3A_308 = arith.constant 4 : i32
      %add3A_309 = arith.addi %add3A_289, %add3A_308 : i32
      %sub3A_310 = arith.constant 1 : i32
      %sub3A_311 = arith.subi %add3A_309, %sub3A_310 : i32
      %lt3A_312 = arith.constant 128 : i32
      %lt3A_313 = arith.cmpi slt, %sub3A_311, %lt3A_312 : i32
      %convert_element_type3A_314 = arith.extui %lt3A_313 : i1 to i32
      %cond3A_315 = arith.constant 0 : i32
      %cond3A_316 = arith.cmpi ne, %convert_element_type3A_314, %cond3A_315 : i32
      scf.if %cond3A_316 {
        %add3A_363 = arith.constant 4 : i32
        %add3A_364 = arith.addi %add3A_289, %add3A_363 : i32
        %sub3A_365 = arith.constant 1 : i32
        %sub3A_366 = arith.subi %add3A_364, %sub3A_365 : i32
        %dma_start3A_367 = arith.constant 0 : i32
        %dma_start3A_368 = arith.constant 0 : i32
        %dma_start3A_369 = tpu.memref_slice %arg8[%dma_start3A_367, %dma_start3A_368] : memref<200x64xf32, #tpu.memory_space<vmem>> -> memref<128x64xf32, #tpu.memory_space<vmem>>
        %dma_start3A_370 = arith.constant 0 : i32
        %dma_start3A_371 = tpu.memref_slice %arg5[%sub3A_366, %dma_start3A_370] : memref<128x200xi32, #tpu.memory_space<vmem>> -> memref<1x128xi32, #tpu.memory_space<vmem>>
        %dma_start3A_372 = tpu.memref_squeeze %dma_start3A_371 : memref<1x128xi32, #tpu.memory_space<vmem>> -> memref<128xi32, #tpu.memory_space<vmem>>
        %dma_start3A_373 = arith.constant 0 : i32
        %dma_start3A_374 = arith.constant 0 : i32
        %dma_start3A_375 = tpu.memref_slice %arg3[%dma_start3A_373, %dma_start3A_374] : memref<2000000x64xf32, #tpu.memory_space<hbm>> -> memref<2000000x64xf32, #tpu.memory_space<hbm>>
        tpu.enqueue_indirect_dma source(%dma_start3A_375 : memref<2000000x64xf32, #tpu.memory_space<hbm>>) target(%dma_start3A_369 : memref<128x64xf32, #tpu.memory_space<vmem>>) offsets(%dma_start3A_372 : memref<128xi32, #tpu.memory_space<vmem>>) semaphore(%arg13 : memref<!tpu.dma_semaphore, #tpu.memory_space<semaphore_mem>>)
        %dma_start3A_376 = arith.constant 128 : i32
        %dma_start3A_377 = arith.constant 0 : i32
        %dma_start3A_378 = tpu.memref_slice %arg8[%dma_start3A_376, %dma_start3A_377] : memref<200x64xf32, #tpu.memory_space<vmem>> -> memref<72x64xf32, #tpu.memory_space<vmem>>
        %dma_start3A_379 = arith.constant 128 : i32
        %dma_start3A_380 = tpu.memref_slice %arg5[%sub3A_366, %dma_start3A_379] : memref<128x200xi32, #tpu.memory_space<vmem>> -> memref<1x72xi32, #tpu.memory_space<vmem>>
        %dma_start3A_381 = tpu.memref_squeeze %dma_start3A_380 : memref<1x72xi32, #tpu.memory_space<vmem>> -> memref<72xi32, #tpu.memory_space<vmem>>
        %dma_start3A_382 = arith.constant 0 : i32
        %dma_start3A_383 = arith.constant 0 : i32
        %dma_start3A_384 = tpu.memref_slice %arg3[%dma_start3A_382, %dma_start3A_383] : memref<2000000x64xf32, #tpu.memory_space<hbm>> -> memref<2000000x64xf32, #tpu.memory_space<hbm>>
        tpu.enqueue_indirect_dma source(%dma_start3A_384 : memref<2000000x64xf32, #tpu.memory_space<hbm>>) target(%dma_start3A_378 : memref<72x64xf32, #tpu.memory_space<vmem>>) offsets(%dma_start3A_381 : memref<72xi32, #tpu.memory_space<vmem>>) semaphore(%arg13 : memref<!tpu.dma_semaphore, #tpu.memory_space<semaphore_mem>>)
      } else {
      }
      %broadcast_in_dim3A_317 = arith.constant 0.000000e+00 : f32
      %broadcast_in_dim3A_318 = vector.broadcast %broadcast_in_dim3A_317 : f32 to vector<16xf32>
      %broadcast_in_dim3A_319 = arith.constant 0.000000e+00 : f32
      %broadcast_in_dim3A_320 = vector.broadcast %broadcast_in_dim3A_319 : f32 to vector<16xf32>
      %broadcast_in_dim3A_321 = arith.constant 0.000000e+00 : f32
      %broadcast_in_dim3A_322 = vector.broadcast %broadcast_in_dim3A_321 : f32 to vector<16xf32>
      %broadcast_in_dim3A_323 = arith.constant 0.000000e+00 : f32
      %broadcast_in_dim3A_324 = vector.broadcast %broadcast_in_dim3A_323 : f32 to vector<16xf32>
      %scan3A_325 = arith.constant 0 : i32
      %scan3A_326 = arith.constant 200 : i32
      %scan3A_327 = arith.addi %scan3A_325, %scan3A_326 : i32
      %scan3A_328 = arith.constant 25 : i32
      %scan3A_329:4 = scf.for %scan3A_363 = %scan3A_325 to %scan3A_327 step %scan3A_328 iter_args(%scan3A_364 = %broadcast_in_dim3A_318, %scan3A_365 = %broadcast_in_dim3A_320, %scan3A_366 = %broadcast_in_dim3A_322, %scan3A_367 = %broadcast_in_dim3A_324) -> (vector<16xf32>, vector<16xf32>, vector<16xf32>, vector<16xf32>)  : i32 {
        %get3A = arith.index_cast %scan3A_363 : i32 to index
        %get3A_368 = arith.constant 0 : index
        %get3A_369 = tpu.vector_load %arg9[%get3A, %get3A_368] {strides = array<i32>} : memref<200x64xf32, #tpu.memory_space<vmem>>, vector<1x16xf32>,
        %get3A_370 = vector.shape_cast %get3A_369 : vector<1x16xf32> to vector<16xf32>
        %add3A_371 = arith.addf %scan3A_364, %get3A_370 : vector<16xf32>
        %get3A_372 = arith.index_cast %scan3A_363 : i32 to index
        %get3A_373 = arith.constant 16 : index
        %get3A_374 = tpu.vector_load %arg9[%get3A_372, %get3A_373] {strides = array<i32>} : memref<200x64xf32, #tpu.memory_space<vmem>>, vector<1x16xf32>,
        %get3A_375 = vector.shape_cast %get3A_374 : vector<1x16xf32> to vector<16xf32>
        %add3A_376 = arith.addf %scan3A_365, %get3A_375 : vector<16xf32>
        %get3A_377 = arith.index_cast %scan3A_363 : i32 to index
        %get3A_378 = arith.constant 32 : index
        %get3A_379 = tpu.vector_load %arg9[%get3A_377, %get3A_378] {strides = array<i32>} : memref<200x64xf32, #tpu.memory_space<vmem>>, vector<1x16xf32>,
        %get3A_380 = vector.shape_cast %get3A_379 : vector<1x16xf32> to vector<16xf32>
        %add3A_381 = arith.addf %scan3A_366, %get3A_380 : vector<16xf32>
        %get3A_382 = arith.index_cast %scan3A_363 : i32 to index
        %get3A_383 = arith.constant 48 : index
        %get3A_384 = tpu.vector_load %arg9[%get3A_382, %get3A_383] {strides = array<i32>} : memref<200x64xf32, #tpu.memory_space<vmem>>, vector<1x16xf32>,
        %get3A_385 = vector.shape_cast %get3A_384 : vector<1x16xf32> to vector<16xf32>
        %add3A_386 = arith.addf %scan3A_367, %get3A_385 : vector<16xf32>
        %scan3A_387 = arith.constant 1 : i32
        %scan3A_388 = arith.addi %scan3A_363, %scan3A_387 : i32
        %get3A_389 = arith.index_cast %scan3A_388 : i32 to index
        %get3A_390 = arith.constant 0 : index
        %get3A_391 = tpu.vector_load %arg9[%get3A_389, %get3A_390] {strides = array<i32>} : memref<200x64xf32, #tpu.memory_space<vmem>>, vector<1x16xf32>,
        %get3A_392 = vector.shape_cast %get3A_391 : vector<1x16xf32> to vector<16xf32>
        %add3A_393 = arith.addf %add3A_371, %get3A_392 : vector<16xf32>
        %get3A_394 = arith.index_cast %scan3A_388 : i32 to index
        %get3A_395 = arith.constant 16 : index
        %get3A_396 = tpu.vector_load %arg9[%get3A_394, %get3A_395] {strides = array<i32>} : memref<200x64xf32, #tpu.memory_space<vmem>>, vector<1x16xf32>,
        %get3A_397 = vector.shape_cast %get3A_396 : vector<1x16xf32> to vector<16xf32>
        %add3A_398 = arith.addf %add3A_376, %get3A_397 : vector<16xf32>
        %get3A_399 = arith.index_cast %scan3A_388 : i32 to index
        %get3A_400 = arith.constant 32 : index
        %get3A_401 = tpu.vector_load %arg9[%get3A_399, %get3A_400] {strides = array<i32>} : memref<200x64xf32, #tpu.memory_space<vmem>>, vector<1x16xf32>,
        %get3A_402 = vector.shape_cast %get3A_401 : vector<1x16xf32> to vector<16xf32>
        %add3A_403 = arith.addf %add3A_381, %get3A_402 : vector<16xf32>
        %get3A_404 = arith.index_cast %scan3A_388 : i32 to index
        %get3A_405 = arith.constant 48 : index
        %get3A_406 = tpu.vector_load %arg9[%get3A_404, %get3A_405] {strides = array<i32>} : memref<200x64xf32, #tpu.memory_space<vmem>>, vector<1x16xf32>,
        %get3A_407 = vector.shape_cast %get3A_406 : vector<1x16xf32> to vector<16xf32>
        %add3A_408 = arith.addf %add3A_386, %get3A_407 : vector<16xf32>
        %scan3A_409 = arith.constant 2 : i32
        %scan3A_410 = arith.addi %scan3A_363, %scan3A_409 : i32
        %get3A_411 = arith.index_cast %scan3A_410 : i32 to index
        %get3A_412 = arith.constant 0 : index
        %get3A_413 = tpu.vector_load %arg9[%get3A_411, %get3A_412] {strides = array<i32>} : memref<200x64xf32, #tpu.memory_space<vmem>>, vector<1x16xf32>,
        %get3A_414 = vector.shape_cast %get3A_413 : vector<1x16xf32> to vector<16xf32>
        %add3A_415 = arith.addf %add3A_393, %get3A_414 : vector<16xf32>
        %get3A_416 = arith.index_cast %scan3A_410 : i32 to index
        %get3A_417 = arith.constant 16 : index
        %get3A_418 = tpu.vector_load %arg9[%get3A_416, %get3A_417] {strides = array<i32>} : memref<200x64xf32, #tpu.memory_space<vmem>>, vector<1x16xf32>,
        %get3A_419 = vector.shape_cast %get3A_418 : vector<1x16xf32> to vector<16xf32>
        %add3A_420 = arith.addf %add3A_398, %get3A_419 : vector<16xf32>
        %get3A_421 = arith.index_cast %scan3A_410 : i32 to index
        %get3A_422 = arith.constant 32 : index
        %get3A_423 = tpu.vector_load %arg9[%get3A_421, %get3A_422] {strides = array<i32>} : memref<200x64xf32, #tpu.memory_space<vmem>>, vector<1x16xf32>,
        %get3A_424 = vector.shape_cast %get3A_423 : vector<1x16xf32> to vector<16xf32>
        %add3A_425 = arith.addf %add3A_403, %get3A_424 : vector<16xf32>
        %get3A_426 = arith.index_cast %scan3A_410 : i32 to index
        %get3A_427 = arith.constant 48 : index
        %get3A_428 = tpu.vector_load %arg9[%get3A_426, %get3A_427] {strides = array<i32>} : memref<200x64xf32, #tpu.memory_space<vmem>>, vector<1x16xf32>,
        %get3A_429 = vector.shape_cast %get3A_428 : vector<1x16xf32> to vector<16xf32>
        %add3A_430 = arith.addf %add3A_408, %get3A_429 : vector<16xf32>
        %scan3A_431 = arith.constant 3 : i32
        %scan3A_432 = arith.addi %scan3A_363, %scan3A_431 : i32
        %get3A_433 = arith.index_cast %scan3A_432 : i32 to index
        %get3A_434 = arith.constant 0 : index
        %get3A_435 = tpu.vector_load %arg9[%get3A_433, %get3A_434] {strides = array<i32>} : memref<200x64xf32, #tpu.memory_space<vmem>>, vector<1x16xf32>,
        %get3A_436 = vector.shape_cast %get3A_435 : vector<1x16xf32> to vector<16xf32>
        %add3A_437 = arith.addf %add3A_415, %get3A_436 : vector<16xf32>
        %get3A_438 = arith.index_cast %scan3A_432 : i32 to index
        %get3A_439 = arith.constant 16 : index
        %get3A_440 = tpu.vector_load %arg9[%get3A_438, %get3A_439] {strides = array<i32>} : memref<200x64xf32, #tpu.memory_space<vmem>>, vector<1x16xf32>,
        %get3A_441 = vector.shape_cast %get3A_440 : vector<1x16xf32> to vector<16xf32>
        %add3A_442 = arith.addf %add3A_420, %get3A_441 : vector<16xf32>
        %get3A_443 = arith.index_cast %scan3A_432 : i32 to index
        %get3A_444 = arith.constant 32 : index
        %get3A_445 = tpu.vector_load %arg9[%get3A_443, %get3A_444] {strides = array<i32>} : memref<200x64xf32, #tpu.memory_space<vmem>>, vector<1x16xf32>,
        %get3A_446 = vector.shape_cast %get3A_445 : vector<1x16xf32> to vector<16xf32>
        %add3A_447 = arith.addf %add3A_425, %get3A_446 : vector<16xf32>
        %get3A_448 = arith.index_cast %scan3A_432 : i32 to index
        %get3A_449 = arith.constant 48 : index
        %get3A_450 = tpu.vector_load %arg9[%get3A_448, %get3A_449] {strides = array<i32>} : memref<200x64xf32, #tpu.memory_space<vmem>>, vector<1x16xf32>,
        %get3A_451 = vector.shape_cast %get3A_450 : vector<1x16xf32> to vector<16xf32>
        %add3A_452 = arith.addf %add3A_430, %get3A_451 : vector<16xf32>
        %scan3A_453 = arith.constant 4 : i32
        %scan3A_454 = arith.addi %scan3A_363, %scan3A_453 : i32
        %get3A_455 = arith.index_cast %scan3A_454 : i32 to index
        %get3A_456 = arith.constant 0 : index
        %get3A_457 = tpu.vector_load %arg9[%get3A_455, %get3A_456] {strides = array<i32>} : memref<200x64xf32, #tpu.memory_space<vmem>>, vector<1x16xf32>,
        %get3A_458 = vector.shape_cast %get3A_457 : vector<1x16xf32> to vector<16xf32>
        %add3A_459 = arith.addf %add3A_437, %get3A_458 : vector<16xf32>
        %get3A_460 = arith.index_cast %scan3A_454 : i32 to index
        %get3A_461 = arith.constant 16 : index
        %get3A_462 = tpu.vector_load %arg9[%get3A_460, %get3A_461] {strides = array<i32>} : memref<200x64xf32, #tpu.memory_space<vmem>>, vector<1x16xf32>,
        %get3A_463 = vector.shape_cast %get3A_462 : vector<1x16xf32> to vector<16xf32>
        %add3A_464 = arith.addf %add3A_442, %get3A_463 : vector<16xf32>
        %get3A_465 = arith.index_cast %scan3A_454 : i32 to index
        %get3A_466 = arith.constant 32 : index
        %get3A_467 = tpu.vector_load %arg9[%get3A_465, %get3A_466] {strides = array<i32>} : memref<200x64xf32, #tpu.memory_space<vmem>>, vector<1x16xf32>,
        %get3A_468 = vector.shape_cast %get3A_467 : vector<1x16xf32> to vector<16xf32>
        %add3A_469 = arith.addf %add3A_447, %get3A_468 : vector<16xf32>
        %get3A_470 = arith.index_cast %scan3A_454 : i32 to index
        %get3A_471 = arith.constant 48 : index
        %get3A_472 = tpu.vector_load %arg9[%get3A_470, %get3A_471] {strides = array<i32>} : memref<200x64xf32, #tpu.memory_space<vmem>>, vector<1x16xf32>,
        %get3A_473 = vector.shape_cast %get3A_472 : vector<1x16xf32> to vector<16xf32>
        %add3A_474 = arith.addf %add3A_452, %get3A_473 : vector<16xf32>
        %scan3A_475 = arith.constant 5 : i32
        %scan3A_476 = arith.addi %scan3A_363, %scan3A_475 : i32
        %get3A_477 = arith.index_cast %scan3A_476 : i32 to index
        %get3A_478 = arith.constant 0 : index
        %get3A_479 = tpu.vector_load %arg9[%get3A_477, %get3A_478] {strides = array<i32>} : memref<200x64xf32, #tpu.memory_space<vmem>>, vector<1x16xf32>,
        %get3A_480 = vector.shape_cast %get3A_479 : vector<1x16xf32> to vector<16xf32>
        %add3A_481 = arith.addf %add3A_459, %get3A_480 : vector<16xf32>
        %get3A_482 = arith.index_cast %scan3A_476 : i32 to index
        %get3A_483 = arith.constant 16 : index
        %get3A_484 = tpu.vector_load %arg9[%get3A_482, %get3A_483] {strides = array<i32>} : memref<200x64xf32, #tpu.memory_space<vmem>>, vector<1x16xf32>,
        %get3A_485 = vector.shape_cast %get3A_484 : vector<1x16xf32> to vector<16xf32>
        %add3A_486 = arith.addf %add3A_464, %get3A_485 : vector<16xf32>
        %get3A_487 = arith.index_cast %scan3A_476 : i32 to index
        %get3A_488 = arith.constant 32 : index
        %get3A_489 = tpu.vector_load %arg9[%get3A_487, %get3A_488] {strides = array<i32>} : memref<200x64xf32, #tpu.memory_space<vmem>>, vector<1x16xf32>,
        %get3A_490 = vector.shape_cast %get3A_489 : vector<1x16xf32> to vector<16xf32>
        %add3A_491 = arith.addf %add3A_469, %get3A_490 : vector<16xf32>
        %get3A_492 = arith.index_cast %scan3A_476 : i32 to index
        %get3A_493 = arith.constant 48 : index
        %get3A_494 = tpu.vector_load %arg9[%get3A_492, %get3A_493] {strides = array<i32>} : memref<200x64xf32, #tpu.memory_space<vmem>>, vector<1x16xf32>,
        %get3A_495 = vector.shape_cast %get3A_494 : vector<1x16xf32> to vector<16xf32>
        %add3A_496 = arith.addf %add3A_474, %get3A_495 : vector<16xf32>
        %scan3A_497 = arith.constant 6 : i32
        %scan3A_498 = arith.addi %scan3A_363, %scan3A_497 : i32
        %get3A_499 = arith.index_cast %scan3A_498 : i32 to index
        %get3A_500 = arith.constant 0 : index
        %get3A_501 = tpu.vector_load %arg9[%get3A_499, %get3A_500] {strides = array<i32>} : memref<200x64xf32, #tpu.memory_space<vmem>>, vector<1x16xf32>,
        %get3A_502 = vector.shape_cast %get3A_501 : vector<1x16xf32> to vector<16xf32>
        %add3A_503 = arith.addf %add3A_481, %get3A_502 : vector<16xf32>
        %get3A_504 = arith.index_cast %scan3A_498 : i32 to index
        %get3A_505 = arith.constant 16 : index
        %get3A_506 = tpu.vector_load %arg9[%get3A_504, %get3A_505] {strides = array<i32>} : memref<200x64xf32, #tpu.memory_space<vmem>>, vector<1x16xf32>,
        %get3A_507 = vector.shape_cast %get3A_506 : vector<1x16xf32> to vector<16xf32>
        %add3A_508 = arith.addf %add3A_486, %get3A_507 : vector<16xf32>
        %get3A_509 = arith.index_cast %scan3A_498 : i32 to index
        %get3A_510 = arith.constant 32 : index
        %get3A_511 = tpu.vector_load %arg9[%get3A_509, %get3A_510] {strides = array<i32>} : memref<200x64xf32, #tpu.memory_space<vmem>>, vector<1x16xf32>,
        %get3A_512 = vector.shape_cast %get3A_511 : vector<1x16xf32> to vector<16xf32>
        %add3A_513 = arith.addf %add3A_491, %get3A_512 : vector<16xf32>
        %get3A_514 = arith.index_cast %scan3A_498 : i32 to index
        %get3A_515 = arith.constant 48 : index
        %get3A_516 = tpu.vector_load %arg9[%get3A_514, %get3A_515] {strides = array<i32>} : memref<200x64xf32, #tpu.memory_space<vmem>>, vector<1x16xf32>,
        %get3A_517 = vector.shape_cast %get3A_516 : vector<1x16xf32> to vector<16xf32>
        %add3A_518 = arith.addf %add3A_496, %get3A_517 : vector<16xf32>
        %scan3A_519 = arith.constant 7 : i32
        %scan3A_520 = arith.addi %scan3A_363, %scan3A_519 : i32
        %get3A_521 = arith.index_cast %scan3A_520 : i32 to index
        %get3A_522 = arith.constant 0 : index
        %get3A_523 = tpu.vector_load %arg9[%get3A_521, %get3A_522] {strides = array<i32>} : memref<200x64xf32, #tpu.memory_space<vmem>>, vector<1x16xf32>,
        %get3A_524 = vector.shape_cast %get3A_523 : vector<1x16xf32> to vector<16xf32>
        %add3A_525 = arith.addf %add3A_503, %get3A_524 : vector<16xf32>
        %get3A_526 = arith.index_cast %scan3A_520 : i32 to index
        %get3A_527 = arith.constant 16 : index
        %get3A_528 = tpu.vector_load %arg9[%get3A_526, %get3A_527] {strides = array<i32>} : memref<200x64xf32, #tpu.memory_space<vmem>>, vector<1x16xf32>,
        %get3A_529 = vector.shape_cast %get3A_528 : vector<1x16xf32> to vector<16xf32>
        %add3A_530 = arith.addf %add3A_508, %get3A_529 : vector<16xf32>
        %get3A_531 = arith.index_cast %scan3A_520 : i32 to index
        %get3A_532 = arith.constant 32 : index
        %get3A_533 = tpu.vector_load %arg9[%get3A_531, %get3A_532] {strides = array<i32>} : memref<200x64xf32, #tpu.memory_space<vmem>>, vector<1x16xf32>,
        %get3A_534 = vector.shape_cast %get3A_533 : vector<1x16xf32> to vector<16xf32>
        %add3A_535 = arith.addf %add3A_513, %get3A_534 : vector<16xf32>
        %get3A_536 = arith.index_cast %scan3A_520 : i32 to index
        %get3A_537 = arith.constant 48 : index
        %get3A_538 = tpu.vector_load %arg9[%get3A_536, %get3A_537] {strides = array<i32>} : memref<200x64xf32, #tpu.memory_space<vmem>>, vector<1x16xf32>,
        %get3A_539 = vector.shape_cast %get3A_538 : vector<1x16xf32> to vector<16xf32>
        %add3A_540 = arith.addf %add3A_518, %get3A_539 : vector<16xf32>
        %scan3A_541 = arith.constant 8 : i32
        %scan3A_542 = arith.addi %scan3A_363, %scan3A_541 : i32
        %get3A_543 = arith.index_cast %scan3A_542 : i32 to index
        %get3A_544 = arith.constant 0 : index
        %get3A_545 = tpu.vector_load %arg9[%get3A_543, %get3A_544] {strides = array<i32>} : memref<200x64xf32, #tpu.memory_space<vmem>>, vector<1x16xf32>,
        %get3A_546 = vector.shape_cast %get3A_545 : vector<1x16xf32> to vector<16xf32>
        %add3A_547 = arith.addf %add3A_525, %get3A_546 : vector<16xf32>
        %get3A_548 = arith.index_cast %scan3A_542 : i32 to index
        %get3A_549 = arith.constant 16 : index
        %get3A_550 = tpu.vector_load %arg9[%get3A_548, %get3A_549] {strides = array<i32>} : memref<200x64xf32, #tpu.memory_space<vmem>>, vector<1x16xf32>,
        %get3A_551 = vector.shape_cast %get3A_550 : vector<1x16xf32> to vector<16xf32>
        %add3A_552 = arith.addf %add3A_530, %get3A_551 : vector<16xf32>
        %get3A_553 = arith.index_cast %scan3A_542 : i32 to index
        %get3A_554 = arith.constant 32 : index
        %get3A_555 = tpu.vector_load %arg9[%get3A_553, %get3A_554] {strides = array<i32>} : memref<200x64xf32, #tpu.memory_space<vmem>>, vector<1x16xf32>,
        %get3A_556 = vector.shape_cast %get3A_555 : vector<1x16xf32> to vector<16xf32>
        %add3A_557 = arith.addf %add3A_535, %get3A_556 : vector<16xf32>
        %get3A_558 = arith.index_cast %scan3A_542 : i32 to index
        %get3A_559 = arith.constant 48 : index
        %get3A_560 = tpu.vector_load %arg9[%get3A_558, %get3A_559] {strides = array<i32>} : memref<200x64xf32, #tpu.memory_space<vmem>>, vector<1x16xf32>,
        %get3A_561 = vector.shape_cast %get3A_560 : vector<1x16xf32> to vector<16xf32>
        %add3A_562 = arith.addf %add3A_540, %get3A_561 : vector<16xf32>
        %scan3A_563 = arith.constant 9 : i32
        %scan3A_564 = arith.addi %scan3A_363, %scan3A_563 : i32
        %get3A_565 = arith.index_cast %scan3A_564 : i32 to index
        %get3A_566 = arith.constant 0 : index
        %get3A_567 = tpu.vector_load %arg9[%get3A_565, %get3A_566] {strides = array<i32>} : memref<200x64xf32, #tpu.memory_space<vmem>>, vector<1x16xf32>,
        %get3A_568 = vector.shape_cast %get3A_567 : vector<1x16xf32> to vector<16xf32>
        %add3A_569 = arith.addf %add3A_547, %get3A_568 : vector<16xf32>
        %get3A_570 = arith.index_cast %scan3A_564 : i32 to index
        %get3A_571 = arith.constant 16 : index
        %get3A_572 = tpu.vector_load %arg9[%get3A_570, %get3A_571] {strides = array<i32>} : memref<200x64xf32, #tpu.memory_space<vmem>>, vector<1x16xf32>,
        %get3A_573 = vector.shape_cast %get3A_572 : vector<1x16xf32> to vector<16xf32>
        %add3A_574 = arith.addf %add3A_552, %get3A_573 : vector<16xf32>
        %get3A_575 = arith.index_cast %scan3A_564 : i32 to index
        %get3A_576 = arith.constant 32 : index
        %get3A_577 = tpu.vector_load %arg9[%get3A_575, %get3A_576] {strides = array<i32>} : memref<200x64xf32, #tpu.memory_space<vmem>>, vector<1x16xf32>,
        %get3A_578 = vector.shape_cast %get3A_577 : vector<1x16xf32> to vector<16xf32>
        %add3A_579 = arith.addf %add3A_557, %get3A_578 : vector<16xf32>
        %get3A_580 = arith.index_cast %scan3A_564 : i32 to index
        %get3A_581 = arith.constant 48 : index
        %get3A_582 = tpu.vector_load %arg9[%get3A_580, %get3A_581] {strides = array<i32>} : memref<200x64xf32, #tpu.memory_space<vmem>>, vector<1x16xf32>,
        %get3A_583 = vector.shape_cast %get3A_582 : vector<1x16xf32> to vector<16xf32>
        %add3A_584 = arith.addf %add3A_562, %get3A_583 : vector<16xf32>
        %scan3A_585 = arith.constant 10 : i32
        %scan3A_586 = arith.addi %scan3A_363, %scan3A_585 : i32
        %get3A_587 = arith.index_cast %scan3A_586 : i32 to index
        %get3A_588 = arith.constant 0 : index
        %get3A_589 = tpu.vector_load %arg9[%get3A_587, %get3A_588] {strides = array<i32>} : memref<200x64xf32, #tpu.memory_space<vmem>>, vector<1x16xf32>,
        %get3A_590 = vector.shape_cast %get3A_589 : vector<1x16xf32> to vector<16xf32>
        %add3A_591 = arith.addf %add3A_569, %get3A_590 : vector<16xf32>
        %get3A_592 = arith.index_cast %scan3A_586 : i32 to index
        %get3A_593 = arith.constant 16 : index
        %get3A_594 = tpu.vector_load %arg9[%get3A_592, %get3A_593] {strides = array<i32>} : memref<200x64xf32, #tpu.memory_space<vmem>>, vector<1x16xf32>,
        %get3A_595 = vector.shape_cast %get3A_594 : vector<1x16xf32> to vector<16xf32>
        %add3A_596 = arith.addf %add3A_574, %get3A_595 : vector<16xf32>
        %get3A_597 = arith.index_cast %scan3A_586 : i32 to index
        %get3A_598 = arith.constant 32 : index
        %get3A_599 = tpu.vector_load %arg9[%get3A_597, %get3A_598] {strides = array<i32>} : memref<200x64xf32, #tpu.memory_space<vmem>>, vector<1x16xf32>,
        %get3A_600 = vector.shape_cast %get3A_599 : vector<1x16xf32> to vector<16xf32>
        %add3A_601 = arith.addf %add3A_579, %get3A_600 : vector<16xf32>
        %get3A_602 = arith.index_cast %scan3A_586 : i32 to index
        %get3A_603 = arith.constant 48 : index
        %get3A_604 = tpu.vector_load %arg9[%get3A_602, %get3A_603] {strides = array<i32>} : memref<200x64xf32, #tpu.memory_space<vmem>>, vector<1x16xf32>,
        %get3A_605 = vector.shape_cast %get3A_604 : vector<1x16xf32> to vector<16xf32>
        %add3A_606 = arith.addf %add3A_584, %get3A_605 : vector<16xf32>
        %scan3A_607 = arith.constant 11 : i32
        %scan3A_608 = arith.addi %scan3A_363, %scan3A_607 : i32
        %get3A_609 = arith.index_cast %scan3A_608 : i32 to index
        %get3A_610 = arith.constant 0 : index
        %get3A_611 = tpu.vector_load %arg9[%get3A_609, %get3A_610] {strides = array<i32>} : memref<200x64xf32, #tpu.memory_space<vmem>>, vector<1x16xf32>,
        %get3A_612 = vector.shape_cast %get3A_611 : vector<1x16xf32> to vector<16xf32>
        %add3A_613 = arith.addf %add3A_591, %get3A_612 : vector<16xf32>
        %get3A_614 = arith.index_cast %scan3A_608 : i32 to index
        %get3A_615 = arith.constant 16 : index
        %get3A_616 = tpu.vector_load %arg9[%get3A_614, %get3A_615] {strides = array<i32>} : memref<200x64xf32, #tpu.memory_space<vmem>>, vector<1x16xf32>,
        %get3A_617 = vector.shape_cast %get3A_616 : vector<1x16xf32> to vector<16xf32>
        %add3A_618 = arith.addf %add3A_596, %get3A_617 : vector<16xf32>
        %get3A_619 = arith.index_cast %scan3A_608 : i32 to index
        %get3A_620 = arith.constant 32 : index
        %get3A_621 = tpu.vector_load %arg9[%get3A_619, %get3A_620] {strides = array<i32>} : memref<200x64xf32, #tpu.memory_space<vmem>>, vector<1x16xf32>,
        %get3A_622 = vector.shape_cast %get3A_621 : vector<1x16xf32> to vector<16xf32>
        %add3A_623 = arith.addf %add3A_601, %get3A_622 : vector<16xf32>
        %get3A_624 = arith.index_cast %scan3A_608 : i32 to index
        %get3A_625 = arith.constant 48 : index
        %get3A_626 = tpu.vector_load %arg9[%get3A_624, %get3A_625] {strides = array<i32>} : memref<200x64xf32, #tpu.memory_space<vmem>>, vector<1x16xf32>,
        %get3A_627 = vector.shape_cast %get3A_626 : vector<1x16xf32> to vector<16xf32>
        %add3A_628 = arith.addf %add3A_606, %get3A_627 : vector<16xf32>
        %scan3A_629 = arith.constant 12 : i32
        %scan3A_630 = arith.addi %scan3A_363, %scan3A_629 : i32
        %get3A_631 = arith.index_cast %scan3A_630 : i32 to index
        %get3A_632 = arith.constant 0 : index
        %get3A_633 = tpu.vector_load %arg9[%get3A_631, %get3A_632] {strides = array<i32>} : memref<200x64xf32, #tpu.memory_space<vmem>>, vector<1x16xf32>,
        %get3A_634 = vector.shape_cast %get3A_633 : vector<1x16xf32> to vector<16xf32>
        %add3A_635 = arith.addf %add3A_613, %get3A_634 : vector<16xf32>
        %get3A_636 = arith.index_cast %scan3A_630 : i32 to index
        %get3A_637 = arith.constant 16 : index
        %get3A_638 = tpu.vector_load %arg9[%get3A_636, %get3A_637] {strides = array<i32>} : memref<200x64xf32, #tpu.memory_space<vmem>>, vector<1x16xf32>,
        %get3A_639 = vector.shape_cast %get3A_638 : vector<1x16xf32> to vector<16xf32>
        %add3A_640 = arith.addf %add3A_618, %get3A_639 : vector<16xf32>
        %get3A_641 = arith.index_cast %scan3A_630 : i32 to index
        %get3A_642 = arith.constant 32 : index
        %get3A_643 = tpu.vector_load %arg9[%get3A_641, %get3A_642] {strides = array<i32>} : memref<200x64xf32, #tpu.memory_space<vmem>>, vector<1x16xf32>,
        %get3A_644 = vector.shape_cast %get3A_643 : vector<1x16xf32> to vector<16xf32>
        %add3A_645 = arith.addf %add3A_623, %get3A_644 : vector<16xf32>
        %get3A_646 = arith.index_cast %scan3A_630 : i32 to index
        %get3A_647 = arith.constant 48 : index
        %get3A_648 = tpu.vector_load %arg9[%get3A_646, %get3A_647] {strides = array<i32>} : memref<200x64xf32, #tpu.memory_space<vmem>>, vector<1x16xf32>,
        %get3A_649 = vector.shape_cast %get3A_648 : vector<1x16xf32> to vector<16xf32>
        %add3A_650 = arith.addf %add3A_628, %get3A_649 : vector<16xf32>
        %scan3A_651 = arith.constant 13 : i32
        %scan3A_652 = arith.addi %scan3A_363, %scan3A_651 : i32
        %get3A_653 = arith.index_cast %scan3A_652 : i32 to index
        %get3A_654 = arith.constant 0 : index
        %get3A_655 = tpu.vector_load %arg9[%get3A_653, %get3A_654] {strides = array<i32>} : memref<200x64xf32, #tpu.memory_space<vmem>>, vector<1x16xf32>,
        %get3A_656 = vector.shape_cast %get3A_655 : vector<1x16xf32> to vector<16xf32>
        %add3A_657 = arith.addf %add3A_635, %get3A_656 : vector<16xf32>
        %get3A_658 = arith.index_cast %scan3A_652 : i32 to index
        %get3A_659 = arith.constant 16 : index
        %get3A_660 = tpu.vector_load %arg9[%get3A_658, %get3A_659] {strides = array<i32>} : memref<200x64xf32, #tpu.memory_space<vmem>>, vector<1x16xf32>,
        %get3A_661 = vector.shape_cast %get3A_660 : vector<1x16xf32> to vector<16xf32>
        %add3A_662 = arith.addf %add3A_640, %get3A_661 : vector<16xf32>
        %get3A_663 = arith.index_cast %scan3A_652 : i32 to index
        %get3A_664 = arith.constant 32 : index
        %get3A_665 = tpu.vector_load %arg9[%get3A_663, %get3A_664] {strides = array<i32>} : memref<200x64xf32, #tpu.memory_space<vmem>>, vector<1x16xf32>,
        %get3A_666 = vector.shape_cast %get3A_665 : vector<1x16xf32> to vector<16xf32>
        %add3A_667 = arith.addf %add3A_645, %get3A_666 : vector<16xf32>
        %get3A_668 = arith.index_cast %scan3A_652 : i32 to index
        %get3A_669 = arith.constant 48 : index
        %get3A_670 = tpu.vector_load %arg9[%get3A_668, %get3A_669] {strides = array<i32>} : memref<200x64xf32, #tpu.memory_space<vmem>>, vector<1x16xf32>,
        %get3A_671 = vector.shape_cast %get3A_670 : vector<1x16xf32> to vector<16xf32>
        %add3A_672 = arith.addf %add3A_650, %get3A_671 : vector<16xf32>
        %scan3A_673 = arith.constant 14 : i32
        %scan3A_674 = arith.addi %scan3A_363, %scan3A_673 : i32
        %get3A_675 = arith.index_cast %scan3A_674 : i32 to index
        %get3A_676 = arith.constant 0 : index
        %get3A_677 = tpu.vector_load %arg9[%get3A_675, %get3A_676] {strides = array<i32>} : memref<200x64xf32, #tpu.memory_space<vmem>>, vector<1x16xf32>,
        %get3A_678 = vector.shape_cast %get3A_677 : vector<1x16xf32> to vector<16xf32>
        %add3A_679 = arith.addf %add3A_657, %get3A_678 : vector<16xf32>
        %get3A_680 = arith.index_cast %scan3A_674 : i32 to index
        %get3A_681 = arith.constant 16 : index
        %get3A_682 = tpu.vector_load %arg9[%get3A_680, %get3A_681] {strides = array<i32>} : memref<200x64xf32, #tpu.memory_space<vmem>>, vector<1x16xf32>,
        %get3A_683 = vector.shape_cast %get3A_682 : vector<1x16xf32> to vector<16xf32>
        %add3A_684 = arith.addf %add3A_662, %get3A_683 : vector<16xf32>
        %get3A_685 = arith.index_cast %scan3A_674 : i32 to index
        %get3A_686 = arith.constant 32 : index
        %get3A_687 = tpu.vector_load %arg9[%get3A_685, %get3A_686] {strides = array<i32>} : memref<200x64xf32, #tpu.memory_space<vmem>>, vector<1x16xf32>,
        %get3A_688 = vector.shape_cast %get3A_687 : vector<1x16xf32> to vector<16xf32>
        %add3A_689 = arith.addf %add3A_667, %get3A_688 : vector<16xf32>
        %get3A_690 = arith.index_cast %scan3A_674 : i32 to index
        %get3A_691 = arith.constant 48 : index
        %get3A_692 = tpu.vector_load %arg9[%get3A_690, %get3A_691] {strides = array<i32>} : memref<200x64xf32, #tpu.memory_space<vmem>>, vector<1x16xf32>,
        %get3A_693 = vector.shape_cast %get3A_692 : vector<1x16xf32> to vector<16xf32>
        %add3A_694 = arith.addf %add3A_672, %get3A_693 : vector<16xf32>
        %scan3A_695 = arith.constant 15 : i32
        %scan3A_696 = arith.addi %scan3A_363, %scan3A_695 : i32
        %get3A_697 = arith.index_cast %scan3A_696 : i32 to index
        %get3A_698 = arith.constant 0 : index
        %get3A_699 = tpu.vector_load %arg9[%get3A_697, %get3A_698] {strides = array<i32>} : memref<200x64xf32, #tpu.memory_space<vmem>>, vector<1x16xf32>,
        %get3A_700 = vector.shape_cast %get3A_699 : vector<1x16xf32> to vector<16xf32>
        %add3A_701 = arith.addf %add3A_679, %get3A_700 : vector<16xf32>
        %get3A_702 = arith.index_cast %scan3A_696 : i32 to index
        %get3A_703 = arith.constant 16 : index
        %get3A_704 = tpu.vector_load %arg9[%get3A_702, %get3A_703] {strides = array<i32>} : memref<200x64xf32, #tpu.memory_space<vmem>>, vector<1x16xf32>,
        %get3A_705 = vector.shape_cast %get3A_704 : vector<1x16xf32> to vector<16xf32>
        %add3A_706 = arith.addf %add3A_684, %get3A_705 : vector<16xf32>
        %get3A_707 = arith.index_cast %scan3A_696 : i32 to index
        %get3A_708 = arith.constant 32 : index
        %get3A_709 = tpu.vector_load %arg9[%get3A_707, %get3A_708] {strides = array<i32>} : memref<200x64xf32, #tpu.memory_space<vmem>>, vector<1x16xf32>,
        %get3A_710 = vector.shape_cast %get3A_709 : vector<1x16xf32> to vector<16xf32>
        %add3A_711 = arith.addf %add3A_689, %get3A_710 : vector<16xf32>
        %get3A_712 = arith.index_cast %scan3A_696 : i32 to index
        %get3A_713 = arith.constant 48 : index
        %get3A_714 = tpu.vector_load %arg9[%get3A_712, %get3A_713] {strides = array<i32>} : memref<200x64xf32, #tpu.memory_space<vmem>>, vector<1x16xf32>,
        %get3A_715 = vector.shape_cast %get3A_714 : vector<1x16xf32> to vector<16xf32>
        %add3A_716 = arith.addf %add3A_694, %get3A_715 : vector<16xf32>
        %scan3A_717 = arith.constant 16 : i32
        %scan3A_718 = arith.addi %scan3A_363, %scan3A_717 : i32
        %get3A_719 = arith.index_cast %scan3A_718 : i32 to index
        %get3A_720 = arith.constant 0 : index
        %get3A_721 = tpu.vector_load %arg9[%get3A_719, %get3A_720] {strides = array<i32>} : memref<200x64xf32, #tpu.memory_space<vmem>>, vector<1x16xf32>,
        %get3A_722 = vector.shape_cast %get3A_721 : vector<1x16xf32> to vector<16xf32>
        %add3A_723 = arith.addf %add3A_701, %get3A_722 : vector<16xf32>
        %get3A_724 = arith.index_cast %scan3A_718 : i32 to index
        %get3A_725 = arith.constant 16 : index
        %get3A_726 = tpu.vector_load %arg9[%get3A_724, %get3A_725] {strides = array<i32>} : memref<200x64xf32, #tpu.memory_space<vmem>>, vector<1x16xf32>,
        %get3A_727 = vector.shape_cast %get3A_726 : vector<1x16xf32> to vector<16xf32>
        %add3A_728 = arith.addf %add3A_706, %get3A_727 : vector<16xf32>
        %get3A_729 = arith.index_cast %scan3A_718 : i32 to index
        %get3A_730 = arith.constant 32 : index
        %get3A_731 = tpu.vector_load %arg9[%get3A_729, %get3A_730] {strides = array<i32>} : memref<200x64xf32, #tpu.memory_space<vmem>>, vector<1x16xf32>,
        %get3A_732 = vector.shape_cast %get3A_731 : vector<1x16xf32> to vector<16xf32>
        %add3A_733 = arith.addf %add3A_711, %get3A_732 : vector<16xf32>
        %get3A_734 = arith.index_cast %scan3A_718 : i32 to index
        %get3A_735 = arith.constant 48 : index
        %get3A_736 = tpu.vector_load %arg9[%get3A_734, %get3A_735] {strides = array<i32>} : memref<200x64xf32, #tpu.memory_space<vmem>>, vector<1x16xf32>,
        %get3A_737 = vector.shape_cast %get3A_736 : vector<1x16xf32> to vector<16xf32>
        %add3A_738 = arith.addf %add3A_716, %get3A_737 : vector<16xf32>
        %scan3A_739 = arith.constant 17 : i32
        %scan3A_740 = arith.addi %scan3A_363, %scan3A_739 : i32
        %get3A_741 = arith.index_cast %scan3A_740 : i32 to index
        %get3A_742 = arith.constant 0 : index
        %get3A_743 = tpu.vector_load %arg9[%get3A_741, %get3A_742] {strides = array<i32>} : memref<200x64xf32, #tpu.memory_space<vmem>>, vector<1x16xf32>,
        %get3A_744 = vector.shape_cast %get3A_743 : vector<1x16xf32> to vector<16xf32>
        %add3A_745 = arith.addf %add3A_723, %get3A_744 : vector<16xf32>
        %get3A_746 = arith.index_cast %scan3A_740 : i32 to index
        %get3A_747 = arith.constant 16 : index
        %get3A_748 = tpu.vector_load %arg9[%get3A_746, %get3A_747] {strides = array<i32>} : memref<200x64xf32, #tpu.memory_space<vmem>>, vector<1x16xf32>,
        %get3A_749 = vector.shape_cast %get3A_748 : vector<1x16xf32> to vector<16xf32>
        %add3A_750 = arith.addf %add3A_728, %get3A_749 : vector<16xf32>
        %get3A_751 = arith.index_cast %scan3A_740 : i32 to index
        %get3A_752 = arith.constant 32 : index
        %get3A_753 = tpu.vector_load %arg9[%get3A_751, %get3A_752] {strides = array<i32>} : memref<200x64xf32, #tpu.memory_space<vmem>>, vector<1x16xf32>,
        %get3A_754 = vector.shape_cast %get3A_753 : vector<1x16xf32> to vector<16xf32>
        %add3A_755 = arith.addf %add3A_733, %get3A_754 : vector<16xf32>
        %get3A_756 = arith.index_cast %scan3A_740 : i32 to index
        %get3A_757 = arith.constant 48 : index
        %get3A_758 = tpu.vector_load %arg9[%get3A_756, %get3A_757] {strides = array<i32>} : memref<200x64xf32, #tpu.memory_space<vmem>>, vector<1x16xf32>,
        %get3A_759 = vector.shape_cast %get3A_758 : vector<1x16xf32> to vector<16xf32>
        %add3A_760 = arith.addf %add3A_738, %get3A_759 : vector<16xf32>
        %scan3A_761 = arith.constant 18 : i32
        %scan3A_762 = arith.addi %scan3A_363, %scan3A_761 : i32
        %get3A_763 = arith.index_cast %scan3A_762 : i32 to index
        %get3A_764 = arith.constant 0 : index
        %get3A_765 = tpu.vector_load %arg9[%get3A_763, %get3A_764] {strides = array<i32>} : memref<200x64xf32, #tpu.memory_space<vmem>>, vector<1x16xf32>,
        %get3A_766 = vector.shape_cast %get3A_765 : vector<1x16xf32> to vector<16xf32>
        %add3A_767 = arith.addf %add3A_745, %get3A_766 : vector<16xf32>
        %get3A_768 = arith.index_cast %scan3A_762 : i32 to index
        %get3A_769 = arith.constant 16 : index
        %get3A_770 = tpu.vector_load %arg9[%get3A_768, %get3A_769] {strides = array<i32>} : memref<200x64xf32, #tpu.memory_space<vmem>>, vector<1x16xf32>,
        %get3A_771 = vector.shape_cast %get3A_770 : vector<1x16xf32> to vector<16xf32>
        %add3A_772 = arith.addf %add3A_750, %get3A_771 : vector<16xf32>
        %get3A_773 = arith.index_cast %scan3A_762 : i32 to index
        %get3A_774 = arith.constant 32 : index
        %get3A_775 = tpu.vector_load %arg9[%get3A_773, %get3A_774] {strides = array<i32>} : memref<200x64xf32, #tpu.memory_space<vmem>>, vector<1x16xf32>,
        %get3A_776 = vector.shape_cast %get3A_775 : vector<1x16xf32> to vector<16xf32>
        %add3A_777 = arith.addf %add3A_755, %get3A_776 : vector<16xf32>
        %get3A_778 = arith.index_cast %scan3A_762 : i32 to index
        %get3A_779 = arith.constant 48 : index
        %get3A_780 = tpu.vector_load %arg9[%get3A_778, %get3A_779] {strides = array<i32>} : memref<200x64xf32, #tpu.memory_space<vmem>>, vector<1x16xf32>,
        %get3A_781 = vector.shape_cast %get3A_780 : vector<1x16xf32> to vector<16xf32>
        %add3A_782 = arith.addf %add3A_760, %get3A_781 : vector<16xf32>
        %scan3A_783 = arith.constant 19 : i32
        %scan3A_784 = arith.addi %scan3A_363, %scan3A_783 : i32
        %get3A_785 = arith.index_cast %scan3A_784 : i32 to index
        %get3A_786 = arith.constant 0 : index
        %get3A_787 = tpu.vector_load %arg9[%get3A_785, %get3A_786] {strides = array<i32>} : memref<200x64xf32, #tpu.memory_space<vmem>>, vector<1x16xf32>,
        %get3A_788 = vector.shape_cast %get3A_787 : vector<1x16xf32> to vector<16xf32>
        %add3A_789 = arith.addf %add3A_767, %get3A_788 : vector<16xf32>
        %get3A_790 = arith.index_cast %scan3A_784 : i32 to index
        %get3A_791 = arith.constant 16 : index
        %get3A_792 = tpu.vector_load %arg9[%get3A_790, %get3A_791] {strides = array<i32>} : memref<200x64xf32, #tpu.memory_space<vmem>>, vector<1x16xf32>,
        %get3A_793 = vector.shape_cast %get3A_792 : vector<1x16xf32> to vector<16xf32>
        %add3A_794 = arith.addf %add3A_772, %get3A_793 : vector<16xf32>
        %get3A_795 = arith.index_cast %scan3A_784 : i32 to index
        %get3A_796 = arith.constant 32 : index
        %get3A_797 = tpu.vector_load %arg9[%get3A_795, %get3A_796] {strides = array<i32>} : memref<200x64xf32, #tpu.memory_space<vmem>>, vector<1x16xf32>,
        %get3A_798 = vector.shape_cast %get3A_797 : vector<1x16xf32> to vector<16xf32>
        %add3A_799 = arith.addf %add3A_777, %get3A_798 : vector<16xf32>
        %get3A_800 = arith.index_cast %scan3A_784 : i32 to index
        %get3A_801 = arith.constant 48 : index
        %get3A_802 = tpu.vector_load %arg9[%get3A_800, %get3A_801] {strides = array<i32>} : memref<200x64xf32, #tpu.memory_space<vmem>>, vector<1x16xf32>,
        %get3A_803 = vector.shape_cast %get3A_802 : vector<1x16xf32> to vector<16xf32>
        %add3A_804 = arith.addf %add3A_782, %get3A_803 : vector<16xf32>
        %scan3A_805 = arith.constant 20 : i32
        %scan3A_806 = arith.addi %scan3A_363, %scan3A_805 : i32
        %get3A_807 = arith.index_cast %scan3A_806 : i32 to index
        %get3A_808 = arith.constant 0 : index
        %get3A_809 = tpu.vector_load %arg9[%get3A_807, %get3A_808] {strides = array<i32>} : memref<200x64xf32, #tpu.memory_space<vmem>>, vector<1x16xf32>,
        %get3A_810 = vector.shape_cast %get3A_809 : vector<1x16xf32> to vector<16xf32>
        %add3A_811 = arith.addf %add3A_789, %get3A_810 : vector<16xf32>
        %get3A_812 = arith.index_cast %scan3A_806 : i32 to index
        %get3A_813 = arith.constant 16 : index
        %get3A_814 = tpu.vector_load %arg9[%get3A_812, %get3A_813] {strides = array<i32>} : memref<200x64xf32, #tpu.memory_space<vmem>>, vector<1x16xf32>,
        %get3A_815 = vector.shape_cast %get3A_814 : vector<1x16xf32> to vector<16xf32>
        %add3A_816 = arith.addf %add3A_794, %get3A_815 : vector<16xf32>
        %get3A_817 = arith.index_cast %scan3A_806 : i32 to index
        %get3A_818 = arith.constant 32 : index
        %get3A_819 = tpu.vector_load %arg9[%get3A_817, %get3A_818] {strides = array<i32>} : memref<200x64xf32, #tpu.memory_space<vmem>>, vector<1x16xf32>,
        %get3A_820 = vector.shape_cast %get3A_819 : vector<1x16xf32> to vector<16xf32>
        %add3A_821 = arith.addf %add3A_799, %get3A_820 : vector<16xf32>
        %get3A_822 = arith.index_cast %scan3A_806 : i32 to index
        %get3A_823 = arith.constant 48 : index
        %get3A_824 = tpu.vector_load %arg9[%get3A_822, %get3A_823] {strides = array<i32>} : memref<200x64xf32, #tpu.memory_space<vmem>>, vector<1x16xf32>,
        %get3A_825 = vector.shape_cast %get3A_824 : vector<1x16xf32> to vector<16xf32>
        %add3A_826 = arith.addf %add3A_804, %get3A_825 : vector<16xf32>
        %scan3A_827 = arith.constant 21 : i32
        %scan3A_828 = arith.addi %scan3A_363, %scan3A_827 : i32
        %get3A_829 = arith.index_cast %scan3A_828 : i32 to index
        %get3A_830 = arith.constant 0 : index
        %get3A_831 = tpu.vector_load %arg9[%get3A_829, %get3A_830] {strides = array<i32>} : memref<200x64xf32, #tpu.memory_space<vmem>>, vector<1x16xf32>,
        %get3A_832 = vector.shape_cast %get3A_831 : vector<1x16xf32> to vector<16xf32>
        %add3A_833 = arith.addf %add3A_811, %get3A_832 : vector<16xf32>
        %get3A_834 = arith.index_cast %scan3A_828 : i32 to index
        %get3A_835 = arith.constant 16 : index
        %get3A_836 = tpu.vector_load %arg9[%get3A_834, %get3A_835] {strides = array<i32>} : memref<200x64xf32, #tpu.memory_space<vmem>>, vector<1x16xf32>,
        %get3A_837 = vector.shape_cast %get3A_836 : vector<1x16xf32> to vector<16xf32>
        %add3A_838 = arith.addf %add3A_816, %get3A_837 : vector<16xf32>
        %get3A_839 = arith.index_cast %scan3A_828 : i32 to index
        %get3A_840 = arith.constant 32 : index
        %get3A_841 = tpu.vector_load %arg9[%get3A_839, %get3A_840] {strides = array<i32>} : memref<200x64xf32, #tpu.memory_space<vmem>>, vector<1x16xf32>,
        %get3A_842 = vector.shape_cast %get3A_841 : vector<1x16xf32> to vector<16xf32>
        %add3A_843 = arith.addf %add3A_821, %get3A_842 : vector<16xf32>
        %get3A_844 = arith.index_cast %scan3A_828 : i32 to index
        %get3A_845 = arith.constant 48 : index
        %get3A_846 = tpu.vector_load %arg9[%get3A_844, %get3A_845] {strides = array<i32>} : memref<200x64xf32, #tpu.memory_space<vmem>>, vector<1x16xf32>,
        %get3A_847 = vector.shape_cast %get3A_846 : vector<1x16xf32> to vector<16xf32>
        %add3A_848 = arith.addf %add3A_826, %get3A_847 : vector<16xf32>
        %scan3A_849 = arith.constant 22 : i32
        %scan3A_850 = arith.addi %scan3A_363, %scan3A_849 : i32
        %get3A_851 = arith.index_cast %scan3A_850 : i32 to index
        %get3A_852 = arith.constant 0 : index
        %get3A_853 = tpu.vector_load %arg9[%get3A_851, %get3A_852] {strides = array<i32>} : memref<200x64xf32, #tpu.memory_space<vmem>>, vector<1x16xf32>,
        %get3A_854 = vector.shape_cast %get3A_853 : vector<1x16xf32> to vector<16xf32>
        %add3A_855 = arith.addf %add3A_833, %get3A_854 : vector<16xf32>
        %get3A_856 = arith.index_cast %scan3A_850 : i32 to index
        %get3A_857 = arith.constant 16 : index
        %get3A_858 = tpu.vector_load %arg9[%get3A_856, %get3A_857] {strides = array<i32>} : memref<200x64xf32, #tpu.memory_space<vmem>>, vector<1x16xf32>,
        %get3A_859 = vector.shape_cast %get3A_858 : vector<1x16xf32> to vector<16xf32>
        %add3A_860 = arith.addf %add3A_838, %get3A_859 : vector<16xf32>
        %get3A_861 = arith.index_cast %scan3A_850 : i32 to index
        %get3A_862 = arith.constant 32 : index
        %get3A_863 = tpu.vector_load %arg9[%get3A_861, %get3A_862] {strides = array<i32>} : memref<200x64xf32, #tpu.memory_space<vmem>>, vector<1x16xf32>,
        %get3A_864 = vector.shape_cast %get3A_863 : vector<1x16xf32> to vector<16xf32>
        %add3A_865 = arith.addf %add3A_843, %get3A_864 : vector<16xf32>
        %get3A_866 = arith.index_cast %scan3A_850 : i32 to index
        %get3A_867 = arith.constant 48 : index
        %get3A_868 = tpu.vector_load %arg9[%get3A_866, %get3A_867] {strides = array<i32>} : memref<200x64xf32, #tpu.memory_space<vmem>>, vector<1x16xf32>,
        %get3A_869 = vector.shape_cast %get3A_868 : vector<1x16xf32> to vector<16xf32>
        %add3A_870 = arith.addf %add3A_848, %get3A_869 : vector<16xf32>
        %scan3A_871 = arith.constant 23 : i32
        %scan3A_872 = arith.addi %scan3A_363, %scan3A_871 : i32
        %get3A_873 = arith.index_cast %scan3A_872 : i32 to index
        %get3A_874 = arith.constant 0 : index
        %get3A_875 = tpu.vector_load %arg9[%get3A_873, %get3A_874] {strides = array<i32>} : memref<200x64xf32, #tpu.memory_space<vmem>>, vector<1x16xf32>,
        %get3A_876 = vector.shape_cast %get3A_875 : vector<1x16xf32> to vector<16xf32>
        %add3A_877 = arith.addf %add3A_855, %get3A_876 : vector<16xf32>
        %get3A_878 = arith.index_cast %scan3A_872 : i32 to index
        %get3A_879 = arith.constant 16 : index
        %get3A_880 = tpu.vector_load %arg9[%get3A_878, %get3A_879] {strides = array<i32>} : memref<200x64xf32, #tpu.memory_space<vmem>>, vector<1x16xf32>,
        %get3A_881 = vector.shape_cast %get3A_880 : vector<1x16xf32> to vector<16xf32>
        %add3A_882 = arith.addf %add3A_860, %get3A_881 : vector<16xf32>
        %get3A_883 = arith.index_cast %scan3A_872 : i32 to index
        %get3A_884 = arith.constant 32 : index
        %get3A_885 = tpu.vector_load %arg9[%get3A_883, %get3A_884] {strides = array<i32>} : memref<200x64xf32, #tpu.memory_space<vmem>>, vector<1x16xf32>,
        %get3A_886 = vector.shape_cast %get3A_885 : vector<1x16xf32> to vector<16xf32>
        %add3A_887 = arith.addf %add3A_865, %get3A_886 : vector<16xf32>
        %get3A_888 = arith.index_cast %scan3A_872 : i32 to index
        %get3A_889 = arith.constant 48 : index
        %get3A_890 = tpu.vector_load %arg9[%get3A_888, %get3A_889] {strides = array<i32>} : memref<200x64xf32, #tpu.memory_space<vmem>>, vector<1x16xf32>,
        %get3A_891 = vector.shape_cast %get3A_890 : vector<1x16xf32> to vector<16xf32>
        %add3A_892 = arith.addf %add3A_870, %get3A_891 : vector<16xf32>
        %scan3A_893 = arith.constant 24 : i32
        %scan3A_894 = arith.addi %scan3A_363, %scan3A_893 : i32
        %get3A_895 = arith.index_cast %scan3A_894 : i32 to index
        %get3A_896 = arith.constant 0 : index
        %get3A_897 = tpu.vector_load %arg9[%get3A_895, %get3A_896] {strides = array<i32>} : memref<200x64xf32, #tpu.memory_space<vmem>>, vector<1x16xf32>,
        %get3A_898 = vector.shape_cast %get3A_897 : vector<1x16xf32> to vector<16xf32>
        %add3A_899 = arith.addf %add3A_877, %get3A_898 : vector<16xf32>
        %get3A_900 = arith.index_cast %scan3A_894 : i32 to index
        %get3A_901 = arith.constant 16 : index
        %get3A_902 = tpu.vector_load %arg9[%get3A_900, %get3A_901] {strides = array<i32>} : memref<200x64xf32, #tpu.memory_space<vmem>>, vector<1x16xf32>,
        %get3A_903 = vector.shape_cast %get3A_902 : vector<1x16xf32> to vector<16xf32>
        %add3A_904 = arith.addf %add3A_882, %get3A_903 : vector<16xf32>
        %get3A_905 = arith.index_cast %scan3A_894 : i32 to index
        %get3A_906 = arith.constant 32 : index
        %get3A_907 = tpu.vector_load %arg9[%get3A_905, %get3A_906] {strides = array<i32>} : memref<200x64xf32, #tpu.memory_space<vmem>>, vector<1x16xf32>,
        %get3A_908 = vector.shape_cast %get3A_907 : vector<1x16xf32> to vector<16xf32>
        %add3A_909 = arith.addf %add3A_887, %get3A_908 : vector<16xf32>
        %get3A_910 = arith.index_cast %scan3A_894 : i32 to index
        %get3A_911 = arith.constant 48 : index
        %get3A_912 = tpu.vector_load %arg9[%get3A_910, %get3A_911] {strides = array<i32>} : memref<200x64xf32, #tpu.memory_space<vmem>>, vector<1x16xf32>,
        %get3A_913 = vector.shape_cast %get3A_912 : vector<1x16xf32> to vector<16xf32>
        %add3A_914 = arith.addf %add3A_892, %get3A_913 : vector<16xf32>
        scf.yield %add3A_899, %add3A_904, %add3A_909, %add3A_914 : vector<16xf32>, vector<16xf32>, vector<16xf32>, vector<16xf32>
      }
      %scan3A_330 = arith.constant 200 : i32
      %mul3A_331 = arith.constant 5.000000e-03 : f32
      %mul3A_332 = vector.broadcast %mul3A_331 : f32 to vector<16xf32>
      %mul3A_333 = arith.mulf %scan3A_329#0, %mul3A_332 : vector<16xf32>
      %swap3A_334 = arith.index_cast %add3A_289 : i32 to index
      %swap3A_335 = arith.constant 0 : index
      %swap3A_336 = tpu.vector_load %arg10[%swap3A_334, %swap3A_335] {strides = array<i32>} : memref<128x64xf32, #tpu.memory_space<vmem>>, vector<1x16xf32>,
      %swap3A_337 = vector.shape_cast %swap3A_336 : vector<1x16xf32> to vector<16xf32>
      %swap3A_338 = vector.shape_cast %mul3A_333 : vector<16xf32> to vector<1x16xf32>
      tpu.vector_store %arg10[%swap3A_334, %swap3A_335], %swap3A_338 {strides = array<i32>} : memref<128x64xf32, #tpu.memory_space<vmem>>, vector<1x16xf32>,
      %mul3A_339 = arith.constant 5.000000e-03 : f32
      %mul3A_340 = vector.broadcast %mul3A_339 : f32 to vector<16xf32>
      %mul3A_341 = arith.mulf %scan3A_329#1, %mul3A_340 : vector<16xf32>
      %swap3A_342 = arith.index_cast %add3A_289 : i32 to index
      %swap3A_343 = arith.constant 16 : index
      %swap3A_344 = tpu.vector_load %arg10[%swap3A_342, %swap3A_343] {strides = array<i32>} : memref<128x64xf32, #tpu.memory_space<vmem>>, vector<1x16xf32>,
      %swap3A_345 = vector.shape_cast %swap3A_344 : vector<1x16xf32> to vector<16xf32>
      %swap3A_346 = vector.shape_cast %mul3A_341 : vector<16xf32> to vector<1x16xf32>
      tpu.vector_store %arg10[%swap3A_342, %swap3A_343], %swap3A_346 {strides = array<i32>} : memref<128x64xf32, #tpu.memory_space<vmem>>, vector<1x16xf32>,
      %mul3A_347 = arith.constant 5.000000e-03 : f32
      %mul3A_348 = vector.broadcast %mul3A_347 : f32 to vector<16xf32>
      %mul3A_349 = arith.mulf %scan3A_329#2, %mul3A_348 : vector<16xf32>
      %swap3A_350 = arith.index_cast %add3A_289 : i32 to index
      %swap3A_351 = arith.constant 32 : index
      %swap3A_352 = tpu.vector_load %arg10[%swap3A_350, %swap3A_351] {strides = array<i32>} : memref<128x64xf32, #tpu.memory_space<vmem>>, vector<1x16xf32>,
      %swap3A_353 = vector.shape_cast %swap3A_352 : vector<1x16xf32> to vector<16xf32>
      %swap3A_354 = vector.shape_cast %mul3A_349 : vector<16xf32> to vector<1x16xf32>
      tpu.vector_store %arg10[%swap3A_350, %swap3A_351], %swap3A_354 {strides = array<i32>} : memref<128x64xf32, #tpu.memory_space<vmem>>, vector<1x16xf32>,
      %mul3A_355 = arith.constant 5.000000e-03 : f32
      %mul3A_356 = vector.broadcast %mul3A_355 : f32 to vector<16xf32>
      %mul3A_357 = arith.mulf %scan3A_329#3, %mul3A_356 : vector<16xf32>
      %swap3A_358 = arith.index_cast %add3A_289 : i32 to index
      %swap3A_359 = arith.constant 48 : index
      %swap3A_360 = tpu.vector_load %arg10[%swap3A_358, %swap3A_359] {strides = array<i32>} : memref<128x64xf32, #tpu.memory_space<vmem>>, vector<1x16xf32>,
      %swap3A_361 = vector.shape_cast %swap3A_360 : vector<1x16xf32> to vector<16xf32>
      %swap3A_362 = vector.shape_cast %mul3A_357 : vector<16xf32> to vector<1x16xf32>
      tpu.vector_store %arg10[%swap3A_358, %swap3A_359], %swap3A_362 {strides = array<i32>} : memref<128x64xf32, #tpu.memory_space<vmem>>, vector<1x16xf32>,
    }
    %scan3A_66 = arith.constant 32 : i32
    "tpu.region"() ({
      %run_scoped3A = tpu.sem_alloc : memref<!tpu.dma_semaphore, #tpu.memory_space<semaphore_mem>>
      %dma_start3A_67 = arith.constant 0 : i32
      %dma_start3A_68 = tpu.memref_slice %arg4[%mul3A_2, %dma_start3A_67] : memref<4096x64xf32, #tpu.memory_space<hbm>> -> memref<128x64xf32, #tpu.memory_space<hbm>>
      %dma_start3A_69 = arith.constant 0 : i32
      %dma_start3A_70 = tpu.memref_slice %arg4[%mul3A_2, %dma_start3A_69] : memref<4096x64xf32, #tpu.memory_space<hbm>> -> memref<128x64xf32, #tpu.memory_space<hbm>>
      tpu.enqueue_dma source(%arg10 : memref<128x64xf32, #tpu.memory_space<vmem>>) target(%dma_start3A_70 : memref<128x64xf32, #tpu.memory_space<hbm>>) target_semaphore(%run_scoped3A : memref<!tpu.dma_semaphore, #tpu.memory_space<semaphore_mem>>)
      %dma_wait3A = arith.constant 0 : i32
      %dma_wait3A_71 = tpu.memref_slice %arg4[%mul3A_2, %dma_wait3A] : memref<4096x64xf32, #tpu.memory_space<hbm>> -> memref<128x64xf32, #tpu.memory_space<hbm>>
      %dma_wait3A_72 = arith.constant 0 : i32
      %dma_wait3A_73 = tpu.memref_slice %arg4[%mul3A_2, %dma_wait3A_72] : memref<4096x64xf32, #tpu.memory_space<hbm>> -> memref<128x64xf32, #tpu.memory_space<hbm>>
      tpu.wait_dma2 semaphore(%run_scoped3A : memref<!tpu.dma_semaphore, #tpu.memory_space<semaphore_mem>>) src(%arg10 : memref<128x64xf32, #tpu.memory_space<vmem>>) dst(%dma_wait3A_73 : memref<128x64xf32, #tpu.memory_space<hbm>>)
      tpu.yield
    }) : () -> ()
    return
  }
}

module attributes {stable_mosaic.version = 14 : i64} {
  func.func @body(%arg0: i32, %arg1: memref<1024x64xf32, #tpu.memory_space<vmem>>, %arg2: memref<64x64xf32, #tpu.memory_space<vmem>>, %arg3: memref<1x64xf32, #tpu.memory_space<vmem>>, %arg4: memref<128x64xf32, #tpu.memory_space<vmem>>, %arg5: memref<1x128xf32, #tpu.memory_space<vmem>>, %arg6: memref<1024x128xf32, #tpu.memory_space<vmem>>) attributes {dimension_semantics = [#tpu.dimension_semantics<arbitrary>], iteration_bounds = array<i64: 4>, scalar_prefetch = 0 : i64, scratch_operands = 0 : i64, tpu.core_type = #tpu.core_type<tc>, window_params = [{transform_indices = @transform_0, window_bounds = array<i64: 1024, 64>}, {pipeline_mode = #tpu.pipeline_mode<synchronous>, transform_indices = @transform_1, window_bounds = array<i64: 64, 64>}, {pipeline_mode = #tpu.pipeline_mode<synchronous>, transform_indices = @transform_2, window_bounds = array<i64: 1, 64>}, {pipeline_mode = #tpu.pipeline_mode<synchronous>, transform_indices = @transform_3, window_bounds = array<i64: 128, 64>}, {pipeline_mode = #tpu.pipeline_mode<synchronous>, transform_indices = @transform_4, window_bounds = array<i64: 1, 128>}, {transform_indices = @transform_5, window_bounds = array<i64: 1024, 128>}]} {
    %get3A = arith.constant 0 : index
    %get3A_0 = arith.constant 0 : index
    %get3A_1 = vector.load %arg1[%get3A, %get3A_0] : memref<1024x64xf32, #tpu.memory_space<vmem>>, vector<1024x64xf32>
    %get3A_2 = arith.constant 0 : index
    %get3A_3 = arith.constant 0 : index
    %get3A_4 = vector.load %arg2[%get3A_2, %get3A_3] : memref<64x64xf32, #tpu.memory_space<vmem>>, vector<64x64xf32>
    %dot_general3A = arith.constant dense<0.000000e+00> : vector<1024x64xf32>
    %dot_general3A_5 = tpu.matmul %get3A_1, %get3A_4, %dot_general3A {dimension_numbers = #tpu.dot_dimension_numbers<[1], [1], [0], [0], [0, 0, 1, 0], [], []>, transpose_lhs_hint = false} : vector<1024x64xf32>, vector<64x64xf32>, vector<1024x64xf32> -> vector<1024x64xf32>
    %get3A_6 = arith.constant 0 : index
    %get3A_7 = arith.constant 0 : index
    %get3A_8 = vector.load %arg3[%get3A_6, %get3A_7] : memref<1x64xf32, #tpu.memory_space<vmem>>, vector<1x64xf32>
    %add3A = vector.broadcast %get3A_8 : vector<1x64xf32> to vector<1024x64xf32>
    %add3A_9 = arith.addf %dot_general3A_5, %add3A : vector<1024x64xf32>
    %max3A = arith.constant 0.000000e+00 : f32
    %max3A_10 = vector.broadcast %max3A : f32 to vector<1024x64xf32>
    %max3A_11 = arith.maximumf %add3A_9, %max3A_10 : vector<1024x64xf32>
    %get3A_12 = arith.constant 0 : index
    %get3A_13 = arith.constant 0 : index
    %get3A_14 = vector.load %arg4[%get3A_12, %get3A_13] : memref<128x64xf32, #tpu.memory_space<vmem>>, vector<128x64xf32>
    %dot_general3A_15 = arith.constant dense<0.000000e+00> : vector<1024x128xf32>
    %dot_general3A_16 = tpu.matmul %max3A_11, %get3A_14, %dot_general3A_15 {dimension_numbers = #tpu.dot_dimension_numbers<[1], [1], [0], [0], [0, 0, 1, 0], [], []>, transpose_lhs_hint = false} : vector<1024x64xf32>, vector<128x64xf32>, vector<1024x128xf32> -> vector<1024x128xf32>
    %get3A_17 = arith.constant 0 : index
    %get3A_18 = arith.constant 0 : index
    %get3A_19 = vector.load %arg5[%get3A_17, %get3A_18] : memref<1x128xf32, #tpu.memory_space<vmem>>, vector<1x128xf32>
    %add3A_20 = vector.broadcast %get3A_19 : vector<1x128xf32> to vector<1024x128xf32>
    %add3A_21 = arith.addf %dot_general3A_16, %add3A_20 : vector<1024x128xf32>
    %swap3A = arith.constant 0 : index
    %swap3A_22 = arith.constant 0 : index
    %swap3A_23 = vector.load %arg6[%swap3A, %swap3A_22] : memref<1024x128xf32, #tpu.memory_space<vmem>>, vector<1024x128xf32>
    tpu.vector_store %arg6[%swap3A, %swap3A_22], %add3A_21 {strides = array<i32>} : memref<1024x128xf32, #tpu.memory_space<vmem>>, vector<1024x128xf32>,
    return
  }
  func.func @transform_0(%arg0: i32) -> (i32, i32) {
    %c0_i32 = arith.constant 0 : i32
    %c0_i32_0 = arith.constant 0 : i32
    return %arg0, %c0_i32 : i32, i32
  }
  func.func @transform_1(%arg0: i32) -> (i32, i32) {
    %c0_i32 = arith.constant 0 : i32
    %c0_i32_0 = arith.constant 0 : i32
    %c0_i32_1 = arith.constant 0 : i32
    return %c0_i32, %c0_i32_0 : i32, i32
  }
  func.func @transform_2(%arg0: i32) -> (i32, i32) {
    %c0_i32 = arith.constant 0 : i32
    %c0_i32_0 = arith.constant 0 : i32
    %c0_i32_1 = arith.constant 0 : i32
    return %c0_i32, %c0_i32_0 : i32, i32
  }
  func.func @transform_3(%arg0: i32) -> (i32, i32) {
    %c0_i32 = arith.constant 0 : i32
    %c0_i32_0 = arith.constant 0 : i32
    %c0_i32_1 = arith.constant 0 : i32
    return %c0_i32, %c0_i32_0 : i32, i32
  }
  func.func @transform_4(%arg0: i32) -> (i32, i32) {
    %c0_i32 = arith.constant 0 : i32
    %c0_i32_0 = arith.constant 0 : i32
    %c0_i32_1 = arith.constant 0 : i32
    return %c0_i32, %c0_i32_0 : i32, i32
  }
  func.func @transform_5(%arg0: i32) -> (i32, i32) {
    %c0_i32 = arith.constant 0 : i32
    %c0_i32_0 = arith.constant 0 : i32
    return %arg0, %c0_i32 : i32, i32
  }
}

</mosaic_0001>

<sc_bundles>
// kernel: kernel.4.cloned.1.call-start
scs
__scs_entry_jumppad:
0x0: {  	(pc) =	sbr.rel $0x88, $3  }
0x1: {  	(tag) =	ssettag $0x0;
	lr =	simm.s32 $0x1  }
0x2: {  	[smem:$0x3F9B] =	sst lr;
	_ =	strace $0xD0000000  }
0x3: {  	_ = 	snop  }
0x4: {  	_ = 	snop  }
0x5: {  	_ = 	snop  }
0x6: {  	_ = 	snop  }
0x7: {  	_ = 	snop  }
__scs_overlays_trampoline_lowered:
0x8: {  	[smem:$0x3FAA] =	sst s0  }
0x9: {  	[smem:$0x3FAB] =	sst s1  }
0xa: {  	[smem:$0x3FAC] =	sst s2  }
0xb: {  	[smem:$0x3FAD] =	sst s3  }
0xc: {  	[smem:$0x3FAE] =	sst s4  }
0xd: {  	[smem:$0x3FAF] =	sst s5  }
0xe: {  	[smem:$0x3FB0] =	sst s6  }
0xf: {  	[smem:$0x3FB1] =	sst s7  }
0x10: {  	[smem:$0x3FB2] =	sst s8  }
0x11: {  	[smem:$0x3FB3] =	sst s9;
	s0 =	simm.s32 @!p0 $0x0  }
0x12: {  	s1 =	sld [smem:$0x3F99];
	s0 =	simm.s32 @p0 $0x1  }
0x13: {  	[smem:$0x3FB4] =	sst s0;
	s0 =	simm.s32 @!p1 $0x0  }
0x14: {  	s2 =	sld [smem:$0x3F98];
	s0 =	simm.s32 @p1 $0x1  }
0x15: {  	[smem:$0x3FB5] =	sst s0;
	s0 =	simm.s32 @!p2 $0x0  }
0x16: {  	s3 =	sld [smem:$0x3FDB];
	s0 =	simm.s32 @p2 $0x1  }
0x17: {  	s4 =	simm.s32 $0x1BF5;
	[smem:$0x3FB7] =	sst s0  }
0x18: {  	s0 =	sld [smem:$0x3F9A];
	_ =	swait.ge [sflag:s4], $0x0  }
0x19: {  	s7 =	sld [smem:$0x3F9B]  }
0x1a: {  	s8 =	sadd.s32 $0xFFFFE003, lr  }
0x1b: {  	s9 =	sadd.s32 $0xFFFFFEF7, lr;
	s5 =	simm.s32 $0xFFFFFFFF;
	p2 =	slt.u32 s8, $0xFFFFF086  }
0x1c: {  	p1 =	slt.u32 s9, $0xF7A;
	s5 =	simm.s32 @!p2 $0x0  }
0x1d: {  	s5 =	simm.s32 @p1 $0x1;
	p0 =	seq.s32 s7, s2  }
0x1e: {  	s7 =	smul.u32 @!p0 $0xF7A, s2;
	p2 =	seq.s32 @!p0 s5, $0x0  }
0x1f: {  	s9 =	smul.u32 $0xF7A, s1;
	s8 =	simm.s32 @!p0 $0x1BF5;
	p2 =	por !p2, p0  }
0x20: {  	[sflag:s8] =	ssyncset.s32 @!p0 $0xFFFFF086;
	s6 =	sadd.s32 @!p0 s3, s7;
	s7 =	simm.s32 @!p0 $0x108  }
0x21: {  	s3 =	sadd.s32 s3, s9;
	s6 =	sadd.s32 @!p0 $0x88, s6;
	s7 =	simm.s32 @p2 $0x1082  }
0x22: {  	[simem:s7], [sflag:s8] =	dma.local @!p0 [hbm:s6], $0xF7A  }
0x23: {  	s9 =	sor.u32 $0xD0000000, s2;
	s6 =	simm.s32 $0x108;
	_ =	swait.ge @!p0 [sflag:s8], $0x0  }
0x24: {  	s3 =	sadd.s32 $0x88, s3;
	s6 =	simm.s32 @!p1 $0x1082;
	[sflag:s4] =	ssyncset.s32 $0xFFFFF086  }
0x25: {  	[simem:s6], [sflag:s4] =	dma.local [hbm:s3], $0xF7A  }
0x26: {  	[smem:$0x3F9B] =	sst s1;
	(tag) =	ssettag s2;
	_ =	strace s9  }
0x27: {  	s1 =	sld [smem:$0x3FAB]  }
0x28: {  	s2 =	sld [smem:$0x3FAC]  }
0x29: {  	s4 =	sld [smem:$0x3FAE]  }
0x2a: {  	p0 =	seq.s32 s5, $0x0;
	s5 =	sld [smem:$0x3FAF]  }
0x2b: {  	s6 =	sld [smem:$0x3FB0]  }
0x2c: {  	s7 =	sld [smem:$0x3FB1]  }
0x2d: {  	s3 =	simm.s32 $0x108;
	s8 =	sld [smem:$0x3FB2]  }
0x2e: {  	s3 =	simm.s32 @!p0 $0x1082;
	s9 =	sld [smem:$0x3FB3]  }
0x2f: {  	lr =	sadd.s32 s0, s3;
	s0 =	sld [smem:$0x3FAA]  }
0x30: {  	s3 =	sld [smem:$0x3FAD]  }
0x31: {  	[smem:$0x3FB6] =	sst s10  }
0x32: {  	s10 =	sld [smem:$0x3FB4];
	_ =	sdelay $0x3  }
0x33: {  	p0 =	seq.s32 s10, $0x1;
	s10 =	sld [smem:$0x3FB6];
	_ =	sdelay $0x3  }
0x34: {  	[smem:$0x3FB6] =	sst s10  }
0x35: {  	s10 =	sld [smem:$0x3FB5];
	_ =	sdelay $0x3  }
0x36: {  	p1 =	seq.s32 s10, $0x1;
	s10 =	sld [smem:$0x3FB6];
	_ =	sdelay $0x3  }
0x37: {  	[smem:$0x3FB6] =	sst s10  }
0x38: {  	s10 =	sld [smem:$0x3FB7]  }
0x39: {  	_ = 	snop;
	(pc) =	sbr.ind lr, $3  }
0x3a: {  	_ = 	snop  }
0x3b: {  	_ = 	snop  }
0x3c: {  	p2 =	seq.s32 s10, $0x1;
	s10 =	sld [smem:$0x3FB6]  }
0x3d: {  	_ =	shalt  }
0x3e: {  	_ =	shalt  }
0x3f: {  	_ =	shalt  }
0x40: {  	_ =	shalt  }
0x41: {  	_ =	shalt  }
0x42: {  	_ =	shalt  }
0x43: {  	_ =	shalt  }
0x44: {  	_ =	shalt  }
0x45: {  	_ =	shalt  }
0x46: {  	_ =	shalt  }
0x47: {  	_ =	shalt  }
0x48: {  	_ =	shalt  }
0x49: {  	_ =	shalt  }
0x4a: {  	_ =	shalt  }
0x4b: {  	_ =	shalt  }
0x4c: {  	_ =	shalt  }
0x4d: {  	_ =	shalt  }
0x4e: {  	_ =	shalt  }
0x4f: {  	_ =	shalt  }
0x50: {  	_ =	shalt  }
0x51: {  	_ =	shalt  }
0x52: {  	_ =	shalt  }
0x53: {  	_ =	shalt  }
0x54: {  	_ =	shalt  }
0x55: {  	_ =	shalt  }
0x56: {  	_ =	shalt  }
0x57: {  	_ =	shalt  }
0x58: {  	_ =	shalt  }
0x59: {  	_ =	shalt  }
0x5a: {  	_ =	shalt  }
0x5b: {  	_ =	shalt  }
0x5c: {  	_ =	shalt  }
0x5d: {  	_ =	shalt  }
0x5e: {  	_ =	shalt  }
0x5f: {  	_ =	shalt  }
0x60: {  	_ =	shalt  }
0x61: {  	_ =	shalt  }
0x62: {  	_ =	shalt  }
0x63: {  	_ =	shalt  }
0x64: {  	_ =	shalt  }
0x65: {  	_ =	shalt  }
0x66: {  	_ =	shalt  }
0x67: {  	_ =	shalt  }
0x68: {  	_ =	shalt  }
0x69: {  	_ =	shalt  }
0x6a: {  	_ =	shalt  }
0x6b: {  	_ =	shalt  }
0x6c: {  	_ =	shalt  }
0x6d: {  	_ =	shalt  }
0x6e: {  	_ =	shalt  }
0x6f: {  	_ =	shalt  }
0x70: {  	_ =	shalt  }
0x71: {  	_ =	shalt  }
0x72: {  	_ =	shalt  }
0x73: {  	_ =	shalt  }
0x74: {  	_ =	shalt  }
0x75: {  	_ =	shalt  }
0x76: {  	_ =	shalt  }
0x77: {  	_ =	shalt  }
0x78: {  	_ =	shalt  }
0x79: {  	_ =	shalt  }
0x7a: {  	_ =	shalt  }
0x7b: {  	_ =	shalt  }
0x7c: {  	_ =	shalt  }
0x7d: {  	_ =	shalt  }
0x7e: {  	_ =	shalt  }
0x7f: {  	_ =	shalt  }
0x80: {  	_ =	shalt  }
0x81: {  	_ =	shalt  }
0x82: {  	_ =	shalt  }
0x83: {  	_ =	shalt  }
0x84: {  	_ =	shalt  }
0x85: {  	_ =	shalt  }
0x86: {  	_ =	shalt  }
0x87: {  	_ =	shalt  }
.Lfunc_end0:
.L_simem_size_0:
called_computation.1_lowered:
.L_overlay_start_0:
0x88: {  	s2 =	sld [smem:$0x3FD9]  }
0x89: {  	s3 =	sld [smem:$0x3FFE];
	_ =	sdelay $0x1  }
0x8a: {  	s1 =	srdreg.scid  }
0x8b: {  	s0 =	sand.u32 $0x1, s1  }
0x8c: {  	s16 =	sshll.u32 s0, $0xA;
	s2 =	sadd.s32 s3, s2  }
0x8d: {  	s2 =	sadd.s32 s2, s16  }
0x8e: {  	[smem:$0x3FC2] =	sst s2  }
0x8f: {  	_ = 	snop  }
0x90: {  	(tm) =	ssettm $0x1  }
0x91: {  	s17 =	sld [smem:$0x3FFB];
	_ =	sdelay $0x3  }
0x92: {  	_ =	strace s17  }
0x93: {  	s2 =	sld [smem:$0x3FFC];
	_ =	sdelay $0x3  }
0x94: {  	_ =	strace s2  }
0x95: {  	s2 =	sld [smem:$0x3FFD];
	_ =	sdelay $0x3  }
0x96: {  	_ =	strace s2  }
0x97: {  	_ =	strace $0x8FFFFFFF  }
0x98: {  	s18 =	sld [smem:$0x3FDB];
	_ =	sdelay $0x1  }
0x99: {  	s19 =	simm.s32 $_scs_section_size  }
0x9a: {  	s4 =	simm.s32 $_size__tile_overlayer_lowered;
	s5 =	simm.s32 $_tile_overlayer_lowered  }
0x9b: {  	s22 =	simm.s32 $0x1BFF;
	s21 =	sshll.u32 s5, $0x1;
	s2 =	sadd.s32 s19, s18  }
0x9c: {  	s6 =	simm.s32 $0x0;
	s20 =	sshll.u32 s4, $0x1;
	s4 =	sadd.s32 s21, s2  }
0x9d: {  	[timem:s6], [sflag:s22] =	dma.local [hbm:s4], s20  }
0x9e: {  	_ =	swait.ge [sflag:s22], s20  }
0x9f: {  	s3 =	ssub.s32 $0x0, s20;
	[sflag:s22] =	ssyncset.done $0x0  }
0xa0: {  	[sflag:s22] =	ssyncadd.s32 s3;
	_ =	sdelay $0x1  }
0xa1: {  	s23 =	simm.s32 $0x1B8B  }
0xa2: {  	_ =	swait.ge [sflag:s23], $0x1  }
0xa3: {  	[sflag:s23] =	ssyncset.done $0x0  }
0xa4: {  	s25 =	simm.s32 $0x1B8E;
	s24 =	sld [smem:$0x3FFE];
	[sflag:s23] =	ssyncadd.s32 $0xFFFFFFFF  }
0xa5: {  	s26 =	simm.s32 $execute0_lowered;
	[smem:$0x3FD2] =	sst s25  }
0xa6: {  	s4 =	sshll.u32 s26, $0x1;
	_ =	strace $0x80000049;
	[dreg:$0x1] =	wrdreg $0xFFFFFFFF  }
0xa7: {  	s28 =	simm.s32 $_size_execute0_lowered;
	s2 =	sadd.s32 s2, s4;
	[dreg:$0x0] =	wrdreg $0x0  }
0xa8: {  	s4 =	sshll.u32 s28, $0x1;
	[dreg:$0x2] =	wrdreg s2  }
0xa9: {  	[dreg:$0x3] =	wrdreg s4  }
0xaa: {  	[dreg:$0x4] =	wrdreg $0xC0  }
0xab: {  	_ =	task [dreg:s6], $0x5FFFF  }
0xac: {  	[dreg:$0x1] =	wrdreg $0xFFFFFFFF  }
0xad: {  	[dreg:$0x0] =	wrdreg $0x60  }
0xae: {  	[dreg:$0x2] =	wrdreg s24  }
0xaf: {  	[dreg:$0x3] =	wrdreg $0x9  }
0xb0: {  	_ =	task.clear_ibuf [dreg:s6], $0x4FFFF;
	_ =	strace $0x90000049  }
0xb1: {  	s29 =	simm.s32 $0x9;
	_ =	strace $0x8000004B  }
0xb2: {  	_ =	swait.ge [sflag:s29], $0x1  }
0xb3: {  	[sflag:s29] =	ssyncadd.s32 $0xFFFFFFFF  }
0xb4: {  	_ =	strace $0x9000004B  }
0xb5: {  	_ =	sfence  }
0xb6: {  	s30 =	sld [smem:$0x0];
	_ =	sdelay $0x2  }
0xb7: {  	s31 =	sshll.u32 s1, $0xD;
	s1 =	sshrl.u32 s1, $0x2  }
0xb8: {  	s3 =	sand.u32 $0x4000, s31;
	s1 =	sadd.s32 s1, s30  }
0xb9: {  	s0 =	sor.u32 s3, s0;
	s1 =	sshll.u32 s1, $0x11  }
0xba: {  	s0 =	sor.u32 s1, s0  }
0xbb: {  	s0 =	sadd.s32 $0x8F2B, s0  }
0xbc: {  	[sflag:s0] =	ssyncadd.remote.s32 $0x1  }
0xbd: {  	_ =	sfence.sel $0xFFFF  }
0xbe: {  	[dreg:$0x0] =	wrdreg $0xFFFFFFFF;
	(pc) =	sbr.abs _section_cstart, $3  }
0xbf: {  	[dreg:$0x1] =	wrdreg $0xFFFFFFFF  }
0xc0: {  	_ =	task.clear_ibuf [dreg:s6], $0x2FFFF;
	_ =	strace $0x9FFFFFFF  }
0xc1: {  	(tm) =	ssettm $0x7FFFFFFF  }
tec
execute0_lowered:
.L_overlay_start_1:
0x0: {  	(tag) =	ssettag $0x1  }
0x1: {  	s0 =	srdreg.scid  }
0x2: {  	s2 =	stileid.u32;
	s1 =	rddreg [dreg:$0x0];
	s7 =	simm.s32 $0x5  }
0x3: {  	s8 =	simm.s32 $0x80;
	s10 =	simm.s32 $0x48;
	s12 =	simm.s32 $0xC8  }
0x4: {  	s13 =	simm.s32 $0x9600;
	s14 =	simm.s32 $0x148;
	s15 =	simm.s32 $0xB600  }
0x5: {  	s16 =	simm.s32 $0x190;
	s17 =	simm.s32 $0xC800;
	s18 =	simm.s32 $0x210  }
0x6: {  	s19 =	simm.s32 $0xE800;
	s20 =	simm.s32 $0x1;
	s21 =	simm.s32 $0xFA00  }
0x7: {  	s22 =	simm.s32 $0x11A00;
	s23 =	simm.s32 $0x2;
	s24 =	simm.s32 $0x3  }
0x8: {  	s25 =	simm.s32 $0x4;
	s26 =	simm.s32 $0x12C00;
	s0 =	sand.u32 $0x1, s0  }
0x9: {  	s3 =	sshll.u32 s2, $0x8;
	s2 =	simm.s32 $0x0;
	s4 =	sshll.u32 s0, $0x7  }
0xa: {  	s28 =	simm.s32 $0x0;
	[smem:$0x7FF] =	sst s2;
	s3 =	sor.u32 s4, s3  }
0xb: {  	s0 =	ssub.s32 $0x2, s0;
	_ =	strace $0x8000004A;
	s4 =	smul.u32 $0x19, s3  }
0xc: {  	s6 =	sshrl.u32 s0, $0x1;
	s5 =	sshll.u32 s3, $0x3;
	s3 =	sadd.s32 $0xF5C200, s1  }
0xd: {  	s0 =	ssub.s32 s0, s6;
	s4 =	sadd.s32 s4, s1;
	s1 =	sadd.s32 s5, s1  }
0xe: {  	s6 =	smax.u32 s0, $0x1;
	s4 =	sadd.s32 $0xF43200, s4;
	s5 =	sadd.s32 $0xE00, s1  }
.LBB2_1:
0xf: {  	[tilespmem:s2], [sflag:$0x5] =	stream.linear.gather [hbm4b:s4+s2], $0x6400, $0x38;
	[tilespmem:$0x14C00] =	vst v63  }
0x10: {  	_ =	swait.ge [sflag:s7], $0x6400  }
0x11: {  	[sflag:s7] =	ssyncset.done $0x0  }
0x12: {  	s0 =	simm.s32 $0x6400;
	[sflag:s7] =	ssyncadd.s32 $0xFFFF9C00  }
0x13: {  	[tilespmem:s0], [sflag:$0x1] =	stream.indirect.gather [hbm4b:s3+s8], $0x40, s2, s8, $0xb8;
	[tilespmem:$0x14C00] =	vst v63  }
0x14: {  	s31 =	simm.s32 $0x8400  }
0x15: {  	[tilespmem:s31], [sflag:$0x1] =	stream.indirect.gather [hbm4b:s3+s10], $0x40, s8, s10, $0xb8;
	[tilespmem:$0x14C00] =	vst v63  }
0x16: {  	_ = 	snop  }
0x17: {  	[tilespmem:s13], [sflag:$0x2] =	stream.indirect.gather [hbm4b:s3+s8], $0x40, s12, s8, $0xb8;
	[tilespmem:$0x14C00] =	vst v63  }
0x18: {  	_ = 	snop  }
0x19: {  	[tilespmem:s15], [sflag:$0x2] =	stream.indirect.gather [hbm4b:s3+s10], $0x40, s14, s10, $0xb8;
	[tilespmem:$0x14C00] =	vst v63  }
0x1a: {  	_ = 	snop  }
0x1b: {  	[tilespmem:s17], [sflag:$0x3] =	stream.indirect.gather [hbm4b:s3+s8], $0x40, s16, s8, $0xb8;
	[tilespmem:$0x14C00] =	vst v63  }
0x1c: {  	s29 =	simm.s32 $0x0  }
0x1d: {  	[tilespmem:s19], [sflag:$0x3] =	stream.indirect.gather [hbm4b:s3+s10], $0x40, s18, s10, $0xb8;
	[tilespmem:$0x14C00] =	vst v63  }
.LBB2_2:
0x1e: {  	_ =	swait.ge [sflag:s20], $0x2000  }
0x1f: {  	[sflag:s20] =	ssyncset.done $0x0  }
0x20: {  	s30 =	sshllo.u32 s29, $0x2;
	[sflag:s20] =	ssyncadd.s32 $0xFFFFE000  }
0x21: {  	s0 =	smul.u32 $0x320, s30;
	_ =	swait.ge [sflag:s20], $0x1200  }
0x22: {  	[sflag:s20] =	ssyncset.done $0x0  }
0x23: {  	s0 =	sshra.s32 s0, $0x2;
	[sflag:s20] =	ssyncadd.s32 $0xFFFFEE00  }
0x24: {  	[tilespmem:s21], [sflag:$0x4] =	stream.indirect.gather [hbm4b:s3+s8], $0x40, s0, s8, $0xb8;
	[tilespmem:$0x14C00] =	vst v63  }
0x25: {  	s31 =	simm.s32 $0x6720;
	s0 =	sadd.s32 $0x80, s0  }
0x26: {  	[tilespmem:s22], [sflag:$0x4] =	stream.indirect.gather [hbm4b:s3+s10], $0x40, s0, s10, $0xb8;
	[tilespmem:$0x14C00] =	vst v63  }
0x27: {  	v0 =	vld [tilespmem:s31+$0x2E0]  }
0x28: {  	v1 =	vld [tilespmem:s31+$0x2F0]  }
0x29: {  	v2 =	vld [tilespmem:s31+$0x2A0]  }
0x2a: {  	v3 =	vld [tilespmem:s31+$0x2B0]  }
0x2b: {  	v4 =	vld [tilespmem:s31+$0x260]  }
0x2c: {  	v5 =	vld [tilespmem:s31+$0x270]  }
0x2d: {  	v6 =	vld [tilespmem:s31+$0x220]  }
0x2e: {  	v7 =	vld [tilespmem:s31+$0x230]  }
0x2f: {  	v8 =	vld [tilespmem:s31+$0x1E0]  }
0x30: {  	v9 =	vld [tilespmem:s31+$0x1F0]  }
0x31: {  	v10 =	vld [tilespmem:s31+$0x1A0]  }
0x32: {  	v11 =	vld [tilespmem:s31+$0x1B0]  }
0x33: {  	v12 =	vld [tilespmem:s31+$0x160]  }
0x34: {  	v13 =	vld [tilespmem:s31+$0x170]  }
0x35: {  	v14 =	vld [tilespmem:s31+$0x120]  }
0x36: {  	v15 =	vld [tilespmem:s31+$0x130]  }
0x37: {  	v16 =	vld [tilespmem:s31+$0xE0]  }
0x38: {  	v17 =	vld [tilespmem:s31+$0xF0]  }
0x39: {  	v18 =	vld [tilespmem:s31+$0xA0]  }
0x3a: {  	v19 =	vld [tilespmem:s31+$0xB0]  }
0x3b: {  	v20 =	vld [tilespmem:s31+$0x60]  }
0x3c: {  	v21 =	vld [tilespmem:s31+$0x70]  }
0x3d: {  	v22 =	vld [tilespmem:s31+$0x20]  }
0x3e: {  	v23 =	vld [tilespmem:s31+$0x30]  }
0x3f: {  	v24 =	vld [tilespmem:s31+$0xFFFFFFE0]  }
0x40: {  	v25 =	vld [tilespmem:s31+$0xFFFFFFF0]  }
0x41: {  	v26 =	vld [tilespmem:s31+$0xFFFFFFA0]  }
0x42: {  	v27 =	vld [tilespmem:s31+$0xFFFFFFB0]  }
0x43: {  	v28 =	vld [tilespmem:s31+$0xFFFFFF60]  }
0x44: {  	v29 =	vld [tilespmem:s31+$0xFFFFFF70]  }
0x45: {  	v30 =	vld [tilespmem:s31+$0xFFFFFF20]  }
0x46: {  	v31 =	vld [tilespmem:s31+$0xFFFFFF30]  }
0x47: {  	v32 =	vld [tilespmem:s31+$0xFFFFFEE0]  }
0x48: {  	v33 =	vld [tilespmem:s31+$0xFFFFFEF0]  }
0x49: {  	v34 =	vld [tilespmem:s31+$0xFFFFFEA0]  }
0x4a: {  	v35 =	vld [tilespmem:s31+$0xFFFFFEB0]  }
0x4b: {  	v36 =	vld [tilespmem:s31+$0xFFFFFE60]  }
0x4c: {  	v37 =	vld [tilespmem:s31+$0xFFFFFE70]  }
0x4d: {  	v38 =	vld [tilespmem:s31+$0xFFFFFE20]  }
0x4e: {  	v39 =	vld [tilespmem:s31+$0xFFFFFE30]  }
0x4f: {  	v40 =	vld [tilespmem:s31+$0xFFFFFDE0]  }
0x50: {  	v41 =	vld [tilespmem:s31+$0xFFFFFDF0]  }
0x51: {  	v42 =	vld [tilespmem:s31+$0xFFFFFDA0]  }
0x52: {  	v43 =	vld [tilespmem:s31+$0xFFFFFDB0]  }
0x53: {  	v44 =	vld [tilespmem:s31+$0xFFFFFD60]  }
0x54: {  	v45 =	vld [tilespmem:s31+$0xFFFFFD70]  }
0x55: {  	v46 =	vld [tilespmem:s31+$0xFFFFFD20]  }
0x56: {  	v47 =	vld [tilespmem:s31+$0xFFFFFD30]  }
0x57: {  	v48 =	vld [tilespmem:s31+$0xFFFFFCE0]  }
0x58: {  	v49 =	vld [tilespmem:s31+$0xFFFFFCF0]  }
0x59: {  	v50 =	vld [tilespmem:s31+$0xFFFFFD00]  }
0x5a: {  	v51 =	vld [tilespmem:s31+$0xFFFFFD10]  }
0x5b: {  	v52 =	vld [tilespmem:s31+$0xFFFFFD40]  }
0x5c: {  	v53 =	vld [tilespmem:s31+$0xFFFFFD50]  }
0x5d: {  	v54 =	vimm.f32 $0.0e+00;
	v55 =	vld [tilespmem:s31+$0xFFFFFD80]  }
0x5e: {  	v56 =	vld [tilespmem:s31+$0xFFFFFD90];
	v48 =	vadd.f32 v48, v54;
	v49 =	vadd.f32 v49, v54  }
0x5f: {  	v61 =	vld [tilespmem:s31+$0xFFFFFDC0];
	v50 =	vadd.f32 v50, v54;
	v51 =	vadd.f32 v51, v54  }
0x60: {  	v46 =	vadd.f32 v46, v48;
	v47 =	vadd.f32 v47, v49;
	v48 =	vld [tilespmem:s31+$0xFFFFFDD0]  }
0x61: {  	v62 =	vadd.f32 v52, v50;
	v63 =	vadd.f32 v53, v51;
	v51 =	vld [tilespmem:s31+$0xFFFFFE00]  }
0x62: {  	v53 =	vld [tilespmem:s31+$0xFFFFFE10];
	v44 =	vadd.f32 v44, v46;
	v45 =	vadd.f32 v45, v47  }
0x63: {  	v59 =	vld [tilespmem:s31+$0xFFFFFE40];
	v57 =	vadd.f32 v55, v62;
	v58 =	vadd.f32 v56, v63  }
0x64: {  	v60 =	vld [tilespmem:s31+$0xFFFFFE50];
	v42 =	vadd.f32 v42, v44;
	v43 =	vadd.f32 v43, v45  }
0x65: {  	v49 =	vld [tilespmem:s31+$0xFFFFFE90];
	v61 =	vadd.f32 v61, v57;
	v62 =	vadd.f32 v48, v58  }
0x66: {  	v63 =	vld [tilespmem:s31+$0xFFFFFE80];
	v40 =	vadd.f32 v40, v42;
	v41 =	vadd.f32 v41, v43  }
0x67: {  	v54 =	vld [tilespmem:s31+$0xFFFFFEC0];
	v52 =	vadd.f32 v51, v61;
	v53 =	vadd.f32 v53, v62  }
0x68: {  	v55 =	vld [tilespmem:s31+$0xFFFFFED0];
	v38 =	vadd.f32 v38, v40;
	v39 =	vadd.f32 v39, v41  }
0x69: {  	v58 =	vld [tilespmem:s31+$0xFFFFFF00];
	v56 =	vadd.f32 v59, v52;
	v57 =	vadd.f32 v60, v53  }
0x6a: {  	v59 =	vld [tilespmem:s31+$0xFFFFFF10];
	v36 =	vadd.f32 v36, v38;
	v37 =	vadd.f32 v37, v39  }
0x6b: {  	v62 =	vld [tilespmem:s31+$0xFFFFFF40];
	v60 =	vadd.f32 v63, v56;
	v61 =	vadd.f32 v49, v57  }
0x6c: {  	v63 =	vld [tilespmem:s31+$0xFFFFFF50];
	v34 =	vadd.f32 v34, v36;
	v35 =	vadd.f32 v35, v37  }
0x6d: {  	v47 =	vld [tilespmem:s31+$0xFFFFFF80];
	v45 =	vadd.f32 v54, v60;
	v46 =	vadd.f32 v55, v61  }
0x6e: {  	v48 =	vld [tilespmem:s31+$0xFFFFFF90];
	v32 =	vadd.f32 v32, v34;
	v33 =	vadd.f32 v33, v35  }
0x6f: {  	v51 =	vld [tilespmem:s31+$0xFFFFFFC0];
	v49 =	vadd.f32 v58, v45;
	v50 =	vadd.f32 v59, v46  }
0x70: {  	v52 =	vld [tilespmem:s31+$0xFFFFFFD0];
	v30 =	vadd.f32 v30, v32;
	v31 =	vadd.f32 v31, v33  }
0x71: {  	v56 =	vld [tilespmem:s31+$0x10];
	v53 =	vadd.f32 v62, v49;
	v54 =	vadd.f32 v63, v50  }
0x72: {  	v55 =	vld [tilespmem:s31+$0x0];
	v28 =	vadd.f32 v28, v30;
	v29 =	vadd.f32 v29, v31  }
0x73: {  	v60 =	vld [tilespmem:s31+$0x50];
	v57 =	vadd.f32 v47, v53;
	v58 =	vadd.f32 v48, v54  }
0x74: {  	v59 =	vld [tilespmem:s31+$0x40];
	v26 =	vadd.f32 v26, v28;
	v27 =	vadd.f32 v27, v29  }
0x75: {  	v35 =	vld [tilespmem:s31+$0x90];
	v61 =	vadd.f32 v51, v57;
	v62 =	vadd.f32 v52, v58  }
0x76: {  	v63 =	vld [tilespmem:s31+$0x80];
	v24 =	vadd.f32 v24, v26;
	v25 =	vadd.f32 v25, v27  }
0x77: {  	v40 =	vld [tilespmem:s31+$0xD0];
	v37 =	vadd.f32 v55, v61;
	v38 =	vadd.f32 v56, v62  }
0x78: {  	v39 =	vld [tilespmem:s31+$0xC0];
	v22 =	vadd.f32 v22, v24;
	v23 =	vadd.f32 v23, v25  }
0x79: {  	v44 =	vld [tilespmem:s31+$0x110];
	v41 =	vadd.f32 v59, v37;
	v42 =	vadd.f32 v60, v38  }
0x7a: {  	v43 =	vld [tilespmem:s31+$0x100];
	v20 =	vadd.f32 v20, v22;
	v21 =	vadd.f32 v21, v23  }
0x7b: {  	v47 =	vld [tilespmem:s31+$0x140];
	v45 =	vadd.f32 v63, v41;
	v46 =	vadd.f32 v35, v42  }
0x7c: {  	v48 =	vld [tilespmem:s31+$0x150];
	v18 =	vadd.f32 v18, v20;
	v19 =	vadd.f32 v19, v21  }
0x7d: {  	v51 =	vld [tilespmem:s31+$0x180];
	v49 =	vadd.f32 v39, v45;
	v50 =	vadd.f32 v40, v46  }
0x7e: {  	v52 =	vld [tilespmem:s31+$0x190];
	v16 =	vadd.f32 v16, v18;
	v17 =	vadd.f32 v17, v19  }
0x7f: {  	v55 =	vld [tilespmem:s31+$0x1C0];
	v53 =	vadd.f32 v43, v49;
	v54 =	vadd.f32 v44, v50  }
0x80: {  	v56 =	vld [tilespmem:s31+$0x1D0];
	v14 =	vadd.f32 v14, v16;
	v15 =	vadd.f32 v15, v17  }
0x81: {  	v59 =	vld [tilespmem:s31+$0x200];
	v57 =	vadd.f32 v47, v53;
	v58 =	vadd.f32 v48, v54  }
0x82: {  	v12 =	vadd.f32 v12, v14;
	v13 =	vadd.f32 v13, v15;
	v14 =	vld [tilespmem:s31+$0x210]  }
0x83: {  	v61 =	vld [tilespmem:s31+$0x240];
	v15 =	vadd.f32 v51, v57;
	v60 =	vadd.f32 v52, v58  }
0x84: {  	v12 =	vadd.f32 v10, v12;
	v11 =	vadd.f32 v11, v13;
	v13 =	vld [tilespmem:s31+$0x250]  }
0x85: {  	v15 =	vadd.f32 v55, v15;
	v10 =	vld [tilespmem:s31+$0x280];
	v16 =	vadd.f32 v56, v60  }
0x86: {  	v12 =	vadd.f32 v8, v12;
	v11 =	vadd.f32 v9, v11;
	v9 =	vld [tilespmem:s31+$0x290]  }
0x87: {  	v15 =	vadd.f32 v59, v15;
	v8 =	vld [tilespmem:s31+$0x2C0];
	v14 =	vadd.f32 v14, v16  }
0x88: {  	v62 =	vadd.f32 v6, v12;
	v63 =	vadd.f32 v7, v11;
	v7 =	vld [tilespmem:s31+$0x2D0]  }
0x89: {  	v12 =	vadd.f32 v61, v15;
	v6 =	vld [tilespmem:s31+$0x300];
	v11 =	vadd.f32 v13, v14  }
0x8a: {  	s1 =	simm.s32 $0x0;
	s0 =	simm.s32 $0x6D60;
	v13 =	vadd.f32 v4, v62;
	v4 =	vadd.f32 v5, v63;
	v5 =	vld [tilespmem:s31+$0x310]  }
.LBB2_3:
0x8b: {  	v14 =	vld [tilespmem:s0+$0x2E0];
	v10 =	vadd.f32 v10, v12;
	v9 =	vadd.f32 v9, v11  }
0x8c: {  	v11 =	vld [tilespmem:s0+$0x2F0];
	v12 =	vadd.f32 v2, v13;
	v4 =	vadd.f32 v3, v4  }
0x8d: {  	v2 =	vld [tilespmem:s0+$0x2A0];
	v8 =	vadd.f32 v8, v10;
	v7 =	vadd.f32 v7, v9  }
0x8e: {  	v3 =	vld [tilespmem:s0+$0x2B0];
	v30 =	vadd.f32 v0, v12;
	v31 =	vadd.f32 v1, v4  }
0x8f: {  	v4 =	vld [tilespmem:s0+$0x260];
	v32 =	vadd.f32 v6, v8;
	v33 =	vadd.f32 v5, v7  }
0x90: {  	v5 =	vld [tilespmem:s0+$0x270];
	v0 =	vmov v14  }
0x91: {  	v6 =	vld [tilespmem:s0+$0x220];
	v1 =	vmov v11  }
0x92: {  	v7 =	vld [tilespmem:s0+$0x230]  }
0x93: {  	v8 =	vld [tilespmem:s0+$0x1E0]  }
0x94: {  	v9 =	vld [tilespmem:s0+$0x1F0]  }
0x95: {  	v10 =	vld [tilespmem:s0+$0x1A0]  }
0x96: {  	v11 =	vld [tilespmem:s0+$0x1B0]  }
0x97: {  	v12 =	vld [tilespmem:s0+$0x160]  }
0x98: {  	v13 =	vld [tilespmem:s0+$0x170]  }
0x99: {  	v14 =	vld [tilespmem:s0+$0x120]  }
0x9a: {  	v15 =	vld [tilespmem:s0+$0x130]  }
0x9b: {  	v16 =	vld [tilespmem:s0+$0xE0]  }
0x9c: {  	v17 =	vld [tilespmem:s0+$0xF0]  }
0x9d: {  	v18 =	vld [tilespmem:s0+$0xA0]  }
0x9e: {  	v19 =	vld [tilespmem:s0+$0xB0]  }
0x9f: {  	v20 =	vld [tilespmem:s0+$0x60]  }
0xa0: {  	v21 =	vld [tilespmem:s0+$0x70]  }
0xa1: {  	v22 =	vld [tilespmem:s0+$0x20]  }
0xa2: {  	v23 =	vld [tilespmem:s0+$0x30]  }
0xa3: {  	v24 =	vld [tilespmem:s0+$0xFFFFFFE0]  }
0xa4: {  	v25 =	vld [tilespmem:s0+$0xFFFFFFF0]  }
0xa5: {  	v26 =	vld [tilespmem:s0+$0xFFFFFFA0]  }
0xa6: {  	v27 =	vld [tilespmem:s0+$0xFFFFFFB0]  }
0xa7: {  	v28 =	vld [tilespmem:s0+$0xFFFFFF60]  }
0xa8: {  	v29 =	vld [tilespmem:s0+$0xFFFFFF70]  }
0xa9: {  	v34 =	vld [tilespmem:s0+$0xFFFFFF20]  }
0xaa: {  	v35 =	vld [tilespmem:s0+$0xFFFFFF30]  }
0xab: {  	v36 =	vld [tilespmem:s0+$0xFFFFFEE0]  }
0xac: {  	v37 =	vld [tilespmem:s0+$0xFFFFFEF0]  }
0xad: {  	v38 =	vld [tilespmem:s0+$0xFFFFFEA0]  }
0xae: {  	v39 =	vld [tilespmem:s0+$0xFFFFFEB0]  }
0xaf: {  	v40 =	vld [tilespmem:s0+$0xFFFFFE60]  }
0xb0: {  	v41 =	vld [tilespmem:s0+$0xFFFFFE70]  }
0xb1: {  	v42 =	vld [tilespmem:s0+$0xFFFFFE20]  }
0xb2: {  	v43 =	vld [tilespmem:s0+$0xFFFFFE30]  }
0xb3: {  	v44 =	vld [tilespmem:s0+$0xFFFFFDE0]  }
0xb4: {  	v45 =	vld [tilespmem:s0+$0xFFFFFDF0]  }
0xb5: {  	v46 =	vld [tilespmem:s0+$0xFFFFFDA0]  }
0xb6: {  	v47 =	vld [tilespmem:s0+$0xFFFFFDB0]  }
0xb7: {  	v48 =	vld [tilespmem:s0+$0xFFFFFD60]  }
0xb8: {  	v49 =	vld [tilespmem:s0+$0xFFFFFD70]  }
0xb9: {  	v50 =	vld [tilespmem:s0+$0xFFFFFD20]  }
0xba: {  	v51 =	vld [tilespmem:s0+$0xFFFFFD30]  }
0xbb: {  	v52 =	vld [tilespmem:s0+$0xFFFFFCE0]  }
0xbc: {  	v53 =	vld [tilespmem:s0+$0xFFFFFCF0]  }
0xbd: {  	v54 =	vld [tilespmem:s0+$0xFFFFFD00]  }
0xbe: {  	s1 =	sadd.s32 $0x19, s1;
	v55 =	vld [tilespmem:s0+$0xFFFFFD10]  }
0xbf: {  	p0 =	slt.u32 s1, $0xAF;
	v56 =	vld [tilespmem:s0+$0xFFFFFD40]  }
0xc0: {  	v57 =	vld [tilespmem:s0+$0xFFFFFD50]  }
0xc1: {  	v58 =	vld [tilespmem:s0+$0xFFFFFD80]  }
0xc2: {  	v30 =	vadd.f32 v52, v30;
	v31 =	vadd.f32 v53, v31;
	v52 =	vld [tilespmem:s0+$0xFFFFFD90]  }
0xc3: {  	v32 =	vadd.f32 v54, v32;
	v33 =	vadd.f32 v55, v33;
	v53 =	vld [tilespmem:s0+$0xFFFFFDC0]  }
0xc4: {  	v30 =	vadd.f32 v50, v30;
	v31 =	vadd.f32 v51, v31;
	v50 =	vld [tilespmem:s0+$0xFFFFFDD0]  }
0xc5: {  	v32 =	vadd.f32 v56, v32;
	v33 =	vadd.f32 v57, v33;
	v51 =	vld [tilespmem:s0+$0xFFFFFE00]  }
0xc6: {  	v30 =	vadd.f32 v48, v30;
	v31 =	vadd.f32 v49, v31;
	v48 =	vld [tilespmem:s0+$0xFFFFFE10]  }
0xc7: {  	v32 =	vadd.f32 v58, v32;
	v33 =	vadd.f32 v52, v33;
	v49 =	vld [tilespmem:s0+$0xFFFFFE40]  }
0xc8: {  	v30 =	vadd.f32 v46, v30;
	v31 =	vadd.f32 v47, v31;
	v46 =	vld [tilespmem:s0+$0xFFFFFE50]  }
0xc9: {  	v32 =	vadd.f32 v53, v32;
	v33 =	vadd.f32 v50, v33;
	v47 =	vld [tilespmem:s0+$0xFFFFFE80]  }
0xca: {  	v30 =	vadd.f32 v44, v30;
	v31 =	vadd.f32 v45, v31;
	v44 =	vld [tilespmem:s0+$0xFFFFFE90]  }
0xcb: {  	v32 =	vadd.f32 v51, v32;
	v33 =	vadd.f32 v48, v33;
	v45 =	vld [tilespmem:s0+$0xFFFFFEC0]  }
0xcc: {  	v30 =	vadd.f32 v42, v30;
	v31 =	vadd.f32 v43, v31;
	v42 =	vld [tilespmem:s0+$0xFFFFFED0]  }
0xcd: {  	v32 =	vadd.f32 v49, v32;
	v33 =	vadd.f32 v46, v33;
	v43 =	vld [tilespmem:s0+$0xFFFFFF00]  }
0xce: {  	v30 =	vadd.f32 v40, v30;
	v31 =	vadd.f32 v41, v31;
	v40 =	vld [tilespmem:s0+$0xFFFFFF10]  }
0xcf: {  	v32 =	vadd.f32 v47, v32;
	v33 =	vadd.f32 v44, v33;
	v41 =	vld [tilespmem:s0+$0xFFFFFF40]  }
0xd0: {  	v30 =	vadd.f32 v38, v30;
	v31 =	vadd.f32 v39, v31;
	v38 =	vld [tilespmem:s0+$0xFFFFFF50]  }
0xd1: {  	v32 =	vadd.f32 v45, v32;
	v33 =	vadd.f32 v42, v33;
	v39 =	vld [tilespmem:s0+$0xFFFFFF80]  }
0xd2: {  	v30 =	vadd.f32 v36, v30;
	v31 =	vadd.f32 v37, v31;
	v36 =	vld [tilespmem:s0+$0xFFFFFF90]  }
0xd3: {  	v32 =	vadd.f32 v43, v32;
	v33 =	vadd.f32 v40, v33;
	v37 =	vld [tilespmem:s0+$0xFFFFFFC0]  }
0xd4: {  	v30 =	vadd.f32 v34, v30;
	v31 =	vadd.f32 v35, v31;
	v34 =	vld [tilespmem:s0+$0xFFFFFFD0]  }
0xd5: {  	v32 =	vadd.f32 v41, v32;
	v33 =	vadd.f32 v38, v33;
	v35 =	vld [tilespmem:s0+$0x0]  }
0xd6: {  	v28 =	vadd.f32 v28, v30;
	v29 =	vadd.f32 v29, v31;
	v30 =	vld [tilespmem:s0+$0x10]  }
0xd7: {  	v31 =	vadd.f32 v39, v32;
	v32 =	vadd.f32 v36, v33;
	v33 =	vld [tilespmem:s0+$0x40]  }
0xd8: {  	v26 =	vadd.f32 v26, v28;
	v27 =	vadd.f32 v27, v29;
	v28 =	vld [tilespmem:s0+$0x50]  }
0xd9: {  	v29 =	vadd.f32 v37, v31;
	v31 =	vadd.f32 v34, v32;
	v32 =	vld [tilespmem:s0+$0x80]  }
0xda: {  	v24 =	vadd.f32 v24, v26;
	v25 =	vadd.f32 v25, v27;
	v26 =	vld [tilespmem:s0+$0x90]  }
0xdb: {  	v27 =	vadd.f32 v35, v29;
	v29 =	vadd.f32 v30, v31;
	v30 =	vld [tilespmem:s0+$0xC0]  }
0xdc: {  	v22 =	vadd.f32 v22, v24;
	v23 =	vadd.f32 v23, v25;
	v24 =	vld [tilespmem:s0+$0xD0]  }
0xdd: {  	v25 =	vadd.f32 v33, v27;
	v27 =	vadd.f32 v28, v29;
	v28 =	vld [tilespmem:s0+$0x100]  }
0xde: {  	v20 =	vadd.f32 v20, v22;
	v21 =	vadd.f32 v21, v23;
	v22 =	vld [tilespmem:s0+$0x110]  }
0xdf: {  	v23 =	vadd.f32 v32, v25;
	v25 =	vadd.f32 v26, v27;
	v26 =	vld [tilespmem:s0+$0x140]  }
0xe0: {  	v18 =	vadd.f32 v18, v20;
	v19 =	vadd.f32 v19, v21;
	v20 =	vld [tilespmem:s0+$0x150]  }
0xe1: {  	v21 =	vadd.f32 v30, v23;
	v23 =	vadd.f32 v24, v25;
	v24 =	vld [tilespmem:s0+$0x180]  }
0xe2: {  	v16 =	vadd.f32 v16, v18;
	v17 =	vadd.f32 v17, v19;
	v18 =	vld [tilespmem:s0+$0x190]  }
0xe3: {  	v19 =	vadd.f32 v28, v21;
	v21 =	vadd.f32 v22, v23;
	v22 =	vld [tilespmem:s0+$0x1C0]  }
0xe4: {  	v14 =	vadd.f32 v14, v16;
	v15 =	vadd.f32 v15, v17;
	v16 =	vld [tilespmem:s0+$0x1D0]  }
0xe5: {  	v17 =	vadd.f32 v26, v19;
	v19 =	vadd.f32 v20, v21;
	v20 =	vld [tilespmem:s0+$0x200]  }
0xe6: {  	v12 =	vadd.f32 v12, v14;
	v13 =	vadd.f32 v13, v15;
	v14 =	vld [tilespmem:s0+$0x210]  }
0xe7: {  	v15 =	vadd.f32 v24, v17;
	v17 =	vadd.f32 v18, v19;
	v18 =	vld [tilespmem:s0+$0x240]  }
0xe8: {  	v12 =	vadd.f32 v10, v12;
	v11 =	vadd.f32 v11, v13;
	v13 =	vld [tilespmem:s0+$0x250]  }
0xe9: {  	v15 =	vadd.f32 v22, v15;
	v16 =	vadd.f32 v16, v17;
	v10 =	vld [tilespmem:s0+$0x280]  }
.Ltmp0:
0xea: {  	v12 =	vadd.f32 v8, v12;
	v11 =	vadd.f32 v9, v11;
	v9 =	vld [tilespmem:s0+$0x290];
	(pc) =	sbr.rel @p0 .LBB2_3-.Ltmp0, $4  }
0xeb: {  	v15 =	vadd.f32 v20, v15;
	v14 =	vadd.f32 v14, v16;
	v8 =	vld [tilespmem:s0+$0x2C0]  }
0xec: {  	v16 =	vadd.f32 v6, v12;
	v17 =	vadd.f32 v7, v11;
	v7 =	vld [tilespmem:s0+$0x2D0]  }
0xed: {  	v12 =	vadd.f32 v18, v15;
	v11 =	vadd.f32 v13, v14;
	v6 =	vld [tilespmem:s0+$0x300]  }
0xee: {  	v13 =	vadd.f32 v4, v16;
	v4 =	vadd.f32 v5, v17;
	v5 =	vld [tilespmem:s0+$0x310];
	s0 =	sadd.s32 $0x640, s0  }
0xef: {  	_ = 	snop  }
0xf0: {  	v10 =	vadd.f32 v10, v12;
	v2 =	vadd.f32 v2, v13  }
0xf1: {  	v9 =	vadd.f32 v9, v11;
	v3 =	vadd.f32 v3, v4  }
0xf2: {  	v4 =	vadd.f32 v8, v10;
	v0 =	vadd.f32 v0, v2  }
0xf3: {  	v2 =	vadd.f32 v7, v9;
	v1 =	vadd.f32 v1, v3  }
0xf4: {  	s0 =	sshll.u32 s29, $0x8;
	v3 =	vadd.f32 v6, v4;
	v0 =	vmul.f32 $4.999999890e-03, v0  }
0xf5: {  	s31 =	sand.u32 $0x3FFFFF00, s0;
	v2 =	vadd.f32 v5, v2;
	v1 =	vmul.f32 $4.999999890e-03, v1  }
0xf6: {  	[tilespmem:s31+$0x12C00] =	vst v0;
	v0 =	vmul.f32 $4.999999890e-03, v3  }
0xf7: {  	[tilespmem:s31+$0x12C10] =	vst v1;
	v1 =	vmul.f32 $4.999999890e-03, v2  }
0xf8: {  	[tilespmem:s31+$0x12C20] =	vst v0  }
0xf9: {  	[tilespmem:s31+$0x12C30] =	vst v1  }
0xfa: {  	_ =	swait.ge [sflag:s23], $0x2000  }
0xfb: {  	p0 =	seq.s32 s29, $0x1F;
	[sflag:s23] =	ssyncset.done $0x0  }
0xfc: {  	s0 =	smul.u32 @!p0 $0xC80, s29;
	[sflag:s23] =	ssyncadd.s32 $0xFFFFE000  }
0xfd: {  	_ =	swait.ge [sflag:s23], $0x1200  }
0xfe: {  	s9 =	simm.s32 @!p0 $0x80;
	s1 =	sshra.s32 @!p0 s0, $0x2;
	[sflag:s23] =	ssyncset.done $0x0  }
0xff: {  	s11 =	simm.s32 @!p0 $0x6400;
	s0 =	sadd.s32 @!p0 $0x320, s1;
	[sflag:s23] =	ssyncadd.s32 $0xFFFFEE00  }
0x100: {  	[tilespmem:s11], [sflag:$0x1] =	stream.indirect.gather @!p0 [hbm4b:s3+s9], $0x40, s0, s9, $0xb8;
	[tilespmem:$0x14C00] =	vst v63  }
0x101: {  	s0 =	sadd.s32 @!p0 $0x3A0, s1;
	s9 =	simm.s32 @!p0 $0x48;
	s11 =	simm.s32 @!p0 $0x8400  }
0x102: {  	[tilespmem:s11], [sflag:$0x1] =	stream.indirect.gather @!p0 [hbm4b:s3+s9], $0x40, s0, s9, $0xb8;
	[tilespmem:$0x14C00] =	vst v63  }
0x103: {  	s11 =	simm.s32 $0x9920  }
0x104: {  	v0 =	vld [tilespmem:s11+$0x2E0]  }
0x105: {  	v1 =	vld [tilespmem:s11+$0x2F0]  }
0x106: {  	v2 =	vld [tilespmem:s11+$0x2A0]  }
0x107: {  	v3 =	vld [tilespmem:s11+$0x2B0]  }
0x108: {  	v4 =	vld [tilespmem:s11+$0x260]  }
0x109: {  	v5 =	vld [tilespmem:s11+$0x270]  }
0x10a: {  	v6 =	vld [tilespmem:s11+$0x220]  }
0x10b: {  	v7 =	vld [tilespmem:s11+$0x230]  }
0x10c: {  	v8 =	vld [tilespmem:s11+$0x1E0]  }
0x10d: {  	v9 =	vld [tilespmem:s11+$0x1F0]  }
0x10e: {  	v10 =	vld [tilespmem:s11+$0x1A0]  }
0x10f: {  	v11 =	vld [tilespmem:s11+$0x1B0]  }
0x110: {  	v12 =	vld [tilespmem:s11+$0x160]  }
0x111: {  	v13 =	vld [tilespmem:s11+$0x170]  }
0x112: {  	v14 =	vld [tilespmem:s11+$0x120]  }
0x113: {  	v15 =	vld [tilespmem:s11+$0x130]  }
0x114: {  	v16 =	vld [tilespmem:s11+$0xE0]  }
0x115: {  	v17 =	vld [tilespmem:s11+$0xF0]  }
0x116: {  	v18 =	vld [tilespmem:s11+$0xA0]  }
0x117: {  	v19 =	vld [tilespmem:s11+$0xB0]  }
0x118: {  	v20 =	vld [tilespmem:s11+$0x60]  }
0x119: {  	v21 =	vld [tilespmem:s11+$0x70]  }
0x11a: {  	v22 =	vld [tilespmem:s11+$0x20]  }
0x11b: {  	v23 =	vld [tilespmem:s11+$0x30]  }
0x11c: {  	v24 =	vld [tilespmem:s11+$0xFFFFFFE0]  }
0x11d: {  	v25 =	vld [tilespmem:s11+$0xFFFFFFF0]  }
0x11e: {  	v26 =	vld [tilespmem:s11+$0xFFFFFFA0]  }
0x11f: {  	v27 =	vld [tilespmem:s11+$0xFFFFFFB0]  }
0x120: {  	v28 =	vld [tilespmem:s11+$0xFFFFFF60]  }
0x121: {  	v29 =	vld [tilespmem:s11+$0xFFFFFF70]  }
0x122: {  	v30 =	vld [tilespmem:s11+$0xFFFFFF20]  }
0x123: {  	v31 =	vld [tilespmem:s11+$0xFFFFFF30]  }
0x124: {  	v32 =	vld [tilespmem:s11+$0xFFFFFEE0]  }
0x125: {  	v33 =	vld [tilespmem:s11+$0xFFFFFEF0]  }
0x126: {  	v34 =	vld [tilespmem:s11+$0xFFFFFEA0]  }
0x127: {  	v35 =	vld [tilespmem:s11+$0xFFFFFEB0]  }
0x128: {  	v36 =	vld [tilespmem:s11+$0xFFFFFE60]  }
0x129: {  	v37 =	vld [tilespmem:s11+$0xFFFFFE70]  }
0x12a: {  	v38 =	vld [tilespmem:s11+$0xFFFFFE20]  }
0x12b: {  	v39 =	vld [tilespmem:s11+$0xFFFFFE30]  }
0x12c: {  	v40 =	vld [tilespmem:s11+$0xFFFFFDE0]  }
0x12d: {  	v41 =	vld [tilespmem:s11+$0xFFFFFDF0]  }
0x12e: {  	v42 =	vld [tilespmem:s11+$0xFFFFFDA0]  }
0x12f: {  	v43 =	vld [tilespmem:s11+$0xFFFFFDB0]  }
0x130: {  	v44 =	vld [tilespmem:s11+$0xFFFFFD60]  }
0x131: {  	v45 =	vld [tilespmem:s11+$0xFFFFFD70]  }
0x132: {  	v46 =	vld [tilespmem:s11+$0xFFFFFD20]  }
0x133: {  	v47 =	vld [tilespmem:s11+$0xFFFFFD30]  }
0x134: {  	v48 =	vld [tilespmem:s11+$0xFFFFFCE0]  }
0x135: {  	v49 =	vld [tilespmem:s11+$0xFFFFFCF0]  }
0x136: {  	v50 =	vld [tilespmem:s11+$0xFFFFFD00]  }
0x137: {  	v51 =	vld [tilespmem:s11+$0xFFFFFD10]  }
0x138: {  	v52 =	vld [tilespmem:s11+$0xFFFFFD40]  }
0x139: {  	v53 =	vld [tilespmem:s11+$0xFFFFFD50]  }
0x13a: {  	v54 =	vimm.f32 $0.0e+00;
	v55 =	vld [tilespmem:s11+$0xFFFFFD80]  }
0x13b: {  	v56 =	vld [tilespmem:s11+$0xFFFFFD90];
	v48 =	vadd.f32 v48, v54;
	v49 =	vadd.f32 v49, v54  }
0x13c: {  	v61 =	vld [tilespmem:s11+$0xFFFFFDC0];
	v50 =	vadd.f32 v50, v54;
	v51 =	vadd.f32 v51, v54  }
0x13d: {  	v46 =	vadd.f32 v46, v48;
	v47 =	vadd.f32 v47, v49;
	v48 =	vld [tilespmem:s11+$0xFFFFFDD0]  }
0x13e: {  	v62 =	vadd.f32 v52, v50;
	v63 =	vadd.f32 v53, v51;
	v51 =	vld [tilespmem:s11+$0xFFFFFE00]  }
0x13f: {  	v53 =	vld [tilespmem:s11+$0xFFFFFE10];
	v44 =	vadd.f32 v44, v46;
	v45 =	vadd.f32 v45, v47  }
0x140: {  	v59 =	vld [tilespmem:s11+$0xFFFFFE40];
	v57 =	vadd.f32 v55, v62;
	v58 =	vadd.f32 v56, v63  }
0x141: {  	v60 =	vld [tilespmem:s11+$0xFFFFFE50];
	v42 =	vadd.f32 v42, v44;
	v43 =	vadd.f32 v43, v45  }
0x142: {  	v49 =	vld [tilespmem:s11+$0xFFFFFE90];
	v61 =	vadd.f32 v61, v57;
	v62 =	vadd.f32 v48, v58  }
0x143: {  	v63 =	vld [tilespmem:s11+$0xFFFFFE80];
	v40 =	vadd.f32 v40, v42;
	v41 =	vadd.f32 v41, v43  }
0x144: {  	v54 =	vld [tilespmem:s11+$0xFFFFFEC0];
	v52 =	vadd.f32 v51, v61;
	v53 =	vadd.f32 v53, v62  }
0x145: {  	v55 =	vld [tilespmem:s11+$0xFFFFFED0];
	v38 =	vadd.f32 v38, v40;
	v39 =	vadd.f32 v39, v41  }
0x146: {  	v58 =	vld [tilespmem:s11+$0xFFFFFF00];
	v56 =	vadd.f32 v59, v52;
	v57 =	vadd.f32 v60, v53  }
0x147: {  	v59 =	vld [tilespmem:s11+$0xFFFFFF10];
	v36 =	vadd.f32 v36, v38;
	v37 =	vadd.f32 v37, v39  }
0x148: {  	v62 =	vld [tilespmem:s11+$0xFFFFFF40];
	v60 =	vadd.f32 v63, v56;
	v61 =	vadd.f32 v49, v57  }
0x149: {  	v63 =	vld [tilespmem:s11+$0xFFFFFF50];
	v34 =	vadd.f32 v34, v36;
	v35 =	vadd.f32 v35, v37  }
0x14a: {  	v47 =	vld [tilespmem:s11+$0xFFFFFF80];
	v45 =	vadd.f32 v54, v60;
	v46 =	vadd.f32 v55, v61  }
0x14b: {  	v48 =	vld [tilespmem:s11+$0xFFFFFF90];
	v32 =	vadd.f32 v32, v34;
	v33 =	vadd.f32 v33, v35  }
0x14c: {  	v51 =	vld [tilespmem:s11+$0xFFFFFFC0];
	v49 =	vadd.f32 v58, v45;
	v50 =	vadd.f32 v59, v46  }
0x14d: {  	v52 =	vld [tilespmem:s11+$0xFFFFFFD0];
	v30 =	vadd.f32 v30, v32;
	v31 =	vadd.f32 v31, v33  }
0x14e: {  	v56 =	vld [tilespmem:s11+$0x10];
	v53 =	vadd.f32 v62, v49;
	v54 =	vadd.f32 v63, v50  }
0x14f: {  	v55 =	vld [tilespmem:s11+$0x0];
	v28 =	vadd.f32 v28, v30;
	v29 =	vadd.f32 v29, v31  }
0x150: {  	v60 =	vld [tilespmem:s11+$0x50];
	v57 =	vadd.f32 v47, v53;
	v58 =	vadd.f32 v48, v54  }
0x151: {  	v59 =	vld [tilespmem:s11+$0x40];
	v26 =	vadd.f32 v26, v28;
	v27 =	vadd.f32 v27, v29  }
0x152: {  	v35 =	vld [tilespmem:s11+$0x90];
	v61 =	vadd.f32 v51, v57;
	v62 =	vadd.f32 v52, v58  }
0x153: {  	v63 =	vld [tilespmem:s11+$0x80];
	v24 =	vadd.f32 v24, v26;
	v25 =	vadd.f32 v25, v27  }
0x154: {  	v40 =	vld [tilespmem:s11+$0xD0];
	v37 =	vadd.f32 v55, v61;
	v38 =	vadd.f32 v56, v62  }
0x155: {  	v39 =	vld [tilespmem:s11+$0xC0];
	v22 =	vadd.f32 v22, v24;
	v23 =	vadd.f32 v23, v25  }
0x156: {  	v44 =	vld [tilespmem:s11+$0x110];
	v41 =	vadd.f32 v59, v37;
	v42 =	vadd.f32 v60, v38  }
0x157: {  	v43 =	vld [tilespmem:s11+$0x100];
	v20 =	vadd.f32 v20, v22;
	v21 =	vadd.f32 v21, v23  }
0x158: {  	v47 =	vld [tilespmem:s11+$0x140];
	v45 =	vadd.f32 v63, v41;
	v46 =	vadd.f32 v35, v42  }
0x159: {  	v48 =	vld [tilespmem:s11+$0x150];
	v18 =	vadd.f32 v18, v20;
	v19 =	vadd.f32 v19, v21  }
0x15a: {  	v51 =	vld [tilespmem:s11+$0x180];
	v49 =	vadd.f32 v39, v45;
	v50 =	vadd.f32 v40, v46  }
0x15b: {  	v52 =	vld [tilespmem:s11+$0x190];
	v16 =	vadd.f32 v16, v18;
	v17 =	vadd.f32 v17, v19  }
0x15c: {  	v55 =	vld [tilespmem:s11+$0x1C0];
	v53 =	vadd.f32 v43, v49;
	v54 =	vadd.f32 v44, v50  }
0x15d: {  	v56 =	vld [tilespmem:s11+$0x1D0];
	v14 =	vadd.f32 v14, v16;
	v15 =	vadd.f32 v15, v17  }
0x15e: {  	v59 =	vld [tilespmem:s11+$0x200];
	v57 =	vadd.f32 v47, v53;
	v58 =	vadd.f32 v48, v54  }
0x15f: {  	v12 =	vadd.f32 v12, v14;
	v13 =	vadd.f32 v13, v15;
	v14 =	vld [tilespmem:s11+$0x210]  }
0x160: {  	v61 =	vld [tilespmem:s11+$0x240];
	v15 =	vadd.f32 v51, v57;
	v60 =	vadd.f32 v52, v58  }
0x161: {  	v12 =	vadd.f32 v10, v12;
	v11 =	vadd.f32 v11, v13;
	v13 =	vld [tilespmem:s11+$0x250]  }
0x162: {  	v15 =	vadd.f32 v55, v15;
	v10 =	vld [tilespmem:s11+$0x280];
	v16 =	vadd.f32 v56, v60  }
0x163: {  	v12 =	vadd.f32 v8, v12;
	v11 =	vadd.f32 v9, v11;
	v9 =	vld [tilespmem:s11+$0x290]  }
0x164: {  	v15 =	vadd.f32 v59, v15;
	v8 =	vld [tilespmem:s11+$0x2C0];
	v14 =	vadd.f32 v14, v16  }
0x165: {  	v62 =	vadd.f32 v6, v12;
	v63 =	vadd.f32 v7, v11;
	v7 =	vld [tilespmem:s11+$0x2D0]  }
0x166: {  	v12 =	vadd.f32 v61, v15;
	v6 =	vld [tilespmem:s11+$0x300];
	v11 =	vadd.f32 v13, v14  }
0x167: {  	s0 =	simm.s32 $0x0;
	s9 =	simm.s32 $0x9F60;
	v13 =	vadd.f32 v4, v62;
	v4 =	vadd.f32 v5, v63;
	v5 =	vld [tilespmem:s11+$0x310]  }
.LBB2_5:
0x168: {  	v14 =	vld [tilespmem:s9+$0x2E0];
	v10 =	vadd.f32 v10, v12;
	v9 =	vadd.f32 v9, v11  }
0x169: {  	v11 =	vld [tilespmem:s9+$0x2F0];
	v12 =	vadd.f32 v2, v13;
	v4 =	vadd.f32 v3, v4  }
0x16a: {  	v2 =	vld [tilespmem:s9+$0x2A0];
	v8 =	vadd.f32 v8, v10;
	v7 =	vadd.f32 v7, v9  }
0x16b: {  	v3 =	vld [tilespmem:s9+$0x2B0];
	v30 =	vadd.f32 v0, v12;
	v31 =	vadd.f32 v1, v4  }
0x16c: {  	v4 =	vld [tilespmem:s9+$0x260];
	v32 =	vadd.f32 v6, v8;
	v33 =	vadd.f32 v5, v7  }
0x16d: {  	v5 =	vld [tilespmem:s9+$0x270];
	v0 =	vmov v14  }
0x16e: {  	v6 =	vld [tilespmem:s9+$0x220];
	v1 =	vmov v11  }
0x16f: {  	v7 =	vld [tilespmem:s9+$0x230]  }
0x170: {  	v8 =	vld [tilespmem:s9+$0x1E0]  }
0x171: {  	v9 =	vld [tilespmem:s9+$0x1F0]  }
0x172: {  	v10 =	vld [tilespmem:s9+$0x1A0]  }
0x173: {  	v11 =	vld [tilespmem:s9+$0x1B0]  }
0x174: {  	v12 =	vld [tilespmem:s9+$0x160]  }
0x175: {  	v13 =	vld [tilespmem:s9+$0x170]  }
0x176: {  	v14 =	vld [tilespmem:s9+$0x120]  }
0x177: {  	v15 =	vld [tilespmem:s9+$0x130]  }
0x178: {  	v16 =	vld [tilespmem:s9+$0xE0]  }
0x179: {  	v17 =	vld [tilespmem:s9+$0xF0]  }
0x17a: {  	v18 =	vld [tilespmem:s9+$0xA0]  }
0x17b: {  	v19 =	vld [tilespmem:s9+$0xB0]  }
0x17c: {  	v20 =	vld [tilespmem:s9+$0x60]  }
0x17d: {  	v21 =	vld [tilespmem:s9+$0x70]  }
0x17e: {  	v22 =	vld [tilespmem:s9+$0x20]  }
0x17f: {  	v23 =	vld [tilespmem:s9+$0x30]  }
0x180: {  	v24 =	vld [tilespmem:s9+$0xFFFFFFE0]  }
0x181: {  	v25 =	vld [tilespmem:s9+$0xFFFFFFF0]  }
0x182: {  	v26 =	vld [tilespmem:s9+$0xFFFFFFA0]  }
0x183: {  	v27 =	vld [tilespmem:s9+$0xFFFFFFB0]  }
0x184: {  	v28 =	vld [tilespmem:s9+$0xFFFFFF60]  }
0x185: {  	v29 =	vld [tilespmem:s9+$0xFFFFFF70]  }
0x186: {  	v34 =	vld [tilespmem:s9+$0xFFFFFF20]  }
0x187: {  	v35 =	vld [tilespmem:s9+$0xFFFFFF30]  }
0x188: {  	v36 =	vld [tilespmem:s9+$0xFFFFFEE0]  }
0x189: {  	v37 =	vld [tilespmem:s9+$0xFFFFFEF0]  }
0x18a: {  	v38 =	vld [tilespmem:s9+$0xFFFFFEA0]  }
0x18b: {  	v39 =	vld [tilespmem:s9+$0xFFFFFEB0]  }
0x18c: {  	v40 =	vld [tilespmem:s9+$0xFFFFFE60]  }
0x18d: {  	v41 =	vld [tilespmem:s9+$0xFFFFFE70]  }
0x18e: {  	v42 =	vld [tilespmem:s9+$0xFFFFFE20]  }
0x18f: {  	v43 =	vld [tilespmem:s9+$0xFFFFFE30]  }
0x190: {  	v44 =	vld [tilespmem:s9+$0xFFFFFDE0]  }
0x191: {  	v45 =	vld [tilespmem:s9+$0xFFFFFDF0]  }
0x192: {  	v46 =	vld [tilespmem:s9+$0xFFFFFDA0]  }
0x193: {  	v47 =	vld [tilespmem:s9+$0xFFFFFDB0]  }
0x194: {  	v48 =	vld [tilespmem:s9+$0xFFFFFD60]  }
0x195: {  	v49 =	vld [tilespmem:s9+$0xFFFFFD70]  }
0x196: {  	v50 =	vld [tilespmem:s9+$0xFFFFFD20]  }
0x197: {  	v51 =	vld [tilespmem:s9+$0xFFFFFD30]  }
0x198: {  	v52 =	vld [tilespmem:s9+$0xFFFFFCE0]  }
0x199: {  	v53 =	vld [tilespmem:s9+$0xFFFFFCF0]  }
0x19a: {  	v54 =	vld [tilespmem:s9+$0xFFFFFD00]  }
0x19b: {  	s0 =	sadd.s32 $0x19, s0;
	v55 =	vld [tilespmem:s9+$0xFFFFFD10]  }
0x19c: {  	p1 =	slt.u32 s0, $0xAF;
	v56 =	vld [tilespmem:s9+$0xFFFFFD40]  }
0x19d: {  	v57 =	vld [tilespmem:s9+$0xFFFFFD50]  }
0x19e: {  	v58 =	vld [tilespmem:s9+$0xFFFFFD80]  }
0x19f: {  	v30 =	vadd.f32 v52, v30;
	v31 =	vadd.f32 v53, v31;
	v52 =	vld [tilespmem:s9+$0xFFFFFD90]  }
0x1a0: {  	v32 =	vadd.f32 v54, v32;
	v33 =	vadd.f32 v55, v33;
	v53 =	vld [tilespmem:s9+$0xFFFFFDC0]  }
0x1a1: {  	v30 =	vadd.f32 v50, v30;
	v31 =	vadd.f32 v51, v31;
	v50 =	vld [tilespmem:s9+$0xFFFFFDD0]  }
0x1a2: {  	v32 =	vadd.f32 v56, v32;
	v33 =	vadd.f32 v57, v33;
	v51 =	vld [tilespmem:s9+$0xFFFFFE00]  }
0x1a3: {  	v30 =	vadd.f32 v48, v30;
	v31 =	vadd.f32 v49, v31;
	v48 =	vld [tilespmem:s9+$0xFFFFFE10]  }
0x1a4: {  	v32 =	vadd.f32 v58, v32;
	v33 =	vadd.f32 v52, v33;
	v49 =	vld [tilespmem:s9+$0xFFFFFE40]  }
0x1a5: {  	v30 =	vadd.f32 v46, v30;
	v31 =	vadd.f32 v47, v31;
	v46 =	vld [tilespmem:s9+$0xFFFFFE50]  }
0x1a6: {  	v32 =	vadd.f32 v53, v32;
	v33 =	vadd.f32 v50, v33;
	v47 =	vld [tilespmem:s9+$0xFFFFFE80]  }
0x1a7: {  	v30 =	vadd.f32 v44, v30;
	v31 =	vadd.f32 v45, v31;
	v44 =	vld [tilespmem:s9+$0xFFFFFE90]  }
0x1a8: {  	v32 =	vadd.f32 v51, v32;
	v33 =	vadd.f32 v48, v33;
	v45 =	vld [tilespmem:s9+$0xFFFFFEC0]  }
0x1a9: {  	v30 =	vadd.f32 v42, v30;
	v31 =	vadd.f32 v43, v31;
	v42 =	vld [tilespmem:s9+$0xFFFFFED0]  }
0x1aa: {  	v32 =	vadd.f32 v49, v32;
	v33 =	vadd.f32 v46, v33;
	v43 =	vld [tilespmem:s9+$0xFFFFFF00]  }
0x1ab: {  	v30 =	vadd.f32 v40, v30;
	v31 =	vadd.f32 v41, v31;
	v40 =	vld [tilespmem:s9+$0xFFFFFF10]  }
0x1ac: {  	v32 =	vadd.f32 v47, v32;
	v33 =	vadd.f32 v44, v33;
	v41 =	vld [tilespmem:s9+$0xFFFFFF40]  }
0x1ad: {  	v30 =	vadd.f32 v38, v30;
	v31 =	vadd.f32 v39, v31;
	v38 =	vld [tilespmem:s9+$0xFFFFFF50]  }
0x1ae: {  	v32 =	vadd.f32 v45, v32;
	v33 =	vadd.f32 v42, v33;
	v39 =	vld [tilespmem:s9+$0xFFFFFF80]  }
0x1af: {  	v30 =	vadd.f32 v36, v30;
	v31 =	vadd.f32 v37, v31;
	v36 =	vld [tilespmem:s9+$0xFFFFFF90]  }
0x1b0: {  	v32 =	vadd.f32 v43, v32;
	v33 =	vadd.f32 v40, v33;
	v37 =	vld [tilespmem:s9+$0xFFFFFFC0]  }
0x1b1: {  	v30 =	vadd.f32 v34, v30;
	v31 =	vadd.f32 v35, v31;
	v34 =	vld [tilespmem:s9+$0xFFFFFFD0]  }
0x1b2: {  	v32 =	vadd.f32 v41, v32;
	v33 =	vadd.f32 v38, v33;
	v35 =	vld [tilespmem:s9+$0x0]  }
0x1b3: {  	v28 =	vadd.f32 v28, v30;
	v29 =	vadd.f32 v29, v31;
	v30 =	vld [tilespmem:s9+$0x10]  }
0x1b4: {  	v31 =	vadd.f32 v39, v32;
	v32 =	vadd.f32 v36, v33;
	v33 =	vld [tilespmem:s9+$0x40]  }
0x1b5: {  	v26 =	vadd.f32 v26, v28;
	v27 =	vadd.f32 v27, v29;
	v28 =	vld [tilespmem:s9+$0x50]  }
0x1b6: {  	v29 =	vadd.f32 v37, v31;
	v31 =	vadd.f32 v34, v32;
	v32 =	vld [tilespmem:s9+$0x80]  }
0x1b7: {  	v24 =	vadd.f32 v24, v26;
	v25 =	vadd.f32 v25, v27;
	v26 =	vld [tilespmem:s9+$0x90]  }
0x1b8: {  	v27 =	vadd.f32 v35, v29;
	v29 =	vadd.f32 v30, v31;
	v30 =	vld [tilespmem:s9+$0xC0]  }
0x1b9: {  	v22 =	vadd.f32 v22, v24;
	v23 =	vadd.f32 v23, v25;
	v24 =	vld [tilespmem:s9+$0xD0]  }
0x1ba: {  	v25 =	vadd.f32 v33, v27;
	v27 =	vadd.f32 v28, v29;
	v28 =	vld [tilespmem:s9+$0x100]  }
0x1bb: {  	v20 =	vadd.f32 v20, v22;
	v21 =	vadd.f32 v21, v23;
	v22 =	vld [tilespmem:s9+$0x110]  }
0x1bc: {  	v23 =	vadd.f32 v32, v25;
	v25 =	vadd.f32 v26, v27;
	v26 =	vld [tilespmem:s9+$0x140]  }
0x1bd: {  	v18 =	vadd.f32 v18, v20;
	v19 =	vadd.f32 v19, v21;
	v20 =	vld [tilespmem:s9+$0x150]  }
0x1be: {  	v21 =	vadd.f32 v30, v23;
	v23 =	vadd.f32 v24, v25;
	v24 =	vld [tilespmem:s9+$0x180]  }
0x1bf: {  	v16 =	vadd.f32 v16, v18;
	v17 =	vadd.f32 v17, v19;
	v18 =	vld [tilespmem:s9+$0x190]  }
0x1c0: {  	v19 =	vadd.f32 v28, v21;
	v21 =	vadd.f32 v22, v23;
	v22 =	vld [tilespmem:s9+$0x1C0]  }
0x1c1: {  	v14 =	vadd.f32 v14, v16;
	v15 =	vadd.f32 v15, v17;
	v16 =	vld [tilespmem:s9+$0x1D0]  }
0x1c2: {  	v17 =	vadd.f32 v26, v19;
	v19 =	vadd.f32 v20, v21;
	v20 =	vld [tilespmem:s9+$0x200]  }
0x1c3: {  	v12 =	vadd.f32 v12, v14;
	v13 =	vadd.f32 v13, v15;
	v14 =	vld [tilespmem:s9+$0x210]  }
0x1c4: {  	v15 =	vadd.f32 v24, v17;
	v17 =	vadd.f32 v18, v19;
	v18 =	vld [tilespmem:s9+$0x240]  }
0x1c5: {  	v12 =	vadd.f32 v10, v12;
	v11 =	vadd.f32 v11, v13;
	v13 =	vld [tilespmem:s9+$0x250]  }
0x1c6: {  	v15 =	vadd.f32 v22, v15;
	v16 =	vadd.f32 v16, v17;
	v10 =	vld [tilespmem:s9+$0x280]  }
.Ltmp1:
0x1c7: {  	v12 =	vadd.f32 v8, v12;
	v11 =	vadd.f32 v9, v11;
	v9 =	vld [tilespmem:s9+$0x290];
	(pc) =	sbr.rel @p1 .LBB2_5-.Ltmp1, $4  }
0x1c8: {  	v15 =	vadd.f32 v20, v15;
	v14 =	vadd.f32 v14, v16;
	v8 =	vld [tilespmem:s9+$0x2C0]  }
0x1c9: {  	v16 =	vadd.f32 v6, v12;
	v17 =	vadd.f32 v7, v11;
	v7 =	vld [tilespmem:s9+$0x2D0]  }
0x1ca: {  	v12 =	vadd.f32 v18, v15;
	v11 =	vadd.f32 v13, v14;
	v6 =	vld [tilespmem:s9+$0x300]  }
0x1cb: {  	v13 =	vadd.f32 v4, v16;
	v4 =	vadd.f32 v5, v17;
	v5 =	vld [tilespmem:s9+$0x310];
	s9 =	sadd.s32 $0x640, s9  }
0x1cc: {  	_ = 	snop  }
0x1cd: {  	v10 =	vadd.f32 v10, v12;
	v2 =	vadd.f32 v2, v13  }
0x1ce: {  	v9 =	vadd.f32 v9, v11;
	v3 =	vadd.f32 v3, v4  }
0x1cf: {  	v4 =	vadd.f32 v8, v10;
	v0 =	vadd.f32 v0, v2  }
0x1d0: {  	v2 =	vadd.f32 v7, v9;
	v1 =	vadd.f32 v1, v3  }
0x1d1: {  	v3 =	vadd.f32 v6, v4;
	v0 =	vmul.f32 $4.999999890e-03, v0  }
0x1d2: {  	v2 =	vadd.f32 v5, v2;
	v1 =	vmul.f32 $4.999999890e-03, v1  }
0x1d3: {  	[tilespmem:s31+$0x12C40] =	vst v0;
	v0 =	vmul.f32 $4.999999890e-03, v3  }
0x1d4: {  	[tilespmem:s31+$0x12C50] =	vst v1;
	v1 =	vmul.f32 $4.999999890e-03, v2  }
0x1d5: {  	[tilespmem:s31+$0x12C60] =	vst v0  }
0x1d6: {  	[tilespmem:s31+$0x12C70] =	vst v1  }
0x1d7: {  	_ =	swait.ge [sflag:s24], $0x2000  }
0x1d8: {  	[sflag:s24] =	ssyncset.done $0x0  }
0x1d9: {  	[sflag:s24] =	ssyncadd.s32 $0xFFFFE000  }
0x1da: {  	_ =	swait.ge [sflag:s24], $0x1200  }
0x1db: {  	s0 =	sadd.s32 @!p0 $0x3E8, s1;
	[sflag:s24] =	ssyncset.done $0x0  }
0x1dc: {  	s9 =	simm.s32 @!p0 $0x80;
	s11 =	simm.s32 @!p0 $0x9600;
	[sflag:s24] =	ssyncadd.s32 $0xFFFFEE00  }
0x1dd: {  	[tilespmem:s11], [sflag:$0x2] =	stream.indirect.gather @!p0 [hbm4b:s3+s9], $0x40, s0, s9, $0xb8;
	[tilespmem:$0x14C00] =	vst v63  }
0x1de: {  	s0 =	sadd.s32 @!p0 $0x468, s1;
	s9 =	simm.s32 @!p0 $0x48;
	s11 =	simm.s32 @!p0 $0xB600  }
0x1df: {  	[tilespmem:s11], [sflag:$0x2] =	stream.indirect.gather @!p0 [hbm4b:s3+s9], $0x40, s0, s9, $0xb8;
	[tilespmem:$0x14C00] =	vst v63  }
0x1e0: {  	s11 =	simm.s32 $0xCB20  }
0x1e1: {  	v0 =	vld [tilespmem:s11+$0x2E0]  }
0x1e2: {  	v1 =	vld [tilespmem:s11+$0x2F0]  }
0x1e3: {  	v2 =	vld [tilespmem:s11+$0x2A0]  }
0x1e4: {  	v3 =	vld [tilespmem:s11+$0x2B0]  }
0x1e5: {  	v4 =	vld [tilespmem:s11+$0x260]  }
0x1e6: {  	v5 =	vld [tilespmem:s11+$0x270]  }
0x1e7: {  	v6 =	vld [tilespmem:s11+$0x220]  }
0x1e8: {  	v7 =	vld [tilespmem:s11+$0x230]  }
0x1e9: {  	v8 =	vld [tilespmem:s11+$0x1E0]  }
0x1ea: {  	v9 =	vld [tilespmem:s11+$0x1F0]  }
0x1eb: {  	v10 =	vld [tilespmem:s11+$0x1A0]  }
0x1ec: {  	v11 =	vld [tilespmem:s11+$0x1B0]  }
0x1ed: {  	v12 =	vld [tilespmem:s11+$0x160]  }
0x1ee: {  	v13 =	vld [tilespmem:s11+$0x170]  }
0x1ef: {  	v14 =	vld [tilespmem:s11+$0x120]  }
0x1f0: {  	v15 =	vld [tilespmem:s11+$0x130]  }
0x1f1: {  	v16 =	vld [tilespmem:s11+$0xE0]  }
0x1f2: {  	v17 =	vld [tilespmem:s11+$0xF0]  }
0x1f3: {  	v18 =	vld [tilespmem:s11+$0xA0]  }
0x1f4: {  	v19 =	vld [tilespmem:s11+$0xB0]  }
0x1f5: {  	v20 =	vld [tilespmem:s11+$0x60]  }
0x1f6: {  	v21 =	vld [tilespmem:s11+$0x70]  }
0x1f7: {  	v22 =	vld [tilespmem:s11+$0x20]  }
0x1f8: {  	v23 =	vld [tilespmem:s11+$0x30]  }
0x1f9: {  	v24 =	vld [tilespmem:s11+$0xFFFFFFE0]  }
0x1fa: {  	v25 =	vld [tilespmem:s11+$0xFFFFFFF0]  }
0x1fb: {  	v26 =	vld [tilespmem:s11+$0xFFFFFFA0]  }
0x1fc: {  	v27 =	vld [tilespmem:s11+$0xFFFFFFB0]  }
0x1fd: {  	v28 =	vld [tilespmem:s11+$0xFFFFFF60]  }
0x1fe: {  	v29 =	vld [tilespmem:s11+$0xFFFFFF70]  }
0x1ff: {  	v30 =	vld [tilespmem:s11+$0xFFFFFF20]  }
0x200: {  	v31 =	vld [tilespmem:s11+$0xFFFFFF30]  }
0x201: {  	v32 =	vld [tilespmem:s11+$0xFFFFFEE0]  }
0x202: {  	v33 =	vld [tilespmem:s11+$0xFFFFFEF0]  }
0x203: {  	v34 =	vld [tilespmem:s11+$0xFFFFFEA0]  }
0x204: {  	v35 =	vld [tilespmem:s11+$0xFFFFFEB0]  }
0x205: {  	v36 =	vld [tilespmem:s11+$0xFFFFFE60]  }
0x206: {  	v37 =	vld [tilespmem:s11+$0xFFFFFE70]  }
0x207: {  	v38 =	vld [tilespmem:s11+$0xFFFFFE20]  }
0x208: {  	v39 =	vld [tilespmem:s11+$0xFFFFFE30]  }
0x209: {  	v40 =	vld [tilespmem:s11+$0xFFFFFDE0]  }
0x20a: {  	v41 =	vld [tilespmem:s11+$0xFFFFFDF0]  }
0x20b: {  	v42 =	vld [tilespmem:s11+$0xFFFFFDA0]  }
0x20c: {  	v43 =	vld [tilespmem:s11+$0xFFFFFDB0]  }
0x20d: {  	v44 =	vld [tilespmem:s11+$0xFFFFFD60]  }
0x20e: {  	v45 =	vld [tilespmem:s11+$0xFFFFFD70]  }
0x20f: {  	v46 =	vld [tilespmem:s11+$0xFFFFFD20]  }
0x210: {  	v47 =	vld [tilespmem:s11+$0xFFFFFD30]  }
0x211: {  	v48 =	vld [tilespmem:s11+$0xFFFFFCE0]  }
0x212: {  	v49 =	vld [tilespmem:s11+$0xFFFFFCF0]  }
0x213: {  	v50 =	vld [tilespmem:s11+$0xFFFFFD00]  }
0x214: {  	v51 =	vld [tilespmem:s11+$0xFFFFFD10]  }
0x215: {  	v52 =	vld [tilespmem:s11+$0xFFFFFD40]  }
0x216: {  	v53 =	vld [tilespmem:s11+$0xFFFFFD50]  }
0x217: {  	v54 =	vimm.f32 $0.0e+00;
	v55 =	vld [tilespmem:s11+$0xFFFFFD80]  }
0x218: {  	v56 =	vld [tilespmem:s11+$0xFFFFFD90];
	v48 =	vadd.f32 v48, v54;
	v49 =	vadd.f32 v49, v54  }
0x219: {  	v61 =	vld [tilespmem:s11+$0xFFFFFDC0];
	v50 =	vadd.f32 v50, v54;
	v51 =	vadd.f32 v51, v54  }
0x21a: {  	v46 =	vadd.f32 v46, v48;
	v47 =	vadd.f32 v47, v49;
	v48 =	vld [tilespmem:s11+$0xFFFFFDD0]  }
0x21b: {  	v62 =	vadd.f32 v52, v50;
	v63 =	vadd.f32 v53, v51;
	v51 =	vld [tilespmem:s11+$0xFFFFFE00]  }
0x21c: {  	v53 =	vld [tilespmem:s11+$0xFFFFFE10];
	v44 =	vadd.f32 v44, v46;
	v45 =	vadd.f32 v45, v47  }
0x21d: {  	v59 =	vld [tilespmem:s11+$0xFFFFFE40];
	v57 =	vadd.f32 v55, v62;
	v58 =	vadd.f32 v56, v63  }
0x21e: {  	v60 =	vld [tilespmem:s11+$0xFFFFFE50];
	v42 =	vadd.f32 v42, v44;
	v43 =	vadd.f32 v43, v45  }
0x21f: {  	v49 =	vld [tilespmem:s11+$0xFFFFFE90];
	v61 =	vadd.f32 v61, v57;
	v62 =	vadd.f32 v48, v58  }
0x220: {  	v63 =	vld [tilespmem:s11+$0xFFFFFE80];
	v40 =	vadd.f32 v40, v42;
	v41 =	vadd.f32 v41, v43  }
0x221: {  	v54 =	vld [tilespmem:s11+$0xFFFFFEC0];
	v52 =	vadd.f32 v51, v61;
	v53 =	vadd.f32 v53, v62  }
0x222: {  	v55 =	vld [tilespmem:s11+$0xFFFFFED0];
	v38 =	vadd.f32 v38, v40;
	v39 =	vadd.f32 v39, v41  }
0x223: {  	v58 =	vld [tilespmem:s11+$0xFFFFFF00];
	v56 =	vadd.f32 v59, v52;
	v57 =	vadd.f32 v60, v53  }
0x224: {  	v59 =	vld [tilespmem:s11+$0xFFFFFF10];
	v36 =	vadd.f32 v36, v38;
	v37 =	vadd.f32 v37, v39  }
0x225: {  	v62 =	vld [tilespmem:s11+$0xFFFFFF40];
	v60 =	vadd.f32 v63, v56;
	v61 =	vadd.f32 v49, v57  }
0x226: {  	v63 =	vld [tilespmem:s11+$0xFFFFFF50];
	v34 =	vadd.f32 v34, v36;
	v35 =	vadd.f32 v35, v37  }
0x227: {  	v47 =	vld [tilespmem:s11+$0xFFFFFF80];
	v45 =	vadd.f32 v54, v60;
	v46 =	vadd.f32 v55, v61  }
0x228: {  	v48 =	vld [tilespmem:s11+$0xFFFFFF90];
	v32 =	vadd.f32 v32, v34;
	v33 =	vadd.f32 v33, v35  }
0x229: {  	v51 =	vld [tilespmem:s11+$0xFFFFFFC0];
	v49 =	vadd.f32 v58, v45;
	v50 =	vadd.f32 v59, v46  }
0x22a: {  	v52 =	vld [tilespmem:s11+$0xFFFFFFD0];
	v30 =	vadd.f32 v30, v32;
	v31 =	vadd.f32 v31, v33  }
0x22b: {  	v56 =	vld [tilespmem:s11+$0x10];
	v53 =	vadd.f32 v62, v49;
	v54 =	vadd.f32 v63, v50  }
0x22c: {  	v55 =	vld [tilespmem:s11+$0x0];
	v28 =	vadd.f32 v28, v30;
	v29 =	vadd.f32 v29, v31  }
0x22d: {  	v60 =	vld [tilespmem:s11+$0x50];
	v57 =	vadd.f32 v47, v53;
	v58 =	vadd.f32 v48, v54  }
0x22e: {  	v59 =	vld [tilespmem:s11+$0x40];
	v26 =	vadd.f32 v26, v28;
	v27 =	vadd.f32 v27, v29  }
0x22f: {  	v35 =	vld [tilespmem:s11+$0x90];
	v61 =	vadd.f32 v51, v57;
	v62 =	vadd.f32 v52, v58  }
0x230: {  	v63 =	vld [tilespmem:s11+$0x80];
	v24 =	vadd.f32 v24, v26;
	v25 =	vadd.f32 v25, v27  }
0x231: {  	v40 =	vld [tilespmem:s11+$0xD0];
	v37 =	vadd.f32 v55, v61;
	v38 =	vadd.f32 v56, v62  }
0x232: {  	v39 =	vld [tilespmem:s11+$0xC0];
	v22 =	vadd.f32 v22, v24;
	v23 =	vadd.f32 v23, v25  }
0x233: {  	v44 =	vld [tilespmem:s11+$0x110];
	v41 =	vadd.f32 v59, v37;
	v42 =	vadd.f32 v60, v38  }
0x234: {  	v43 =	vld [tilespmem:s11+$0x100];
	v20 =	vadd.f32 v20, v22;
	v21 =	vadd.f32 v21, v23  }
0x235: {  	v47 =	vld [tilespmem:s11+$0x140];
	v45 =	vadd.f32 v63, v41;
	v46 =	vadd.f32 v35, v42  }
0x236: {  	v48 =	vld [tilespmem:s11+$0x150];
	v18 =	vadd.f32 v18, v20;
	v19 =	vadd.f32 v19, v21  }
0x237: {  	v51 =	vld [tilespmem:s11+$0x180];
	v49 =	vadd.f32 v39, v45;
	v50 =	vadd.f32 v40, v46  }
0x238: {  	v52 =	vld [tilespmem:s11+$0x190];
	v16 =	vadd.f32 v16, v18;
	v17 =	vadd.f32 v17, v19  }
0x239: {  	v55 =	vld [tilespmem:s11+$0x1C0];
	v53 =	vadd.f32 v43, v49;
	v54 =	vadd.f32 v44, v50  }
0x23a: {  	v56 =	vld [tilespmem:s11+$0x1D0];
	v14 =	vadd.f32 v14, v16;
	v15 =	vadd.f32 v15, v17  }
0x23b: {  	v59 =	vld [tilespmem:s11+$0x200];
	v57 =	vadd.f32 v47, v53;
	v58 =	vadd.f32 v48, v54  }
0x23c: {  	v12 =	vadd.f32 v12, v14;
	v13 =	vadd.f32 v13, v15;
	v14 =	vld [tilespmem:s11+$0x210]  }
0x23d: {  	v61 =	vld [tilespmem:s11+$0x240];
	v15 =	vadd.f32 v51, v57;
	v60 =	vadd.f32 v52, v58  }
0x23e: {  	v12 =	vadd.f32 v10, v12;
	v11 =	vadd.f32 v11, v13;
	v13 =	vld [tilespmem:s11+$0x250]  }
0x23f: {  	v15 =	vadd.f32 v55, v15;
	v10 =	vld [tilespmem:s11+$0x280];
	v16 =	vadd.f32 v56, v60  }
0x240: {  	v12 =	vadd.f32 v8, v12;
	v11 =	vadd.f32 v9, v11;
	v9 =	vld [tilespmem:s11+$0x290]  }
0x241: {  	v15 =	vadd.f32 v59, v15;
	v8 =	vld [tilespmem:s11+$0x2C0];
	v14 =	vadd.f32 v14, v16  }
0x242: {  	v62 =	vadd.f32 v6, v12;
	v63 =	vadd.f32 v7, v11;
	v7 =	vld [tilespmem:s11+$0x2D0]  }
0x243: {  	v12 =	vadd.f32 v61, v15;
	v6 =	vld [tilespmem:s11+$0x300];
	v11 =	vadd.f32 v13, v14  }
0x244: {  	s0 =	simm.s32 $0x0;
	s9 =	simm.s32 $0xD160;
	v13 =	vadd.f32 v4, v62;
	v4 =	vadd.f32 v5, v63;
	v5 =	vld [tilespmem:s11+$0x310]  }
.LBB2_7:
0x245: {  	v14 =	vld [tilespmem:s9+$0x2E0];
	v10 =	vadd.f32 v10, v12;
	v9 =	vadd.f32 v9, v11  }
0x246: {  	v11 =	vld [tilespmem:s9+$0x2F0];
	v12 =	vadd.f32 v2, v13;
	v4 =	vadd.f32 v3, v4  }
0x247: {  	v2 =	vld [tilespmem:s9+$0x2A0];
	v8 =	vadd.f32 v8, v10;
	v7 =	vadd.f32 v7, v9  }
0x248: {  	v3 =	vld [tilespmem:s9+$0x2B0];
	v30 =	vadd.f32 v0, v12;
	v31 =	vadd.f32 v1, v4  }
0x249: {  	v4 =	vld [tilespmem:s9+$0x260];
	v32 =	vadd.f32 v6, v8;
	v33 =	vadd.f32 v5, v7  }
0x24a: {  	v5 =	vld [tilespmem:s9+$0x270];
	v0 =	vmov v14  }
0x24b: {  	v6 =	vld [tilespmem:s9+$0x220];
	v1 =	vmov v11  }
0x24c: {  	v7 =	vld [tilespmem:s9+$0x230]  }
0x24d: {  	v8 =	vld [tilespmem:s9+$0x1E0]  }
0x24e: {  	v9 =	vld [tilespmem:s9+$0x1F0]  }
0x24f: {  	v10 =	vld [tilespmem:s9+$0x1A0]  }
0x250: {  	v11 =	vld [tilespmem:s9+$0x1B0]  }
0x251: {  	v12 =	vld [tilespmem:s9+$0x160]  }
0x252: {  	v13 =	vld [tilespmem:s9+$0x170]  }
0x253: {  	v14 =	vld [tilespmem:s9+$0x120]  }
0x254: {  	v15 =	vld [tilespmem:s9+$0x130]  }
0x255: {  	v16 =	vld [tilespmem:s9+$0xE0]  }
0x256: {  	v17 =	vld [tilespmem:s9+$0xF0]  }
0x257: {  	v18 =	vld [tilespmem:s9+$0xA0]  }
0x258: {  	v19 =	vld [tilespmem:s9+$0xB0]  }
0x259: {  	v20 =	vld [tilespmem:s9+$0x60]  }
0x25a: {  	v21 =	vld [tilespmem:s9+$0x70]  }
0x25b: {  	v22 =	vld [tilespmem:s9+$0x20]  }
0x25c: {  	v23 =	vld [tilespmem:s9+$0x30]  }
0x25d: {  	v24 =	vld [tilespmem:s9+$0xFFFFFFE0]  }
0x25e: {  	v25 =	vld [tilespmem:s9+$0xFFFFFFF0]  }
0x25f: {  	v26 =	vld [tilespmem:s9+$0xFFFFFFA0]  }
0x260: {  	v27 =	vld [tilespmem:s9+$0xFFFFFFB0]  }
0x261: {  	v28 =	vld [tilespmem:s9+$0xFFFFFF60]  }
0x262: {  	v29 =	vld [tilespmem:s9+$0xFFFFFF70]  }
0x263: {  	v34 =	vld [tilespmem:s9+$0xFFFFFF20]  }
0x264: {  	v35 =	vld [tilespmem:s9+$0xFFFFFF30]  }
0x265: {  	v36 =	vld [tilespmem:s9+$0xFFFFFEE0]  }
0x266: {  	v37 =	vld [tilespmem:s9+$0xFFFFFEF0]  }
0x267: {  	v38 =	vld [tilespmem:s9+$0xFFFFFEA0]  }
0x268: {  	v39 =	vld [tilespmem:s9+$0xFFFFFEB0]  }
0x269: {  	v40 =	vld [tilespmem:s9+$0xFFFFFE60]  }
0x26a: {  	v41 =	vld [tilespmem:s9+$0xFFFFFE70]  }
0x26b: {  	v42 =	vld [tilespmem:s9+$0xFFFFFE20]  }
0x26c: {  	v43 =	vld [tilespmem:s9+$0xFFFFFE30]  }
0x26d: {  	v44 =	vld [tilespmem:s9+$0xFFFFFDE0]  }
0x26e: {  	v45 =	vld [tilespmem:s9+$0xFFFFFDF0]  }
0x26f: {  	v46 =	vld [tilespmem:s9+$0xFFFFFDA0]  }
0x270: {  	v47 =	vld [tilespmem:s9+$0xFFFFFDB0]  }
0x271: {  	v48 =	vld [tilespmem:s9+$0xFFFFFD60]  }
0x272: {  	v49 =	vld [tilespmem:s9+$0xFFFFFD70]  }
0x273: {  	v50 =	vld [tilespmem:s9+$0xFFFFFD20]  }
0x274: {  	v51 =	vld [tilespmem:s9+$0xFFFFFD30]  }
0x275: {  	v52 =	vld [tilespmem:s9+$0xFFFFFCE0]  }
0x276: {  	v53 =	vld [tilespmem:s9+$0xFFFFFCF0]  }
0x277: {  	v54 =	vld [tilespmem:s9+$0xFFFFFD00]  }
0x278: {  	s0 =	sadd.s32 $0x19, s0;
	v55 =	vld [tilespmem:s9+$0xFFFFFD10]  }
0x279: {  	p1 =	slt.u32 s0, $0xAF;
	v56 =	vld [tilespmem:s9+$0xFFFFFD40]  }
0x27a: {  	v57 =	vld [tilespmem:s9+$0xFFFFFD50]  }
0x27b: {  	v58 =	vld [tilespmem:s9+$0xFFFFFD80]  }
0x27c: {  	v30 =	vadd.f32 v52, v30;
	v31 =	vadd.f32 v53, v31;
	v52 =	vld [tilespmem:s9+$0xFFFFFD90]  }
0x27d: {  	v32 =	vadd.f32 v54, v32;
	v33 =	vadd.f32 v55, v33;
	v53 =	vld [tilespmem:s9+$0xFFFFFDC0]  }
0x27e: {  	v30 =	vadd.f32 v50, v30;
	v31 =	vadd.f32 v51, v31;
	v50 =	vld [tilespmem:s9+$0xFFFFFDD0]  }
0x27f: {  	v32 =	vadd.f32 v56, v32;
	v33 =	vadd.f32 v57, v33;
	v51 =	vld [tilespmem:s9+$0xFFFFFE00]  }
0x280: {  	v30 =	vadd.f32 v48, v30;
	v31 =	vadd.f32 v49, v31;
	v48 =	vld [tilespmem:s9+$0xFFFFFE10]  }
0x281: {  	v32 =	vadd.f32 v58, v32;
	v33 =	vadd.f32 v52, v33;
	v49 =	vld [tilespmem:s9+$0xFFFFFE40]  }
0x282: {  	v30 =	vadd.f32 v46, v30;
	v31 =	vadd.f32 v47, v31;
	v46 =	vld [tilespmem:s9+$0xFFFFFE50]  }
0x283: {  	v32 =	vadd.f32 v53, v32;
	v33 =	vadd.f32 v50, v33;
	v47 =	vld [tilespmem:s9+$0xFFFFFE80]  }
0x284: {  	v30 =	vadd.f32 v44, v30;
	v31 =	vadd.f32 v45, v31;
	v44 =	vld [tilespmem:s9+$0xFFFFFE90]  }
0x285: {  	v32 =	vadd.f32 v51, v32;
	v33 =	vadd.f32 v48, v33;
	v45 =	vld [tilespmem:s9+$0xFFFFFEC0]  }
0x286: {  	v30 =	vadd.f32 v42, v30;
	v31 =	vadd.f32 v43, v31;
	v42 =	vld [tilespmem:s9+$0xFFFFFED0]  }
0x287: {  	v32 =	vadd.f32 v49, v32;
	v33 =	vadd.f32 v46, v33;
	v43 =	vld [tilespmem:s9+$0xFFFFFF00]  }
0x288: {  	v30 =	vadd.f32 v40, v30;
	v31 =	vadd.f32 v41, v31;
	v40 =	vld [tilespmem:s9+$0xFFFFFF10]  }
0x289: {  	v32 =	vadd.f32 v47, v32;
	v33 =	vadd.f32 v44, v33;
	v41 =	vld [tilespmem:s9+$0xFFFFFF40]  }
0x28a: {  	v30 =	vadd.f32 v38, v30;
	v31 =	vadd.f32 v39, v31;
	v38 =	vld [tilespmem:s9+$0xFFFFFF50]  }
0x28b: {  	v32 =	vadd.f32 v45, v32;
	v33 =	vadd.f32 v42, v33;
	v39 =	vld [tilespmem:s9+$0xFFFFFF80]  }
0x28c: {  	v30 =	vadd.f32 v36, v30;
	v31 =	vadd.f32 v37, v31;
	v36 =	vld [tilespmem:s9+$0xFFFFFF90]  }
0x28d: {  	v32 =	vadd.f32 v43, v32;
	v33 =	vadd.f32 v40, v33;
	v37 =	vld [tilespmem:s9+$0xFFFFFFC0]  }
0x28e: {  	v30 =	vadd.f32 v34, v30;
	v31 =	vadd.f32 v35, v31;
	v34 =	vld [tilespmem:s9+$0xFFFFFFD0]  }
0x28f: {  	v32 =	vadd.f32 v41, v32;
	v33 =	vadd.f32 v38, v33;
	v35 =	vld [tilespmem:s9+$0x0]  }
0x290: {  	v28 =	vadd.f32 v28, v30;
	v29 =	vadd.f32 v29, v31;
	v30 =	vld [tilespmem:s9+$0x10]  }
0x291: {  	v31 =	vadd.f32 v39, v32;
	v32 =	vadd.f32 v36, v33;
	v33 =	vld [tilespmem:s9+$0x40]  }
0x292: {  	v26 =	vadd.f32 v26, v28;
	v27 =	vadd.f32 v27, v29;
	v28 =	vld [tilespmem:s9+$0x50]  }
0x293: {  	v29 =	vadd.f32 v37, v31;
	v31 =	vadd.f32 v34, v32;
	v32 =	vld [tilespmem:s9+$0x80]  }
0x294: {  	v24 =	vadd.f32 v24, v26;
	v25 =	vadd.f32 v25, v27;
	v26 =	vld [tilespmem:s9+$0x90]  }
0x295: {  	v27 =	vadd.f32 v35, v29;
	v29 =	vadd.f32 v30, v31;
	v30 =	vld [tilespmem:s9+$0xC0]  }
0x296: {  	v22 =	vadd.f32 v22, v24;
	v23 =	vadd.f32 v23, v25;
	v24 =	vld [tilespmem:s9+$0xD0]  }
0x297: {  	v25 =	vadd.f32 v33, v27;
	v27 =	vadd.f32 v28, v29;
	v28 =	vld [tilespmem:s9+$0x100]  }
0x298: {  	v20 =	vadd.f32 v20, v22;
	v21 =	vadd.f32 v21, v23;
	v22 =	vld [tilespmem:s9+$0x110]  }
0x299: {  	v23 =	vadd.f32 v32, v25;
	v25 =	vadd.f32 v26, v27;
	v26 =	vld [tilespmem:s9+$0x140]  }
0x29a: {  	v18 =	vadd.f32 v18, v20;
	v19 =	vadd.f32 v19, v21;
	v20 =	vld [tilespmem:s9+$0x150]  }
0x29b: {  	v21 =	vadd.f32 v30, v23;
	v23 =	vadd.f32 v24, v25;
	v24 =	vld [tilespmem:s9+$0x180]  }
0x29c: {  	v16 =	vadd.f32 v16, v18;
	v17 =	vadd.f32 v17, v19;
	v18 =	vld [tilespmem:s9+$0x190]  }
0x29d: {  	v19 =	vadd.f32 v28, v21;
	v21 =	vadd.f32 v22, v23;
	v22 =	vld [tilespmem:s9+$0x1C0]  }
0x29e: {  	v14 =	vadd.f32 v14, v16;
	v15 =	vadd.f32 v15, v17;
	v16 =	vld [tilespmem:s9+$0x1D0]  }
0x29f: {  	v17 =	vadd.f32 v26, v19;
	v19 =	vadd.f32 v20, v21;
	v20 =	vld [tilespmem:s9+$0x200]  }
0x2a0: {  	v12 =	vadd.f32 v12, v14;
	v13 =	vadd.f32 v13, v15;
	v14 =	vld [tilespmem:s9+$0x210]  }
0x2a1: {  	v15 =	vadd.f32 v24, v17;
	v17 =	vadd.f32 v18, v19;
	v18 =	vld [tilespmem:s9+$0x240]  }
0x2a2: {  	v12 =	vadd.f32 v10, v12;
	v11 =	vadd.f32 v11, v13;
	v13 =	vld [tilespmem:s9+$0x250]  }
0x2a3: {  	v15 =	vadd.f32 v22, v15;
	v16 =	vadd.f32 v16, v17;
	v10 =	vld [tilespmem:s9+$0x280]  }
.Ltmp2:
0x2a4: {  	v12 =	vadd.f32 v8, v12;
	v11 =	vadd.f32 v9, v11;
	v9 =	vld [tilespmem:s9+$0x290];
	(pc) =	sbr.rel @p1 .LBB2_7-.Ltmp2, $4  }
0x2a5: {  	v15 =	vadd.f32 v20, v15;
	v14 =	vadd.f32 v14, v16;
	v8 =	vld [tilespmem:s9+$0x2C0]  }
0x2a6: {  	v16 =	vadd.f32 v6, v12;
	v17 =	vadd.f32 v7, v11;
	v7 =	vld [tilespmem:s9+$0x2D0]  }
0x2a7: {  	v12 =	vadd.f32 v18, v15;
	v11 =	vadd.f32 v13, v14;
	v6 =	vld [tilespmem:s9+$0x300]  }
0x2a8: {  	v13 =	vadd.f32 v4, v16;
	v4 =	vadd.f32 v5, v17;
	v5 =	vld [tilespmem:s9+$0x310];
	s9 =	sadd.s32 $0x640, s9  }
0x2a9: {  	_ = 	snop  }
0x2aa: {  	v10 =	vadd.f32 v10, v12;
	v2 =	vadd.f32 v2, v13  }
0x2ab: {  	v9 =	vadd.f32 v9, v11;
	v3 =	vadd.f32 v3, v4  }
0x2ac: {  	v4 =	vadd.f32 v8, v10;
	v0 =	vadd.f32 v0, v2  }
0x2ad: {  	v2 =	vadd.f32 v7, v9;
	v1 =	vadd.f32 v1, v3  }
0x2ae: {  	v3 =	vadd.f32 v6, v4;
	v0 =	vmul.f32 $4.999999890e-03, v0  }
0x2af: {  	v2 =	vadd.f32 v5, v2;
	v1 =	vmul.f32 $4.999999890e-03, v1  }
0x2b0: {  	[tilespmem:s31+$0x12C80] =	vst v0;
	v0 =	vmul.f32 $4.999999890e-03, v3  }
0x2b1: {  	[tilespmem:s31+$0x12C90] =	vst v1;
	v1 =	vmul.f32 $4.999999890e-03, v2  }
0x2b2: {  	[tilespmem:s31+$0x12CA0] =	vst v0  }
0x2b3: {  	[tilespmem:s31+$0x12CB0] =	vst v1  }
0x2b4: {  	_ =	swait.ge [sflag:s25], $0x2000  }
0x2b5: {  	[sflag:s25] =	ssyncset.done $0x0  }
0x2b6: {  	[sflag:s25] =	ssyncadd.s32 $0xFFFFE000  }
0x2b7: {  	_ =	swait.ge [sflag:s25], $0x1200  }
0x2b8: {  	s0 =	sadd.s32 @!p0 $0x4B0, s1;
	s9 =	simm.s32 @!p0 $0x80;
	[sflag:s25] =	ssyncset.done $0x0  }
0x2b9: {  	s11 =	simm.s32 @!p0 $0xC800;
	s31 =	simm.s32 $0xFD20;
	[sflag:s25] =	ssyncadd.s32 $0xFFFFEE00  }
0x2ba: {  	[tilespmem:s11], [sflag:$0x3] =	stream.indirect.gather @!p0 [hbm4b:s3+s9], $0x40, s0, s9, $0xb8;
	[tilespmem:$0x14C00] =	vst v63  }
0x2bb: {  	s0 =	sadd.s32 @!p0 $0x530, s1;
	s1 =	simm.s32 @!p0 $0x48;
	s9 =	simm.s32 @!p0 $0xE800  }
0x2bc: {  	[tilespmem:s9], [sflag:$0x3] =	stream.indirect.gather @!p0 [hbm4b:s3+s1], $0x40, s0, s1, $0xb8;
	[tilespmem:$0x14C00] =	vst v63  }
0x2bd: {  	v0 =	vld [tilespmem:s31+$0x2E0]  }
0x2be: {  	v1 =	vld [tilespmem:s31+$0x2F0]  }
0x2bf: {  	v2 =	vld [tilespmem:s31+$0x2A0]  }
0x2c0: {  	v3 =	vld [tilespmem:s31+$0x2B0]  }
0x2c1: {  	v4 =	vld [tilespmem:s31+$0x260]  }
0x2c2: {  	v5 =	vld [tilespmem:s31+$0x270]  }
0x2c3: {  	v6 =	vld [tilespmem:s31+$0x220]  }
0x2c4: {  	v7 =	vld [tilespmem:s31+$0x230]  }
0x2c5: {  	v8 =	vld [tilespmem:s31+$0x1E0]  }
0x2c6: {  	v9 =	vld [tilespmem:s31+$0x1F0]  }
0x2c7: {  	v10 =	vld [tilespmem:s31+$0x1A0]  }
0x2c8: {  	v11 =	vld [tilespmem:s31+$0x1B0]  }
0x2c9: {  	v12 =	vld [tilespmem:s31+$0x160]  }
0x2ca: {  	v13 =	vld [tilespmem:s31+$0x170]  }
0x2cb: {  	v14 =	vld [tilespmem:s31+$0x120]  }
0x2cc: {  	v15 =	vld [tilespmem:s31+$0x130]  }
0x2cd: {  	v16 =	vld [tilespmem:s31+$0xE0]  }
0x2ce: {  	v17 =	vld [tilespmem:s31+$0xF0]  }
0x2cf: {  	v18 =	vld [tilespmem:s31+$0xA0]  }
0x2d0: {  	v19 =	vld [tilespmem:s31+$0xB0]  }
0x2d1: {  	v20 =	vld [tilespmem:s31+$0x60]  }
0x2d2: {  	v21 =	vld [tilespmem:s31+$0x70]  }
0x2d3: {  	v22 =	vld [tilespmem:s31+$0x20]  }
0x2d4: {  	v23 =	vld [tilespmem:s31+$0x30]  }
0x2d5: {  	v24 =	vld [tilespmem:s31+$0xFFFFFFE0]  }
0x2d6: {  	v25 =	vld [tilespmem:s31+$0xFFFFFFF0]  }
0x2d7: {  	v26 =	vld [tilespmem:s31+$0xFFFFFFA0]  }
0x2d8: {  	v27 =	vld [tilespmem:s31+$0xFFFFFFB0]  }
0x2d9: {  	v28 =	vld [tilespmem:s31+$0xFFFFFF60]  }
0x2da: {  	v29 =	vld [tilespmem:s31+$0xFFFFFF70]  }
0x2db: {  	v30 =	vld [tilespmem:s31+$0xFFFFFF20]  }
0x2dc: {  	v31 =	vld [tilespmem:s31+$0xFFFFFF30]  }
0x2dd: {  	v32 =	vld [tilespmem:s31+$0xFFFFFEE0]  }
0x2de: {  	v33 =	vld [tilespmem:s31+$0xFFFFFEF0]  }
0x2df: {  	v34 =	vld [tilespmem:s31+$0xFFFFFEA0]  }
0x2e0: {  	v35 =	vld [tilespmem:s31+$0xFFFFFEB0]  }
0x2e1: {  	v36 =	vld [tilespmem:s31+$0xFFFFFE60]  }
0x2e2: {  	v37 =	vld [tilespmem:s31+$0xFFFFFE70]  }
0x2e3: {  	v38 =	vld [tilespmem:s31+$0xFFFFFE20]  }
0x2e4: {  	v39 =	vld [tilespmem:s31+$0xFFFFFE30]  }
0x2e5: {  	v40 =	vld [tilespmem:s31+$0xFFFFFDE0]  }
0x2e6: {  	v41 =	vld [tilespmem:s31+$0xFFFFFDF0]  }
0x2e7: {  	v42 =	vld [tilespmem:s31+$0xFFFFFDA0]  }
0x2e8: {  	v43 =	vld [tilespmem:s31+$0xFFFFFDB0]  }
0x2e9: {  	v44 =	vld [tilespmem:s31+$0xFFFFFD60]  }
0x2ea: {  	v45 =	vld [tilespmem:s31+$0xFFFFFD70]  }
0x2eb: {  	v46 =	vld [tilespmem:s31+$0xFFFFFD20]  }
0x2ec: {  	v47 =	vld [tilespmem:s31+$0xFFFFFD30]  }
0x2ed: {  	v48 =	vld [tilespmem:s31+$0xFFFFFCE0]  }
0x2ee: {  	v49 =	vld [tilespmem:s31+$0xFFFFFCF0]  }
0x2ef: {  	v50 =	vld [tilespmem:s31+$0xFFFFFD00]  }
0x2f0: {  	v51 =	vld [tilespmem:s31+$0xFFFFFD10]  }
0x2f1: {  	v52 =	vld [tilespmem:s31+$0xFFFFFD40]  }
0x2f2: {  	v53 =	vld [tilespmem:s31+$0xFFFFFD50]  }
0x2f3: {  	v54 =	vimm.f32 $0.0e+00;
	v55 =	vld [tilespmem:s31+$0xFFFFFD80]  }
0x2f4: {  	v56 =	vld [tilespmem:s31+$0xFFFFFD90];
	v48 =	vadd.f32 v48, v54;
	v49 =	vadd.f32 v49, v54  }
0x2f5: {  	v61 =	vld [tilespmem:s31+$0xFFFFFDC0];
	v50 =	vadd.f32 v50, v54;
	v51 =	vadd.f32 v51, v54  }
0x2f6: {  	v46 =	vadd.f32 v46, v48;
	v47 =	vadd.f32 v47, v49;
	v48 =	vld [tilespmem:s31+$0xFFFFFDD0]  }
0x2f7: {  	v62 =	vadd.f32 v52, v50;
	v63 =	vadd.f32 v53, v51;
	v51 =	vld [tilespmem:s31+$0xFFFFFE00]  }
0x2f8: {  	v53 =	vld [tilespmem:s31+$0xFFFFFE10];
	v44 =	vadd.f32 v44, v46;
	v45 =	vadd.f32 v45, v47  }
0x2f9: {  	v59 =	vld [tilespmem:s31+$0xFFFFFE40];
	v57 =	vadd.f32 v55, v62;
	v58 =	vadd.f32 v56, v63  }
0x2fa: {  	v60 =	vld [tilespmem:s31+$0xFFFFFE50];
	v42 =	vadd.f32 v42, v44;
	v43 =	vadd.f32 v43, v45  }
0x2fb: {  	v49 =	vld [tilespmem:s31+$0xFFFFFE90];
	v61 =	vadd.f32 v61, v57;
	v62 =	vadd.f32 v48, v58  }
0x2fc: {  	v63 =	vld [tilespmem:s31+$0xFFFFFE80];
	v40 =	vadd.f32 v40, v42;
	v41 =	vadd.f32 v41, v43  }
0x2fd: {  	v54 =	vld [tilespmem:s31+$0xFFFFFEC0];
	v52 =	vadd.f32 v51, v61;
	v53 =	vadd.f32 v53, v62  }
0x2fe: {  	v55 =	vld [tilespmem:s31+$0xFFFFFED0];
	v38 =	vadd.f32 v38, v40;
	v39 =	vadd.f32 v39, v41  }
0x2ff: {  	v58 =	vld [tilespmem:s31+$0xFFFFFF00];
	v56 =	vadd.f32 v59, v52;
	v57 =	vadd.f32 v60, v53  }
0x300: {  	v59 =	vld [tilespmem:s31+$0xFFFFFF10];
	v36 =	vadd.f32 v36, v38;
	v37 =	vadd.f32 v37, v39  }
0x301: {  	v62 =	vld [tilespmem:s31+$0xFFFFFF40];
	v60 =	vadd.f32 v63, v56;
	v61 =	vadd.f32 v49, v57  }
0x302: {  	v63 =	vld [tilespmem:s31+$0xFFFFFF50];
	v34 =	vadd.f32 v34, v36;
	v35 =	vadd.f32 v35, v37  }
0x303: {  	v47 =	vld [tilespmem:s31+$0xFFFFFF80];
	v45 =	vadd.f32 v54, v60;
	v46 =	vadd.f32 v55, v61  }
0x304: {  	v48 =	vld [tilespmem:s31+$0xFFFFFF90];
	v32 =	vadd.f32 v32, v34;
	v33 =	vadd.f32 v33, v35  }
0x305: {  	v51 =	vld [tilespmem:s31+$0xFFFFFFC0];
	v49 =	vadd.f32 v58, v45;
	v50 =	vadd.f32 v59, v46  }
0x306: {  	v52 =	vld [tilespmem:s31+$0xFFFFFFD0];
	v30 =	vadd.f32 v30, v32;
	v31 =	vadd.f32 v31, v33  }
0x307: {  	v56 =	vld [tilespmem:s31+$0x10];
	v53 =	vadd.f32 v62, v49;
	v54 =	vadd.f32 v63, v50  }
0x308: {  	v55 =	vld [tilespmem:s31+$0x0];
	v28 =	vadd.f32 v28, v30;
	v29 =	vadd.f32 v29, v31  }
0x309: {  	v60 =	vld [tilespmem:s31+$0x50];
	v57 =	vadd.f32 v47, v53;
	v58 =	vadd.f32 v48, v54  }
0x30a: {  	v59 =	vld [tilespmem:s31+$0x40];
	v26 =	vadd.f32 v26, v28;
	v27 =	vadd.f32 v27, v29  }
0x30b: {  	v35 =	vld [tilespmem:s31+$0x90];
	v61 =	vadd.f32 v51, v57;
	v62 =	vadd.f32 v52, v58  }
0x30c: {  	v63 =	vld [tilespmem:s31+$0x80];
	v24 =	vadd.f32 v24, v26;
	v25 =	vadd.f32 v25, v27  }
0x30d: {  	v40 =	vld [tilespmem:s31+$0xD0];
	v37 =	vadd.f32 v55, v61;
	v38 =	vadd.f32 v56, v62  }
0x30e: {  	v39 =	vld [tilespmem:s31+$0xC0];
	v22 =	vadd.f32 v22, v24;
	v23 =	vadd.f32 v23, v25  }
0x30f: {  	v44 =	vld [tilespmem:s31+$0x110];
	v41 =	vadd.f32 v59, v37;
	v42 =	vadd.f32 v60, v38  }
0x310: {  	v43 =	vld [tilespmem:s31+$0x100];
	v20 =	vadd.f32 v20, v22;
	v21 =	vadd.f32 v21, v23  }
0x311: {  	v47 =	vld [tilespmem:s31+$0x140];
	v45 =	vadd.f32 v63, v41;
	v46 =	vadd.f32 v35, v42  }
0x312: {  	v48 =	vld [tilespmem:s31+$0x150];
	v18 =	vadd.f32 v18, v20;
	v19 =	vadd.f32 v19, v21  }
0x313: {  	v51 =	vld [tilespmem:s31+$0x180];
	v49 =	vadd.f32 v39, v45;
	v50 =	vadd.f32 v40, v46  }
0x314: {  	v52 =	vld [tilespmem:s31+$0x190];
	v16 =	vadd.f32 v16, v18;
	v17 =	vadd.f32 v17, v19  }
0x315: {  	v55 =	vld [tilespmem:s31+$0x1C0];
	v53 =	vadd.f32 v43, v49;
	v54 =	vadd.f32 v44, v50  }
0x316: {  	v56 =	vld [tilespmem:s31+$0x1D0];
	v14 =	vadd.f32 v14, v16;
	v15 =	vadd.f32 v15, v17  }
0x317: {  	v59 =	vld [tilespmem:s31+$0x200];
	v57 =	vadd.f32 v47, v53;
	v58 =	vadd.f32 v48, v54  }
0x318: {  	v12 =	vadd.f32 v12, v14;
	v13 =	vadd.f32 v13, v15;
	v14 =	vld [tilespmem:s31+$0x210]  }
0x319: {  	v61 =	vld [tilespmem:s31+$0x240];
	v15 =	vadd.f32 v51, v57;
	v60 =	vadd.f32 v52, v58  }
0x31a: {  	v12 =	vadd.f32 v10, v12;
	v11 =	vadd.f32 v11, v13;
	v13 =	vld [tilespmem:s31+$0x250]  }
0x31b: {  	v15 =	vadd.f32 v55, v15;
	v10 =	vld [tilespmem:s31+$0x280];
	v16 =	vadd.f32 v56, v60  }
0x31c: {  	v12 =	vadd.f32 v8, v12;
	v11 =	vadd.f32 v9, v11;
	v9 =	vld [tilespmem:s31+$0x290]  }
0x31d: {  	v15 =	vadd.f32 v59, v15;
	v8 =	vld [tilespmem:s31+$0x2C0];
	v14 =	vadd.f32 v14, v16  }
0x31e: {  	v62 =	vadd.f32 v6, v12;
	v63 =	vadd.f32 v7, v11;
	v7 =	vld [tilespmem:s31+$0x2D0]  }
0x31f: {  	v12 =	vadd.f32 v61, v15;
	v6 =	vld [tilespmem:s31+$0x300];
	v11 =	vadd.f32 v13, v14  }
0x320: {  	s0 =	simm.s32 $0x0;
	s1 =	simm.s32 $0x10360;
	v13 =	vadd.f32 v4, v62;
	v4 =	vadd.f32 v5, v63;
	v5 =	vld [tilespmem:s31+$0x310]  }
.LBB2_9:
0x321: {  	v14 =	vld [tilespmem:s1+$0x2E0];
	v10 =	vadd.f32 v10, v12;
	v9 =	vadd.f32 v9, v11  }
0x322: {  	v11 =	vld [tilespmem:s1+$0x2F0];
	v12 =	vadd.f32 v2, v13;
	v4 =	vadd.f32 v3, v4  }
0x323: {  	v2 =	vld [tilespmem:s1+$0x2A0];
	v8 =	vadd.f32 v8, v10;
	v7 =	vadd.f32 v7, v9  }
0x324: {  	v3 =	vld [tilespmem:s1+$0x2B0];
	v30 =	vadd.f32 v0, v12;
	v31 =	vadd.f32 v1, v4  }
0x325: {  	v4 =	vld [tilespmem:s1+$0x260];
	v32 =	vadd.f32 v6, v8;
	v33 =	vadd.f32 v5, v7  }
0x326: {  	v5 =	vld [tilespmem:s1+$0x270];
	v0 =	vmov v14  }
0x327: {  	v6 =	vld [tilespmem:s1+$0x220];
	v1 =	vmov v11  }
0x328: {  	v7 =	vld [tilespmem:s1+$0x230]  }
0x329: {  	v8 =	vld [tilespmem:s1+$0x1E0]  }
0x32a: {  	v9 =	vld [tilespmem:s1+$0x1F0]  }
0x32b: {  	v10 =	vld [tilespmem:s1+$0x1A0]  }
0x32c: {  	v11 =	vld [tilespmem:s1+$0x1B0]  }
0x32d: {  	v12 =	vld [tilespmem:s1+$0x160]  }
0x32e: {  	v13 =	vld [tilespmem:s1+$0x170]  }
0x32f: {  	v14 =	vld [tilespmem:s1+$0x120]  }
0x330: {  	v15 =	vld [tilespmem:s1+$0x130]  }
0x331: {  	v16 =	vld [tilespmem:s1+$0xE0]  }
0x332: {  	v17 =	vld [tilespmem:s1+$0xF0]  }
0x333: {  	v18 =	vld [tilespmem:s1+$0xA0]  }
0x334: {  	v19 =	vld [tilespmem:s1+$0xB0]  }
0x335: {  	v20 =	vld [tilespmem:s1+$0x60]  }
0x336: {  	v21 =	vld [tilespmem:s1+$0x70]  }
0x337: {  	v22 =	vld [tilespmem:s1+$0x20]  }
0x338: {  	v23 =	vld [tilespmem:s1+$0x30]  }
0x339: {  	v24 =	vld [tilespmem:s1+$0xFFFFFFE0]  }
0x33a: {  	v25 =	vld [tilespmem:s1+$0xFFFFFFF0]  }
0x33b: {  	v26 =	vld [tilespmem:s1+$0xFFFFFFA0]  }
0x33c: {  	v27 =	vld [tilespmem:s1+$0xFFFFFFB0]  }
0x33d: {  	v28 =	vld [tilespmem:s1+$0xFFFFFF60]  }
0x33e: {  	v29 =	vld [tilespmem:s1+$0xFFFFFF70]  }
0x33f: {  	v34 =	vld [tilespmem:s1+$0xFFFFFF20]  }
0x340: {  	v35 =	vld [tilespmem:s1+$0xFFFFFF30]  }
0x341: {  	v36 =	vld [tilespmem:s1+$0xFFFFFEE0]  }
0x342: {  	v37 =	vld [tilespmem:s1+$0xFFFFFEF0]  }
0x343: {  	v38 =	vld [tilespmem:s1+$0xFFFFFEA0]  }
0x344: {  	v39 =	vld [tilespmem:s1+$0xFFFFFEB0]  }
0x345: {  	v40 =	vld [tilespmem:s1+$0xFFFFFE60]  }
0x346: {  	v41 =	vld [tilespmem:s1+$0xFFFFFE70]  }
0x347: {  	v42 =	vld [tilespmem:s1+$0xFFFFFE20]  }
0x348: {  	v43 =	vld [tilespmem:s1+$0xFFFFFE30]  }
0x349: {  	v44 =	vld [tilespmem:s1+$0xFFFFFDE0]  }
0x34a: {  	v45 =	vld [tilespmem:s1+$0xFFFFFDF0]  }
0x34b: {  	v46 =	vld [tilespmem:s1+$0xFFFFFDA0]  }
0x34c: {  	v47 =	vld [tilespmem:s1+$0xFFFFFDB0]  }
0x34d: {  	v48 =	vld [tilespmem:s1+$0xFFFFFD60]  }
0x34e: {  	v49 =	vld [tilespmem:s1+$0xFFFFFD70]  }
0x34f: {  	v50 =	vld [tilespmem:s1+$0xFFFFFD20]  }
0x350: {  	v51 =	vld [tilespmem:s1+$0xFFFFFD30]  }
0x351: {  	v52 =	vld [tilespmem:s1+$0xFFFFFCE0]  }
0x352: {  	v53 =	vld [tilespmem:s1+$0xFFFFFCF0]  }
0x353: {  	v54 =	vld [tilespmem:s1+$0xFFFFFD00]  }
0x354: {  	s0 =	sadd.s32 $0x19, s0;
	v55 =	vld [tilespmem:s1+$0xFFFFFD10]  }
0x355: {  	p0 =	slt.u32 s0, $0xAF;
	v56 =	vld [tilespmem:s1+$0xFFFFFD40]  }
0x356: {  	v57 =	vld [tilespmem:s1+$0xFFFFFD50]  }
0x357: {  	v58 =	vld [tilespmem:s1+$0xFFFFFD80]  }
0x358: {  	v30 =	vadd.f32 v52, v30;
	v31 =	vadd.f32 v53, v31;
	v52 =	vld [tilespmem:s1+$0xFFFFFD90]  }
0x359: {  	v32 =	vadd.f32 v54, v32;
	v33 =	vadd.f32 v55, v33;
	v53 =	vld [tilespmem:s1+$0xFFFFFDC0]  }
0x35a: {  	v30 =	vadd.f32 v50, v30;
	v31 =	vadd.f32 v51, v31;
	v50 =	vld [tilespmem:s1+$0xFFFFFDD0]  }
0x35b: {  	v32 =	vadd.f32 v56, v32;
	v33 =	vadd.f32 v57, v33;
	v51 =	vld [tilespmem:s1+$0xFFFFFE00]  }
0x35c: {  	v30 =	vadd.f32 v48, v30;
	v31 =	vadd.f32 v49, v31;
	v48 =	vld [tilespmem:s1+$0xFFFFFE10]  }
0x35d: {  	v32 =	vadd.f32 v58, v32;
	v33 =	vadd.f32 v52, v33;
	v49 =	vld [tilespmem:s1+$0xFFFFFE40]  }
0x35e: {  	v30 =	vadd.f32 v46, v30;
	v31 =	vadd.f32 v47, v31;
	v46 =	vld [tilespmem:s1+$0xFFFFFE50]  }
0x35f: {  	v32 =	vadd.f32 v53, v32;
	v33 =	vadd.f32 v50, v33;
	v47 =	vld [tilespmem:s1+$0xFFFFFE80]  }
0x360: {  	v30 =	vadd.f32 v44, v30;
	v31 =	vadd.f32 v45, v31;
	v44 =	vld [tilespmem:s1+$0xFFFFFE90]  }
0x361: {  	v32 =	vadd.f32 v51, v32;
	v33 =	vadd.f32 v48, v33;
	v45 =	vld [tilespmem:s1+$0xFFFFFEC0]  }
0x362: {  	v30 =	vadd.f32 v42, v30;
	v31 =	vadd.f32 v43, v31;
	v42 =	vld [tilespmem:s1+$0xFFFFFED0]  }
0x363: {  	v32 =	vadd.f32 v49, v32;
	v33 =	vadd.f32 v46, v33;
	v43 =	vld [tilespmem:s1+$0xFFFFFF00]  }
0x364: {  	v30 =	vadd.f32 v40, v30;
	v31 =	vadd.f32 v41, v31;
	v40 =	vld [tilespmem:s1+$0xFFFFFF10]  }
0x365: {  	v32 =	vadd.f32 v47, v32;
	v33 =	vadd.f32 v44, v33;
	v41 =	vld [tilespmem:s1+$0xFFFFFF40]  }
0x366: {  	v30 =	vadd.f32 v38, v30;
	v31 =	vadd.f32 v39, v31;
	v38 =	vld [tilespmem:s1+$0xFFFFFF50]  }
0x367: {  	v32 =	vadd.f32 v45, v32;
	v33 =	vadd.f32 v42, v33;
	v39 =	vld [tilespmem:s1+$0xFFFFFF80]  }
0x368: {  	v30 =	vadd.f32 v36, v30;
	v31 =	vadd.f32 v37, v31;
	v36 =	vld [tilespmem:s1+$0xFFFFFF90]  }
0x369: {  	v32 =	vadd.f32 v43, v32;
	v33 =	vadd.f32 v40, v33;
	v37 =	vld [tilespmem:s1+$0xFFFFFFC0]  }
0x36a: {  	v30 =	vadd.f32 v34, v30;
	v31 =	vadd.f32 v35, v31;
	v34 =	vld [tilespmem:s1+$0xFFFFFFD0]  }
0x36b: {  	v32 =	vadd.f32 v41, v32;
	v33 =	vadd.f32 v38, v33;
	v35 =	vld [tilespmem:s1+$0x0]  }
0x36c: {  	v28 =	vadd.f32 v28, v30;
	v29 =	vadd.f32 v29, v31;
	v30 =	vld [tilespmem:s1+$0x10]  }
0x36d: {  	v31 =	vadd.f32 v39, v32;
	v32 =	vadd.f32 v36, v33;
	v33 =	vld [tilespmem:s1+$0x40]  }
0x36e: {  	v26 =	vadd.f32 v26, v28;
	v27 =	vadd.f32 v27, v29;
	v28 =	vld [tilespmem:s1+$0x50]  }
0x36f: {  	v29 =	vadd.f32 v37, v31;
	v31 =	vadd.f32 v34, v32;
	v32 =	vld [tilespmem:s1+$0x80]  }
0x370: {  	v24 =	vadd.f32 v24, v26;
	v25 =	vadd.f32 v25, v27;
	v26 =	vld [tilespmem:s1+$0x90]  }
0x371: {  	v27 =	vadd.f32 v35, v29;
	v29 =	vadd.f32 v30, v31;
	v30 =	vld [tilespmem:s1+$0xC0]  }
0x372: {  	v22 =	vadd.f32 v22, v24;
	v23 =	vadd.f32 v23, v25;
	v24 =	vld [tilespmem:s1+$0xD0]  }
0x373: {  	v25 =	vadd.f32 v33, v27;
	v27 =	vadd.f32 v28, v29;
	v28 =	vld [tilespmem:s1+$0x100]  }
0x374: {  	v20 =	vadd.f32 v20, v22;
	v21 =	vadd.f32 v21, v23;
	v22 =	vld [tilespmem:s1+$0x110]  }
0x375: {  	v23 =	vadd.f32 v32, v25;
	v25 =	vadd.f32 v26, v27;
	v26 =	vld [tilespmem:s1+$0x140]  }
0x376: {  	v18 =	vadd.f32 v18, v20;
	v19 =	vadd.f32 v19, v21;
	v20 =	vld [tilespmem:s1+$0x150]  }
0x377: {  	v21 =	vadd.f32 v30, v23;
	v23 =	vadd.f32 v24, v25;
	v24 =	vld [tilespmem:s1+$0x180]  }
0x378: {  	v16 =	vadd.f32 v16, v18;
	v17 =	vadd.f32 v17, v19;
	v18 =	vld [tilespmem:s1+$0x190]  }
0x379: {  	v19 =	vadd.f32 v28, v21;
	v21 =	vadd.f32 v22, v23;
	v22 =	vld [tilespmem:s1+$0x1C0]  }
0x37a: {  	v14 =	vadd.f32 v14, v16;
	v15 =	vadd.f32 v15, v17;
	v16 =	vld [tilespmem:s1+$0x1D0]  }
0x37b: {  	v17 =	vadd.f32 v26, v19;
	v19 =	vadd.f32 v20, v21;
	v20 =	vld [tilespmem:s1+$0x200]  }
0x37c: {  	v12 =	vadd.f32 v12, v14;
	v13 =	vadd.f32 v13, v15;
	v14 =	vld [tilespmem:s1+$0x210]  }
0x37d: {  	v15 =	vadd.f32 v24, v17;
	v17 =	vadd.f32 v18, v19;
	v18 =	vld [tilespmem:s1+$0x240]  }
0x37e: {  	v12 =	vadd.f32 v10, v12;
	v11 =	vadd.f32 v11, v13;
	v13 =	vld [tilespmem:s1+$0x250]  }
0x37f: {  	v15 =	vadd.f32 v22, v15;
	v16 =	vadd.f32 v16, v17;
	v10 =	vld [tilespmem:s1+$0x280]  }
.Ltmp3:
0x380: {  	v12 =	vadd.f32 v8, v12;
	v11 =	vadd.f32 v9, v11;
	v9 =	vld [tilespmem:s1+$0x290];
	(pc) =	sbr.rel @p0 .LBB2_9-.Ltmp3, $4  }
0x381: {  	v15 =	vadd.f32 v20, v15;
	v14 =	vadd.f32 v14, v16;
	v8 =	vld [tilespmem:s1+$0x2C0]  }
0x382: {  	v16 =	vadd.f32 v6, v12;
	v17 =	vadd.f32 v7, v11;
	v7 =	vld [tilespmem:s1+$0x2D0]  }
0x383: {  	v12 =	vadd.f32 v18, v15;
	v11 =	vadd.f32 v13, v14;
	v6 =	vld [tilespmem:s1+$0x300]  }
0x384: {  	v13 =	vadd.f32 v4, v16;
	v4 =	vadd.f32 v5, v17;
	v5 =	vld [tilespmem:s1+$0x310];
	s1 =	sadd.s32 $0x640, s1  }
0x385: {  	_ = 	snop  }
0x386: {  	v10 =	vadd.f32 v10, v12;
	v2 =	vadd.f32 v2, v13  }
0x387: {  	v9 =	vadd.f32 v9, v11;
	v3 =	vadd.f32 v3, v4  }
0x388: {  	v59 =	vadd.f32 v8, v10;
	v0 =	vadd.f32 v0, v2  }
0x389: {  	s29 =	sadd.s32 $0x1, s29;
	v60 =	vadd.f32 v7, v9;
	v1 =	vadd.f32 v1, v3  }
0x38a: {  	s0 =	sshll.u32 s30, $0x6;
	p0 =	sne.s32 s29, $0x20;
	v61 =	vadd.f32 v6, v59;
	v0 =	vmul.f32 $4.999999890e-03, v0  }
.Ltmp4:
0x38b: {  	s0 =	sand.u32 $0x3FFFFFC0, s0;
	v2 =	vadd.f32 v5, v60;
	v1 =	vmul.f32 $4.999999890e-03, v1;
	(pc) =	sbr.rel @p0 .LBB2_2-.Ltmp4, $4  }
0x38c: {  	v62 =	vmul.f32 $4.999999890e-03, v61;
	[tilespmem:s0+$0x12C00] =	vst v0  }
0x38d: {  	v63 =	vmul.f32 $4.999999890e-03, v2;
	[tilespmem:s0+$0x12C10] =	vst v1  }
0x38e: {  	[tilespmem:s0+$0x12C20] =	vst v62  }
0x38f: {  	[tilespmem:s0+$0x12C30] =	vst v63  }
0x390: {  	s28 =	sadd.s32 $0x1, s28  }
0x391: {  	p0 =	sne.s32 s28, s6  }
.Ltmp5:
0x392: {  	_ = 	snop;
	(pc) =	sbr.rel @p0 .LBB2_1-.Ltmp5, $4  }
0x393: {  	[hbm4b:s5+s2] =	stream.linear.scatter [tilespmem:s26], [sflag:$0x5], $0x2000, $0x38;
	[tilespmem:$0x14C00] =	vst v63  }
0x394: {  	_ =	swait.ge [sflag:s7], $0x2000  }
0x395: {  	[sflag:s7] =	ssyncset.done $0x0  }
0x396: {  	[sflag:s7] =	ssyncadd.s32 $0xFFFFE000  }
0x397: {  	_ =	sfence.sel $0x180000  }
0x398: {  	[bflag:$0x0] =	sbarrier.arrive $0xFFFF  }
0x399: {  	_ =	strace $0x9000004A  }
0x39a: {  	s0 =	stileid.u32;
	[bflag:$0x2] =	sbarrier.arrive $0xFFFF  }
0x39b: {  	p0 =	sne.s32 s0, $0x0;
	s0 =	rddreg [dreg:$0x1]  }
0x39c: {  	s0 =	sadd.s32 @!p0 $0x100000, s0  }
0x39d: {  	[sflag:s0] =	ssyncadd.tile.s32 @!p0 $0x1;
	_ =	shalt  }
.Lfunc_end2:
_tile_overlayer_lowered:
.L_overlay_start_2:
0x39e: {  	(tag) =	ssettag $0x2  }
0x39f: {  	s0 =	rddreg [dreg:$0x0];
	s2 =	stileid.u32  }
0x3a0: {  	s1 =	rddreg [dreg:$0x1];
	p0 =	sne.s32 s2, $0x0  }
0x3a1: {  	s3 =	rddreg [dreg:$0x2];
	[bflag:$0x3] =	sbarrier.arrive $0xFFFF;
	s2 =	simm.s32 @!p0 $0x1C05  }
0x3a2: {  	[timem:s3], [sflag:s2] =	dma.local @!p0 [hbm:s0], s1  }
0x3a3: {  	s0 =	simm.s32 @!p0 $0x5  }
0x3a4: {  	_ =	swait.ge @!p0 [sflag:s0], s1  }
0x3a5: {  	s1 =	ssub.s32 @!p0 $0x0, s1;
	[sflag:s0] =	ssyncset.done @!p0 $0x0  }
0x3a6: {  	[sflag:s0] =	ssyncadd.s32 @!p0 s1  }
0x3a7: {  	[bflag:$0x3] =	sbarrier.arrive $0xFFFF  }
0x3a8: {  	_ =	shalt  }

// kernel: sparse-core-data-format-call.cloned.1.call-start
scs
called_computation_lowered:
.L_overlay_start_0:
0x0: {  	s2 =	sld [smem:$0x3FD9]  }
0x1: {  	s3 =	sld [smem:$0x3FFE];
	_ =	sdelay $0x1  }
0x2: {  	s1 =	srdreg.scid  }
0x3: {  	s0 =	sand.u32 $0x1, s1  }
0x4: {  	s18 =	sshll.u32 s0, $0xA;
	s2 =	sadd.s32 s3, s2  }
0x5: {  	s2 =	sadd.s32 s2, s18  }
0x6: {  	[smem:$0x3FC2] =	sst s2  }
0x7: {  	_ = 	snop  }
0x8: {  	s2 =	sld [smem:$0x3FC8];
	(tm) =	ssettm $0x1  }
0x9: {  	s19 =	sld [smem:$0x3FFB];
	_ =	sdelay $0x3  }
0xa: {  	_ =	strace s19  }
0xb: {  	s3 =	sld [smem:$0x3FFC];
	_ =	sdelay $0x3  }
0xc: {  	_ =	strace s3  }
0xd: {  	s3 =	sld [smem:$0x3FFD];
	_ =	sdelay $0x3  }
0xe: {  	_ =	strace s3  }
0xf: {  	_ =	strace $0x8FFFFFFF  }
0x10: {  	s20 =	sld [smem:$0x3FDB];
	_ =	sdelay $0x1  }
0x11: {  	s4 =	simm.s32 $_scs_section_size  }
0x12: {  	s5 =	simm.s32 $_size__tile_overlayer_lowered;
	s6 =	simm.s32 $_tile_overlayer_lowered  }
0x13: {  	s23 =	simm.s32 $0x1BFF;
	s22 =	sshll.u32 s6, $0x1;
	s3 =	sadd.s32 s4, s20  }
0x14: {  	s7 =	simm.s32 $0x0;
	s21 =	sshll.u32 s5, $0x1;
	s5 =	sadd.s32 s22, s3  }
0x15: {  	[timem:s7], [sflag:s23] =	dma.local [hbm:s5], s21  }
0x16: {  	_ =	swait.ge [sflag:s23], s21  }
0x17: {  	s4 =	ssub.s32 $0x0, s21;
	[sflag:s23] =	ssyncset.done $0x0  }
0x18: {  	[sflag:s23] =	ssyncadd.s32 s4;
	_ =	sdelay $0x1  }
0x19: {  	s24 =	simm.s32 $0x1B8B  }
0x1a: {  	_ =	swait.ge [sflag:s24], $0x1  }
0x1b: {  	[sflag:s24] =	ssyncset.done $0x0  }
0x1c: {  	s26 =	simm.s32 $0x1B8E;
	s25 =	sld [smem:$0x3FFE];
	[sflag:s24] =	ssyncadd.s32 $0xFFFFFFFF  }
0x1d: {  	s27 =	simm.s32 $execute0_lowered;
	[smem:$0x3FD2] =	sst s26  }
0x1e: {  	s5 =	sshll.u32 s27, $0x1;
	_ =	strace $0x80000046;
	[dreg:$0x1] =	wrdreg $0xFFFFFFFF  }
0x1f: {  	s28 =	simm.s32 $_size_execute0_lowered;
	s3 =	sadd.s32 s3, s5;
	[dreg:$0x0] =	wrdreg $0x0  }
0x20: {  	s5 =	sshll.u32 s28, $0x1;
	[dreg:$0x2] =	wrdreg s3  }
0x21: {  	[dreg:$0x3] =	wrdreg s5  }
0x22: {  	[dreg:$0x4] =	wrdreg $0xC0  }
0x23: {  	_ =	task [dreg:s7], $0x5FFFF  }
0x24: {  	[dreg:$0x1] =	wrdreg $0xFFFFFFFF  }
0x25: {  	[dreg:$0x0] =	wrdreg $0x60  }
0x26: {  	[dreg:$0x2] =	wrdreg s2  }
0x27: {  	[dreg:$0x3] =	wrdreg s25  }
0x28: {  	[dreg:$0x4] =	wrdreg $0x9  }
0x29: {  	_ =	task.clear_ibuf [dreg:s7], $0x5FFFF;
	_ =	strace $0x90000046  }
0x2a: {  	s29 =	simm.s32 $0x9;
	_ =	strace $0x80000048  }
0x2b: {  	_ =	swait.ge [sflag:s29], $0x1  }
0x2c: {  	[sflag:s29] =	ssyncadd.s32 $0xFFFFFFFF  }
0x2d: {  	_ =	strace $0x90000048  }
0x2e: {  	_ =	sfence  }
0x2f: {  	s30 =	sld [smem:$0x0];
	_ =	sdelay $0x2  }
0x30: {  	s31 =	sshll.u32 s1, $0xD;
	s1 =	sshrl.u32 s1, $0x2  }
0x31: {  	s3 =	sand.u32 $0x4000, s31;
	s1 =	sadd.s32 s1, s30  }
0x32: {  	s0 =	sor.u32 s3, s0;
	s1 =	sshll.u32 s1, $0x11  }
0x33: {  	s0 =	sor.u32 s1, s0  }
0x34: {  	s0 =	sadd.s32 $0x8F2B, s0  }
0x35: {  	[sflag:s0] =	ssyncadd.remote.s32 $0x1  }
0x36: {  	_ =	sfence.sel $0xFFFF  }
0x37: {  	[dreg:$0x0] =	wrdreg $0xFFFFFFFF;
	(pc) =	sbr.abs _section_cstart, $3  }
0x38: {  	[dreg:$0x1] =	wrdreg $0xFFFFFFFF  }
0x39: {  	_ =	task.clear_ibuf [dreg:s7], $0x2FFFF;
	_ =	strace $0x9FFFFFFF  }
0x3a: {  	(tm) =	ssettm $0x7FFFFFFF  }
0x3b: {  	_ =	shalt  }
tec
execute0_lowered:
.L_overlay_start_1:
0x0: {  	(tag) =	ssettag $0x1  }
0x1: {  	s0 =	srdreg.scid;
	s2 =	rddreg [dreg:$0x0]  }
0x2: {  	s5 =	rddreg [dreg:$0x1];
	s1 =	stileid.u32  }
0x3: {  	s4 =	simm.s32 $0x1;
	s6 =	simm.s32 $0x2;
	s15 =	simm.s32 $0x0  }
0x4: {  	p0 =	por $0x0, $0x0;
	s8 =	simm.s32 $0x80;
	s0 =	sshll.u32 s0, $0x4  }
0x5: {  	s14 =	simm.s32 $0x0;
	s9 =	simm.s32 $0x0;
	s3 =	sand.u32 $0x10, s0  }
.Ltmp0:
0x6: {  	s10 =	simm.s32 $0x0;
	s3 =	sor.u32 s1, s3;
	(pc) =	sbr.rel .LBB1_1-.Ltmp0, $4  }
0x7: {  	s0 =	rddreg [dreg:$0x2];
	_ =	strace $0x80000047;
	s3 =	sshll.u32 s3, $0x7  }
0x8: {  	s12 =	simm.s32 $0x0;
	[sflag:s4] =	ssyncpa.u1 $0x0;
	s7 =	ssub.s32 $0xF4200, s3  }
0x9: {  	s13 =	simm.s32 $0x0;
	[sflag:s6] =	ssyncpa.u1 $0x0;
	s6 =	sshrl.u32 s7, $0xC  }
0xa: {  	s5 =	sadd.s32 $0xE00, s5;
	s11 =	smov.u32 s3;
	s7 =	sadd.s32 $0x2, s6  }
.LBB1_5:
0xb: {  	p1 =	slt.u32 s13, $0x2  }
0xc: {  	s17 =	smov.u32 s15;
	p2 =	sgt.s32 @!p1 s15, $0xF41C0;
	s16 =	sshra.s32 @!p1 s15, $0x1F  }
0xd: {  	p3 =	sgt.s32 @!p1 s14, $0x40;
	s18 =	sshra.s32 @!p1 s14, $0x1F;
	p2 =	por !p2, p1  }
0xe: {  	s15 =	sand.u32 @!p1 s16, s15;
	p3 =	por !p3, p1;
	s16 =	smov.u32 s14  }
0xf: {  	s14 =	sand.u32 @!p1 s18, s14;
	s17 =	simm.s32 @p2 $0xF41C0;
	s16 =	simm.s32 @p3 $0x40  }
0x10: {  	s15 =	ssub.s32 @!p1 s17, s15;
	s14 =	ssub.s32 @!p1 s16, s14  }
0x11: {  	s18 =	smov.u32 s12;
	s16 =	sadd.s32 @!p1 $0xFFF0BE40, s15;
	s17 =	sadd.s32 @!p1 $0xFFFFFFC0, s14  }
0x12: {  	s15 =	ssub.s32 @!p1 $0xF4240, s15;
	p2 =	sgt.s32 @!p1 s16, $0x7F;
	p3 =	sgt.s32 @!p1 s17, $0x3F  }
0x13: {  	s14 =	ssub.s32 @!p1 $0x80, s14;
	p2 =	por !p2, p1;
	p3 =	por !p3, p1  }
0x14: {  	s16 =	sadd.s32 $0x1000, s11;
	s15 =	simm.s32 @!p2 $0x0;
	s14 =	simm.s32 @!p3 $0x0  }
0x15: {  	p2 =	sgt.s32 s16, $0xF423F;
	s14 =	smul.u32 @!p1 s14, s15;
	s15 =	sadd.s32 $0x40, s12  }
0x16: {  	s18 =	smov.u32 @p2 s15  }
0x17: {  	s16 =	smov.u32 @p2 s3;
	p2 =	sgt.s32 s18, $0x3F  }
0x18: {  	s18 =	simm.s32 @p2 $0x0;
	p2 =	sne.s32 s13, s7  }
.Ltmp1:
0x19: {  	p0 =	por !p0, !p0;
	s17 =	simm.s32 @!p1 $0x2;
	(pc) =	sbr.rel @!p2 .LBB1_6-.Ltmp1, $4  }
0x1a: {  	s15 =	smov.u32 s9;
	s9 =	smov.u32 s11;
	s14 =	sand.u32 @!p1 $0x3FFFFFFF, s14  }
0x1b: {  	s11 =	smov.u32 s16;
	_ =	swait.ge @!p1 [sflag:s17], s14;
	s19 =	ssub.s32 @!p1 $0x0, s14  }
0x1c: {  	s14 =	smov.u32 s10;
	s13 =	sadd.s32 $0x1, s13;
	[sflag:s17] =	ssyncset.done @!p1 $0x0  }
0x1d: {  	s10 =	smov.u32 s12;
	s12 =	smov.u32 s18;
	[sflag:s17] =	ssyncadd.s32 @!p1 s19  }
.LBB1_1:
0x1e: {  	p1 =	sgt.u32 s13, s6  }
0x1f: {  	s16 =	sshrl.u32 @!p1 s12, $0x3  }
0x20: {  	s17 =	sshll.u32 @!p1 s11, $0x3;
	s16 =	smul.u32 @!p1 $0x7A1400, s16  }
0x21: {  	s18 =	sshll.u32 @!p1 s12, $0x7;
	s17 =	sand.u32 @!p1 $0xFFFFFC00, s17  }
0x22: {  	s16 =	sadd.s32 @!p1 s16, s17;
	s17 =	sand.u32 @!p1 $0x380, s18  }
0x23: {  	s18 =	sand.u32 @!p1 $0x7F, s11;
	s16 =	sor.u32 @!p1 s17, s16  }
0x24: {  	s17 =	sor.u32 @!p1 s18, s16  }
0x25: {  	s18 =	smulhi.u32 @!p1 $0x218D6287, s17;
	_ =	sdelay $0x1  }
0x26: {  	s16 =	smulhi.u32 @!p1 $0x218D6287, s16;
	s18 =	sshrl.u32 @!p1 s18, $0x11  }
0x27: {  	s18 =	smul.u32 @!p1 $0xF4280, s18  }
0x28: {  	s19 =	sxor.u32 @!p1 $0xFFFFFFFF, s13;
	s16 =	sshrl.u32 @!p1 s16, $0x11  }
0x29: {  	s19 =	sshll.u32 @!p1 s19, $0xD;
	s16 =	sand.u32 @!p1 $0x3F, s16;
	s17 =	ssub.s32 @!p1 s17, s18  }
0x2a: {  	s16 =	smul.u32 @!p1 $0x1E850, s16;
	s18 =	sshrl.u32 @!p1 s17, $0x3;
	s17 =	sand.u32 @!p1 $0x7, s17  }
0x2b: {  	s19 =	sand.u32 @!p1 $0x2000, s19;
	s18 =	sadd.s32 @!p1 s2, s18;
	s17 =	sshll.u32 @!p1 s17, $0x12  }
0x2c: {  	s16 =	sadd.s32 @!p1 s16, s18;
	s17 =	sor.u32 @!p1 $0x400, s17;
	s18 =	simm.s32 @!p1 $0x7A1400  }
0x2d: {  	[tilespmem:s19], [sflag:$0x1] =	stream.strided.gather @!p1 [hbm4b:s16+s17], $0x2000, s18, s17, $0x38;
	[tilespmem:$0x8100] =	vst v63  }
0x2e: {  	p1 =	seq.s32 s13, $0x0  }
0x2f: {  	p2 =	sge.u32 @!p1 s13, s7  }
0x30: {  	p1 =	por p1, p2  }
.Ltmp2:
0x31: {  	_ = 	snop;
	(pc) =	sbr.rel @p1 .LBB1_5-.Ltmp2, $1  }
0x32: {  	_ =	sdelay $0x3  }
0x33: {  	s16 =	simm.s32 $0x1  }
0x34: {  	_ =	swait.ge [sflag:s4], $0x2000;
	s16 =	simm.s32 @!p0 $0x0  }
0x35: {  	[sflag:s4] =	ssyncset.done $0x0;
	s17 =	sshll.u32 s16, $0xD  }
0x36: {  	[sflag:s4] =	ssyncadd.s32 $0xFFFFE000;
	s17 =	sor.u32 $0x40, s17  }
0x37: {  	s16 =	smul.u32 $0x8200, s16;
	v0 =	vld [tilespmem:s17+$0x30]  }
0x38: {  	v1 =	vld [tilespmem:s17+$0xFFFFFFD0]  }
0x39: {  	s16 =	sshrl.u32 s16, $0x2;
	v5 =	vld [tilespmem:s17+$0xFFFFFFE0]  }
0x3a: {  	v6 =	vld [tilespmem:s17+$0xFFFFFFF0];
	s19 =	sor.u32 $0x4000, s16  }
0x3b: {  	s31 =	sand.u32 $0x1, s13;
	v4 =	vld [tilespmem:s17+$0x0];
	s18 =	sadd.s32 $0x0, s19  }
0x3c: {  	v3 =	vld [tilespmem:s17+$0x10];
	s16 =	smul.u32 $0x8200, s31;
	[tilespmem:s18+$0x1C70 ss:$0x41] =	vst.msk $0xffff, v0  }
0x3d: {  	v2 =	vld [tilespmem:s17+$0x20];
	[tilespmem:s18+$0x410 ss:$0x41] =	vst.msk $0xffff, v1  }
0x3e: {  	s16 =	sshrl.u32 s16, $0x2;
	v1 =	vld [tilespmem:s17+$0xFFFFFFC0];
	[tilespmem:s18+$0x820 ss:$0x41] =	vst.msk $0xffff, v5;
	s17 =	sadd.s32 $0x80, s17  }
0x3f: {  	s20 =	simm.s32 $0x4;
	s21 =	simm.s32 $0x8;
	s16 =	sor.u32 $0x4000, s16;
	[tilespmem:s18+$0xC30 ss:$0x41] =	vst.msk $0xffff, v6;
	v0 =	vld [tilespmem:s17+$0x30]  }
.LBB1_3:
0x40: {  	p1 =	sne.s32 s21, $0xFC;
	v5 =	vld [tilespmem:s17+$0xFFFFFFD0];
	[tilespmem:s18+$0x1040 ss:$0x41] =	vst.msk $0xffff, v4  }
0x41: {  	v6 =	vld [tilespmem:s17+$0xFFFFFFE0];
	[tilespmem:s18+$0x1450 ss:$0x41] =	vst.msk $0xffff, v3  }
0x42: {  	s22 =	sshra.s32 s20, $0x2;
	s20 =	smov.u32 s21;
	v7 =	vld [tilespmem:s17+$0xFFFFFFF0];
	[tilespmem:s18+$0x1860 ss:$0x41] =	vst.msk $0xffff, v2  }
.Ltmp3:
0x43: {  	v4 =	vld [tilespmem:s17+$0x0];
	[tilespmem:s18+$0x0 ss:$0x41] =	vst.msk $0xffff, v1;
	s18 =	sadd.s32 s22, s19;
	(pc) =	sbr.rel @p1 .LBB1_3-.Ltmp3, $4  }
0x44: {  	v3 =	vld [tilespmem:s17+$0x10];
	[tilespmem:s18+$0x1C70 ss:$0x41] =	vst.msk $0xffff, v0  }
0x45: {  	[tilespmem:s18+$0x410 ss:$0x41] =	vst.msk $0xffff, v5;
	v2 =	vld [tilespmem:s17+$0x20]  }
0x46: {  	v1 =	vld [tilespmem:s17+$0xFFFFFFC0];
	[tilespmem:s18+$0x820 ss:$0x41] =	vst.msk $0xffff, v6;
	s17 =	sadd.s32 $0x80, s17  }
0x47: {  	s21 =	sadd.s32 $0x4, s21;
	v0 =	vld [tilespmem:s17+$0x30];
	[tilespmem:s18+$0xC30 ss:$0x41] =	vst.msk $0xffff, v7  }
0x48: {  	s21 =	sshll.u32 s9, $0x7;
	s22 =	sshll.u32 s10, $0x3;
	s20 =	sshra.s32 s20, $0x2  }
0x49: {  	p1 =	sgt.s32 s9, $0xF41C0;
	s30 =	sshra.s32 s9, $0x1F;
	s25 =	sshra.s32 s10, $0x1F  }
0x4a: {  	v5 =	vld [tilespmem:s17+$0xFFFFFFD0];
	s28 =	sshrl.u32 s10, $0x3;
	s23 =	sand.u32 $0xFFFFFC00, s21;
	s22 =	sand.u32 $0xFFFFFC00, s22  }
0x4b: {  	[tilespmem:s18+$0x1040 ss:$0x41] =	vst.msk $0xffff, v4;
	v58 =	vld [tilespmem:s17+$0xFFFFFFE0];
	s21 =	sand.u32 $0x380, s21;
	s19 =	sadd.s32 s20, s19;
	s22 =	sadd.s32 s22, s23  }
0x4c: {  	v59 =	vld [tilespmem:s17+$0xFFFFFFF0];
	[tilespmem:s18+$0x1450 ss:$0x41] =	vst.msk $0xffff, v3;
	s29 =	sor.u32 s21, s22;
	s21 =	smov.u32 s9;
	s22 =	sand.u32 s30, s9  }
0x4d: {  	v60 =	vld [tilespmem:s17+$0x0];
	[tilespmem:s18+$0x1860 ss:$0x41] =	vst.msk $0xffff, v2;
	s30 =	sand.u32 $0x7, s10;
	s20 =	sshrl.u32 s29, $0x7;
	s21 =	simm.s32 @!p1 $0xF41C0  }
0x4e: {  	v61 =	vld [tilespmem:s17+$0x10];
	[tilespmem:s18+$0x0 ss:$0x41] =	vst.msk $0xffff, v1;
	p1 =	sgt.s32 s10, $0x40;
	s24 =	ssub.s32 s21, s22;
	s21 =	smov.u32 s10  }
0x4f: {  	v62 =	vld [tilespmem:s17+$0x20];
	[tilespmem:s19+$0x1C70 ss:$0x41] =	vst.msk $0xffff, v0;
	s31 =	smulhi.u32 $0x218DEF5, s20;
	s22 =	sand.u32 s25, s10;
	s21 =	simm.s32 @!p1 $0x40  }
0x50: {  	v63 =	vld [tilespmem:s17+$0xFFFFFFC0];
	[tilespmem:s19+$0x410 ss:$0x41] =	vst.msk $0xffff, v5;
	s26 =	sadd.s32 $0xFFF0BE40, s24;
	s17 =	ssub.s32 $0xF4240, s24;
	s21 =	ssub.s32 s21, s22  }
0x51: {  	[tilespmem:s19+$0x820 ss:$0x41] =	vst.msk $0xffff, v58;
	s23 =	sshrl.u32 s31, $0xD;
	p1 =	sgt.s32 s26, $0x7F;
	s27 =	sadd.s32 $0xFFFFFFC0, s21  }
0x52: {  	[tilespmem:s19+$0xC30 ss:$0x41] =	vst.msk $0xffff, v59;
	s23 =	smul.u32 $0xF4240, s23;
	s18 =	ssub.s32 $0x80, s21;
	p2 =	sgt.s32 s27, $0x3F  }
.Ltmp4:
0x53: {  	[tilespmem:s19+$0x1040 ss:$0x41] =	vst.msk $0xffff, v60;
	s17 =	simm.s32 @p1 $0x0;
	s18 =	simm.s32 @p2 $0x0;
	(pc) =	sbr.rel .LBB1_5-.Ltmp4, $4  }
0x54: {  	s29 =	sand.u32 $0xF, s28;
	[tilespmem:s19+$0x1450 ss:$0x41] =	vst.msk $0xffff, v61;
	s20 =	ssub.s32 s20, s23;
	s17 =	smul.u32 s18, s17  }
0x55: {  	[tilespmem:s19+$0x1860 ss:$0x41] =	vst.msk $0xffff, v62;
	s21 =	sshll.u32 s30, $0x12;
	s20 =	sshll.u32 s20, $0x4;
	s18 =	sadd.s32 s5, s29  }
0x56: {  	[tilespmem:s19+$0x0 ss:$0x41] =	vst.msk $0xffff, v63;
	s31 =	sor.u32 $0x40, s21;
	s18 =	sadd.s32 s20, s18;
	s17 =	sand.u32 $0x3FFFFFFF, s17  }
0x57: {  	[hbm4b:s18+s31] =	stream.strided.scatter [tilespmem:s16], [sflag:$0x2], s17, s8, s31, $0x18;
	[tilespmem:$0x8100] =	vst v63  }
.LBB1_6:
0x58: {  	_ =	sfence.sel $0x180000  }
0x59: {  	s2 =	simm.s32 $0x1;
	[bflag:$0x0] =	sbarrier.arrive $0xFFFF  }
0x5a: {  	s31 =	simm.s32 $0x2;
	[sflag:s2] =	ssyncpa.u1 $0x1  }
0x5b: {  	[sflag:s31] =	ssyncpa.u1 $0x1  }
0x5c: {  	p0 =	sne.s32 s1, $0x0;
	_ =	strace $0x90000047  }
0x5d: {  	s0 =	sadd.s32 @!p0 $0x100000, s0;
	[bflag:$0x2] =	sbarrier.arrive $0xFFFF  }
0x5e: {  	[sflag:s0] =	ssyncadd.tile.s32 @!p0 $0x1;
	_ =	shalt  }
.Lfunc_end1:
_tile_overlayer_lowered:
.L_overlay_start_2:
0x5f: {  	(tag) =	ssettag $0x2  }
0x60: {  	s0 =	rddreg [dreg:$0x0];
	s2 =	stileid.u32  }
0x61: {  	s1 =	rddreg [dreg:$0x1];
	p0 =	sne.s32 s2, $0x0  }
0x62: {  	s3 =	rddreg [dreg:$0x2];
	[bflag:$0x3] =	sbarrier.arrive $0xFFFF;
	s2 =	simm.s32 @!p0 $0x1C01  }
0x63: {  	[timem:s3], [sflag:s2] =	dma.local @!p0 [hbm:s0], s1  }
0x64: {  	s0 =	simm.s32 @!p0 $0x1  }
0x65: {  	_ =	swait.ge @!p0 [sflag:s0], s1  }
0x66: {  	s1 =	ssub.s32 @!p0 $0x0, s1;
	[sflag:s0] =	ssyncset.done @!p0 $0x0  }
0x67: {  	[sflag:s0] =	ssyncadd.s32 @!p0 s1  }
0x68: {  	[bflag:$0x3] =	sbarrier.arrive $0xFFFF  }
0x69: {  	_ =	shalt  }

</sc_bundles>
